<compile_context>
chip_gen: v7x
topology: tpu7x:2x2x1
jax: 0.10.2.dev20260603
libtpu: 0.0.44.dev20260713+nightly
codegen_flags: <defaults>
</compile_context>

<pallas_src>
import functools

import numpy as np

import jax
import jax.numpy as jnp
from jax import lax
from jax.experimental import pallas as pl
from jax.experimental.layout import Format, Layout
from jax.experimental.pallas import tpu as pltpu
from jax.experimental.pallas import tpu_sc as plsc

_ROWS = 4096
_COLS = 200
_D = 21
_N = _ROWS * _COLS
_NC, _NS, _L = 2, 16, 16
_NW = _NC * _NS
_IB = _ROWS // _NW
_JT = _COLS // 8
_NV = _IB // _L

_HALF_OF = {2: 22, 11: 22, 3: 23, 13: 23, 7: 24, 9: 24}


def _body(seq_hbm, out_hbm, seq_v, q_v, ssem):
    wid = lax.axis_index("s") * _NC + lax.axis_index("c")
    i0 = wid * _IB
    pltpu.sync_copy(seq_hbm.at[pl.ds(i0 * _COLS, _IB * _COLS)], seq_v)

    stride_i = lax.iota(jnp.int32, _L) * _COLS

    def chunk_step(jt, carry):
        qb = lax.rem(jt, 2)

        @pl.when(jt >= 2)
        def _():
            for k in range(_D):
                pltpu.make_async_copy(
                    q_v.at[qb, k], out_hbm.at[k, jt - 2, wid], ssem,
                ).wait()

        def j_step(jj, carry2):
            j = jt * 8 + jj
            vals = [
                plsc.load_gather(seq_v, [stride_i + (r * _L * _COLS + j)])
                for r in range(_NV)
            ]
            for k in range(_D):
                h = _HALF_OF.get(k)
                for r in range(_NV):
                    hit = vals[r] == (k + 1)
                    if h is None:
                        ov = jnp.where(hit, 1.0, 0.0).astype(jnp.float32)
                    else:
                        ov = jnp.where(
                            hit, 1.0,
                            jnp.where(vals[r] == h, 0.5, 0.0)
                        ).astype(jnp.float32)
                    q_v[qb, k, jj, pl.ds(r * _L, _L)] = ov
            return carry2

        lax.fori_loop(0, 8, j_step, 0)

        for k in range(_D):
            pltpu.make_async_copy(
                q_v.at[qb, k], out_hbm.at[k, jt, wid], ssem,
            ).start()
        return carry

    lax.fori_loop(0, _JT, chunk_step, 0)

    for jt in (_JT - 2, _JT - 1):
        for k in range(_D):
            pltpu.make_async_copy(
                q_v.at[jt % 2, k], out_hbm.at[k, jt, wid], ssem,
            ).wait()


def _run(sequence):
    seq = sequence.astype(jnp.int32).reshape(_N)
    lookup = functools.partial(
        pl.kernel,
        out_type=jax.ShapeDtypeStruct((_D, _JT, _NW, 8, 128), jnp.float32),
        mesh=plsc.VectorSubcoreMesh(core_axis_name="c", subcore_axis_name="s"),
        compiler_params=pltpu.CompilerParams(
            use_tc_tiling_on_sc=False, needs_layout_passes=False),
        scratch_types=[
            pltpu.VMEM((_IB * _COLS,), jnp.int32),
            pltpu.VMEM((2, _D, 8, 128), jnp.float32),
            pltpu.SemaphoreType.DMA,
        ],
    )(_body)
    out_phys = lookup(seq)
    out = jnp.transpose(out_phys, (2, 4, 1, 3, 0))
    return out.reshape(_ROWS, _COLS, _D)


_jitted = None


def kernel(sequence):
    global _jitted
    if isinstance(sequence, jax.core.Tracer):
        return _run(sequence)
    if _jitted is None:
        try:
            sharding = sequence.sharding
        except AttributeError:
            sharding = jax.sharding.SingleDeviceSharding(jax.devices()[0])
        fmt = Format(Layout(major_to_minor=(2, 1, 0)), sharding)
        _jitted = jax.jit(_run, out_shardings=fmt)
    return _jitted(sequence)

# --- scband reference (transcript-rebuilt; emitter-appended) ---
"""Pipeline reference for scband-pseudo-one-hot-encoding-51797305589978 (READ-ONLY COPY).

The authoritative reference and input builder live on the scoring server;
editing this copy changes nothing except your own understanding.
"""

import jax, jax.numpy as jnp
import numpy as np


def setup_inputs(seed: int = 0) -> dict:
    key = jax.random.key(seed)
    sequence = jax.random.randint(key, (4096, 200), 0, 27, dtype=jnp.int64 if jax.config.jax_enable_x64 else jnp.int32)
    return {"sequence": sequence}


def reference(sequence) -> jnp.ndarray:
    x = sequence.astype(jnp.int32)
    # one-hot over 27 classes, keep columns 1:25 (24 cols)
    x = jax.nn.one_hot(x, 27, dtype=jnp.float32)[:, :, 1:25]
    # B = 0.5 D + 0.5 N  (row replacement where col 21 == 1)
    b = jnp.zeros((24,), dtype=jnp.float32).at[2].set(0.5).at[11].set(0.5)
    mask_b = (x[:, :, 21] == 1.0)[..., None]
    x = jnp.where(mask_b, b, x)
    # Z = 0.5 E + 0.5 Q  (row replacement where col 22 == 1)
    z = jnp.zeros((24,), dtype=jnp.float32).at[3].set(0.5).at[13].set(0.5)
    mask_z = (x[:, :, 22] == 1.0)[..., None]
    x = jnp.where(mask_z, z, x)
    # J = 0.5 I + 0.5 L  (row replacement where col 23 == 1)
    j = jnp.zeros((24,), dtype=jnp.float32).at[7].set(0.5).at[9].set(0.5)
    mask_j = (x[:, :, 23] == 1.0)[..., None]
    x = jnp.where(mask_j, j, x)
    return x[:, :, :21]

if __name__ == "__main__":
    import jax
    _d = setup_inputs()
    print(jax.jit(kernel)(*tuple(_d.values())))

</pallas_src>

<mosaic_0001>
#map = affine_map<(d0, d1) -> (0)>
#map1 = affine_map<(d0, d1) -> (0, 0, 0, 0, 0)>
module attributes {stable_mosaic.version = 14 : i64} {
  func.func @_body(%arg0: i32, %arg1: i32, %arg2: memref<819200xi32, #tpu.memory_space<hbm>>, %arg3: memref<21x25x32x8x128xf32, #tpu.memory_space<hbm>>, %arg4: memref<25600xi32, #tpu.memory_space<vmem>>, %arg5: memref<2x21x8x128xf32, #tpu.memory_space<vmem>>, %arg6: memref<!tpu.dma_semaphore, #tpu.memory_space<semaphore_mem>>) attributes {dimension_semantics = [#tpu.dimension_semantics<core_parallel>, #tpu.dimension_semantics<subcore_parallel>], iteration_bounds = array<i64: 2, 16>, scalar_prefetch = 0 : i64, scratch_operands = 3 : i64, tpu.core_type = #tpu.core_type<sc_vector_subcore>, window_params = [{transform_indices = #map}, {transform_indices = #map1}]} {
    %mul3A = arith.constant 2 : i32
    %mul3A_0 = arith.muli %arg1, %mul3A : i32
    %add3A = arith.addi %mul3A_0, %arg0 : i32
    %mul3A_1 = arith.constant 128 : i32
    %mul3A_2 = arith.muli %add3A, %mul3A_1 : i32
    %mul3A_3 = arith.constant 200 : i32
    %mul3A_4 = arith.muli %mul3A_2, %mul3A_3 : i32
    "tpu.region"() ({
      %run_scoped3A = tpu.sem_alloc : memref<!tpu.dma_semaphore, #tpu.memory_space<semaphore_mem>>
      %dma_start3A = tpu.memref_slice %arg2[%mul3A_4] : memref<819200xi32, #tpu.memory_space<hbm>> -> memref<25600xi32, #tpu.memory_space<hbm>>
      %dma_start3A_852 = tpu.memref_slice %arg2[%mul3A_4] : memref<819200xi32, #tpu.memory_space<hbm>> -> memref<25600xi32, #tpu.memory_space<hbm>>
      tpu.enqueue_dma source(%dma_start3A_852 : memref<25600xi32, #tpu.memory_space<hbm>>) target(%arg4 : memref<25600xi32, #tpu.memory_space<vmem>>) target_semaphore(%run_scoped3A : memref<!tpu.dma_semaphore, #tpu.memory_space<semaphore_mem>>)
      %dma_wait3A_853 = tpu.memref_slice %arg2[%mul3A_4] : memref<819200xi32, #tpu.memory_space<hbm>> -> memref<25600xi32, #tpu.memory_space<hbm>>
      %dma_wait3A_854 = tpu.memref_slice %arg2[%mul3A_4] : memref<819200xi32, #tpu.memory_space<hbm>> -> memref<25600xi32, #tpu.memory_space<hbm>>
      tpu.wait_dma2 semaphore(%run_scoped3A : memref<!tpu.dma_semaphore, #tpu.memory_space<semaphore_mem>>) src(%dma_wait3A_854 : memref<25600xi32, #tpu.memory_space<hbm>>) dst(%arg4 : memref<25600xi32, #tpu.memory_space<vmem>>)
      tpu.yield
    }) : () -> ()
    %iota3A = tpu.iota {dimensions = array<i32: 0>} : vector<16xi32>
    %mul3A_5 = arith.constant 200 : i32
    %mul3A_6 = vector.broadcast %mul3A_5 : i32 to vector<16xi32>
    %mul3A_7 = arith.muli %iota3A, %mul3A_6 : vector<16xi32>
    %scan3A = arith.constant 0 : i32
    %scan3A_8 = arith.constant 0 : i32
    %scan3A_9 = arith.constant 25 : i32
    %scan3A_10 = arith.addi %scan3A_8, %scan3A_9 : i32
    %scan3A_11 = arith.constant 1 : i32
    scf.for %scan3A_852 = %scan3A_8 to %scan3A_10 step %scan3A_11  : i32 {
      %rem3A = arith.constant 2 : i32
      %rem3A_853 = arith.remsi %scan3A_852, %rem3A : i32
      %ge3A = arith.constant 2 : i32
      %ge3A_854 = arith.cmpi sge, %scan3A_852, %ge3A : i32
      %convert_element_type3A = arith.extui %ge3A_854 : i1 to i32
      %cond3A = arith.constant 0 : i32
      %cond3A_855 = arith.cmpi ne, %convert_element_type3A, %cond3A : i32
      scf.if %cond3A_855 {
        %sub3A = arith.constant 2 : i32
        %sub3A_1239 = arith.subi %scan3A_852, %sub3A : i32
        %dma_wait3A_1240 = arith.constant 0 : i32
        %dma_wait3A_1241 = arith.constant 0 : i32
        %dma_wait3A_1242 = arith.constant 0 : i32
        %dma_wait3A_1243 = arith.constant 0 : i32
        %dma_wait3A_1244 = tpu.memref_slice %arg5[%rem3A_853, %dma_wait3A_1240, %dma_wait3A_1242, %dma_wait3A_1243] : memref<2x21x8x128xf32, #tpu.memory_space<vmem>> -> memref<1x1x8x128xf32, #tpu.memory_space<vmem>>
        %dma_wait3A_1245 = tpu.memref_squeeze %dma_wait3A_1244 : memref<1x1x8x128xf32, #tpu.memory_space<vmem>> -> memref<8x128xf32, #tpu.memory_space<vmem>>
        %dma_wait3A_1246 = arith.constant 0 : i32
        %dma_wait3A_1247 = arith.constant 0 : i32
        %dma_wait3A_1248 = tpu.memref_slice %arg3[%dma_wait3A_1241, %sub3A_1239, %add3A, %dma_wait3A_1246, %dma_wait3A_1247] : memref<21x25x32x8x128xf32, #tpu.memory_space<hbm>> -> memref<1x1x1x8x128xf32, #tpu.memory_space<hbm>>
        %dma_wait3A_1249 = tpu.memref_squeeze %dma_wait3A_1248 : memref<1x1x1x8x128xf32, #tpu.memory_space<hbm>> -> memref<8x128xf32, #tpu.memory_space<hbm>>
        %dma_wait3A_1250 = arith.constant 0 : i32
        %dma_wait3A_1251 = arith.constant 0 : i32
        %dma_wait3A_1252 = tpu.memref_slice %arg3[%dma_wait3A_1241, %sub3A_1239, %add3A, %dma_wait3A_1250, %dma_wait3A_1251] : memref<21x25x32x8x128xf32, #tpu.memory_space<hbm>> -> memref<1x1x1x8x128xf32, #tpu.memory_space<hbm>>
        %dma_wait3A_1253 = tpu.memref_squeeze %dma_wait3A_1252 : memref<1x1x1x8x128xf32, #tpu.memory_space<hbm>> -> memref<8x128xf32, #tpu.memory_space<hbm>>
        %dma_wait3A_1254 = arith.constant 0 : i32
        %dma_wait3A_1255 = arith.constant 0 : i32
        %dma_wait3A_1256 = tpu.memref_slice %arg5[%rem3A_853, %dma_wait3A_1240, %dma_wait3A_1254, %dma_wait3A_1255] : memref<2x21x8x128xf32, #tpu.memory_space<vmem>> -> memref<1x1x8x128xf32, #tpu.memory_space<vmem>>
        %dma_wait3A_1257 = tpu.memref_squeeze %dma_wait3A_1256 : memref<1x1x8x128xf32, #tpu.memory_space<vmem>> -> memref<8x128xf32, #tpu.memory_space<vmem>>
        tpu.wait_dma2 semaphore(%arg6 : memref<!tpu.dma_semaphore, #tpu.memory_space<semaphore_mem>>) src(%dma_wait3A_1257 : memref<8x128xf32, #tpu.memory_space<vmem>>) dst(%dma_wait3A_1253 : memref<8x128xf32, #tpu.memory_space<hbm>>)
        %sub3A_1258 = arith.constant 2 : i32
        %sub3A_1259 = arith.subi %scan3A_852, %sub3A_1258 : i32
        %dma_wait3A_1260 = arith.constant 1 : i32
        %dma_wait3A_1261 = arith.constant 1 : i32
        %dma_wait3A_1262 = arith.constant 0 : i32
        %dma_wait3A_1263 = arith.constant 0 : i32
        %dma_wait3A_1264 = tpu.memref_slice %arg5[%rem3A_853, %dma_wait3A_1260, %dma_wait3A_1262, %dma_wait3A_1263] : memref<2x21x8x128xf32, #tpu.memory_space<vmem>> -> memref<1x1x8x128xf32, #tpu.memory_space<vmem>>
        %dma_wait3A_1265 = tpu.memref_squeeze %dma_wait3A_1264 : memref<1x1x8x128xf32, #tpu.memory_space<vmem>> -> memref<8x128xf32, #tpu.memory_space<vmem>>
        %dma_wait3A_1266 = arith.constant 0 : i32
        %dma_wait3A_1267 = arith.constant 0 : i32
        %dma_wait3A_1268 = tpu.memref_slice %arg3[%dma_wait3A_1261, %sub3A_1259, %add3A, %dma_wait3A_1266, %dma_wait3A_1267] : memref<21x25x32x8x128xf32, #tpu.memory_space<hbm>> -> memref<1x1x1x8x128xf32, #tpu.memory_space<hbm>>
        %dma_wait3A_1269 = tpu.memref_squeeze %dma_wait3A_1268 : memref<1x1x1x8x128xf32, #tpu.memory_space<hbm>> -> memref<8x128xf32, #tpu.memory_space<hbm>>
        %dma_wait3A_1270 = arith.constant 0 : i32
        %dma_wait3A_1271 = arith.constant 0 : i32
        %dma_wait3A_1272 = tpu.memref_slice %arg3[%dma_wait3A_1261, %sub3A_1259, %add3A, %dma_wait3A_1270, %dma_wait3A_1271] : memref<21x25x32x8x128xf32, #tpu.memory_space<hbm>> -> memref<1x1x1x8x128xf32, #tpu.memory_space<hbm>>
        %dma_wait3A_1273 = tpu.memref_squeeze %dma_wait3A_1272 : memref<1x1x1x8x128xf32, #tpu.memory_space<hbm>> -> memref<8x128xf32, #tpu.memory_space<hbm>>
        %dma_wait3A_1274 = arith.constant 0 : i32
        %dma_wait3A_1275 = arith.constant 0 : i32
        %dma_wait3A_1276 = tpu.memref_slice %arg5[%rem3A_853, %dma_wait3A_1260, %dma_wait3A_1274, %dma_wait3A_1275] : memref<2x21x8x128xf32, #tpu.memory_space<vmem>> -> memref<1x1x8x128xf32, #tpu.memory_space<vmem>>
        %dma_wait3A_1277 = tpu.memref_squeeze %dma_wait3A_1276 : memref<1x1x8x128xf32, #tpu.memory_space<vmem>> -> memref<8x128xf32, #tpu.memory_space<vmem>>
        tpu.wait_dma2 semaphore(%arg6 : memref<!tpu.dma_semaphore, #tpu.memory_space<semaphore_mem>>) src(%dma_wait3A_1277 : memref<8x128xf32, #tpu.memory_space<vmem>>) dst(%dma_wait3A_1273 : memref<8x128xf32, #tpu.memory_space<hbm>>)
        %sub3A_1278 = arith.constant 2 : i32
        %sub3A_1279 = arith.subi %scan3A_852, %sub3A_1278 : i32
        %dma_wait3A_1280 = arith.constant 2 : i32
        %dma_wait3A_1281 = arith.constant 2 : i32
        %dma_wait3A_1282 = arith.constant 0 : i32
        %dma_wait3A_1283 = arith.constant 0 : i32
        %dma_wait3A_1284 = tpu.memref_slice %arg5[%rem3A_853, %dma_wait3A_1280, %dma_wait3A_1282, %dma_wait3A_1283] : memref<2x21x8x128xf32, #tpu.memory_space<vmem>> -> memref<1x1x8x128xf32, #tpu.memory_space<vmem>>
        %dma_wait3A_1285 = tpu.memref_squeeze %dma_wait3A_1284 : memref<1x1x8x128xf32, #tpu.memory_space<vmem>> -> memref<8x128xf32, #tpu.memory_space<vmem>>
        %dma_wait3A_1286 = arith.constant 0 : i32
        %dma_wait3A_1287 = arith.constant 0 : i32
        %dma_wait3A_1288 = tpu.memref_slice %arg3[%dma_wait3A_1281, %sub3A_1279, %add3A, %dma_wait3A_1286, %dma_wait3A_1287] : memref<21x25x32x8x128xf32, #tpu.memory_space<hbm>> -> memref<1x1x1x8x128xf32, #tpu.memory_space<hbm>>
        %dma_wait3A_1289 = tpu.memref_squeeze %dma_wait3A_1288 : memref<1x1x1x8x128xf32, #tpu.memory_space<hbm>> -> memref<8x128xf32, #tpu.memory_space<hbm>>
        %dma_wait3A_1290 = arith.constant 0 : i32
        %dma_wait3A_1291 = arith.constant 0 : i32
        %dma_wait3A_1292 = tpu.memref_slice %arg3[%dma_wait3A_1281, %sub3A_1279, %add3A, %dma_wait3A_1290, %dma_wait3A_1291] : memref<21x25x32x8x128xf32, #tpu.memory_space<hbm>> -> memref<1x1x1x8x128xf32, #tpu.memory_space<hbm>>
        %dma_wait3A_1293 = tpu.memref_squeeze %dma_wait3A_1292 : memref<1x1x1x8x128xf32, #tpu.memory_space<hbm>> -> memref<8x128xf32, #tpu.memory_space<hbm>>
        %dma_wait3A_1294 = arith.constant 0 : i32
        %dma_wait3A_1295 = arith.constant 0 : i32
        %dma_wait3A_1296 = tpu.memref_slice %arg5[%rem3A_853, %dma_wait3A_1280, %dma_wait3A_1294, %dma_wait3A_1295] : memref<2x21x8x128xf32, #tpu.memory_space<vmem>> -> memref<1x1x8x128xf32, #tpu.memory_space<vmem>>
        %dma_wait3A_1297 = tpu.memref_squeeze %dma_wait3A_1296 : memref<1x1x8x128xf32, #tpu.memory_space<vmem>> -> memref<8x128xf32, #tpu.memory_space<vmem>>
        tpu.wait_dma2 semaphore(%arg6 : memref<!tpu.dma_semaphore, #tpu.memory_space<semaphore_mem>>) src(%dma_wait3A_1297 : memref<8x128xf32, #tpu.memory_space<vmem>>) dst(%dma_wait3A_1293 : memref<8x128xf32, #tpu.memory_space<hbm>>)
        %sub3A_1298 = arith.constant 2 : i32
        %sub3A_1299 = arith.subi %scan3A_852, %sub3A_1298 : i32
        %dma_wait3A_1300 = arith.constant 3 : i32
        %dma_wait3A_1301 = arith.constant 3 : i32
        %dma_wait3A_1302 = arith.constant 0 : i32
        %dma_wait3A_1303 = arith.constant 0 : i32
        %dma_wait3A_1304 = tpu.memref_slice %arg5[%rem3A_853, %dma_wait3A_1300, %dma_wait3A_1302, %dma_wait3A_1303] : memref<2x21x8x128xf32, #tpu.memory_space<vmem>> -> memref<1x1x8x128xf32, #tpu.memory_space<vmem>>
        %dma_wait3A_1305 = tpu.memref_squeeze %dma_wait3A_1304 : memref<1x1x8x128xf32, #tpu.memory_space<vmem>> -> memref<8x128xf32, #tpu.memory_space<vmem>>
        %dma_wait3A_1306 = arith.constant 0 : i32
        %dma_wait3A_1307 = arith.constant 0 : i32
        %dma_wait3A_1308 = tpu.memref_slice %arg3[%dma_wait3A_1301, %sub3A_1299, %add3A, %dma_wait3A_1306, %dma_wait3A_1307] : memref<21x25x32x8x128xf32, #tpu.memory_space<hbm>> -> memref<1x1x1x8x128xf32, #tpu.memory_space<hbm>>
        %dma_wait3A_1309 = tpu.memref_squeeze %dma_wait3A_1308 : memref<1x1x1x8x128xf32, #tpu.memory_space<hbm>> -> memref<8x128xf32, #tpu.memory_space<hbm>>
        %dma_wait3A_1310 = arith.constant 0 : i32
        %dma_wait3A_1311 = arith.constant 0 : i32
        %dma_wait3A_1312 = tpu.memref_slice %arg3[%dma_wait3A_1301, %sub3A_1299, %add3A, %dma_wait3A_1310, %dma_wait3A_1311] : memref<21x25x32x8x128xf32, #tpu.memory_space<hbm>> -> memref<1x1x1x8x128xf32, #tpu.memory_space<hbm>>
        %dma_wait3A_1313 = tpu.memref_squeeze %dma_wait3A_1312 : memref<1x1x1x8x128xf32, #tpu.memory_space<hbm>> -> memref<8x128xf32, #tpu.memory_space<hbm>>
        %dma_wait3A_1314 = arith.constant 0 : i32
        %dma_wait3A_1315 = arith.constant 0 : i32
        %dma_wait3A_1316 = tpu.memref_slice %arg5[%rem3A_853, %dma_wait3A_1300, %dma_wait3A_1314, %dma_wait3A_1315] : memref<2x21x8x128xf32, #tpu.memory_space<vmem>> -> memref<1x1x8x128xf32, #tpu.memory_space<vmem>>
        %dma_wait3A_1317 = tpu.memref_squeeze %dma_wait3A_1316 : memref<1x1x8x128xf32, #tpu.memory_space<vmem>> -> memref<8x128xf32, #tpu.memory_space<vmem>>
        tpu.wait_dma2 semaphore(%arg6 : memref<!tpu.dma_semaphore, #tpu.memory_space<semaphore_mem>>) src(%dma_wait3A_1317 : memref<8x128xf32, #tpu.memory_space<vmem>>) dst(%dma_wait3A_1313 : memref<8x128xf32, #tpu.memory_space<hbm>>)
        %sub3A_1318 = arith.constant 2 : i32
        %sub3A_1319 = arith.subi %scan3A_852, %sub3A_1318 : i32
        %dma_wait3A_1320 = arith.constant 4 : i32
        %dma_wait3A_1321 = arith.constant 4 : i32
        %dma_wait3A_1322 = arith.constant 0 : i32
        %dma_wait3A_1323 = arith.constant 0 : i32
        %dma_wait3A_1324 = tpu.memref_slice %arg5[%rem3A_853, %dma_wait3A_1320, %dma_wait3A_1322, %dma_wait3A_1323] : memref<2x21x8x128xf32, #tpu.memory_space<vmem>> -> memref<1x1x8x128xf32, #tpu.memory_space<vmem>>
        %dma_wait3A_1325 = tpu.memref_squeeze %dma_wait3A_1324 : memref<1x1x8x128xf32, #tpu.memory_space<vmem>> -> memref<8x128xf32, #tpu.memory_space<vmem>>
        %dma_wait3A_1326 = arith.constant 0 : i32
        %dma_wait3A_1327 = arith.constant 0 : i32
        %dma_wait3A_1328 = tpu.memref_slice %arg3[%dma_wait3A_1321, %sub3A_1319, %add3A, %dma_wait3A_1326, %dma_wait3A_1327] : memref<21x25x32x8x128xf32, #tpu.memory_space<hbm>> -> memref<1x1x1x8x128xf32, #tpu.memory_space<hbm>>
        %dma_wait3A_1329 = tpu.memref_squeeze %dma_wait3A_1328 : memref<1x1x1x8x128xf32, #tpu.memory_space<hbm>> -> memref<8x128xf32, #tpu.memory_space<hbm>>
        %dma_wait3A_1330 = arith.constant 0 : i32
        %dma_wait3A_1331 = arith.constant 0 : i32
        %dma_wait3A_1332 = tpu.memref_slice %arg3[%dma_wait3A_1321, %sub3A_1319, %add3A, %dma_wait3A_1330, %dma_wait3A_1331] : memref<21x25x32x8x128xf32, #tpu.memory_space<hbm>> -> memref<1x1x1x8x128xf32, #tpu.memory_space<hbm>>
        %dma_wait3A_1333 = tpu.memref_squeeze %dma_wait3A_1332 : memref<1x1x1x8x128xf32, #tpu.memory_space<hbm>> -> memref<8x128xf32, #tpu.memory_space<hbm>>
        %dma_wait3A_1334 = arith.constant 0 : i32
        %dma_wait3A_1335 = arith.constant 0 : i32
        %dma_wait3A_1336 = tpu.memref_slice %arg5[%rem3A_853, %dma_wait3A_1320, %dma_wait3A_1334, %dma_wait3A_1335] : memref<2x21x8x128xf32, #tpu.memory_space<vmem>> -> memref<1x1x8x128xf32, #tpu.memory_space<vmem>>
        %dma_wait3A_1337 = tpu.memref_squeeze %dma_wait3A_1336 : memref<1x1x8x128xf32, #tpu.memory_space<vmem>> -> memref<8x128xf32, #tpu.memory_space<vmem>>
        tpu.wait_dma2 semaphore(%arg6 : memref<!tpu.dma_semaphore, #tpu.memory_space<semaphore_mem>>) src(%dma_wait3A_1337 : memref<8x128xf32, #tpu.memory_space<vmem>>) dst(%dma_wait3A_1333 : memref<8x128xf32, #tpu.memory_space<hbm>>)
        %sub3A_1338 = arith.constant 2 : i32
        %sub3A_1339 = arith.subi %scan3A_852, %sub3A_1338 : i32
        %dma_wait3A_1340 = arith.constant 5 : i32
        %dma_wait3A_1341 = arith.constant 5 : i32
        %dma_wait3A_1342 = arith.constant 0 : i32
        %dma_wait3A_1343 = arith.constant 0 : i32
        %dma_wait3A_1344 = tpu.memref_slice %arg5[%rem3A_853, %dma_wait3A_1340, %dma_wait3A_1342, %dma_wait3A_1343] : memref<2x21x8x128xf32, #tpu.memory_space<vmem>> -> memref<1x1x8x128xf32, #tpu.memory_space<vmem>>
        %dma_wait3A_1345 = tpu.memref_squeeze %dma_wait3A_1344 : memref<1x1x8x128xf32, #tpu.memory_space<vmem>> -> memref<8x128xf32, #tpu.memory_space<vmem>>
        %dma_wait3A_1346 = arith.constant 0 : i32
        %dma_wait3A_1347 = arith.constant 0 : i32
        %dma_wait3A_1348 = tpu.memref_slice %arg3[%dma_wait3A_1341, %sub3A_1339, %add3A, %dma_wait3A_1346, %dma_wait3A_1347] : memref<21x25x32x8x128xf32, #tpu.memory_space<hbm>> -> memref<1x1x1x8x128xf32, #tpu.memory_space<hbm>>
        %dma_wait3A_1349 = tpu.memref_squeeze %dma_wait3A_1348 : memref<1x1x1x8x128xf32, #tpu.memory_space<hbm>> -> memref<8x128xf32, #tpu.memory_space<hbm>>
        %dma_wait3A_1350 = arith.constant 0 : i32
        %dma_wait3A_1351 = arith.constant 0 : i32
        %dma_wait3A_1352 = tpu.memref_slice %arg3[%dma_wait3A_1341, %sub3A_1339, %add3A, %dma_wait3A_1350, %dma_wait3A_1351] : memref<21x25x32x8x128xf32, #tpu.memory_space<hbm>> -> memref<1x1x1x8x128xf32, #tpu.memory_space<hbm>>
        %dma_wait3A_1353 = tpu.memref_squeeze %dma_wait3A_1352 : memref<1x1x1x8x128xf32, #tpu.memory_space<hbm>> -> memref<8x128xf32, #tpu.memory_space<hbm>>
        %dma_wait3A_1354 = arith.constant 0 : i32
        %dma_wait3A_1355 = arith.constant 0 : i32
        %dma_wait3A_1356 = tpu.memref_slice %arg5[%rem3A_853, %dma_wait3A_1340, %dma_wait3A_1354, %dma_wait3A_1355] : memref<2x21x8x128xf32, #tpu.memory_space<vmem>> -> memref<1x1x8x128xf32, #tpu.memory_space<vmem>>
        %dma_wait3A_1357 = tpu.memref_squeeze %dma_wait3A_1356 : memref<1x1x8x128xf32, #tpu.memory_space<vmem>> -> memref<8x128xf32, #tpu.memory_space<vmem>>
        tpu.wait_dma2 semaphore(%arg6 : memref<!tpu.dma_semaphore, #tpu.memory_space<semaphore_mem>>) src(%dma_wait3A_1357 : memref<8x128xf32, #tpu.memory_space<vmem>>) dst(%dma_wait3A_1353 : memref<8x128xf32, #tpu.memory_space<hbm>>)
        %sub3A_1358 = arith.constant 2 : i32
        %sub3A_1359 = arith.subi %scan3A_852, %sub3A_1358 : i32
        %dma_wait3A_1360 = arith.constant 6 : i32
        %dma_wait3A_1361 = arith.constant 6 : i32
        %dma_wait3A_1362 = arith.constant 0 : i32
        %dma_wait3A_1363 = arith.constant 0 : i32
        %dma_wait3A_1364 = tpu.memref_slice %arg5[%rem3A_853, %dma_wait3A_1360, %dma_wait3A_1362, %dma_wait3A_1363] : memref<2x21x8x128xf32, #tpu.memory_space<vmem>> -> memref<1x1x8x128xf32, #tpu.memory_space<vmem>>
        %dma_wait3A_1365 = tpu.memref_squeeze %dma_wait3A_1364 : memref<1x1x8x128xf32, #tpu.memory_space<vmem>> -> memref<8x128xf32, #tpu.memory_space<vmem>>
        %dma_wait3A_1366 = arith.constant 0 : i32
        %dma_wait3A_1367 = arith.constant 0 : i32
        %dma_wait3A_1368 = tpu.memref_slice %arg3[%dma_wait3A_1361, %sub3A_1359, %add3A, %dma_wait3A_1366, %dma_wait3A_1367] : memref<21x25x32x8x128xf32, #tpu.memory_space<hbm>> -> memref<1x1x1x8x128xf32, #tpu.memory_space<hbm>>
        %dma_wait3A_1369 = tpu.memref_squeeze %dma_wait3A_1368 : memref<1x1x1x8x128xf32, #tpu.memory_space<hbm>> -> memref<8x128xf32, #tpu.memory_space<hbm>>
        %dma_wait3A_1370 = arith.constant 0 : i32
        %dma_wait3A_1371 = arith.constant 0 : i32
        %dma_wait3A_1372 = tpu.memref_slice %arg3[%dma_wait3A_1361, %sub3A_1359, %add3A, %dma_wait3A_1370, %dma_wait3A_1371] : memref<21x25x32x8x128xf32, #tpu.memory_space<hbm>> -> memref<1x1x1x8x128xf32, #tpu.memory_space<hbm>>
        %dma_wait3A_1373 = tpu.memref_squeeze %dma_wait3A_1372 : memref<1x1x1x8x128xf32, #tpu.memory_space<hbm>> -> memref<8x128xf32, #tpu.memory_space<hbm>>
        %dma_wait3A_1374 = arith.constant 0 : i32
        %dma_wait3A_1375 = arith.constant 0 : i32
        %dma_wait3A_1376 = tpu.memref_slice %arg5[%rem3A_853, %dma_wait3A_1360, %dma_wait3A_1374, %dma_wait3A_1375] : memref<2x21x8x128xf32, #tpu.memory_space<vmem>> -> memref<1x1x8x128xf32, #tpu.memory_space<vmem>>
        %dma_wait3A_1377 = tpu.memref_squeeze %dma_wait3A_1376 : memref<1x1x8x128xf32, #tpu.memory_space<vmem>> -> memref<8x128xf32, #tpu.memory_space<vmem>>
        tpu.wait_dma2 semaphore(%arg6 : memref<!tpu.dma_semaphore, #tpu.memory_space<semaphore_mem>>) src(%dma_wait3A_1377 : memref<8x128xf32, #tpu.memory_space<vmem>>) dst(%dma_wait3A_1373 : memref<8x128xf32, #tpu.memory_space<hbm>>)
        %sub3A_1378 = arith.constant 2 : i32
        %sub3A_1379 = arith.subi %scan3A_852, %sub3A_1378 : i32
        %dma_wait3A_1380 = arith.constant 7 : i32
        %dma_wait3A_1381 = arith.constant 7 : i32
        %dma_wait3A_1382 = arith.constant 0 : i32
        %dma_wait3A_1383 = arith.constant 0 : i32
        %dma_wait3A_1384 = tpu.memref_slice %arg5[%rem3A_853, %dma_wait3A_1380, %dma_wait3A_1382, %dma_wait3A_1383] : memref<2x21x8x128xf32, #tpu.memory_space<vmem>> -> memref<1x1x8x128xf32, #tpu.memory_space<vmem>>
        %dma_wait3A_1385 = tpu.memref_squeeze %dma_wait3A_1384 : memref<1x1x8x128xf32, #tpu.memory_space<vmem>> -> memref<8x128xf32, #tpu.memory_space<vmem>>
        %dma_wait3A_1386 = arith.constant 0 : i32
        %dma_wait3A_1387 = arith.constant 0 : i32
        %dma_wait3A_1388 = tpu.memref_slice %arg3[%dma_wait3A_1381, %sub3A_1379, %add3A, %dma_wait3A_1386, %dma_wait3A_1387] : memref<21x25x32x8x128xf32, #tpu.memory_space<hbm>> -> memref<1x1x1x8x128xf32, #tpu.memory_space<hbm>>
        %dma_wait3A_1389 = tpu.memref_squeeze %dma_wait3A_1388 : memref<1x1x1x8x128xf32, #tpu.memory_space<hbm>> -> memref<8x128xf32, #tpu.memory_space<hbm>>
        %dma_wait3A_1390 = arith.constant 0 : i32
        %dma_wait3A_1391 = arith.constant 0 : i32
        %dma_wait3A_1392 = tpu.memref_slice %arg3[%dma_wait3A_1381, %sub3A_1379, %add3A, %dma_wait3A_1390, %dma_wait3A_1391] : memref<21x25x32x8x128xf32, #tpu.memory_space<hbm>> -> memref<1x1x1x8x128xf32, #tpu.memory_space<hbm>>
        %dma_wait3A_1393 = tpu.memref_squeeze %dma_wait3A_1392 : memref<1x1x1x8x128xf32, #tpu.memory_space<hbm>> -> memref<8x128xf32, #tpu.memory_space<hbm>>
        %dma_wait3A_1394 = arith.constant 0 : i32
        %dma_wait3A_1395 = arith.constant 0 : i32
        %dma_wait3A_1396 = tpu.memref_slice %arg5[%rem3A_853, %dma_wait3A_1380, %dma_wait3A_1394, %dma_wait3A_1395] : memref<2x21x8x128xf32, #tpu.memory_space<vmem>> -> memref<1x1x8x128xf32, #tpu.memory_space<vmem>>
        %dma_wait3A_1397 = tpu.memref_squeeze %dma_wait3A_1396 : memref<1x1x8x128xf32, #tpu.memory_space<vmem>> -> memref<8x128xf32, #tpu.memory_space<vmem>>
        tpu.wait_dma2 semaphore(%arg6 : memref<!tpu.dma_semaphore, #tpu.memory_space<semaphore_mem>>) src(%dma_wait3A_1397 : memref<8x128xf32, #tpu.memory_space<vmem>>) dst(%dma_wait3A_1393 : memref<8x128xf32, #tpu.memory_space<hbm>>)
        %sub3A_1398 = arith.constant 2 : i32
        %sub3A_1399 = arith.subi %scan3A_852, %sub3A_1398 : i32
        %dma_wait3A_1400 = arith.constant 8 : i32
        %dma_wait3A_1401 = arith.constant 8 : i32
        %dma_wait3A_1402 = arith.constant 0 : i32
        %dma_wait3A_1403 = arith.constant 0 : i32
        %dma_wait3A_1404 = tpu.memref_slice %arg5[%rem3A_853, %dma_wait3A_1400, %dma_wait3A_1402, %dma_wait3A_1403] : memref<2x21x8x128xf32, #tpu.memory_space<vmem>> -> memref<1x1x8x128xf32, #tpu.memory_space<vmem>>
        %dma_wait3A_1405 = tpu.memref_squeeze %dma_wait3A_1404 : memref<1x1x8x128xf32, #tpu.memory_space<vmem>> -> memref<8x128xf32, #tpu.memory_space<vmem>>
        %dma_wait3A_1406 = arith.constant 0 : i32
        %dma_wait3A_1407 = arith.constant 0 : i32
        %dma_wait3A_1408 = tpu.memref_slice %arg3[%dma_wait3A_1401, %sub3A_1399, %add3A, %dma_wait3A_1406, %dma_wait3A_1407] : memref<21x25x32x8x128xf32, #tpu.memory_space<hbm>> -> memref<1x1x1x8x128xf32, #tpu.memory_space<hbm>>
        %dma_wait3A_1409 = tpu.memref_squeeze %dma_wait3A_1408 : memref<1x1x1x8x128xf32, #tpu.memory_space<hbm>> -> memref<8x128xf32, #tpu.memory_space<hbm>>
        %dma_wait3A_1410 = arith.constant 0 : i32
        %dma_wait3A_1411 = arith.constant 0 : i32
        %dma_wait3A_1412 = tpu.memref_slice %arg3[%dma_wait3A_1401, %sub3A_1399, %add3A, %dma_wait3A_1410, %dma_wait3A_1411] : memref<21x25x32x8x128xf32, #tpu.memory_space<hbm>> -> memref<1x1x1x8x128xf32, #tpu.memory_space<hbm>>
        %dma_wait3A_1413 = tpu.memref_squeeze %dma_wait3A_1412 : memref<1x1x1x8x128xf32, #tpu.memory_space<hbm>> -> memref<8x128xf32, #tpu.memory_space<hbm>>
        %dma_wait3A_1414 = arith.constant 0 : i32
        %dma_wait3A_1415 = arith.constant 0 : i32
        %dma_wait3A_1416 = tpu.memref_slice %arg5[%rem3A_853, %dma_wait3A_1400, %dma_wait3A_1414, %dma_wait3A_1415] : memref<2x21x8x128xf32, #tpu.memory_space<vmem>> -> memref<1x1x8x128xf32, #tpu.memory_space<vmem>>
        %dma_wait3A_1417 = tpu.memref_squeeze %dma_wait3A_1416 : memref<1x1x8x128xf32, #tpu.memory_space<vmem>> -> memref<8x128xf32, #tpu.memory_space<vmem>>
        tpu.wait_dma2 semaphore(%arg6 : memref<!tpu.dma_semaphore, #tpu.memory_space<semaphore_mem>>) src(%dma_wait3A_1417 : memref<8x128xf32, #tpu.memory_space<vmem>>) dst(%dma_wait3A_1413 : memref<8x128xf32, #tpu.memory_space<hbm>>)
        %sub3A_1418 = arith.constant 2 : i32
        %sub3A_1419 = arith.subi %scan3A_852, %sub3A_1418 : i32
        %dma_wait3A_1420 = arith.constant 9 : i32
        %dma_wait3A_1421 = arith.constant 9 : i32
        %dma_wait3A_1422 = arith.constant 0 : i32
        %dma_wait3A_1423 = arith.constant 0 : i32
        %dma_wait3A_1424 = tpu.memref_slice %arg5[%rem3A_853, %dma_wait3A_1420, %dma_wait3A_1422, %dma_wait3A_1423] : memref<2x21x8x128xf32, #tpu.memory_space<vmem>> -> memref<1x1x8x128xf32, #tpu.memory_space<vmem>>
        %dma_wait3A_1425 = tpu.memref_squeeze %dma_wait3A_1424 : memref<1x1x8x128xf32, #tpu.memory_space<vmem>> -> memref<8x128xf32, #tpu.memory_space<vmem>>
        %dma_wait3A_1426 = arith.constant 0 : i32
        %dma_wait3A_1427 = arith.constant 0 : i32
        %dma_wait3A_1428 = tpu.memref_slice %arg3[%dma_wait3A_1421, %sub3A_1419, %add3A, %dma_wait3A_1426, %dma_wait3A_1427] : memref<21x25x32x8x128xf32, #tpu.memory_space<hbm>> -> memref<1x1x1x8x128xf32, #tpu.memory_space<hbm>>
        %dma_wait3A_1429 = tpu.memref_squeeze %dma_wait3A_1428 : memref<1x1x1x8x128xf32, #tpu.memory_space<hbm>> -> memref<8x128xf32, #tpu.memory_space<hbm>>
        %dma_wait3A_1430 = arith.constant 0 : i32
        %dma_wait3A_1431 = arith.constant 0 : i32
        %dma_wait3A_1432 = tpu.memref_slice %arg3[%dma_wait3A_1421, %sub3A_1419, %add3A, %dma_wait3A_1430, %dma_wait3A_1431] : memref<21x25x32x8x128xf32, #tpu.memory_space<hbm>> -> memref<1x1x1x8x128xf32, #tpu.memory_space<hbm>>
        %dma_wait3A_1433 = tpu.memref_squeeze %dma_wait3A_1432 : memref<1x1x1x8x128xf32, #tpu.memory_space<hbm>> -> memref<8x128xf32, #tpu.memory_space<hbm>>
        %dma_wait3A_1434 = arith.constant 0 : i32
        %dma_wait3A_1435 = arith.constant 0 : i32
        %dma_wait3A_1436 = tpu.memref_slice %arg5[%rem3A_853, %dma_wait3A_1420, %dma_wait3A_1434, %dma_wait3A_1435] : memref<2x21x8x128xf32, #tpu.memory_space<vmem>> -> memref<1x1x8x128xf32, #tpu.memory_space<vmem>>
        %dma_wait3A_1437 = tpu.memref_squeeze %dma_wait3A_1436 : memref<1x1x8x128xf32, #tpu.memory_space<vmem>> -> memref<8x128xf32, #tpu.memory_space<vmem>>
        tpu.wait_dma2 semaphore(%arg6 : memref<!tpu.dma_semaphore, #tpu.memory_space<semaphore_mem>>) src(%dma_wait3A_1437 : memref<8x128xf32, #tpu.memory_space<vmem>>) dst(%dma_wait3A_1433 : memref<8x128xf32, #tpu.memory_space<hbm>>)
        %sub3A_1438 = arith.constant 2 : i32
        %sub3A_1439 = arith.subi %scan3A_852, %sub3A_1438 : i32
        %dma_wait3A_1440 = arith.constant 10 : i32
        %dma_wait3A_1441 = arith.constant 10 : i32
        %dma_wait3A_1442 = arith.constant 0 : i32
        %dma_wait3A_1443 = arith.constant 0 : i32
        %dma_wait3A_1444 = tpu.memref_slice %arg5[%rem3A_853, %dma_wait3A_1440, %dma_wait3A_1442, %dma_wait3A_1443] : memref<2x21x8x128xf32, #tpu.memory_space<vmem>> -> memref<1x1x8x128xf32, #tpu.memory_space<vmem>>
        %dma_wait3A_1445 = tpu.memref_squeeze %dma_wait3A_1444 : memref<1x1x8x128xf32, #tpu.memory_space<vmem>> -> memref<8x128xf32, #tpu.memory_space<vmem>>
        %dma_wait3A_1446 = arith.constant 0 : i32
        %dma_wait3A_1447 = arith.constant 0 : i32
        %dma_wait3A_1448 = tpu.memref_slice %arg3[%dma_wait3A_1441, %sub3A_1439, %add3A, %dma_wait3A_1446, %dma_wait3A_1447] : memref<21x25x32x8x128xf32, #tpu.memory_space<hbm>> -> memref<1x1x1x8x128xf32, #tpu.memory_space<hbm>>
        %dma_wait3A_1449 = tpu.memref_squeeze %dma_wait3A_1448 : memref<1x1x1x8x128xf32, #tpu.memory_space<hbm>> -> memref<8x128xf32, #tpu.memory_space<hbm>>
        %dma_wait3A_1450 = arith.constant 0 : i32
        %dma_wait3A_1451 = arith.constant 0 : i32
        %dma_wait3A_1452 = tpu.memref_slice %arg3[%dma_wait3A_1441, %sub3A_1439, %add3A, %dma_wait3A_1450, %dma_wait3A_1451] : memref<21x25x32x8x128xf32, #tpu.memory_space<hbm>> -> memref<1x1x1x8x128xf32, #tpu.memory_space<hbm>>
        %dma_wait3A_1453 = tpu.memref_squeeze %dma_wait3A_1452 : memref<1x1x1x8x128xf32, #tpu.memory_space<hbm>> -> memref<8x128xf32, #tpu.memory_space<hbm>>
        %dma_wait3A_1454 = arith.constant 0 : i32
        %dma_wait3A_1455 = arith.constant 0 : i32
        %dma_wait3A_1456 = tpu.memref_slice %arg5[%rem3A_853, %dma_wait3A_1440, %dma_wait3A_1454, %dma_wait3A_1455] : memref<2x21x8x128xf32, #tpu.memory_space<vmem>> -> memref<1x1x8x128xf32, #tpu.memory_space<vmem>>
        %dma_wait3A_1457 = tpu.memref_squeeze %dma_wait3A_1456 : memref<1x1x8x128xf32, #tpu.memory_space<vmem>> -> memref<8x128xf32, #tpu.memory_space<vmem>>
        tpu.wait_dma2 semaphore(%arg6 : memref<!tpu.dma_semaphore, #tpu.memory_space<semaphore_mem>>) src(%dma_wait3A_1457 : memref<8x128xf32, #tpu.memory_space<vmem>>) dst(%dma_wait3A_1453 : memref<8x128xf32, #tpu.memory_space<hbm>>)
        %sub3A_1458 = arith.constant 2 : i32
        %sub3A_1459 = arith.subi %scan3A_852, %sub3A_1458 : i32
        %dma_wait3A_1460 = arith.constant 11 : i32
        %dma_wait3A_1461 = arith.constant 11 : i32
        %dma_wait3A_1462 = arith.constant 0 : i32
        %dma_wait3A_1463 = arith.constant 0 : i32
        %dma_wait3A_1464 = tpu.memref_slice %arg5[%rem3A_853, %dma_wait3A_1460, %dma_wait3A_1462, %dma_wait3A_1463] : memref<2x21x8x128xf32, #tpu.memory_space<vmem>> -> memref<1x1x8x128xf32, #tpu.memory_space<vmem>>
        %dma_wait3A_1465 = tpu.memref_squeeze %dma_wait3A_1464 : memref<1x1x8x128xf32, #tpu.memory_space<vmem>> -> memref<8x128xf32, #tpu.memory_space<vmem>>
        %dma_wait3A_1466 = arith.constant 0 : i32
        %dma_wait3A_1467 = arith.constant 0 : i32
        %dma_wait3A_1468 = tpu.memref_slice %arg3[%dma_wait3A_1461, %sub3A_1459, %add3A, %dma_wait3A_1466, %dma_wait3A_1467] : memref<21x25x32x8x128xf32, #tpu.memory_space<hbm>> -> memref<1x1x1x8x128xf32, #tpu.memory_space<hbm>>
        %dma_wait3A_1469 = tpu.memref_squeeze %dma_wait3A_1468 : memref<1x1x1x8x128xf32, #tpu.memory_space<hbm>> -> memref<8x128xf32, #tpu.memory_space<hbm>>
        %dma_wait3A_1470 = arith.constant 0 : i32
        %dma_wait3A_1471 = arith.constant 0 : i32
        %dma_wait3A_1472 = tpu.memref_slice %arg3[%dma_wait3A_1461, %sub3A_1459, %add3A, %dma_wait3A_1470, %dma_wait3A_1471] : memref<21x25x32x8x128xf32, #tpu.memory_space<hbm>> -> memref<1x1x1x8x128xf32, #tpu.memory_space<hbm>>
        %dma_wait3A_1473 = tpu.memref_squeeze %dma_wait3A_1472 : memref<1x1x1x8x128xf32, #tpu.memory_space<hbm>> -> memref<8x128xf32, #tpu.memory_space<hbm>>
        %dma_wait3A_1474 = arith.constant 0 : i32
        %dma_wait3A_1475 = arith.constant 0 : i32
        %dma_wait3A_1476 = tpu.memref_slice %arg5[%rem3A_853, %dma_wait3A_1460, %dma_wait3A_1474, %dma_wait3A_1475] : memref<2x21x8x128xf32, #tpu.memory_space<vmem>> -> memref<1x1x8x128xf32, #tpu.memory_space<vmem>>
        %dma_wait3A_1477 = tpu.memref_squeeze %dma_wait3A_1476 : memref<1x1x8x128xf32, #tpu.memory_space<vmem>> -> memref<8x128xf32, #tpu.memory_space<vmem>>
        tpu.wait_dma2 semaphore(%arg6 : memref<!tpu.dma_semaphore, #tpu.memory_space<semaphore_mem>>) src(%dma_wait3A_1477 : memref<8x128xf32, #tpu.memory_space<vmem>>) dst(%dma_wait3A_1473 : memref<8x128xf32, #tpu.memory_space<hbm>>)
        %sub3A_1478 = arith.constant 2 : i32
        %sub3A_1479 = arith.subi %scan3A_852, %sub3A_1478 : i32
        %dma_wait3A_1480 = arith.constant 12 : i32
        %dma_wait3A_1481 = arith.constant 12 : i32
        %dma_wait3A_1482 = arith.constant 0 : i32
        %dma_wait3A_1483 = arith.constant 0 : i32
        %dma_wait3A_1484 = tpu.memref_slice %arg5[%rem3A_853, %dma_wait3A_1480, %dma_wait3A_1482, %dma_wait3A_1483] : memref<2x21x8x128xf32, #tpu.memory_space<vmem>> -> memref<1x1x8x128xf32, #tpu.memory_space<vmem>>
        %dma_wait3A_1485 = tpu.memref_squeeze %dma_wait3A_1484 : memref<1x1x8x128xf32, #tpu.memory_space<vmem>> -> memref<8x128xf32, #tpu.memory_space<vmem>>
        %dma_wait3A_1486 = arith.constant 0 : i32
        %dma_wait3A_1487 = arith.constant 0 : i32
        %dma_wait3A_1488 = tpu.memref_slice %arg3[%dma_wait3A_1481, %sub3A_1479, %add3A, %dma_wait3A_1486, %dma_wait3A_1487] : memref<21x25x32x8x128xf32, #tpu.memory_space<hbm>> -> memref<1x1x1x8x128xf32, #tpu.memory_space<hbm>>
        %dma_wait3A_1489 = tpu.memref_squeeze %dma_wait3A_1488 : memref<1x1x1x8x128xf32, #tpu.memory_space<hbm>> -> memref<8x128xf32, #tpu.memory_space<hbm>>
        %dma_wait3A_1490 = arith.constant 0 : i32
        %dma_wait3A_1491 = arith.constant 0 : i32
        %dma_wait3A_1492 = tpu.memref_slice %arg3[%dma_wait3A_1481, %sub3A_1479, %add3A, %dma_wait3A_1490, %dma_wait3A_1491] : memref<21x25x32x8x128xf32, #tpu.memory_space<hbm>> -> memref<1x1x1x8x128xf32, #tpu.memory_space<hbm>>
        %dma_wait3A_1493 = tpu.memref_squeeze %dma_wait3A_1492 : memref<1x1x1x8x128xf32, #tpu.memory_space<hbm>> -> memref<8x128xf32, #tpu.memory_space<hbm>>
        %dma_wait3A_1494 = arith.constant 0 : i32
        %dma_wait3A_1495 = arith.constant 0 : i32
        %dma_wait3A_1496 = tpu.memref_slice %arg5[%rem3A_853, %dma_wait3A_1480, %dma_wait3A_1494, %dma_wait3A_1495] : memref<2x21x8x128xf32, #tpu.memory_space<vmem>> -> memref<1x1x8x128xf32, #tpu.memory_space<vmem>>
        %dma_wait3A_1497 = tpu.memref_squeeze %dma_wait3A_1496 : memref<1x1x8x128xf32, #tpu.memory_space<vmem>> -> memref<8x128xf32, #tpu.memory_space<vmem>>
        tpu.wait_dma2 semaphore(%arg6 : memref<!tpu.dma_semaphore, #tpu.memory_space<semaphore_mem>>) src(%dma_wait3A_1497 : memref<8x128xf32, #tpu.memory_space<vmem>>) dst(%dma_wait3A_1493 : memref<8x128xf32, #tpu.memory_space<hbm>>)
        %sub3A_1498 = arith.constant 2 : i32
        %sub3A_1499 = arith.subi %scan3A_852, %sub3A_1498 : i32
        %dma_wait3A_1500 = arith.constant 13 : i32
        %dma_wait3A_1501 = arith.constant 13 : i32
        %dma_wait3A_1502 = arith.constant 0 : i32
        %dma_wait3A_1503 = arith.constant 0 : i32
        %dma_wait3A_1504 = tpu.memref_slice %arg5[%rem3A_853, %dma_wait3A_1500, %dma_wait3A_1502, %dma_wait3A_1503] : memref<2x21x8x128xf32, #tpu.memory_space<vmem>> -> memref<1x1x8x128xf32, #tpu.memory_space<vmem>>
        %dma_wait3A_1505 = tpu.memref_squeeze %dma_wait3A_1504 : memref<1x1x8x128xf32, #tpu.memory_space<vmem>> -> memref<8x128xf32, #tpu.memory_space<vmem>>
        %dma_wait3A_1506 = arith.constant 0 : i32
        %dma_wait3A_1507 = arith.constant 0 : i32
        %dma_wait3A_1508 = tpu.memref_slice %arg3[%dma_wait3A_1501, %sub3A_1499, %add3A, %dma_wait3A_1506, %dma_wait3A_1507] : memref<21x25x32x8x128xf32, #tpu.memory_space<hbm>> -> memref<1x1x1x8x128xf32, #tpu.memory_space<hbm>>
        %dma_wait3A_1509 = tpu.memref_squeeze %dma_wait3A_1508 : memref<1x1x1x8x128xf32, #tpu.memory_space<hbm>> -> memref<8x128xf32, #tpu.memory_space<hbm>>
        %dma_wait3A_1510 = arith.constant 0 : i32
        %dma_wait3A_1511 = arith.constant 0 : i32
        %dma_wait3A_1512 = tpu.memref_slice %arg3[%dma_wait3A_1501, %sub3A_1499, %add3A, %dma_wait3A_1510, %dma_wait3A_1511] : memref<21x25x32x8x128xf32, #tpu.memory_space<hbm>> -> memref<1x1x1x8x128xf32, #tpu.memory_space<hbm>>
        %dma_wait3A_1513 = tpu.memref_squeeze %dma_wait3A_1512 : memref<1x1x1x8x128xf32, #tpu.memory_space<hbm>> -> memref<8x128xf32, #tpu.memory_space<hbm>>
        %dma_wait3A_1514 = arith.constant 0 : i32
        %dma_wait3A_1515 = arith.constant 0 : i32
        %dma_wait3A_1516 = tpu.memref_slice %arg5[%rem3A_853, %dma_wait3A_1500, %dma_wait3A_1514, %dma_wait3A_1515] : memref<2x21x8x128xf32, #tpu.memory_space<vmem>> -> memref<1x1x8x128xf32, #tpu.memory_space<vmem>>
        %dma_wait3A_1517 = tpu.memref_squeeze %dma_wait3A_1516 : memref<1x1x8x128xf32, #tpu.memory_space<vmem>> -> memref<8x128xf32, #tpu.memory_space<vmem>>
        tpu.wait_dma2 semaphore(%arg6 : memref<!tpu.dma_semaphore, #tpu.memory_space<semaphore_mem>>) src(%dma_wait3A_1517 : memref<8x128xf32, #tpu.memory_space<vmem>>) dst(%dma_wait3A_1513 : memref<8x128xf32, #tpu.memory_space<hbm>>)
        %sub3A_1518 = arith.constant 2 : i32
        %sub3A_1519 = arith.subi %scan3A_852, %sub3A_1518 : i32
        %dma_wait3A_1520 = arith.constant 14 : i32
        %dma_wait3A_1521 = arith.constant 14 : i32
        %dma_wait3A_1522 = arith.constant 0 : i32
        %dma_wait3A_1523 = arith.constant 0 : i32
        %dma_wait3A_1524 = tpu.memref_slice %arg5[%rem3A_853, %dma_wait3A_1520, %dma_wait3A_1522, %dma_wait3A_1523] : memref<2x21x8x128xf32, #tpu.memory_space<vmem>> -> memref<1x1x8x128xf32, #tpu.memory_space<vmem>>
        %dma_wait3A_1525 = tpu.memref_squeeze %dma_wait3A_1524 : memref<1x1x8x128xf32, #tpu.memory_space<vmem>> -> memref<8x128xf32, #tpu.memory_space<vmem>>
        %dma_wait3A_1526 = arith.constant 0 : i32
        %dma_wait3A_1527 = arith.constant 0 : i32
        %dma_wait3A_1528 = tpu.memref_slice %arg3[%dma_wait3A_1521, %sub3A_1519, %add3A, %dma_wait3A_1526, %dma_wait3A_1527] : memref<21x25x32x8x128xf32, #tpu.memory_space<hbm>> -> memref<1x1x1x8x128xf32, #tpu.memory_space<hbm>>
        %dma_wait3A_1529 = tpu.memref_squeeze %dma_wait3A_1528 : memref<1x1x1x8x128xf32, #tpu.memory_space<hbm>> -> memref<8x128xf32, #tpu.memory_space<hbm>>
        %dma_wait3A_1530 = arith.constant 0 : i32
        %dma_wait3A_1531 = arith.constant 0 : i32
        %dma_wait3A_1532 = tpu.memref_slice %arg3[%dma_wait3A_1521, %sub3A_1519, %add3A, %dma_wait3A_1530, %dma_wait3A_1531] : memref<21x25x32x8x128xf32, #tpu.memory_space<hbm>> -> memref<1x1x1x8x128xf32, #tpu.memory_space<hbm>>
        %dma_wait3A_1533 = tpu.memref_squeeze %dma_wait3A_1532 : memref<1x1x1x8x128xf32, #tpu.memory_space<hbm>> -> memref<8x128xf32, #tpu.memory_space<hbm>>
        %dma_wait3A_1534 = arith.constant 0 : i32
        %dma_wait3A_1535 = arith.constant 0 : i32
        %dma_wait3A_1536 = tpu.memref_slice %arg5[%rem3A_853, %dma_wait3A_1520, %dma_wait3A_1534, %dma_wait3A_1535] : memref<2x21x8x128xf32, #tpu.memory_space<vmem>> -> memref<1x1x8x128xf32, #tpu.memory_space<vmem>>
        %dma_wait3A_1537 = tpu.memref_squeeze %dma_wait3A_1536 : memref<1x1x8x128xf32, #tpu.memory_space<vmem>> -> memref<8x128xf32, #tpu.memory_space<vmem>>
        tpu.wait_dma2 semaphore(%arg6 : memref<!tpu.dma_semaphore, #tpu.memory_space<semaphore_mem>>) src(%dma_wait3A_1537 : memref<8x128xf32, #tpu.memory_space<vmem>>) dst(%dma_wait3A_1533 : memref<8x128xf32, #tpu.memory_space<hbm>>)
        %sub3A_1538 = arith.constant 2 : i32
        %sub3A_1539 = arith.subi %scan3A_852, %sub3A_1538 : i32
        %dma_wait3A_1540 = arith.constant 15 : i32
        %dma_wait3A_1541 = arith.constant 15 : i32
        %dma_wait3A_1542 = arith.constant 0 : i32
        %dma_wait3A_1543 = arith.constant 0 : i32
        %dma_wait3A_1544 = tpu.memref_slice %arg5[%rem3A_853, %dma_wait3A_1540, %dma_wait3A_1542, %dma_wait3A_1543] : memref<2x21x8x128xf32, #tpu.memory_space<vmem>> -> memref<1x1x8x128xf32, #tpu.memory_space<vmem>>
        %dma_wait3A_1545 = tpu.memref_squeeze %dma_wait3A_1544 : memref<1x1x8x128xf32, #tpu.memory_space<vmem>> -> memref<8x128xf32, #tpu.memory_space<vmem>>
        %dma_wait3A_1546 = arith.constant 0 : i32
        %dma_wait3A_1547 = arith.constant 0 : i32
        %dma_wait3A_1548 = tpu.memref_slice %arg3[%dma_wait3A_1541, %sub3A_1539, %add3A, %dma_wait3A_1546, %dma_wait3A_1547] : memref<21x25x32x8x128xf32, #tpu.memory_space<hbm>> -> memref<1x1x1x8x128xf32, #tpu.memory_space<hbm>>
        %dma_wait3A_1549 = tpu.memref_squeeze %dma_wait3A_1548 : memref<1x1x1x8x128xf32, #tpu.memory_space<hbm>> -> memref<8x128xf32, #tpu.memory_space<hbm>>
        %dma_wait3A_1550 = arith.constant 0 : i32
        %dma_wait3A_1551 = arith.constant 0 : i32
        %dma_wait3A_1552 = tpu.memref_slice %arg3[%dma_wait3A_1541, %sub3A_1539, %add3A, %dma_wait3A_1550, %dma_wait3A_1551] : memref<21x25x32x8x128xf32, #tpu.memory_space<hbm>> -> memref<1x1x1x8x128xf32, #tpu.memory_space<hbm>>
        %dma_wait3A_1553 = tpu.memref_squeeze %dma_wait3A_1552 : memref<1x1x1x8x128xf32, #tpu.memory_space<hbm>> -> memref<8x128xf32, #tpu.memory_space<hbm>>
        %dma_wait3A_1554 = arith.constant 0 : i32
        %dma_wait3A_1555 = arith.constant 0 : i32
        %dma_wait3A_1556 = tpu.memref_slice %arg5[%rem3A_853, %dma_wait3A_1540, %dma_wait3A_1554, %dma_wait3A_1555] : memref<2x21x8x128xf32, #tpu.memory_space<vmem>> -> memref<1x1x8x128xf32, #tpu.memory_space<vmem>>
        %dma_wait3A_1557 = tpu.memref_squeeze %dma_wait3A_1556 : memref<1x1x8x128xf32, #tpu.memory_space<vmem>> -> memref<8x128xf32, #tpu.memory_space<vmem>>
        tpu.wait_dma2 semaphore(%arg6 : memref<!tpu.dma_semaphore, #tpu.memory_space<semaphore_mem>>) src(%dma_wait3A_1557 : memref<8x128xf32, #tpu.memory_space<vmem>>) dst(%dma_wait3A_1553 : memref<8x128xf32, #tpu.memory_space<hbm>>)
        %sub3A_1558 = arith.constant 2 : i32
        %sub3A_1559 = arith.subi %scan3A_852, %sub3A_1558 : i32
        %dma_wait3A_1560 = arith.constant 16 : i32
        %dma_wait3A_1561 = arith.constant 16 : i32
        %dma_wait3A_1562 = arith.constant 0 : i32
        %dma_wait3A_1563 = arith.constant 0 : i32
        %dma_wait3A_1564 = tpu.memref_slice %arg5[%rem3A_853, %dma_wait3A_1560, %dma_wait3A_1562, %dma_wait3A_1563] : memref<2x21x8x128xf32, #tpu.memory_space<vmem>> -> memref<1x1x8x128xf32, #tpu.memory_space<vmem>>
        %dma_wait3A_1565 = tpu.memref_squeeze %dma_wait3A_1564 : memref<1x1x8x128xf32, #tpu.memory_space<vmem>> -> memref<8x128xf32, #tpu.memory_space<vmem>>
        %dma_wait3A_1566 = arith.constant 0 : i32
        %dma_wait3A_1567 = arith.constant 0 : i32
        %dma_wait3A_1568 = tpu.memref_slice %arg3[%dma_wait3A_1561, %sub3A_1559, %add3A, %dma_wait3A_1566, %dma_wait3A_1567] : memref<21x25x32x8x128xf32, #tpu.memory_space<hbm>> -> memref<1x1x1x8x128xf32, #tpu.memory_space<hbm>>
        %dma_wait3A_1569 = tpu.memref_squeeze %dma_wait3A_1568 : memref<1x1x1x8x128xf32, #tpu.memory_space<hbm>> -> memref<8x128xf32, #tpu.memory_space<hbm>>
        %dma_wait3A_1570 = arith.constant 0 : i32
        %dma_wait3A_1571 = arith.constant 0 : i32
        %dma_wait3A_1572 = tpu.memref_slice %arg3[%dma_wait3A_1561, %sub3A_1559, %add3A, %dma_wait3A_1570, %dma_wait3A_1571] : memref<21x25x32x8x128xf32, #tpu.memory_space<hbm>> -> memref<1x1x1x8x128xf32, #tpu.memory_space<hbm>>
        %dma_wait3A_1573 = tpu.memref_squeeze %dma_wait3A_1572 : memref<1x1x1x8x128xf32, #tpu.memory_space<hbm>> -> memref<8x128xf32, #tpu.memory_space<hbm>>
        %dma_wait3A_1574 = arith.constant 0 : i32
        %dma_wait3A_1575 = arith.constant 0 : i32
        %dma_wait3A_1576 = tpu.memref_slice %arg5[%rem3A_853, %dma_wait3A_1560, %dma_wait3A_1574, %dma_wait3A_1575] : memref<2x21x8x128xf32, #tpu.memory_space<vmem>> -> memref<1x1x8x128xf32, #tpu.memory_space<vmem>>
        %dma_wait3A_1577 = tpu.memref_squeeze %dma_wait3A_1576 : memref<1x1x8x128xf32, #tpu.memory_space<vmem>> -> memref<8x128xf32, #tpu.memory_space<vmem>>
        tpu.wait_dma2 semaphore(%arg6 : memref<!tpu.dma_semaphore, #tpu.memory_space<semaphore_mem>>) src(%dma_wait3A_1577 : memref<8x128xf32, #tpu.memory_space<vmem>>) dst(%dma_wait3A_1573 : memref<8x128xf32, #tpu.memory_space<hbm>>)
        %sub3A_1578 = arith.constant 2 : i32
        %sub3A_1579 = arith.subi %scan3A_852, %sub3A_1578 : i32
        %dma_wait3A_1580 = arith.constant 17 : i32
        %dma_wait3A_1581 = arith.constant 17 : i32
        %dma_wait3A_1582 = arith.constant 0 : i32
        %dma_wait3A_1583 = arith.constant 0 : i32
        %dma_wait3A_1584 = tpu.memref_slice %arg5[%rem3A_853, %dma_wait3A_1580, %dma_wait3A_1582, %dma_wait3A_1583] : memref<2x21x8x128xf32, #tpu.memory_space<vmem>> -> memref<1x1x8x128xf32, #tpu.memory_space<vmem>>
        %dma_wait3A_1585 = tpu.memref_squeeze %dma_wait3A_1584 : memref<1x1x8x128xf32, #tpu.memory_space<vmem>> -> memref<8x128xf32, #tpu.memory_space<vmem>>
        %dma_wait3A_1586 = arith.constant 0 : i32
        %dma_wait3A_1587 = arith.constant 0 : i32
        %dma_wait3A_1588 = tpu.memref_slice %arg3[%dma_wait3A_1581, %sub3A_1579, %add3A, %dma_wait3A_1586, %dma_wait3A_1587] : memref<21x25x32x8x128xf32, #tpu.memory_space<hbm>> -> memref<1x1x1x8x128xf32, #tpu.memory_space<hbm>>
        %dma_wait3A_1589 = tpu.memref_squeeze %dma_wait3A_1588 : memref<1x1x1x8x128xf32, #tpu.memory_space<hbm>> -> memref<8x128xf32, #tpu.memory_space<hbm>>
        %dma_wait3A_1590 = arith.constant 0 : i32
        %dma_wait3A_1591 = arith.constant 0 : i32
        %dma_wait3A_1592 = tpu.memref_slice %arg3[%dma_wait3A_1581, %sub3A_1579, %add3A, %dma_wait3A_1590, %dma_wait3A_1591] : memref<21x25x32x8x128xf32, #tpu.memory_space<hbm>> -> memref<1x1x1x8x128xf32, #tpu.memory_space<hbm>>
        %dma_wait3A_1593 = tpu.memref_squeeze %dma_wait3A_1592 : memref<1x1x1x8x128xf32, #tpu.memory_space<hbm>> -> memref<8x128xf32, #tpu.memory_space<hbm>>
        %dma_wait3A_1594 = arith.constant 0 : i32
        %dma_wait3A_1595 = arith.constant 0 : i32
        %dma_wait3A_1596 = tpu.memref_slice %arg5[%rem3A_853, %dma_wait3A_1580, %dma_wait3A_1594, %dma_wait3A_1595] : memref<2x21x8x128xf32, #tpu.memory_space<vmem>> -> memref<1x1x8x128xf32, #tpu.memory_space<vmem>>
        %dma_wait3A_1597 = tpu.memref_squeeze %dma_wait3A_1596 : memref<1x1x8x128xf32, #tpu.memory_space<vmem>> -> memref<8x128xf32, #tpu.memory_space<vmem>>
        tpu.wait_dma2 semaphore(%arg6 : memref<!tpu.dma_semaphore, #tpu.memory_space<semaphore_mem>>) src(%dma_wait3A_1597 : memref<8x128xf32, #tpu.memory_space<vmem>>) dst(%dma_wait3A_1593 : memref<8x128xf32, #tpu.memory_space<hbm>>)
        %sub3A_1598 = arith.constant 2 : i32
        %sub3A_1599 = arith.subi %scan3A_852, %sub3A_1598 : i32
        %dma_wait3A_1600 = arith.constant 18 : i32
        %dma_wait3A_1601 = arith.constant 18 : i32
        %dma_wait3A_1602 = arith.constant 0 : i32
        %dma_wait3A_1603 = arith.constant 0 : i32
        %dma_wait3A_1604 = tpu.memref_slice %arg5[%rem3A_853, %dma_wait3A_1600, %dma_wait3A_1602, %dma_wait3A_1603] : memref<2x21x8x128xf32, #tpu.memory_space<vmem>> -> memref<1x1x8x128xf32, #tpu.memory_space<vmem>>
        %dma_wait3A_1605 = tpu.memref_squeeze %dma_wait3A_1604 : memref<1x1x8x128xf32, #tpu.memory_space<vmem>> -> memref<8x128xf32, #tpu.memory_space<vmem>>
        %dma_wait3A_1606 = arith.constant 0 : i32
        %dma_wait3A_1607 = arith.constant 0 : i32
        %dma_wait3A_1608 = tpu.memref_slice %arg3[%dma_wait3A_1601, %sub3A_1599, %add3A, %dma_wait3A_1606, %dma_wait3A_1607] : memref<21x25x32x8x128xf32, #tpu.memory_space<hbm>> -> memref<1x1x1x8x128xf32, #tpu.memory_space<hbm>>
        %dma_wait3A_1609 = tpu.memref_squeeze %dma_wait3A_1608 : memref<1x1x1x8x128xf32, #tpu.memory_space<hbm>> -> memref<8x128xf32, #tpu.memory_space<hbm>>
        %dma_wait3A_1610 = arith.constant 0 : i32
        %dma_wait3A_1611 = arith.constant 0 : i32
        %dma_wait3A_1612 = tpu.memref_slice %arg3[%dma_wait3A_1601, %sub3A_1599, %add3A, %dma_wait3A_1610, %dma_wait3A_1611] : memref<21x25x32x8x128xf32, #tpu.memory_space<hbm>> -> memref<1x1x1x8x128xf32, #tpu.memory_space<hbm>>
        %dma_wait3A_1613 = tpu.memref_squeeze %dma_wait3A_1612 : memref<1x1x1x8x128xf32, #tpu.memory_space<hbm>> -> memref<8x128xf32, #tpu.memory_space<hbm>>
        %dma_wait3A_1614 = arith.constant 0 : i32
        %dma_wait3A_1615 = arith.constant 0 : i32
        %dma_wait3A_1616 = tpu.memref_slice %arg5[%rem3A_853, %dma_wait3A_1600, %dma_wait3A_1614, %dma_wait3A_1615] : memref<2x21x8x128xf32, #tpu.memory_space<vmem>> -> memref<1x1x8x128xf32, #tpu.memory_space<vmem>>
        %dma_wait3A_1617 = tpu.memref_squeeze %dma_wait3A_1616 : memref<1x1x8x128xf32, #tpu.memory_space<vmem>> -> memref<8x128xf32, #tpu.memory_space<vmem>>
        tpu.wait_dma2 semaphore(%arg6 : memref<!tpu.dma_semaphore, #tpu.memory_space<semaphore_mem>>) src(%dma_wait3A_1617 : memref<8x128xf32, #tpu.memory_space<vmem>>) dst(%dma_wait3A_1613 : memref<8x128xf32, #tpu.memory_space<hbm>>)
        %sub3A_1618 = arith.constant 2 : i32
        %sub3A_1619 = arith.subi %scan3A_852, %sub3A_1618 : i32
        %dma_wait3A_1620 = arith.constant 19 : i32
        %dma_wait3A_1621 = arith.constant 19 : i32
        %dma_wait3A_1622 = arith.constant 0 : i32
        %dma_wait3A_1623 = arith.constant 0 : i32
        %dma_wait3A_1624 = tpu.memref_slice %arg5[%rem3A_853, %dma_wait3A_1620, %dma_wait3A_1622, %dma_wait3A_1623] : memref<2x21x8x128xf32, #tpu.memory_space<vmem>> -> memref<1x1x8x128xf32, #tpu.memory_space<vmem>>
        %dma_wait3A_1625 = tpu.memref_squeeze %dma_wait3A_1624 : memref<1x1x8x128xf32, #tpu.memory_space<vmem>> -> memref<8x128xf32, #tpu.memory_space<vmem>>
        %dma_wait3A_1626 = arith.constant 0 : i32
        %dma_wait3A_1627 = arith.constant 0 : i32
        %dma_wait3A_1628 = tpu.memref_slice %arg3[%dma_wait3A_1621, %sub3A_1619, %add3A, %dma_wait3A_1626, %dma_wait3A_1627] : memref<21x25x32x8x128xf32, #tpu.memory_space<hbm>> -> memref<1x1x1x8x128xf32, #tpu.memory_space<hbm>>
        %dma_wait3A_1629 = tpu.memref_squeeze %dma_wait3A_1628 : memref<1x1x1x8x128xf32, #tpu.memory_space<hbm>> -> memref<8x128xf32, #tpu.memory_space<hbm>>
        %dma_wait3A_1630 = arith.constant 0 : i32
        %dma_wait3A_1631 = arith.constant 0 : i32
        %dma_wait3A_1632 = tpu.memref_slice %arg3[%dma_wait3A_1621, %sub3A_1619, %add3A, %dma_wait3A_1630, %dma_wait3A_1631] : memref<21x25x32x8x128xf32, #tpu.memory_space<hbm>> -> memref<1x1x1x8x128xf32, #tpu.memory_space<hbm>>
        %dma_wait3A_1633 = tpu.memref_squeeze %dma_wait3A_1632 : memref<1x1x1x8x128xf32, #tpu.memory_space<hbm>> -> memref<8x128xf32, #tpu.memory_space<hbm>>
        %dma_wait3A_1634 = arith.constant 0 : i32
        %dma_wait3A_1635 = arith.constant 0 : i32
        %dma_wait3A_1636 = tpu.memref_slice %arg5[%rem3A_853, %dma_wait3A_1620, %dma_wait3A_1634, %dma_wait3A_1635] : memref<2x21x8x128xf32, #tpu.memory_space<vmem>> -> memref<1x1x8x128xf32, #tpu.memory_space<vmem>>
        %dma_wait3A_1637 = tpu.memref_squeeze %dma_wait3A_1636 : memref<1x1x8x128xf32, #tpu.memory_space<vmem>> -> memref<8x128xf32, #tpu.memory_space<vmem>>
        tpu.wait_dma2 semaphore(%arg6 : memref<!tpu.dma_semaphore, #tpu.memory_space<semaphore_mem>>) src(%dma_wait3A_1637 : memref<8x128xf32, #tpu.memory_space<vmem>>) dst(%dma_wait3A_1633 : memref<8x128xf32, #tpu.memory_space<hbm>>)
        %sub3A_1638 = arith.constant 2 : i32
        %sub3A_1639 = arith.subi %scan3A_852, %sub3A_1638 : i32
        %dma_wait3A_1640 = arith.constant 20 : i32
        %dma_wait3A_1641 = arith.constant 20 : i32
        %dma_wait3A_1642 = arith.constant 0 : i32
        %dma_wait3A_1643 = arith.constant 0 : i32
        %dma_wait3A_1644 = tpu.memref_slice %arg5[%rem3A_853, %dma_wait3A_1640, %dma_wait3A_1642, %dma_wait3A_1643] : memref<2x21x8x128xf32, #tpu.memory_space<vmem>> -> memref<1x1x8x128xf32, #tpu.memory_space<vmem>>
        %dma_wait3A_1645 = tpu.memref_squeeze %dma_wait3A_1644 : memref<1x1x8x128xf32, #tpu.memory_space<vmem>> -> memref<8x128xf32, #tpu.memory_space<vmem>>
        %dma_wait3A_1646 = arith.constant 0 : i32
        %dma_wait3A_1647 = arith.constant 0 : i32
        %dma_wait3A_1648 = tpu.memref_slice %arg3[%dma_wait3A_1641, %sub3A_1639, %add3A, %dma_wait3A_1646, %dma_wait3A_1647] : memref<21x25x32x8x128xf32, #tpu.memory_space<hbm>> -> memref<1x1x1x8x128xf32, #tpu.memory_space<hbm>>
        %dma_wait3A_1649 = tpu.memref_squeeze %dma_wait3A_1648 : memref<1x1x1x8x128xf32, #tpu.memory_space<hbm>> -> memref<8x128xf32, #tpu.memory_space<hbm>>
        %dma_wait3A_1650 = arith.constant 0 : i32
        %dma_wait3A_1651 = arith.constant 0 : i32
        %dma_wait3A_1652 = tpu.memref_slice %arg3[%dma_wait3A_1641, %sub3A_1639, %add3A, %dma_wait3A_1650, %dma_wait3A_1651] : memref<21x25x32x8x128xf32, #tpu.memory_space<hbm>> -> memref<1x1x1x8x128xf32, #tpu.memory_space<hbm>>
        %dma_wait3A_1653 = tpu.memref_squeeze %dma_wait3A_1652 : memref<1x1x1x8x128xf32, #tpu.memory_space<hbm>> -> memref<8x128xf32, #tpu.memory_space<hbm>>
        %dma_wait3A_1654 = arith.constant 0 : i32
        %dma_wait3A_1655 = arith.constant 0 : i32
        %dma_wait3A_1656 = tpu.memref_slice %arg5[%rem3A_853, %dma_wait3A_1640, %dma_wait3A_1654, %dma_wait3A_1655] : memref<2x21x8x128xf32, #tpu.memory_space<vmem>> -> memref<1x1x8x128xf32, #tpu.memory_space<vmem>>
        %dma_wait3A_1657 = tpu.memref_squeeze %dma_wait3A_1656 : memref<1x1x8x128xf32, #tpu.memory_space<vmem>> -> memref<8x128xf32, #tpu.memory_space<vmem>>
        tpu.wait_dma2 semaphore(%arg6 : memref<!tpu.dma_semaphore, #tpu.memory_space<semaphore_mem>>) src(%dma_wait3A_1657 : memref<8x128xf32, #tpu.memory_space<vmem>>) dst(%dma_wait3A_1653 : memref<8x128xf32, #tpu.memory_space<hbm>>)
      } else {
      }
      %scan3A_856 = arith.constant 0 : i32
      %scan3A_857 = arith.constant 0 : i32
      %scan3A_858 = arith.constant 8 : i32
      %scan3A_859 = arith.addi %scan3A_857, %scan3A_858 : i32
      %scan3A_860 = arith.constant 1 : i32
      scf.for %scan3A_1239 = %scan3A_857 to %scan3A_859 step %scan3A_860  : i32 {
        %mul3A_1240 = arith.constant 8 : i32
        %mul3A_1241 = arith.muli %scan3A_852, %mul3A_1240 : i32
        %add3A_1242 = arith.addi %mul3A_1241, %scan3A_1239 : i32
        %add3A_1243 = arith.constant 0 : i32
        %add3A_1244 = arith.addi %add3A_1243, %add3A_1242 : i32
        %add3A_1245 = vector.broadcast %add3A_1244 : i32 to vector<16xi32>
        %add3A_1246 = arith.addi %mul3A_7, %add3A_1245 : vector<16xi32>
        %gather3A = tpu.vector_load_idx %arg4[%add3A_1246] : memref<25600xi32, #tpu.memory_space<vmem>>[vector<16xi32>], vector<16xi32>,
        %add3A_1247 = arith.constant 3200 : i32
        %add3A_1248 = arith.addi %add3A_1247, %add3A_1242 : i32
        %add3A_1249 = vector.broadcast %add3A_1248 : i32 to vector<16xi32>
        %add3A_1250 = arith.addi %mul3A_7, %add3A_1249 : vector<16xi32>
        %gather3A_1251 = tpu.vector_load_idx %arg4[%add3A_1250] : memref<25600xi32, #tpu.memory_space<vmem>>[vector<16xi32>], vector<16xi32>,
        %add3A_1252 = arith.constant 6400 : i32
        %add3A_1253 = arith.addi %add3A_1252, %add3A_1242 : i32
        %add3A_1254 = vector.broadcast %add3A_1253 : i32 to vector<16xi32>
        %add3A_1255 = arith.addi %mul3A_7, %add3A_1254 : vector<16xi32>
        %gather3A_1256 = tpu.vector_load_idx %arg4[%add3A_1255] : memref<25600xi32, #tpu.memory_space<vmem>>[vector<16xi32>], vector<16xi32>,
        %add3A_1257 = arith.constant 9600 : i32
        %add3A_1258 = arith.addi %add3A_1257, %add3A_1242 : i32
        %add3A_1259 = vector.broadcast %add3A_1258 : i32 to vector<16xi32>
        %add3A_1260 = arith.addi %mul3A_7, %add3A_1259 : vector<16xi32>
        %gather3A_1261 = tpu.vector_load_idx %arg4[%add3A_1260] : memref<25600xi32, #tpu.memory_space<vmem>>[vector<16xi32>], vector<16xi32>,
        %add3A_1262 = arith.constant 12800 : i32
        %add3A_1263 = arith.addi %add3A_1262, %add3A_1242 : i32
        %add3A_1264 = vector.broadcast %add3A_1263 : i32 to vector<16xi32>
        %add3A_1265 = arith.addi %mul3A_7, %add3A_1264 : vector<16xi32>
        %gather3A_1266 = tpu.vector_load_idx %arg4[%add3A_1265] : memref<25600xi32, #tpu.memory_space<vmem>>[vector<16xi32>], vector<16xi32>,
        %add3A_1267 = arith.constant 16000 : i32
        %add3A_1268 = arith.addi %add3A_1267, %add3A_1242 : i32
        %add3A_1269 = vector.broadcast %add3A_1268 : i32 to vector<16xi32>
        %add3A_1270 = arith.addi %mul3A_7, %add3A_1269 : vector<16xi32>
        %gather3A_1271 = tpu.vector_load_idx %arg4[%add3A_1270] : memref<25600xi32, #tpu.memory_space<vmem>>[vector<16xi32>], vector<16xi32>,
        %add3A_1272 = arith.constant 19200 : i32
        %add3A_1273 = arith.addi %add3A_1272, %add3A_1242 : i32
        %add3A_1274 = vector.broadcast %add3A_1273 : i32 to vector<16xi32>
        %add3A_1275 = arith.addi %mul3A_7, %add3A_1274 : vector<16xi32>
        %gather3A_1276 = tpu.vector_load_idx %arg4[%add3A_1275] : memref<25600xi32, #tpu.memory_space<vmem>>[vector<16xi32>], vector<16xi32>,
        %add3A_1277 = arith.constant 22400 : i32
        %add3A_1278 = arith.addi %add3A_1277, %add3A_1242 : i32
        %add3A_1279 = vector.broadcast %add3A_1278 : i32 to vector<16xi32>
        %add3A_1280 = arith.addi %mul3A_7, %add3A_1279 : vector<16xi32>
        %gather3A_1281 = tpu.vector_load_idx %arg4[%add3A_1280] : memref<25600xi32, #tpu.memory_space<vmem>>[vector<16xi32>], vector<16xi32>,
        %eq3A = arith.constant 1 : i32
        %eq3A_1282 = vector.broadcast %eq3A : i32 to vector<16xi32>
        %eq3A_1283 = arith.cmpi eq, %gather3A, %eq3A_1282 : vector<16xi32>
        %jit3A = arith.constant 1.000000e+00 : f32
        %jit3A_1284 = arith.constant 0.000000e+00 : f32
        %broadcast_in_dim3A = vector.broadcast %jit3A : f32 to vector<16xf32>
        %broadcast_in_dim3A_1285 = vector.broadcast %jit3A_1284 : f32 to vector<16xf32>
        %select_n3A = arith.select %eq3A_1283, %broadcast_in_dim3A, %broadcast_in_dim3A_1285 : vector<16xi1>, vector<16xf32>
        %swap3A = arith.constant 0 : i32
        %swap3A_1286 = arith.index_cast %rem3A_853 : i32 to index
        %swap3A_1287 = arith.index_cast %swap3A : i32 to index
        %swap3A_1288 = arith.index_cast %scan3A_1239 : i32 to index
        %swap3A_1289 = arith.constant 0 : index
        %swap3A_1290 = tpu.vector_load %arg5[%swap3A_1286, %swap3A_1287, %swap3A_1288, %swap3A_1289] {strides = array<i32>} : memref<2x21x8x128xf32, #tpu.memory_space<vmem>>, vector<16xf32>,
        tpu.vector_store %arg5[%swap3A_1286, %swap3A_1287, %swap3A_1288, %swap3A_1289], %select_n3A {strides = array<i32>} : memref<2x21x8x128xf32, #tpu.memory_space<vmem>>, vector<16xf32>,
        %eq3A_1291 = arith.constant 1 : i32
        %eq3A_1292 = vector.broadcast %eq3A_1291 : i32 to vector<16xi32>
        %eq3A_1293 = arith.cmpi eq, %gather3A_1251, %eq3A_1292 : vector<16xi32>
        %jit3A_1294 = arith.constant 1.000000e+00 : f32
        %jit3A_1295 = arith.constant 0.000000e+00 : f32
        %broadcast_in_dim3A_1296 = vector.broadcast %jit3A_1294 : f32 to vector<16xf32>
        %broadcast_in_dim3A_1297 = vector.broadcast %jit3A_1295 : f32 to vector<16xf32>
        %select_n3A_1298 = arith.select %eq3A_1293, %broadcast_in_dim3A_1296, %broadcast_in_dim3A_1297 : vector<16xi1>, vector<16xf32>
        %swap3A_1299 = arith.constant 0 : i32
        %swap3A_1300 = arith.index_cast %rem3A_853 : i32 to index
        %swap3A_1301 = arith.index_cast %swap3A_1299 : i32 to index
        %swap3A_1302 = arith.index_cast %scan3A_1239 : i32 to index
        %swap3A_1303 = arith.constant 16 : index
        %swap3A_1304 = tpu.vector_load %arg5[%swap3A_1300, %swap3A_1301, %swap3A_1302, %swap3A_1303] {strides = array<i32>} : memref<2x21x8x128xf32, #tpu.memory_space<vmem>>, vector<16xf32>,
        tpu.vector_store %arg5[%swap3A_1300, %swap3A_1301, %swap3A_1302, %swap3A_1303], %select_n3A_1298 {strides = array<i32>} : memref<2x21x8x128xf32, #tpu.memory_space<vmem>>, vector<16xf32>,
        %eq3A_1305 = arith.constant 1 : i32
        %eq3A_1306 = vector.broadcast %eq3A_1305 : i32 to vector<16xi32>
        %eq3A_1307 = arith.cmpi eq, %gather3A_1256, %eq3A_1306 : vector<16xi32>
        %jit3A_1308 = arith.constant 1.000000e+00 : f32
        %jit3A_1309 = arith.constant 0.000000e+00 : f32
        %broadcast_in_dim3A_1310 = vector.broadcast %jit3A_1308 : f32 to vector<16xf32>
        %broadcast_in_dim3A_1311 = vector.broadcast %jit3A_1309 : f32 to vector<16xf32>
        %select_n3A_1312 = arith.select %eq3A_1307, %broadcast_in_dim3A_1310, %broadcast_in_dim3A_1311 : vector<16xi1>, vector<16xf32>
        %swap3A_1313 = arith.constant 0 : i32
        %swap3A_1314 = arith.index_cast %rem3A_853 : i32 to index
        %swap3A_1315 = arith.index_cast %swap3A_1313 : i32 to index
        %swap3A_1316 = arith.index_cast %scan3A_1239 : i32 to index
        %swap3A_1317 = arith.constant 32 : index
        %swap3A_1318 = tpu.vector_load %arg5[%swap3A_1314, %swap3A_1315, %swap3A_1316, %swap3A_1317] {strides = array<i32>} : memref<2x21x8x128xf32, #tpu.memory_space<vmem>>, vector<16xf32>,
        tpu.vector_store %arg5[%swap3A_1314, %swap3A_1315, %swap3A_1316, %swap3A_1317], %select_n3A_1312 {strides = array<i32>} : memref<2x21x8x128xf32, #tpu.memory_space<vmem>>, vector<16xf32>,
        %eq3A_1319 = arith.constant 1 : i32
        %eq3A_1320 = vector.broadcast %eq3A_1319 : i32 to vector<16xi32>
        %eq3A_1321 = arith.cmpi eq, %gather3A_1261, %eq3A_1320 : vector<16xi32>
        %jit3A_1322 = arith.constant 1.000000e+00 : f32
        %jit3A_1323 = arith.constant 0.000000e+00 : f32
        %broadcast_in_dim3A_1324 = vector.broadcast %jit3A_1322 : f32 to vector<16xf32>
        %broadcast_in_dim3A_1325 = vector.broadcast %jit3A_1323 : f32 to vector<16xf32>
        %select_n3A_1326 = arith.select %eq3A_1321, %broadcast_in_dim3A_1324, %broadcast_in_dim3A_1325 : vector<16xi1>, vector<16xf32>
        %swap3A_1327 = arith.constant 0 : i32
        %swap3A_1328 = arith.index_cast %rem3A_853 : i32 to index
        %swap3A_1329 = arith.index_cast %swap3A_1327 : i32 to index
        %swap3A_1330 = arith.index_cast %scan3A_1239 : i32 to index
        %swap3A_1331 = arith.constant 48 : index
        %swap3A_1332 = tpu.vector_load %arg5[%swap3A_1328, %swap3A_1329, %swap3A_1330, %swap3A_1331] {strides = array<i32>} : memref<2x21x8x128xf32, #tpu.memory_space<vmem>>, vector<16xf32>,
        tpu.vector_store %arg5[%swap3A_1328, %swap3A_1329, %swap3A_1330, %swap3A_1331], %select_n3A_1326 {strides = array<i32>} : memref<2x21x8x128xf32, #tpu.memory_space<vmem>>, vector<16xf32>,
        %eq3A_1333 = arith.constant 1 : i32
        %eq3A_1334 = vector.broadcast %eq3A_1333 : i32 to vector<16xi32>
        %eq3A_1335 = arith.cmpi eq, %gather3A_1266, %eq3A_1334 : vector<16xi32>
        %jit3A_1336 = arith.constant 1.000000e+00 : f32
        %jit3A_1337 = arith.constant 0.000000e+00 : f32
        %broadcast_in_dim3A_1338 = vector.broadcast %jit3A_1336 : f32 to vector<16xf32>
        %broadcast_in_dim3A_1339 = vector.broadcast %jit3A_1337 : f32 to vector<16xf32>
        %select_n3A_1340 = arith.select %eq3A_1335, %broadcast_in_dim3A_1338, %broadcast_in_dim3A_1339 : vector<16xi1>, vector<16xf32>
        %swap3A_1341 = arith.constant 0 : i32
        %swap3A_1342 = arith.index_cast %rem3A_853 : i32 to index
        %swap3A_1343 = arith.index_cast %swap3A_1341 : i32 to index
        %swap3A_1344 = arith.index_cast %scan3A_1239 : i32 to index
        %swap3A_1345 = arith.constant 64 : index
        %swap3A_1346 = tpu.vector_load %arg5[%swap3A_1342, %swap3A_1343, %swap3A_1344, %swap3A_1345] {strides = array<i32>} : memref<2x21x8x128xf32, #tpu.memory_space<vmem>>, vector<16xf32>,
        tpu.vector_store %arg5[%swap3A_1342, %swap3A_1343, %swap3A_1344, %swap3A_1345], %select_n3A_1340 {strides = array<i32>} : memref<2x21x8x128xf32, #tpu.memory_space<vmem>>, vector<16xf32>,
        %eq3A_1347 = arith.constant 1 : i32
        %eq3A_1348 = vector.broadcast %eq3A_1347 : i32 to vector<16xi32>
        %eq3A_1349 = arith.cmpi eq, %gather3A_1271, %eq3A_1348 : vector<16xi32>
        %jit3A_1350 = arith.constant 1.000000e+00 : f32
        %jit3A_1351 = arith.constant 0.000000e+00 : f32
        %broadcast_in_dim3A_1352 = vector.broadcast %jit3A_1350 : f32 to vector<16xf32>
        %broadcast_in_dim3A_1353 = vector.broadcast %jit3A_1351 : f32 to vector<16xf32>
        %select_n3A_1354 = arith.select %eq3A_1349, %broadcast_in_dim3A_1352, %broadcast_in_dim3A_1353 : vector<16xi1>, vector<16xf32>
        %swap3A_1355 = arith.constant 0 : i32
        %swap3A_1356 = arith.index_cast %rem3A_853 : i32 to index
        %swap3A_1357 = arith.index_cast %swap3A_1355 : i32 to index
        %swap3A_1358 = arith.index_cast %scan3A_1239 : i32 to index
        %swap3A_1359 = arith.constant 80 : index
        %swap3A_1360 = tpu.vector_load %arg5[%swap3A_1356, %swap3A_1357, %swap3A_1358, %swap3A_1359] {strides = array<i32>} : memref<2x21x8x128xf32, #tpu.memory_space<vmem>>, vector<16xf32>,
        tpu.vector_store %arg5[%swap3A_1356, %swap3A_1357, %swap3A_1358, %swap3A_1359], %select_n3A_1354 {strides = array<i32>} : memref<2x21x8x128xf32, #tpu.memory_space<vmem>>, vector<16xf32>,
        %eq3A_1361 = arith.constant 1 : i32
        %eq3A_1362 = vector.broadcast %eq3A_1361 : i32 to vector<16xi32>
        %eq3A_1363 = arith.cmpi eq, %gather3A_1276, %eq3A_1362 : vector<16xi32>
        %jit3A_1364 = arith.constant 1.000000e+00 : f32
        %jit3A_1365 = arith.constant 0.000000e+00 : f32
        %broadcast_in_dim3A_1366 = vector.broadcast %jit3A_1364 : f32 to vector<16xf32>
        %broadcast_in_dim3A_1367 = vector.broadcast %jit3A_1365 : f32 to vector<16xf32>
        %select_n3A_1368 = arith.select %eq3A_1363, %broadcast_in_dim3A_1366, %broadcast_in_dim3A_1367 : vector<16xi1>, vector<16xf32>
        %swap3A_1369 = arith.constant 0 : i32
        %swap3A_1370 = arith.index_cast %rem3A_853 : i32 to index
        %swap3A_1371 = arith.index_cast %swap3A_1369 : i32 to index
        %swap3A_1372 = arith.index_cast %scan3A_1239 : i32 to index
        %swap3A_1373 = arith.constant 96 : index
        %swap3A_1374 = tpu.vector_load %arg5[%swap3A_1370, %swap3A_1371, %swap3A_1372, %swap3A_1373] {strides = array<i32>} : memref<2x21x8x128xf32, #tpu.memory_space<vmem>>, vector<16xf32>,
        tpu.vector_store %arg5[%swap3A_1370, %swap3A_1371, %swap3A_1372, %swap3A_1373], %select_n3A_1368 {strides = array<i32>} : memref<2x21x8x128xf32, #tpu.memory_space<vmem>>, vector<16xf32>,
        %eq3A_1375 = arith.constant 1 : i32
        %eq3A_1376 = vector.broadcast %eq3A_1375 : i32 to vector<16xi32>
        %eq3A_1377 = arith.cmpi eq, %gather3A_1281, %eq3A_1376 : vector<16xi32>
        %jit3A_1378 = arith.constant 1.000000e+00 : f32
        %jit3A_1379 = arith.constant 0.000000e+00 : f32
        %broadcast_in_dim3A_1380 = vector.broadcast %jit3A_1378 : f32 to vector<16xf32>
        %broadcast_in_dim3A_1381 = vector.broadcast %jit3A_1379 : f32 to vector<16xf32>
        %select_n3A_1382 = arith.select %eq3A_1377, %broadcast_in_dim3A_1380, %broadcast_in_dim3A_1381 : vector<16xi1>, vector<16xf32>
        %swap3A_1383 = arith.constant 0 : i32
        %swap3A_1384 = arith.index_cast %rem3A_853 : i32 to index
        %swap3A_1385 = arith.index_cast %swap3A_1383 : i32 to index
        %swap3A_1386 = arith.index_cast %scan3A_1239 : i32 to index
        %swap3A_1387 = arith.constant 112 : index
        %swap3A_1388 = tpu.vector_load %arg5[%swap3A_1384, %swap3A_1385, %swap3A_1386, %swap3A_1387] {strides = array<i32>} : memref<2x21x8x128xf32, #tpu.memory_space<vmem>>, vector<16xf32>,
        tpu.vector_store %arg5[%swap3A_1384, %swap3A_1385, %swap3A_1386, %swap3A_1387], %select_n3A_1382 {strides = array<i32>} : memref<2x21x8x128xf32, #tpu.memory_space<vmem>>, vector<16xf32>,
        %eq3A_1389 = arith.constant 2 : i32
        %eq3A_1390 = vector.broadcast %eq3A_1389 : i32 to vector<16xi32>
        %eq3A_1391 = arith.cmpi eq, %gather3A, %eq3A_1390 : vector<16xi32>
        %jit3A_1392 = arith.constant 1.000000e+00 : f32
        %jit3A_1393 = arith.constant 0.000000e+00 : f32
        %broadcast_in_dim3A_1394 = vector.broadcast %jit3A_1392 : f32 to vector<16xf32>
        %broadcast_in_dim3A_1395 = vector.broadcast %jit3A_1393 : f32 to vector<16xf32>
        %select_n3A_1396 = arith.select %eq3A_1391, %broadcast_in_dim3A_1394, %broadcast_in_dim3A_1395 : vector<16xi1>, vector<16xf32>
        %swap3A_1397 = arith.constant 1 : i32
        %swap3A_1398 = arith.index_cast %rem3A_853 : i32 to index
        %swap3A_1399 = arith.index_cast %swap3A_1397 : i32 to index
        %swap3A_1400 = arith.index_cast %scan3A_1239 : i32 to index
        %swap3A_1401 = arith.constant 0 : index
        %swap3A_1402 = tpu.vector_load %arg5[%swap3A_1398, %swap3A_1399, %swap3A_1400, %swap3A_1401] {strides = array<i32>} : memref<2x21x8x128xf32, #tpu.memory_space<vmem>>, vector<16xf32>,
        tpu.vector_store %arg5[%swap3A_1398, %swap3A_1399, %swap3A_1400, %swap3A_1401], %select_n3A_1396 {strides = array<i32>} : memref<2x21x8x128xf32, #tpu.memory_space<vmem>>, vector<16xf32>,
        %eq3A_1403 = arith.constant 2 : i32
        %eq3A_1404 = vector.broadcast %eq3A_1403 : i32 to vector<16xi32>
        %eq3A_1405 = arith.cmpi eq, %gather3A_1251, %eq3A_1404 : vector<16xi32>
        %jit3A_1406 = arith.constant 1.000000e+00 : f32
        %jit3A_1407 = arith.constant 0.000000e+00 : f32
        %broadcast_in_dim3A_1408 = vector.broadcast %jit3A_1406 : f32 to vector<16xf32>
        %broadcast_in_dim3A_1409 = vector.broadcast %jit3A_1407 : f32 to vector<16xf32>
        %select_n3A_1410 = arith.select %eq3A_1405, %broadcast_in_dim3A_1408, %broadcast_in_dim3A_1409 : vector<16xi1>, vector<16xf32>
        %swap3A_1411 = arith.constant 1 : i32
        %swap3A_1412 = arith.index_cast %rem3A_853 : i32 to index
        %swap3A_1413 = arith.index_cast %swap3A_1411 : i32 to index
        %swap3A_1414 = arith.index_cast %scan3A_1239 : i32 to index
        %swap3A_1415 = arith.constant 16 : index
        %swap3A_1416 = tpu.vector_load %arg5[%swap3A_1412, %swap3A_1413, %swap3A_1414, %swap3A_1415] {strides = array<i32>} : memref<2x21x8x128xf32, #tpu.memory_space<vmem>>, vector<16xf32>,
        tpu.vector_store %arg5[%swap3A_1412, %swap3A_1413, %swap3A_1414, %swap3A_1415], %select_n3A_1410 {strides = array<i32>} : memref<2x21x8x128xf32, #tpu.memory_space<vmem>>, vector<16xf32>,
        %eq3A_1417 = arith.constant 2 : i32
        %eq3A_1418 = vector.broadcast %eq3A_1417 : i32 to vector<16xi32>
        %eq3A_1419 = arith.cmpi eq, %gather3A_1256, %eq3A_1418 : vector<16xi32>
        %jit3A_1420 = arith.constant 1.000000e+00 : f32
        %jit3A_1421 = arith.constant 0.000000e+00 : f32
        %broadcast_in_dim3A_1422 = vector.broadcast %jit3A_1420 : f32 to vector<16xf32>
        %broadcast_in_dim3A_1423 = vector.broadcast %jit3A_1421 : f32 to vector<16xf32>
        %select_n3A_1424 = arith.select %eq3A_1419, %broadcast_in_dim3A_1422, %broadcast_in_dim3A_1423 : vector<16xi1>, vector<16xf32>
        %swap3A_1425 = arith.constant 1 : i32
        %swap3A_1426 = arith.index_cast %rem3A_853 : i32 to index
        %swap3A_1427 = arith.index_cast %swap3A_1425 : i32 to index
        %swap3A_1428 = arith.index_cast %scan3A_1239 : i32 to index
        %swap3A_1429 = arith.constant 32 : index
        %swap3A_1430 = tpu.vector_load %arg5[%swap3A_1426, %swap3A_1427, %swap3A_1428, %swap3A_1429] {strides = array<i32>} : memref<2x21x8x128xf32, #tpu.memory_space<vmem>>, vector<16xf32>,
        tpu.vector_store %arg5[%swap3A_1426, %swap3A_1427, %swap3A_1428, %swap3A_1429], %select_n3A_1424 {strides = array<i32>} : memref<2x21x8x128xf32, #tpu.memory_space<vmem>>, vector<16xf32>,
        %eq3A_1431 = arith.constant 2 : i32
        %eq3A_1432 = vector.broadcast %eq3A_1431 : i32 to vector<16xi32>
        %eq3A_1433 = arith.cmpi eq, %gather3A_1261, %eq3A_1432 : vector<16xi32>
        %jit3A_1434 = arith.constant 1.000000e+00 : f32
        %jit3A_1435 = arith.constant 0.000000e+00 : f32
        %broadcast_in_dim3A_1436 = vector.broadcast %jit3A_1434 : f32 to vector<16xf32>
        %broadcast_in_dim3A_1437 = vector.broadcast %jit3A_1435 : f32 to vector<16xf32>
        %select_n3A_1438 = arith.select %eq3A_1433, %broadcast_in_dim3A_1436, %broadcast_in_dim3A_1437 : vector<16xi1>, vector<16xf32>
        %swap3A_1439 = arith.constant 1 : i32
        %swap3A_1440 = arith.index_cast %rem3A_853 : i32 to index
        %swap3A_1441 = arith.index_cast %swap3A_1439 : i32 to index
        %swap3A_1442 = arith.index_cast %scan3A_1239 : i32 to index
        %swap3A_1443 = arith.constant 48 : index
        %swap3A_1444 = tpu.vector_load %arg5[%swap3A_1440, %swap3A_1441, %swap3A_1442, %swap3A_1443] {strides = array<i32>} : memref<2x21x8x128xf32, #tpu.memory_space<vmem>>, vector<16xf32>,
        tpu.vector_store %arg5[%swap3A_1440, %swap3A_1441, %swap3A_1442, %swap3A_1443], %select_n3A_1438 {strides = array<i32>} : memref<2x21x8x128xf32, #tpu.memory_space<vmem>>, vector<16xf32>,
        %eq3A_1445 = arith.constant 2 : i32
        %eq3A_1446 = vector.broadcast %eq3A_1445 : i32 to vector<16xi32>
        %eq3A_1447 = arith.cmpi eq, %gather3A_1266, %eq3A_1446 : vector<16xi32>
        %jit3A_1448 = arith.constant 1.000000e+00 : f32
        %jit3A_1449 = arith.constant 0.000000e+00 : f32
        %broadcast_in_dim3A_1450 = vector.broadcast %jit3A_1448 : f32 to vector<16xf32>
        %broadcast_in_dim3A_1451 = vector.broadcast %jit3A_1449 : f32 to vector<16xf32>
        %select_n3A_1452 = arith.select %eq3A_1447, %broadcast_in_dim3A_1450, %broadcast_in_dim3A_1451 : vector<16xi1>, vector<16xf32>
        %swap3A_1453 = arith.constant 1 : i32
        %swap3A_1454 = arith.index_cast %rem3A_853 : i32 to index
        %swap3A_1455 = arith.index_cast %swap3A_1453 : i32 to index
        %swap3A_1456 = arith.index_cast %scan3A_1239 : i32 to index
        %swap3A_1457 = arith.constant 64 : index
        %swap3A_1458 = tpu.vector_load %arg5[%swap3A_1454, %swap3A_1455, %swap3A_1456, %swap3A_1457] {strides = array<i32>} : memref<2x21x8x128xf32, #tpu.memory_space<vmem>>, vector<16xf32>,
        tpu.vector_store %arg5[%swap3A_1454, %swap3A_1455, %swap3A_1456, %swap3A_1457], %select_n3A_1452 {strides = array<i32>} : memref<2x21x8x128xf32, #tpu.memory_space<vmem>>, vector<16xf32>,
        %eq3A_1459 = arith.constant 2 : i32
        %eq3A_1460 = vector.broadcast %eq3A_1459 : i32 to vector<16xi32>
        %eq3A_1461 = arith.cmpi eq, %gather3A_1271, %eq3A_1460 : vector<16xi32>
        %jit3A_1462 = arith.constant 1.000000e+00 : f32
        %jit3A_1463 = arith.constant 0.000000e+00 : f32
        %broadcast_in_dim3A_1464 = vector.broadcast %jit3A_1462 : f32 to vector<16xf32>
        %broadcast_in_dim3A_1465 = vector.broadcast %jit3A_1463 : f32 to vector<16xf32>
        %select_n3A_1466 = arith.select %eq3A_1461, %broadcast_in_dim3A_1464, %broadcast_in_dim3A_1465 : vector<16xi1>, vector<16xf32>
        %swap3A_1467 = arith.constant 1 : i32
        %swap3A_1468 = arith.index_cast %rem3A_853 : i32 to index
        %swap3A_1469 = arith.index_cast %swap3A_1467 : i32 to index
        %swap3A_1470 = arith.index_cast %scan3A_1239 : i32 to index
        %swap3A_1471 = arith.constant 80 : index
        %swap3A_1472 = tpu.vector_load %arg5[%swap3A_1468, %swap3A_1469, %swap3A_1470, %swap3A_1471] {strides = array<i32>} : memref<2x21x8x128xf32, #tpu.memory_space<vmem>>, vector<16xf32>,
        tpu.vector_store %arg5[%swap3A_1468, %swap3A_1469, %swap3A_1470, %swap3A_1471], %select_n3A_1466 {strides = array<i32>} : memref<2x21x8x128xf32, #tpu.memory_space<vmem>>, vector<16xf32>,
        %eq3A_1473 = arith.constant 2 : i32
        %eq3A_1474 = vector.broadcast %eq3A_1473 : i32 to vector<16xi32>
        %eq3A_1475 = arith.cmpi eq, %gather3A_1276, %eq3A_1474 : vector<16xi32>
        %jit3A_1476 = arith.constant 1.000000e+00 : f32
        %jit3A_1477 = arith.constant 0.000000e+00 : f32
        %broadcast_in_dim3A_1478 = vector.broadcast %jit3A_1476 : f32 to vector<16xf32>
        %broadcast_in_dim3A_1479 = vector.broadcast %jit3A_1477 : f32 to vector<16xf32>
        %select_n3A_1480 = arith.select %eq3A_1475, %broadcast_in_dim3A_1478, %broadcast_in_dim3A_1479 : vector<16xi1>, vector<16xf32>
        %swap3A_1481 = arith.constant 1 : i32
        %swap3A_1482 = arith.index_cast %rem3A_853 : i32 to index
        %swap3A_1483 = arith.index_cast %swap3A_1481 : i32 to index
        %swap3A_1484 = arith.index_cast %scan3A_1239 : i32 to index
        %swap3A_1485 = arith.constant 96 : index
        %swap3A_1486 = tpu.vector_load %arg5[%swap3A_1482, %swap3A_1483, %swap3A_1484, %swap3A_1485] {strides = array<i32>} : memref<2x21x8x128xf32, #tpu.memory_space<vmem>>, vector<16xf32>,
        tpu.vector_store %arg5[%swap3A_1482, %swap3A_1483, %swap3A_1484, %swap3A_1485], %select_n3A_1480 {strides = array<i32>} : memref<2x21x8x128xf32, #tpu.memory_space<vmem>>, vector<16xf32>,
        %eq3A_1487 = arith.constant 2 : i32
        %eq3A_1488 = vector.broadcast %eq3A_1487 : i32 to vector<16xi32>
        %eq3A_1489 = arith.cmpi eq, %gather3A_1281, %eq3A_1488 : vector<16xi32>
        %jit3A_1490 = arith.constant 1.000000e+00 : f32
        %jit3A_1491 = arith.constant 0.000000e+00 : f32
        %broadcast_in_dim3A_1492 = vector.broadcast %jit3A_1490 : f32 to vector<16xf32>
        %broadcast_in_dim3A_1493 = vector.broadcast %jit3A_1491 : f32 to vector<16xf32>
        %select_n3A_1494 = arith.select %eq3A_1489, %broadcast_in_dim3A_1492, %broadcast_in_dim3A_1493 : vector<16xi1>, vector<16xf32>
        %swap3A_1495 = arith.constant 1 : i32
        %swap3A_1496 = arith.index_cast %rem3A_853 : i32 to index
        %swap3A_1497 = arith.index_cast %swap3A_1495 : i32 to index
        %swap3A_1498 = arith.index_cast %scan3A_1239 : i32 to index
        %swap3A_1499 = arith.constant 112 : index
        %swap3A_1500 = tpu.vector_load %arg5[%swap3A_1496, %swap3A_1497, %swap3A_1498, %swap3A_1499] {strides = array<i32>} : memref<2x21x8x128xf32, #tpu.memory_space<vmem>>, vector<16xf32>,
        tpu.vector_store %arg5[%swap3A_1496, %swap3A_1497, %swap3A_1498, %swap3A_1499], %select_n3A_1494 {strides = array<i32>} : memref<2x21x8x128xf32, #tpu.memory_space<vmem>>, vector<16xf32>,
        %eq3A_1501 = arith.constant 3 : i32
        %eq3A_1502 = vector.broadcast %eq3A_1501 : i32 to vector<16xi32>
        %eq3A_1503 = arith.cmpi eq, %gather3A, %eq3A_1502 : vector<16xi32>
        %eq3A_1504 = arith.constant 22 : i32
        %eq3A_1505 = vector.broadcast %eq3A_1504 : i32 to vector<16xi32>
        %eq3A_1506 = arith.cmpi eq, %gather3A, %eq3A_1505 : vector<16xi32>
        %jit3A_1507 = arith.constant 5.000000e-01 : f32
        %jit3A_1508 = arith.constant 0.000000e+00 : f32
        %broadcast_in_dim3A_1509 = vector.broadcast %jit3A_1507 : f32 to vector<16xf32>
        %broadcast_in_dim3A_1510 = vector.broadcast %jit3A_1508 : f32 to vector<16xf32>
        %select_n3A_1511 = arith.select %eq3A_1506, %broadcast_in_dim3A_1509, %broadcast_in_dim3A_1510 : vector<16xi1>, vector<16xf32>
        %jit3A_1512 = arith.constant 1.000000e+00 : f32
        %broadcast_in_dim3A_1513 = vector.broadcast %jit3A_1512 : f32 to vector<16xf32>
        %select_n3A_1514 = arith.select %eq3A_1503, %broadcast_in_dim3A_1513, %select_n3A_1511 : vector<16xi1>, vector<16xf32>
        %swap3A_1515 = arith.constant 2 : i32
        %swap3A_1516 = arith.index_cast %rem3A_853 : i32 to index
        %swap3A_1517 = arith.index_cast %swap3A_1515 : i32 to index
        %swap3A_1518 = arith.index_cast %scan3A_1239 : i32 to index
        %swap3A_1519 = arith.constant 0 : index
        %swap3A_1520 = tpu.vector_load %arg5[%swap3A_1516, %swap3A_1517, %swap3A_1518, %swap3A_1519] {strides = array<i32>} : memref<2x21x8x128xf32, #tpu.memory_space<vmem>>, vector<16xf32>,
        tpu.vector_store %arg5[%swap3A_1516, %swap3A_1517, %swap3A_1518, %swap3A_1519], %select_n3A_1514 {strides = array<i32>} : memref<2x21x8x128xf32, #tpu.memory_space<vmem>>, vector<16xf32>,
        %eq3A_1521 = arith.constant 3 : i32
        %eq3A_1522 = vector.broadcast %eq3A_1521 : i32 to vector<16xi32>
        %eq3A_1523 = arith.cmpi eq, %gather3A_1251, %eq3A_1522 : vector<16xi32>
        %eq3A_1524 = arith.constant 22 : i32
        %eq3A_1525 = vector.broadcast %eq3A_1524 : i32 to vector<16xi32>
        %eq3A_1526 = arith.cmpi eq, %gather3A_1251, %eq3A_1525 : vector<16xi32>
        %jit3A_1527 = arith.constant 5.000000e-01 : f32
        %jit3A_1528 = arith.constant 0.000000e+00 : f32
        %broadcast_in_dim3A_1529 = vector.broadcast %jit3A_1527 : f32 to vector<16xf32>
        %broadcast_in_dim3A_1530 = vector.broadcast %jit3A_1528 : f32 to vector<16xf32>
        %select_n3A_1531 = arith.select %eq3A_1526, %broadcast_in_dim3A_1529, %broadcast_in_dim3A_1530 : vector<16xi1>, vector<16xf32>
        %jit3A_1532 = arith.constant 1.000000e+00 : f32
        %broadcast_in_dim3A_1533 = vector.broadcast %jit3A_1532 : f32 to vector<16xf32>
        %select_n3A_1534 = arith.select %eq3A_1523, %broadcast_in_dim3A_1533, %select_n3A_1531 : vector<16xi1>, vector<16xf32>
        %swap3A_1535 = arith.constant 2 : i32
        %swap3A_1536 = arith.index_cast %rem3A_853 : i32 to index
        %swap3A_1537 = arith.index_cast %swap3A_1535 : i32 to index
        %swap3A_1538 = arith.index_cast %scan3A_1239 : i32 to index
        %swap3A_1539 = arith.constant 16 : index
        %swap3A_1540 = tpu.vector_load %arg5[%swap3A_1536, %swap3A_1537, %swap3A_1538, %swap3A_1539] {strides = array<i32>} : memref<2x21x8x128xf32, #tpu.memory_space<vmem>>, vector<16xf32>,
        tpu.vector_store %arg5[%swap3A_1536, %swap3A_1537, %swap3A_1538, %swap3A_1539], %select_n3A_1534 {strides = array<i32>} : memref<2x21x8x128xf32, #tpu.memory_space<vmem>>, vector<16xf32>,
        %eq3A_1541 = arith.constant 3 : i32
        %eq3A_1542 = vector.broadcast %eq3A_1541 : i32 to vector<16xi32>
        %eq3A_1543 = arith.cmpi eq, %gather3A_1256, %eq3A_1542 : vector<16xi32>
        %eq3A_1544 = arith.constant 22 : i32
        %eq3A_1545 = vector.broadcast %eq3A_1544 : i32 to vector<16xi32>
        %eq3A_1546 = arith.cmpi eq, %gather3A_1256, %eq3A_1545 : vector<16xi32>
        %jit3A_1547 = arith.constant 5.000000e-01 : f32
        %jit3A_1548 = arith.constant 0.000000e+00 : f32
        %broadcast_in_dim3A_1549 = vector.broadcast %jit3A_1547 : f32 to vector<16xf32>
        %broadcast_in_dim3A_1550 = vector.broadcast %jit3A_1548 : f32 to vector<16xf32>
        %select_n3A_1551 = arith.select %eq3A_1546, %broadcast_in_dim3A_1549, %broadcast_in_dim3A_1550 : vector<16xi1>, vector<16xf32>
        %jit3A_1552 = arith.constant 1.000000e+00 : f32
        %broadcast_in_dim3A_1553 = vector.broadcast %jit3A_1552 : f32 to vector<16xf32>
        %select_n3A_1554 = arith.select %eq3A_1543, %broadcast_in_dim3A_1553, %select_n3A_1551 : vector<16xi1>, vector<16xf32>
        %swap3A_1555 = arith.constant 2 : i32
        %swap3A_1556 = arith.index_cast %rem3A_853 : i32 to index
        %swap3A_1557 = arith.index_cast %swap3A_1555 : i32 to index
        %swap3A_1558 = arith.index_cast %scan3A_1239 : i32 to index
        %swap3A_1559 = arith.constant 32 : index
        %swap3A_1560 = tpu.vector_load %arg5[%swap3A_1556, %swap3A_1557, %swap3A_1558, %swap3A_1559] {strides = array<i32>} : memref<2x21x8x128xf32, #tpu.memory_space<vmem>>, vector<16xf32>,
        tpu.vector_store %arg5[%swap3A_1556, %swap3A_1557, %swap3A_1558, %swap3A_1559], %select_n3A_1554 {strides = array<i32>} : memref<2x21x8x128xf32, #tpu.memory_space<vmem>>, vector<16xf32>,
        %eq3A_1561 = arith.constant 3 : i32
        %eq3A_1562 = vector.broadcast %eq3A_1561 : i32 to vector<16xi32>
        %eq3A_1563 = arith.cmpi eq, %gather3A_1261, %eq3A_1562 : vector<16xi32>
        %eq3A_1564 = arith.constant 22 : i32
        %eq3A_1565 = vector.broadcast %eq3A_1564 : i32 to vector<16xi32>
        %eq3A_1566 = arith.cmpi eq, %gather3A_1261, %eq3A_1565 : vector<16xi32>
        %jit3A_1567 = arith.constant 5.000000e-01 : f32
        %jit3A_1568 = arith.constant 0.000000e+00 : f32
        %broadcast_in_dim3A_1569 = vector.broadcast %jit3A_1567 : f32 to vector<16xf32>
        %broadcast_in_dim3A_1570 = vector.broadcast %jit3A_1568 : f32 to vector<16xf32>
        %select_n3A_1571 = arith.select %eq3A_1566, %broadcast_in_dim3A_1569, %broadcast_in_dim3A_1570 : vector<16xi1>, vector<16xf32>
        %jit3A_1572 = arith.constant 1.000000e+00 : f32
        %broadcast_in_dim3A_1573 = vector.broadcast %jit3A_1572 : f32 to vector<16xf32>
        %select_n3A_1574 = arith.select %eq3A_1563, %broadcast_in_dim3A_1573, %select_n3A_1571 : vector<16xi1>, vector<16xf32>
        %swap3A_1575 = arith.constant 2 : i32
        %swap3A_1576 = arith.index_cast %rem3A_853 : i32 to index
        %swap3A_1577 = arith.index_cast %swap3A_1575 : i32 to index
        %swap3A_1578 = arith.index_cast %scan3A_1239 : i32 to index
        %swap3A_1579 = arith.constant 48 : index
        %swap3A_1580 = tpu.vector_load %arg5[%swap3A_1576, %swap3A_1577, %swap3A_1578, %swap3A_1579] {strides = array<i32>} : memref<2x21x8x128xf32, #tpu.memory_space<vmem>>, vector<16xf32>,
        tpu.vector_store %arg5[%swap3A_1576, %swap3A_1577, %swap3A_1578, %swap3A_1579], %select_n3A_1574 {strides = array<i32>} : memref<2x21x8x128xf32, #tpu.memory_space<vmem>>, vector<16xf32>,
        %eq3A_1581 = arith.constant 3 : i32
        %eq3A_1582 = vector.broadcast %eq3A_1581 : i32 to vector<16xi32>
        %eq3A_1583 = arith.cmpi eq, %gather3A_1266, %eq3A_1582 : vector<16xi32>
        %eq3A_1584 = arith.constant 22 : i32
        %eq3A_1585 = vector.broadcast %eq3A_1584 : i32 to vector<16xi32>
        %eq3A_1586 = arith.cmpi eq, %gather3A_1266, %eq3A_1585 : vector<16xi32>
        %jit3A_1587 = arith.constant 5.000000e-01 : f32
        %jit3A_1588 = arith.constant 0.000000e+00 : f32
        %broadcast_in_dim3A_1589 = vector.broadcast %jit3A_1587 : f32 to vector<16xf32>
        %broadcast_in_dim3A_1590 = vector.broadcast %jit3A_1588 : f32 to vector<16xf32>
        %select_n3A_1591 = arith.select %eq3A_1586, %broadcast_in_dim3A_1589, %broadcast_in_dim3A_1590 : vector<16xi1>, vector<16xf32>
        %jit3A_1592 = arith.constant 1.000000e+00 : f32
        %broadcast_in_dim3A_1593 = vector.broadcast %jit3A_1592 : f32 to vector<16xf32>
        %select_n3A_1594 = arith.select %eq3A_1583, %broadcast_in_dim3A_1593, %select_n3A_1591 : vector<16xi1>, vector<16xf32>
        %swap3A_1595 = arith.constant 2 : i32
        %swap3A_1596 = arith.index_cast %rem3A_853 : i32 to index
        %swap3A_1597 = arith.index_cast %swap3A_1595 : i32 to index
        %swap3A_1598 = arith.index_cast %scan3A_1239 : i32 to index
        %swap3A_1599 = arith.constant 64 : index
        %swap3A_1600 = tpu.vector_load %arg5[%swap3A_1596, %swap3A_1597, %swap3A_1598, %swap3A_1599] {strides = array<i32>} : memref<2x21x8x128xf32, #tpu.memory_space<vmem>>, vector<16xf32>,
        tpu.vector_store %arg5[%swap3A_1596, %swap3A_1597, %swap3A_1598, %swap3A_1599], %select_n3A_1594 {strides = array<i32>} : memref<2x21x8x128xf32, #tpu.memory_space<vmem>>, vector<16xf32>,
        %eq3A_1601 = arith.constant 3 : i32
        %eq3A_1602 = vector.broadcast %eq3A_1601 : i32 to vector<16xi32>
        %eq3A_1603 = arith.cmpi eq, %gather3A_1271, %eq3A_1602 : vector<16xi32>
        %eq3A_1604 = arith.constant 22 : i32
        %eq3A_1605 = vector.broadcast %eq3A_1604 : i32 to vector<16xi32>
        %eq3A_1606 = arith.cmpi eq, %gather3A_1271, %eq3A_1605 : vector<16xi32>
        %jit3A_1607 = arith.constant 5.000000e-01 : f32
        %jit3A_1608 = arith.constant 0.000000e+00 : f32
        %broadcast_in_dim3A_1609 = vector.broadcast %jit3A_1607 : f32 to vector<16xf32>
        %broadcast_in_dim3A_1610 = vector.broadcast %jit3A_1608 : f32 to vector<16xf32>
        %select_n3A_1611 = arith.select %eq3A_1606, %broadcast_in_dim3A_1609, %broadcast_in_dim3A_1610 : vector<16xi1>, vector<16xf32>
        %jit3A_1612 = arith.constant 1.000000e+00 : f32
        %broadcast_in_dim3A_1613 = vector.broadcast %jit3A_1612 : f32 to vector<16xf32>
        %select_n3A_1614 = arith.select %eq3A_1603, %broadcast_in_dim3A_1613, %select_n3A_1611 : vector<16xi1>, vector<16xf32>
        %swap3A_1615 = arith.constant 2 : i32
        %swap3A_1616 = arith.index_cast %rem3A_853 : i32 to index
        %swap3A_1617 = arith.index_cast %swap3A_1615 : i32 to index
        %swap3A_1618 = arith.index_cast %scan3A_1239 : i32 to index
        %swap3A_1619 = arith.constant 80 : index
        %swap3A_1620 = tpu.vector_load %arg5[%swap3A_1616, %swap3A_1617, %swap3A_1618, %swap3A_1619] {strides = array<i32>} : memref<2x21x8x128xf32, #tpu.memory_space<vmem>>, vector<16xf32>,
        tpu.vector_store %arg5[%swap3A_1616, %swap3A_1617, %swap3A_1618, %swap3A_1619], %select_n3A_1614 {strides = array<i32>} : memref<2x21x8x128xf32, #tpu.memory_space<vmem>>, vector<16xf32>,
        %eq3A_1621 = arith.constant 3 : i32
        %eq3A_1622 = vector.broadcast %eq3A_1621 : i32 to vector<16xi32>
        %eq3A_1623 = arith.cmpi eq, %gather3A_1276, %eq3A_1622 : vector<16xi32>
        %eq3A_1624 = arith.constant 22 : i32
        %eq3A_1625 = vector.broadcast %eq3A_1624 : i32 to vector<16xi32>
        %eq3A_1626 = arith.cmpi eq, %gather3A_1276, %eq3A_1625 : vector<16xi32>
        %jit3A_1627 = arith.constant 5.000000e-01 : f32
        %jit3A_1628 = arith.constant 0.000000e+00 : f32
        %broadcast_in_dim3A_1629 = vector.broadcast %jit3A_1627 : f32 to vector<16xf32>
        %broadcast_in_dim3A_1630 = vector.broadcast %jit3A_1628 : f32 to vector<16xf32>
        %select_n3A_1631 = arith.select %eq3A_1626, %broadcast_in_dim3A_1629, %broadcast_in_dim3A_1630 : vector<16xi1>, vector<16xf32>
        %jit3A_1632 = arith.constant 1.000000e+00 : f32
        %broadcast_in_dim3A_1633 = vector.broadcast %jit3A_1632 : f32 to vector<16xf32>
        %select_n3A_1634 = arith.select %eq3A_1623, %broadcast_in_dim3A_1633, %select_n3A_1631 : vector<16xi1>, vector<16xf32>
        %swap3A_1635 = arith.constant 2 : i32
        %swap3A_1636 = arith.index_cast %rem3A_853 : i32 to index
        %swap3A_1637 = arith.index_cast %swap3A_1635 : i32 to index
        %swap3A_1638 = arith.index_cast %scan3A_1239 : i32 to index
        %swap3A_1639 = arith.constant 96 : index
        %swap3A_1640 = tpu.vector_load %arg5[%swap3A_1636, %swap3A_1637, %swap3A_1638, %swap3A_1639] {strides = array<i32>} : memref<2x21x8x128xf32, #tpu.memory_space<vmem>>, vector<16xf32>,
        tpu.vector_store %arg5[%swap3A_1636, %swap3A_1637, %swap3A_1638, %swap3A_1639], %select_n3A_1634 {strides = array<i32>} : memref<2x21x8x128xf32, #tpu.memory_space<vmem>>, vector<16xf32>,
        %eq3A_1641 = arith.constant 3 : i32
        %eq3A_1642 = vector.broadcast %eq3A_1641 : i32 to vector<16xi32>
        %eq3A_1643 = arith.cmpi eq, %gather3A_1281, %eq3A_1642 : vector<16xi32>
        %eq3A_1644 = arith.constant 22 : i32
        %eq3A_1645 = vector.broadcast %eq3A_1644 : i32 to vector<16xi32>
        %eq3A_1646 = arith.cmpi eq, %gather3A_1281, %eq3A_1645 : vector<16xi32>
        %jit3A_1647 = arith.constant 5.000000e-01 : f32
        %jit3A_1648 = arith.constant 0.000000e+00 : f32
        %broadcast_in_dim3A_1649 = vector.broadcast %jit3A_1647 : f32 to vector<16xf32>
        %broadcast_in_dim3A_1650 = vector.broadcast %jit3A_1648 : f32 to vector<16xf32>
        %select_n3A_1651 = arith.select %eq3A_1646, %broadcast_in_dim3A_1649, %broadcast_in_dim3A_1650 : vector<16xi1>, vector<16xf32>
        %jit3A_1652 = arith.constant 1.000000e+00 : f32
        %broadcast_in_dim3A_1653 = vector.broadcast %jit3A_1652 : f32 to vector<16xf32>
        %select_n3A_1654 = arith.select %eq3A_1643, %broadcast_in_dim3A_1653, %select_n3A_1651 : vector<16xi1>, vector<16xf32>
        %swap3A_1655 = arith.constant 2 : i32
        %swap3A_1656 = arith.index_cast %rem3A_853 : i32 to index
        %swap3A_1657 = arith.index_cast %swap3A_1655 : i32 to index
        %swap3A_1658 = arith.index_cast %scan3A_1239 : i32 to index
        %swap3A_1659 = arith.constant 112 : index
        %swap3A_1660 = tpu.vector_load %arg5[%swap3A_1656, %swap3A_1657, %swap3A_1658, %swap3A_1659] {strides = array<i32>} : memref<2x21x8x128xf32, #tpu.memory_space<vmem>>, vector<16xf32>,
        tpu.vector_store %arg5[%swap3A_1656, %swap3A_1657, %swap3A_1658, %swap3A_1659], %select_n3A_1654 {strides = array<i32>} : memref<2x21x8x128xf32, #tpu.memory_space<vmem>>, vector<16xf32>,
        %eq3A_1661 = arith.constant 4 : i32
        %eq3A_1662 = vector.broadcast %eq3A_1661 : i32 to vector<16xi32>
        %eq3A_1663 = arith.cmpi eq, %gather3A, %eq3A_1662 : vector<16xi32>
        %eq3A_1664 = arith.constant 23 : i32
        %eq3A_1665 = vector.broadcast %eq3A_1664 : i32 to vector<16xi32>
        %eq3A_1666 = arith.cmpi eq, %gather3A, %eq3A_1665 : vector<16xi32>
        %jit3A_1667 = arith.constant 5.000000e-01 : f32
        %jit3A_1668 = arith.constant 0.000000e+00 : f32
        %broadcast_in_dim3A_1669 = vector.broadcast %jit3A_1667 : f32 to vector<16xf32>
        %broadcast_in_dim3A_1670 = vector.broadcast %jit3A_1668 : f32 to vector<16xf32>
        %select_n3A_1671 = arith.select %eq3A_1666, %broadcast_in_dim3A_1669, %broadcast_in_dim3A_1670 : vector<16xi1>, vector<16xf32>
        %jit3A_1672 = arith.constant 1.000000e+00 : f32
        %broadcast_in_dim3A_1673 = vector.broadcast %jit3A_1672 : f32 to vector<16xf32>
        %select_n3A_1674 = arith.select %eq3A_1663, %broadcast_in_dim3A_1673, %select_n3A_1671 : vector<16xi1>, vector<16xf32>
        %swap3A_1675 = arith.constant 3 : i32
        %swap3A_1676 = arith.index_cast %rem3A_853 : i32 to index
        %swap3A_1677 = arith.index_cast %swap3A_1675 : i32 to index
        %swap3A_1678 = arith.index_cast %scan3A_1239 : i32 to index
        %swap3A_1679 = arith.constant 0 : index
        %swap3A_1680 = tpu.vector_load %arg5[%swap3A_1676, %swap3A_1677, %swap3A_1678, %swap3A_1679] {strides = array<i32>} : memref<2x21x8x128xf32, #tpu.memory_space<vmem>>, vector<16xf32>,
        tpu.vector_store %arg5[%swap3A_1676, %swap3A_1677, %swap3A_1678, %swap3A_1679], %select_n3A_1674 {strides = array<i32>} : memref<2x21x8x128xf32, #tpu.memory_space<vmem>>, vector<16xf32>,
        %eq3A_1681 = arith.constant 4 : i32
        %eq3A_1682 = vector.broadcast %eq3A_1681 : i32 to vector<16xi32>
        %eq3A_1683 = arith.cmpi eq, %gather3A_1251, %eq3A_1682 : vector<16xi32>
        %eq3A_1684 = arith.constant 23 : i32
        %eq3A_1685 = vector.broadcast %eq3A_1684 : i32 to vector<16xi32>
        %eq3A_1686 = arith.cmpi eq, %gather3A_1251, %eq3A_1685 : vector<16xi32>
        %jit3A_1687 = arith.constant 5.000000e-01 : f32
        %jit3A_1688 = arith.constant 0.000000e+00 : f32
        %broadcast_in_dim3A_1689 = vector.broadcast %jit3A_1687 : f32 to vector<16xf32>
        %broadcast_in_dim3A_1690 = vector.broadcast %jit3A_1688 : f32 to vector<16xf32>
        %select_n3A_1691 = arith.select %eq3A_1686, %broadcast_in_dim3A_1689, %broadcast_in_dim3A_1690 : vector<16xi1>, vector<16xf32>
        %jit3A_1692 = arith.constant 1.000000e+00 : f32
        %broadcast_in_dim3A_1693 = vector.broadcast %jit3A_1692 : f32 to vector<16xf32>
        %select_n3A_1694 = arith.select %eq3A_1683, %broadcast_in_dim3A_1693, %select_n3A_1691 : vector<16xi1>, vector<16xf32>
        %swap3A_1695 = arith.constant 3 : i32
        %swap3A_1696 = arith.index_cast %rem3A_853 : i32 to index
        %swap3A_1697 = arith.index_cast %swap3A_1695 : i32 to index
        %swap3A_1698 = arith.index_cast %scan3A_1239 : i32 to index
        %swap3A_1699 = arith.constant 16 : index
        %swap3A_1700 = tpu.vector_load %arg5[%swap3A_1696, %swap3A_1697, %swap3A_1698, %swap3A_1699] {strides = array<i32>} : memref<2x21x8x128xf32, #tpu.memory_space<vmem>>, vector<16xf32>,
        tpu.vector_store %arg5[%swap3A_1696, %swap3A_1697, %swap3A_1698, %swap3A_1699], %select_n3A_1694 {strides = array<i32>} : memref<2x21x8x128xf32, #tpu.memory_space<vmem>>, vector<16xf32>,
        %eq3A_1701 = arith.constant 4 : i32
        %eq3A_1702 = vector.broadcast %eq3A_1701 : i32 to vector<16xi32>
        %eq3A_1703 = arith.cmpi eq, %gather3A_1256, %eq3A_1702 : vector<16xi32>
        %eq3A_1704 = arith.constant 23 : i32
        %eq3A_1705 = vector.broadcast %eq3A_1704 : i32 to vector<16xi32>
        %eq3A_1706 = arith.cmpi eq, %gather3A_1256, %eq3A_1705 : vector<16xi32>
        %jit3A_1707 = arith.constant 5.000000e-01 : f32
        %jit3A_1708 = arith.constant 0.000000e+00 : f32
        %broadcast_in_dim3A_1709 = vector.broadcast %jit3A_1707 : f32 to vector<16xf32>
        %broadcast_in_dim3A_1710 = vector.broadcast %jit3A_1708 : f32 to vector<16xf32>
        %select_n3A_1711 = arith.select %eq3A_1706, %broadcast_in_dim3A_1709, %broadcast_in_dim3A_1710 : vector<16xi1>, vector<16xf32>
        %jit3A_1712 = arith.constant 1.000000e+00 : f32
        %broadcast_in_dim3A_1713 = vector.broadcast %jit3A_1712 : f32 to vector<16xf32>
        %select_n3A_1714 = arith.select %eq3A_1703, %broadcast_in_dim3A_1713, %select_n3A_1711 : vector<16xi1>, vector<16xf32>
        %swap3A_1715 = arith.constant 3 : i32
        %swap3A_1716 = arith.index_cast %rem3A_853 : i32 to index
        %swap3A_1717 = arith.index_cast %swap3A_1715 : i32 to index
        %swap3A_1718 = arith.index_cast %scan3A_1239 : i32 to index
        %swap3A_1719 = arith.constant 32 : index
        %swap3A_1720 = tpu.vector_load %arg5[%swap3A_1716, %swap3A_1717, %swap3A_1718, %swap3A_1719] {strides = array<i32>} : memref<2x21x8x128xf32, #tpu.memory_space<vmem>>, vector<16xf32>,
        tpu.vector_store %arg5[%swap3A_1716, %swap3A_1717, %swap3A_1718, %swap3A_1719], %select_n3A_1714 {strides = array<i32>} : memref<2x21x8x128xf32, #tpu.memory_space<vmem>>, vector<16xf32>,
        %eq3A_1721 = arith.constant 4 : i32
        %eq3A_1722 = vector.broadcast %eq3A_1721 : i32 to vector<16xi32>
        %eq3A_1723 = arith.cmpi eq, %gather3A_1261, %eq3A_1722 : vector<16xi32>
        %eq3A_1724 = arith.constant 23 : i32
        %eq3A_1725 = vector.broadcast %eq3A_1724 : i32 to vector<16xi32>
        %eq3A_1726 = arith.cmpi eq, %gather3A_1261, %eq3A_1725 : vector<16xi32>
        %jit3A_1727 = arith.constant 5.000000e-01 : f32
        %jit3A_1728 = arith.constant 0.000000e+00 : f32
        %broadcast_in_dim3A_1729 = vector.broadcast %jit3A_1727 : f32 to vector<16xf32>
        %broadcast_in_dim3A_1730 = vector.broadcast %jit3A_1728 : f32 to vector<16xf32>
        %select_n3A_1731 = arith.select %eq3A_1726, %broadcast_in_dim3A_1729, %broadcast_in_dim3A_1730 : vector<16xi1>, vector<16xf32>
        %jit3A_1732 = arith.constant 1.000000e+00 : f32
        %broadcast_in_dim3A_1733 = vector.broadcast %jit3A_1732 : f32 to vector<16xf32>
        %select_n3A_1734 = arith.select %eq3A_1723, %broadcast_in_dim3A_1733, %select_n3A_1731 : vector<16xi1>, vector<16xf32>
        %swap3A_1735 = arith.constant 3 : i32
        %swap3A_1736 = arith.index_cast %rem3A_853 : i32 to index
        %swap3A_1737 = arith.index_cast %swap3A_1735 : i32 to index
        %swap3A_1738 = arith.index_cast %scan3A_1239 : i32 to index
        %swap3A_1739 = arith.constant 48 : index
        %swap3A_1740 = tpu.vector_load %arg5[%swap3A_1736, %swap3A_1737, %swap3A_1738, %swap3A_1739] {strides = array<i32>} : memref<2x21x8x128xf32, #tpu.memory_space<vmem>>, vector<16xf32>,
        tpu.vector_store %arg5[%swap3A_1736, %swap3A_1737, %swap3A_1738, %swap3A_1739], %select_n3A_1734 {strides = array<i32>} : memref<2x21x8x128xf32, #tpu.memory_space<vmem>>, vector<16xf32>,
        %eq3A_1741 = arith.constant 4 : i32
        %eq3A_1742 = vector.broadcast %eq3A_1741 : i32 to vector<16xi32>
        %eq3A_1743 = arith.cmpi eq, %gather3A_1266, %eq3A_1742 : vector<16xi32>
        %eq3A_1744 = arith.constant 23 : i32
        %eq3A_1745 = vector.broadcast %eq3A_1744 : i32 to vector<16xi32>
        %eq3A_1746 = arith.cmpi eq, %gather3A_1266, %eq3A_1745 : vector<16xi32>
        %jit3A_1747 = arith.constant 5.000000e-01 : f32
        %jit3A_1748 = arith.constant 0.000000e+00 : f32
        %broadcast_in_dim3A_1749 = vector.broadcast %jit3A_1747 : f32 to vector<16xf32>
        %broadcast_in_dim3A_1750 = vector.broadcast %jit3A_1748 : f32 to vector<16xf32>
        %select_n3A_1751 = arith.select %eq3A_1746, %broadcast_in_dim3A_1749, %broadcast_in_dim3A_1750 : vector<16xi1>, vector<16xf32>
        %jit3A_1752 = arith.constant 1.000000e+00 : f32
        %broadcast_in_dim3A_1753 = vector.broadcast %jit3A_1752 : f32 to vector<16xf32>
        %select_n3A_1754 = arith.select %eq3A_1743, %broadcast_in_dim3A_1753, %select_n3A_1751 : vector<16xi1>, vector<16xf32>
        %swap3A_1755 = arith.constant 3 : i32
        %swap3A_1756 = arith.index_cast %rem3A_853 : i32 to index
        %swap3A_1757 = arith.index_cast %swap3A_1755 : i32 to index
        %swap3A_1758 = arith.index_cast %scan3A_1239 : i32 to index
        %swap3A_1759 = arith.constant 64 : index
        %swap3A_1760 = tpu.vector_load %arg5[%swap3A_1756, %swap3A_1757, %swap3A_1758, %swap3A_1759] {strides = array<i32>} : memref<2x21x8x128xf32, #tpu.memory_space<vmem>>, vector<16xf32>,
        tpu.vector_store %arg5[%swap3A_1756, %swap3A_1757, %swap3A_1758, %swap3A_1759], %select_n3A_1754 {strides = array<i32>} : memref<2x21x8x128xf32, #tpu.memory_space<vmem>>, vector<16xf32>,
        %eq3A_1761 = arith.constant 4 : i32
        %eq3A_1762 = vector.broadcast %eq3A_1761 : i32 to vector<16xi32>
        %eq3A_1763 = arith.cmpi eq, %gather3A_1271, %eq3A_1762 : vector<16xi32>
        %eq3A_1764 = arith.constant 23 : i32
        %eq3A_1765 = vector.broadcast %eq3A_1764 : i32 to vector<16xi32>
        %eq3A_1766 = arith.cmpi eq, %gather3A_1271, %eq3A_1765 : vector<16xi32>
        %jit3A_1767 = arith.constant 5.000000e-01 : f32
        %jit3A_1768 = arith.constant 0.000000e+00 : f32
        %broadcast_in_dim3A_1769 = vector.broadcast %jit3A_1767 : f32 to vector<16xf32>
        %broadcast_in_dim3A_1770 = vector.broadcast %jit3A_1768 : f32 to vector<16xf32>
        %select_n3A_1771 = arith.select %eq3A_1766, %broadcast_in_dim3A_1769, %broadcast_in_dim3A_1770 : vector<16xi1>, vector<16xf32>
        %jit3A_1772 = arith.constant 1.000000e+00 : f32
        %broadcast_in_dim3A_1773 = vector.broadcast %jit3A_1772 : f32 to vector<16xf32>
        %select_n3A_1774 = arith.select %eq3A_1763, %broadcast_in_dim3A_1773, %select_n3A_1771 : vector<16xi1>, vector<16xf32>
        %swap3A_1775 = arith.constant 3 : i32
        %swap3A_1776 = arith.index_cast %rem3A_853 : i32 to index
        %swap3A_1777 = arith.index_cast %swap3A_1775 : i32 to index
        %swap3A_1778 = arith.index_cast %scan3A_1239 : i32 to index
        %swap3A_1779 = arith.constant 80 : index
        %swap3A_1780 = tpu.vector_load %arg5[%swap3A_1776, %swap3A_1777, %swap3A_1778, %swap3A_1779] {strides = array<i32>} : memref<2x21x8x128xf32, #tpu.memory_space<vmem>>, vector<16xf32>,
        tpu.vector_store %arg5[%swap3A_1776, %swap3A_1777, %swap3A_1778, %swap3A_1779], %select_n3A_1774 {strides = array<i32>} : memref<2x21x8x128xf32, #tpu.memory_space<vmem>>, vector<16xf32>,
        %eq3A_1781 = arith.constant 4 : i32
        %eq3A_1782 = vector.broadcast %eq3A_1781 : i32 to vector<16xi32>
        %eq3A_1783 = arith.cmpi eq, %gather3A_1276, %eq3A_1782 : vector<16xi32>
        %eq3A_1784 = arith.constant 23 : i32
        %eq3A_1785 = vector.broadcast %eq3A_1784 : i32 to vector<16xi32>
        %eq3A_1786 = arith.cmpi eq, %gather3A_1276, %eq3A_1785 : vector<16xi32>
        %jit3A_1787 = arith.constant 5.000000e-01 : f32
        %jit3A_1788 = arith.constant 0.000000e+00 : f32
        %broadcast_in_dim3A_1789 = vector.broadcast %jit3A_1787 : f32 to vector<16xf32>
        %broadcast_in_dim3A_1790 = vector.broadcast %jit3A_1788 : f32 to vector<16xf32>
        %select_n3A_1791 = arith.select %eq3A_1786, %broadcast_in_dim3A_1789, %broadcast_in_dim3A_1790 : vector<16xi1>, vector<16xf32>
        %jit3A_1792 = arith.constant 1.000000e+00 : f32
        %broadcast_in_dim3A_1793 = vector.broadcast %jit3A_1792 : f32 to vector<16xf32>
        %select_n3A_1794 = arith.select %eq3A_1783, %broadcast_in_dim3A_1793, %select_n3A_1791 : vector<16xi1>, vector<16xf32>
        %swap3A_1795 = arith.constant 3 : i32
        %swap3A_1796 = arith.index_cast %rem3A_853 : i32 to index
        %swap3A_1797 = arith.index_cast %swap3A_1795 : i32 to index
        %swap3A_1798 = arith.index_cast %scan3A_1239 : i32 to index
        %swap3A_1799 = arith.constant 96 : index
        %swap3A_1800 = tpu.vector_load %arg5[%swap3A_1796, %swap3A_1797, %swap3A_1798, %swap3A_1799] {strides = array<i32>} : memref<2x21x8x128xf32, #tpu.memory_space<vmem>>, vector<16xf32>,
        tpu.vector_store %arg5[%swap3A_1796, %swap3A_1797, %swap3A_1798, %swap3A_1799], %select_n3A_1794 {strides = array<i32>} : memref<2x21x8x128xf32, #tpu.memory_space<vmem>>, vector<16xf32>,
        %eq3A_1801 = arith.constant 4 : i32
        %eq3A_1802 = vector.broadcast %eq3A_1801 : i32 to vector<16xi32>
        %eq3A_1803 = arith.cmpi eq, %gather3A_1281, %eq3A_1802 : vector<16xi32>
        %eq3A_1804 = arith.constant 23 : i32
        %eq3A_1805 = vector.broadcast %eq3A_1804 : i32 to vector<16xi32>
        %eq3A_1806 = arith.cmpi eq, %gather3A_1281, %eq3A_1805 : vector<16xi32>
        %jit3A_1807 = arith.constant 5.000000e-01 : f32
        %jit3A_1808 = arith.constant 0.000000e+00 : f32
        %broadcast_in_dim3A_1809 = vector.broadcast %jit3A_1807 : f32 to vector<16xf32>
        %broadcast_in_dim3A_1810 = vector.broadcast %jit3A_1808 : f32 to vector<16xf32>
        %select_n3A_1811 = arith.select %eq3A_1806, %broadcast_in_dim3A_1809, %broadcast_in_dim3A_1810 : vector<16xi1>, vector<16xf32>
        %jit3A_1812 = arith.constant 1.000000e+00 : f32
        %broadcast_in_dim3A_1813 = vector.broadcast %jit3A_1812 : f32 to vector<16xf32>
        %select_n3A_1814 = arith.select %eq3A_1803, %broadcast_in_dim3A_1813, %select_n3A_1811 : vector<16xi1>, vector<16xf32>
        %swap3A_1815 = arith.constant 3 : i32
        %swap3A_1816 = arith.index_cast %rem3A_853 : i32 to index
        %swap3A_1817 = arith.index_cast %swap3A_1815 : i32 to index
        %swap3A_1818 = arith.index_cast %scan3A_1239 : i32 to index
        %swap3A_1819 = arith.constant 112 : index
        %swap3A_1820 = tpu.vector_load %arg5[%swap3A_1816, %swap3A_1817, %swap3A_1818, %swap3A_1819] {strides = array<i32>} : memref<2x21x8x128xf32, #tpu.memory_space<vmem>>, vector<16xf32>,
        tpu.vector_store %arg5[%swap3A_1816, %swap3A_1817, %swap3A_1818, %swap3A_1819], %select_n3A_1814 {strides = array<i32>} : memref<2x21x8x128xf32, #tpu.memory_space<vmem>>, vector<16xf32>,
        %eq3A_1821 = arith.constant 5 : i32
        %eq3A_1822 = vector.broadcast %eq3A_1821 : i32 to vector<16xi32>
        %eq3A_1823 = arith.cmpi eq, %gather3A, %eq3A_1822 : vector<16xi32>
        %jit3A_1824 = arith.constant 1.000000e+00 : f32
        %jit3A_1825 = arith.constant 0.000000e+00 : f32
        %broadcast_in_dim3A_1826 = vector.broadcast %jit3A_1824 : f32 to vector<16xf32>
        %broadcast_in_dim3A_1827 = vector.broadcast %jit3A_1825 : f32 to vector<16xf32>
        %select_n3A_1828 = arith.select %eq3A_1823, %broadcast_in_dim3A_1826, %broadcast_in_dim3A_1827 : vector<16xi1>, vector<16xf32>
        %swap3A_1829 = arith.constant 4 : i32
        %swap3A_1830 = arith.index_cast %rem3A_853 : i32 to index
        %swap3A_1831 = arith.index_cast %swap3A_1829 : i32 to index
        %swap3A_1832 = arith.index_cast %scan3A_1239 : i32 to index
        %swap3A_1833 = arith.constant 0 : index
        %swap3A_1834 = tpu.vector_load %arg5[%swap3A_1830, %swap3A_1831, %swap3A_1832, %swap3A_1833] {strides = array<i32>} : memref<2x21x8x128xf32, #tpu.memory_space<vmem>>, vector<16xf32>,
        tpu.vector_store %arg5[%swap3A_1830, %swap3A_1831, %swap3A_1832, %swap3A_1833], %select_n3A_1828 {strides = array<i32>} : memref<2x21x8x128xf32, #tpu.memory_space<vmem>>, vector<16xf32>,
        %eq3A_1835 = arith.constant 5 : i32
        %eq3A_1836 = vector.broadcast %eq3A_1835 : i32 to vector<16xi32>
        %eq3A_1837 = arith.cmpi eq, %gather3A_1251, %eq3A_1836 : vector<16xi32>
        %jit3A_1838 = arith.constant 1.000000e+00 : f32
        %jit3A_1839 = arith.constant 0.000000e+00 : f32
        %broadcast_in_dim3A_1840 = vector.broadcast %jit3A_1838 : f32 to vector<16xf32>
        %broadcast_in_dim3A_1841 = vector.broadcast %jit3A_1839 : f32 to vector<16xf32>
        %select_n3A_1842 = arith.select %eq3A_1837, %broadcast_in_dim3A_1840, %broadcast_in_dim3A_1841 : vector<16xi1>, vector<16xf32>
        %swap3A_1843 = arith.constant 4 : i32
        %swap3A_1844 = arith.index_cast %rem3A_853 : i32 to index
        %swap3A_1845 = arith.index_cast %swap3A_1843 : i32 to index
        %swap3A_1846 = arith.index_cast %scan3A_1239 : i32 to index
        %swap3A_1847 = arith.constant 16 : index
        %swap3A_1848 = tpu.vector_load %arg5[%swap3A_1844, %swap3A_1845, %swap3A_1846, %swap3A_1847] {strides = array<i32>} : memref<2x21x8x128xf32, #tpu.memory_space<vmem>>, vector<16xf32>,
        tpu.vector_store %arg5[%swap3A_1844, %swap3A_1845, %swap3A_1846, %swap3A_1847], %select_n3A_1842 {strides = array<i32>} : memref<2x21x8x128xf32, #tpu.memory_space<vmem>>, vector<16xf32>,
        %eq3A_1849 = arith.constant 5 : i32
        %eq3A_1850 = vector.broadcast %eq3A_1849 : i32 to vector<16xi32>
        %eq3A_1851 = arith.cmpi eq, %gather3A_1256, %eq3A_1850 : vector<16xi32>
        %jit3A_1852 = arith.constant 1.000000e+00 : f32
        %jit3A_1853 = arith.constant 0.000000e+00 : f32
        %broadcast_in_dim3A_1854 = vector.broadcast %jit3A_1852 : f32 to vector<16xf32>
        %broadcast_in_dim3A_1855 = vector.broadcast %jit3A_1853 : f32 to vector<16xf32>
        %select_n3A_1856 = arith.select %eq3A_1851, %broadcast_in_dim3A_1854, %broadcast_in_dim3A_1855 : vector<16xi1>, vector<16xf32>
        %swap3A_1857 = arith.constant 4 : i32
        %swap3A_1858 = arith.index_cast %rem3A_853 : i32 to index
        %swap3A_1859 = arith.index_cast %swap3A_1857 : i32 to index
        %swap3A_1860 = arith.index_cast %scan3A_1239 : i32 to index
        %swap3A_1861 = arith.constant 32 : index
        %swap3A_1862 = tpu.vector_load %arg5[%swap3A_1858, %swap3A_1859, %swap3A_1860, %swap3A_1861] {strides = array<i32>} : memref<2x21x8x128xf32, #tpu.memory_space<vmem>>, vector<16xf32>,
        tpu.vector_store %arg5[%swap3A_1858, %swap3A_1859, %swap3A_1860, %swap3A_1861], %select_n3A_1856 {strides = array<i32>} : memref<2x21x8x128xf32, #tpu.memory_space<vmem>>, vector<16xf32>,
        %eq3A_1863 = arith.constant 5 : i32
        %eq3A_1864 = vector.broadcast %eq3A_1863 : i32 to vector<16xi32>
        %eq3A_1865 = arith.cmpi eq, %gather3A_1261, %eq3A_1864 : vector<16xi32>
        %jit3A_1866 = arith.constant 1.000000e+00 : f32
        %jit3A_1867 = arith.constant 0.000000e+00 : f32
        %broadcast_in_dim3A_1868 = vector.broadcast %jit3A_1866 : f32 to vector<16xf32>
        %broadcast_in_dim3A_1869 = vector.broadcast %jit3A_1867 : f32 to vector<16xf32>
        %select_n3A_1870 = arith.select %eq3A_1865, %broadcast_in_dim3A_1868, %broadcast_in_dim3A_1869 : vector<16xi1>, vector<16xf32>
        %swap3A_1871 = arith.constant 4 : i32
        %swap3A_1872 = arith.index_cast %rem3A_853 : i32 to index
        %swap3A_1873 = arith.index_cast %swap3A_1871 : i32 to index
        %swap3A_1874 = arith.index_cast %scan3A_1239 : i32 to index
        %swap3A_1875 = arith.constant 48 : index
        %swap3A_1876 = tpu.vector_load %arg5[%swap3A_1872, %swap3A_1873, %swap3A_1874, %swap3A_1875] {strides = array<i32>} : memref<2x21x8x128xf32, #tpu.memory_space<vmem>>, vector<16xf32>,
        tpu.vector_store %arg5[%swap3A_1872, %swap3A_1873, %swap3A_1874, %swap3A_1875], %select_n3A_1870 {strides = array<i32>} : memref<2x21x8x128xf32, #tpu.memory_space<vmem>>, vector<16xf32>,
        %eq3A_1877 = arith.constant 5 : i32
        %eq3A_1878 = vector.broadcast %eq3A_1877 : i32 to vector<16xi32>
        %eq3A_1879 = arith.cmpi eq, %gather3A_1266, %eq3A_1878 : vector<16xi32>
        %jit3A_1880 = arith.constant 1.000000e+00 : f32
        %jit3A_1881 = arith.constant 0.000000e+00 : f32
        %broadcast_in_dim3A_1882 = vector.broadcast %jit3A_1880 : f32 to vector<16xf32>
        %broadcast_in_dim3A_1883 = vector.broadcast %jit3A_1881 : f32 to vector<16xf32>
        %select_n3A_1884 = arith.select %eq3A_1879, %broadcast_in_dim3A_1882, %broadcast_in_dim3A_1883 : vector<16xi1>, vector<16xf32>
        %swap3A_1885 = arith.constant 4 : i32
        %swap3A_1886 = arith.index_cast %rem3A_853 : i32 to index
        %swap3A_1887 = arith.index_cast %swap3A_1885 : i32 to index
        %swap3A_1888 = arith.index_cast %scan3A_1239 : i32 to index
        %swap3A_1889 = arith.constant 64 : index
        %swap3A_1890 = tpu.vector_load %arg5[%swap3A_1886, %swap3A_1887, %swap3A_1888, %swap3A_1889] {strides = array<i32>} : memref<2x21x8x128xf32, #tpu.memory_space<vmem>>, vector<16xf32>,
        tpu.vector_store %arg5[%swap3A_1886, %swap3A_1887, %swap3A_1888, %swap3A_1889], %select_n3A_1884 {strides = array<i32>} : memref<2x21x8x128xf32, #tpu.memory_space<vmem>>, vector<16xf32>,
        %eq3A_1891 = arith.constant 5 : i32
        %eq3A_1892 = vector.broadcast %eq3A_1891 : i32 to vector<16xi32>
        %eq3A_1893 = arith.cmpi eq, %gather3A_1271, %eq3A_1892 : vector<16xi32>
        %jit3A_1894 = arith.constant 1.000000e+00 : f32
        %jit3A_1895 = arith.constant 0.000000e+00 : f32
        %broadcast_in_dim3A_1896 = vector.broadcast %jit3A_1894 : f32 to vector<16xf32>
        %broadcast_in_dim3A_1897 = vector.broadcast %jit3A_1895 : f32 to vector<16xf32>
        %select_n3A_1898 = arith.select %eq3A_1893, %broadcast_in_dim3A_1896, %broadcast_in_dim3A_1897 : vector<16xi1>, vector<16xf32>
        %swap3A_1899 = arith.constant 4 : i32
        %swap3A_1900 = arith.index_cast %rem3A_853 : i32 to index
        %swap3A_1901 = arith.index_cast %swap3A_1899 : i32 to index
        %swap3A_1902 = arith.index_cast %scan3A_1239 : i32 to index
        %swap3A_1903 = arith.constant 80 : index
        %swap3A_1904 = tpu.vector_load %arg5[%swap3A_1900, %swap3A_1901, %swap3A_1902, %swap3A_1903] {strides = array<i32>} : memref<2x21x8x128xf32, #tpu.memory_space<vmem>>, vector<16xf32>,
        tpu.vector_store %arg5[%swap3A_1900, %swap3A_1901, %swap3A_1902, %swap3A_1903], %select_n3A_1898 {strides = array<i32>} : memref<2x21x8x128xf32, #tpu.memory_space<vmem>>, vector<16xf32>,
        %eq3A_1905 = arith.constant 5 : i32
        %eq3A_1906 = vector.broadcast %eq3A_1905 : i32 to vector<16xi32>
        %eq3A_1907 = arith.cmpi eq, %gather3A_1276, %eq3A_1906 : vector<16xi32>
        %jit3A_1908 = arith.constant 1.000000e+00 : f32
        %jit3A_1909 = arith.constant 0.000000e+00 : f32
        %broadcast_in_dim3A_1910 = vector.broadcast %jit3A_1908 : f32 to vector<16xf32>
        %broadcast_in_dim3A_1911 = vector.broadcast %jit3A_1909 : f32 to vector<16xf32>
        %select_n3A_1912 = arith.select %eq3A_1907, %broadcast_in_dim3A_1910, %broadcast_in_dim3A_1911 : vector<16xi1>, vector<16xf32>
        %swap3A_1913 = arith.constant 4 : i32
        %swap3A_1914 = arith.index_cast %rem3A_853 : i32 to index
        %swap3A_1915 = arith.index_cast %swap3A_1913 : i32 to index
        %swap3A_1916 = arith.index_cast %scan3A_1239 : i32 to index
        %swap3A_1917 = arith.constant 96 : index
        %swap3A_1918 = tpu.vector_load %arg5[%swap3A_1914, %swap3A_1915, %swap3A_1916, %swap3A_1917] {strides = array<i32>} : memref<2x21x8x128xf32, #tpu.memory_space<vmem>>, vector<16xf32>,
        tpu.vector_store %arg5[%swap3A_1914, %swap3A_1915, %swap3A_1916, %swap3A_1917], %select_n3A_1912 {strides = array<i32>} : memref<2x21x8x128xf32, #tpu.memory_space<vmem>>, vector<16xf32>,
        %eq3A_1919 = arith.constant 5 : i32
        %eq3A_1920 = vector.broadcast %eq3A_1919 : i32 to vector<16xi32>
        %eq3A_1921 = arith.cmpi eq, %gather3A_1281, %eq3A_1920 : vector<16xi32>
        %jit3A_1922 = arith.constant 1.000000e+00 : f32
        %jit3A_1923 = arith.constant 0.000000e+00 : f32
        %broadcast_in_dim3A_1924 = vector.broadcast %jit3A_1922 : f32 to vector<16xf32>
        %broadcast_in_dim3A_1925 = vector.broadcast %jit3A_1923 : f32 to vector<16xf32>
        %select_n3A_1926 = arith.select %eq3A_1921, %broadcast_in_dim3A_1924, %broadcast_in_dim3A_1925 : vector<16xi1>, vector<16xf32>
        %swap3A_1927 = arith.constant 4 : i32
        %swap3A_1928 = arith.index_cast %rem3A_853 : i32 to index
        %swap3A_1929 = arith.index_cast %swap3A_1927 : i32 to index
        %swap3A_1930 = arith.index_cast %scan3A_1239 : i32 to index
        %swap3A_1931 = arith.constant 112 : index
        %swap3A_1932 = tpu.vector_load %arg5[%swap3A_1928, %swap3A_1929, %swap3A_1930, %swap3A_1931] {strides = array<i32>} : memref<2x21x8x128xf32, #tpu.memory_space<vmem>>, vector<16xf32>,
        tpu.vector_store %arg5[%swap3A_1928, %swap3A_1929, %swap3A_1930, %swap3A_1931], %select_n3A_1926 {strides = array<i32>} : memref<2x21x8x128xf32, #tpu.memory_space<vmem>>, vector<16xf32>,
        %eq3A_1933 = arith.constant 6 : i32
        %eq3A_1934 = vector.broadcast %eq3A_1933 : i32 to vector<16xi32>
        %eq3A_1935 = arith.cmpi eq, %gather3A, %eq3A_1934 : vector<16xi32>
        %jit3A_1936 = arith.constant 1.000000e+00 : f32
        %jit3A_1937 = arith.constant 0.000000e+00 : f32
        %broadcast_in_dim3A_1938 = vector.broadcast %jit3A_1936 : f32 to vector<16xf32>
        %broadcast_in_dim3A_1939 = vector.broadcast %jit3A_1937 : f32 to vector<16xf32>
        %select_n3A_1940 = arith.select %eq3A_1935, %broadcast_in_dim3A_1938, %broadcast_in_dim3A_1939 : vector<16xi1>, vector<16xf32>
        %swap3A_1941 = arith.constant 5 : i32
        %swap3A_1942 = arith.index_cast %rem3A_853 : i32 to index
        %swap3A_1943 = arith.index_cast %swap3A_1941 : i32 to index
        %swap3A_1944 = arith.index_cast %scan3A_1239 : i32 to index
        %swap3A_1945 = arith.constant 0 : index
        %swap3A_1946 = tpu.vector_load %arg5[%swap3A_1942, %swap3A_1943, %swap3A_1944, %swap3A_1945] {strides = array<i32>} : memref<2x21x8x128xf32, #tpu.memory_space<vmem>>, vector<16xf32>,
        tpu.vector_store %arg5[%swap3A_1942, %swap3A_1943, %swap3A_1944, %swap3A_1945], %select_n3A_1940 {strides = array<i32>} : memref<2x21x8x128xf32, #tpu.memory_space<vmem>>, vector<16xf32>,
        %eq3A_1947 = arith.constant 6 : i32
        %eq3A_1948 = vector.broadcast %eq3A_1947 : i32 to vector<16xi32>
        %eq3A_1949 = arith.cmpi eq, %gather3A_1251, %eq3A_1948 : vector<16xi32>
        %jit3A_1950 = arith.constant 1.000000e+00 : f32
        %jit3A_1951 = arith.constant 0.000000e+00 : f32
        %broadcast_in_dim3A_1952 = vector.broadcast %jit3A_1950 : f32 to vector<16xf32>
        %broadcast_in_dim3A_1953 = vector.broadcast %jit3A_1951 : f32 to vector<16xf32>
        %select_n3A_1954 = arith.select %eq3A_1949, %broadcast_in_dim3A_1952, %broadcast_in_dim3A_1953 : vector<16xi1>, vector<16xf32>
        %swap3A_1955 = arith.constant 5 : i32
        %swap3A_1956 = arith.index_cast %rem3A_853 : i32 to index
        %swap3A_1957 = arith.index_cast %swap3A_1955 : i32 to index
        %swap3A_1958 = arith.index_cast %scan3A_1239 : i32 to index
        %swap3A_1959 = arith.constant 16 : index
        %swap3A_1960 = tpu.vector_load %arg5[%swap3A_1956, %swap3A_1957, %swap3A_1958, %swap3A_1959] {strides = array<i32>} : memref<2x21x8x128xf32, #tpu.memory_space<vmem>>, vector<16xf32>,
        tpu.vector_store %arg5[%swap3A_1956, %swap3A_1957, %swap3A_1958, %swap3A_1959], %select_n3A_1954 {strides = array<i32>} : memref<2x21x8x128xf32, #tpu.memory_space<vmem>>, vector<16xf32>,
        %eq3A_1961 = arith.constant 6 : i32
        %eq3A_1962 = vector.broadcast %eq3A_1961 : i32 to vector<16xi32>
        %eq3A_1963 = arith.cmpi eq, %gather3A_1256, %eq3A_1962 : vector<16xi32>
        %jit3A_1964 = arith.constant 1.000000e+00 : f32
        %jit3A_1965 = arith.constant 0.000000e+00 : f32
        %broadcast_in_dim3A_1966 = vector.broadcast %jit3A_1964 : f32 to vector<16xf32>
        %broadcast_in_dim3A_1967 = vector.broadcast %jit3A_1965 : f32 to vector<16xf32>
        %select_n3A_1968 = arith.select %eq3A_1963, %broadcast_in_dim3A_1966, %broadcast_in_dim3A_1967 : vector<16xi1>, vector<16xf32>
        %swap3A_1969 = arith.constant 5 : i32
        %swap3A_1970 = arith.index_cast %rem3A_853 : i32 to index
        %swap3A_1971 = arith.index_cast %swap3A_1969 : i32 to index
        %swap3A_1972 = arith.index_cast %scan3A_1239 : i32 to index
        %swap3A_1973 = arith.constant 32 : index
        %swap3A_1974 = tpu.vector_load %arg5[%swap3A_1970, %swap3A_1971, %swap3A_1972, %swap3A_1973] {strides = array<i32>} : memref<2x21x8x128xf32, #tpu.memory_space<vmem>>, vector<16xf32>,
        tpu.vector_store %arg5[%swap3A_1970, %swap3A_1971, %swap3A_1972, %swap3A_1973], %select_n3A_1968 {strides = array<i32>} : memref<2x21x8x128xf32, #tpu.memory_space<vmem>>, vector<16xf32>,
        %eq3A_1975 = arith.constant 6 : i32
        %eq3A_1976 = vector.broadcast %eq3A_1975 : i32 to vector<16xi32>
        %eq3A_1977 = arith.cmpi eq, %gather3A_1261, %eq3A_1976 : vector<16xi32>
        %jit3A_1978 = arith.constant 1.000000e+00 : f32
        %jit3A_1979 = arith.constant 0.000000e+00 : f32
        %broadcast_in_dim3A_1980 = vector.broadcast %jit3A_1978 : f32 to vector<16xf32>
        %broadcast_in_dim3A_1981 = vector.broadcast %jit3A_1979 : f32 to vector<16xf32>
        %select_n3A_1982 = arith.select %eq3A_1977, %broadcast_in_dim3A_1980, %broadcast_in_dim3A_1981 : vector<16xi1>, vector<16xf32>
        %swap3A_1983 = arith.constant 5 : i32
        %swap3A_1984 = arith.index_cast %rem3A_853 : i32 to index
        %swap3A_1985 = arith.index_cast %swap3A_1983 : i32 to index
        %swap3A_1986 = arith.index_cast %scan3A_1239 : i32 to index
        %swap3A_1987 = arith.constant 48 : index
        %swap3A_1988 = tpu.vector_load %arg5[%swap3A_1984, %swap3A_1985, %swap3A_1986, %swap3A_1987] {strides = array<i32>} : memref<2x21x8x128xf32, #tpu.memory_space<vmem>>, vector<16xf32>,
        tpu.vector_store %arg5[%swap3A_1984, %swap3A_1985, %swap3A_1986, %swap3A_1987], %select_n3A_1982 {strides = array<i32>} : memref<2x21x8x128xf32, #tpu.memory_space<vmem>>, vector<16xf32>,
        %eq3A_1989 = arith.constant 6 : i32
        %eq3A_1990 = vector.broadcast %eq3A_1989 : i32 to vector<16xi32>
        %eq3A_1991 = arith.cmpi eq, %gather3A_1266, %eq3A_1990 : vector<16xi32>
        %jit3A_1992 = arith.constant 1.000000e+00 : f32
        %jit3A_1993 = arith.constant 0.000000e+00 : f32
        %broadcast_in_dim3A_1994 = vector.broadcast %jit3A_1992 : f32 to vector<16xf32>
        %broadcast_in_dim3A_1995 = vector.broadcast %jit3A_1993 : f32 to vector<16xf32>
        %select_n3A_1996 = arith.select %eq3A_1991, %broadcast_in_dim3A_1994, %broadcast_in_dim3A_1995 : vector<16xi1>, vector<16xf32>
        %swap3A_1997 = arith.constant 5 : i32
        %swap3A_1998 = arith.index_cast %rem3A_853 : i32 to index
        %swap3A_1999 = arith.index_cast %swap3A_1997 : i32 to index
        %swap3A_2000 = arith.index_cast %scan3A_1239 : i32 to index
        %swap3A_2001 = arith.constant 64 : index
        %swap3A_2002 = tpu.vector_load %arg5[%swap3A_1998, %swap3A_1999, %swap3A_2000, %swap3A_2001] {strides = array<i32>} : memref<2x21x8x128xf32, #tpu.memory_space<vmem>>, vector<16xf32>,
        tpu.vector_store %arg5[%swap3A_1998, %swap3A_1999, %swap3A_2000, %swap3A_2001], %select_n3A_1996 {strides = array<i32>} : memref<2x21x8x128xf32, #tpu.memory_space<vmem>>, vector<16xf32>,
        %eq3A_2003 = arith.constant 6 : i32
        %eq3A_2004 = vector.broadcast %eq3A_2003 : i32 to vector<16xi32>
        %eq3A_2005 = arith.cmpi eq, %gather3A_1271, %eq3A_2004 : vector<16xi32>
        %jit3A_2006 = arith.constant 1.000000e+00 : f32
        %jit3A_2007 = arith.constant 0.000000e+00 : f32
        %broadcast_in_dim3A_2008 = vector.broadcast %jit3A_2006 : f32 to vector<16xf32>
        %broadcast_in_dim3A_2009 = vector.broadcast %jit3A_2007 : f32 to vector<16xf32>
        %select_n3A_2010 = arith.select %eq3A_2005, %broadcast_in_dim3A_2008, %broadcast_in_dim3A_2009 : vector<16xi1>, vector<16xf32>
        %swap3A_2011 = arith.constant 5 : i32
        %swap3A_2012 = arith.index_cast %rem3A_853 : i32 to index
        %swap3A_2013 = arith.index_cast %swap3A_2011 : i32 to index
        %swap3A_2014 = arith.index_cast %scan3A_1239 : i32 to index
        %swap3A_2015 = arith.constant 80 : index
        %swap3A_2016 = tpu.vector_load %arg5[%swap3A_2012, %swap3A_2013, %swap3A_2014, %swap3A_2015] {strides = array<i32>} : memref<2x21x8x128xf32, #tpu.memory_space<vmem>>, vector<16xf32>,
        tpu.vector_store %arg5[%swap3A_2012, %swap3A_2013, %swap3A_2014, %swap3A_2015], %select_n3A_2010 {strides = array<i32>} : memref<2x21x8x128xf32, #tpu.memory_space<vmem>>, vector<16xf32>,
        %eq3A_2017 = arith.constant 6 : i32
        %eq3A_2018 = vector.broadcast %eq3A_2017 : i32 to vector<16xi32>
        %eq3A_2019 = arith.cmpi eq, %gather3A_1276, %eq3A_2018 : vector<16xi32>
        %jit3A_2020 = arith.constant 1.000000e+00 : f32
        %jit3A_2021 = arith.constant 0.000000e+00 : f32
        %broadcast_in_dim3A_2022 = vector.broadcast %jit3A_2020 : f32 to vector<16xf32>
        %broadcast_in_dim3A_2023 = vector.broadcast %jit3A_2021 : f32 to vector<16xf32>
        %select_n3A_2024 = arith.select %eq3A_2019, %broadcast_in_dim3A_2022, %broadcast_in_dim3A_2023 : vector<16xi1>, vector<16xf32>
        %swap3A_2025 = arith.constant 5 : i32
        %swap3A_2026 = arith.index_cast %rem3A_853 : i32 to index
        %swap3A_2027 = arith.index_cast %swap3A_2025 : i32 to index
        %swap3A_2028 = arith.index_cast %scan3A_1239 : i32 to index
        %swap3A_2029 = arith.constant 96 : index
        %swap3A_2030 = tpu.vector_load %arg5[%swap3A_2026, %swap3A_2027, %swap3A_2028, %swap3A_2029] {strides = array<i32>} : memref<2x21x8x128xf32, #tpu.memory_space<vmem>>, vector<16xf32>,
        tpu.vector_store %arg5[%swap3A_2026, %swap3A_2027, %swap3A_2028, %swap3A_2029], %select_n3A_2024 {strides = array<i32>} : memref<2x21x8x128xf32, #tpu.memory_space<vmem>>, vector<16xf32>,
        %eq3A_2031 = arith.constant 6 : i32
        %eq3A_2032 = vector.broadcast %eq3A_2031 : i32 to vector<16xi32>
        %eq3A_2033 = arith.cmpi eq, %gather3A_1281, %eq3A_2032 : vector<16xi32>
        %jit3A_2034 = arith.constant 1.000000e+00 : f32
        %jit3A_2035 = arith.constant 0.000000e+00 : f32
        %broadcast_in_dim3A_2036 = vector.broadcast %jit3A_2034 : f32 to vector<16xf32>
        %broadcast_in_dim3A_2037 = vector.broadcast %jit3A_2035 : f32 to vector<16xf32>
        %select_n3A_2038 = arith.select %eq3A_2033, %broadcast_in_dim3A_2036, %broadcast_in_dim3A_2037 : vector<16xi1>, vector<16xf32>
        %swap3A_2039 = arith.constant 5 : i32
        %swap3A_2040 = arith.index_cast %rem3A_853 : i32 to index
        %swap3A_2041 = arith.index_cast %swap3A_2039 : i32 to index
        %swap3A_2042 = arith.index_cast %scan3A_1239 : i32 to index
        %swap3A_2043 = arith.constant 112 : index
        %swap3A_2044 = tpu.vector_load %arg5[%swap3A_2040, %swap3A_2041, %swap3A_2042, %swap3A_2043] {strides = array<i32>} : memref<2x21x8x128xf32, #tpu.memory_space<vmem>>, vector<16xf32>,
        tpu.vector_store %arg5[%swap3A_2040, %swap3A_2041, %swap3A_2042, %swap3A_2043], %select_n3A_2038 {strides = array<i32>} : memref<2x21x8x128xf32, #tpu.memory_space<vmem>>, vector<16xf32>,
        %eq3A_2045 = arith.constant 7 : i32
        %eq3A_2046 = vector.broadcast %eq3A_2045 : i32 to vector<16xi32>
        %eq3A_2047 = arith.cmpi eq, %gather3A, %eq3A_2046 : vector<16xi32>
        %jit3A_2048 = arith.constant 1.000000e+00 : f32
        %jit3A_2049 = arith.constant 0.000000e+00 : f32
        %broadcast_in_dim3A_2050 = vector.broadcast %jit3A_2048 : f32 to vector<16xf32>
        %broadcast_in_dim3A_2051 = vector.broadcast %jit3A_2049 : f32 to vector<16xf32>
        %select_n3A_2052 = arith.select %eq3A_2047, %broadcast_in_dim3A_2050, %broadcast_in_dim3A_2051 : vector<16xi1>, vector<16xf32>
        %swap3A_2053 = arith.constant 6 : i32
        %swap3A_2054 = arith.index_cast %rem3A_853 : i32 to index
        %swap3A_2055 = arith.index_cast %swap3A_2053 : i32 to index
        %swap3A_2056 = arith.index_cast %scan3A_1239 : i32 to index
        %swap3A_2057 = arith.constant 0 : index
        %swap3A_2058 = tpu.vector_load %arg5[%swap3A_2054, %swap3A_2055, %swap3A_2056, %swap3A_2057] {strides = array<i32>} : memref<2x21x8x128xf32, #tpu.memory_space<vmem>>, vector<16xf32>,
        tpu.vector_store %arg5[%swap3A_2054, %swap3A_2055, %swap3A_2056, %swap3A_2057], %select_n3A_2052 {strides = array<i32>} : memref<2x21x8x128xf32, #tpu.memory_space<vmem>>, vector<16xf32>,
        %eq3A_2059 = arith.constant 7 : i32
        %eq3A_2060 = vector.broadcast %eq3A_2059 : i32 to vector<16xi32>
        %eq3A_2061 = arith.cmpi eq, %gather3A_1251, %eq3A_2060 : vector<16xi32>
        %jit3A_2062 = arith.constant 1.000000e+00 : f32
        %jit3A_2063 = arith.constant 0.000000e+00 : f32
        %broadcast_in_dim3A_2064 = vector.broadcast %jit3A_2062 : f32 to vector<16xf32>
        %broadcast_in_dim3A_2065 = vector.broadcast %jit3A_2063 : f32 to vector<16xf32>
        %select_n3A_2066 = arith.select %eq3A_2061, %broadcast_in_dim3A_2064, %broadcast_in_dim3A_2065 : vector<16xi1>, vector<16xf32>
        %swap3A_2067 = arith.constant 6 : i32
        %swap3A_2068 = arith.index_cast %rem3A_853 : i32 to index
        %swap3A_2069 = arith.index_cast %swap3A_2067 : i32 to index
        %swap3A_2070 = arith.index_cast %scan3A_1239 : i32 to index
        %swap3A_2071 = arith.constant 16 : index
        %swap3A_2072 = tpu.vector_load %arg5[%swap3A_2068, %swap3A_2069, %swap3A_2070, %swap3A_2071] {strides = array<i32>} : memref<2x21x8x128xf32, #tpu.memory_space<vmem>>, vector<16xf32>,
        tpu.vector_store %arg5[%swap3A_2068, %swap3A_2069, %swap3A_2070, %swap3A_2071], %select_n3A_2066 {strides = array<i32>} : memref<2x21x8x128xf32, #tpu.memory_space<vmem>>, vector<16xf32>,
        %eq3A_2073 = arith.constant 7 : i32
        %eq3A_2074 = vector.broadcast %eq3A_2073 : i32 to vector<16xi32>
        %eq3A_2075 = arith.cmpi eq, %gather3A_1256, %eq3A_2074 : vector<16xi32>
        %jit3A_2076 = arith.constant 1.000000e+00 : f32
        %jit3A_2077 = arith.constant 0.000000e+00 : f32
        %broadcast_in_dim3A_2078 = vector.broadcast %jit3A_2076 : f32 to vector<16xf32>
        %broadcast_in_dim3A_2079 = vector.broadcast %jit3A_2077 : f32 to vector<16xf32>
        %select_n3A_2080 = arith.select %eq3A_2075, %broadcast_in_dim3A_2078, %broadcast_in_dim3A_2079 : vector<16xi1>, vector<16xf32>
        %swap3A_2081 = arith.constant 6 : i32
        %swap3A_2082 = arith.index_cast %rem3A_853 : i32 to index
        %swap3A_2083 = arith.index_cast %swap3A_2081 : i32 to index
        %swap3A_2084 = arith.index_cast %scan3A_1239 : i32 to index
        %swap3A_2085 = arith.constant 32 : index
        %swap3A_2086 = tpu.vector_load %arg5[%swap3A_2082, %swap3A_2083, %swap3A_2084, %swap3A_2085] {strides = array<i32>} : memref<2x21x8x128xf32, #tpu.memory_space<vmem>>, vector<16xf32>,
        tpu.vector_store %arg5[%swap3A_2082, %swap3A_2083, %swap3A_2084, %swap3A_2085], %select_n3A_2080 {strides = array<i32>} : memref<2x21x8x128xf32, #tpu.memory_space<vmem>>, vector<16xf32>,
        %eq3A_2087 = arith.constant 7 : i32
        %eq3A_2088 = vector.broadcast %eq3A_2087 : i32 to vector<16xi32>
        %eq3A_2089 = arith.cmpi eq, %gather3A_1261, %eq3A_2088 : vector<16xi32>
        %jit3A_2090 = arith.constant 1.000000e+00 : f32
        %jit3A_2091 = arith.constant 0.000000e+00 : f32
        %broadcast_in_dim3A_2092 = vector.broadcast %jit3A_2090 : f32 to vector<16xf32>
        %broadcast_in_dim3A_2093 = vector.broadcast %jit3A_2091 : f32 to vector<16xf32>
        %select_n3A_2094 = arith.select %eq3A_2089, %broadcast_in_dim3A_2092, %broadcast_in_dim3A_2093 : vector<16xi1>, vector<16xf32>
        %swap3A_2095 = arith.constant 6 : i32
        %swap3A_2096 = arith.index_cast %rem3A_853 : i32 to index
        %swap3A_2097 = arith.index_cast %swap3A_2095 : i32 to index
        %swap3A_2098 = arith.index_cast %scan3A_1239 : i32 to index
        %swap3A_2099 = arith.constant 48 : index
        %swap3A_2100 = tpu.vector_load %arg5[%swap3A_2096, %swap3A_2097, %swap3A_2098, %swap3A_2099] {strides = array<i32>} : memref<2x21x8x128xf32, #tpu.memory_space<vmem>>, vector<16xf32>,
        tpu.vector_store %arg5[%swap3A_2096, %swap3A_2097, %swap3A_2098, %swap3A_2099], %select_n3A_2094 {strides = array<i32>} : memref<2x21x8x128xf32, #tpu.memory_space<vmem>>, vector<16xf32>,
        %eq3A_2101 = arith.constant 7 : i32
        %eq3A_2102 = vector.broadcast %eq3A_2101 : i32 to vector<16xi32>
        %eq3A_2103 = arith.cmpi eq, %gather3A_1266, %eq3A_2102 : vector<16xi32>
        %jit3A_2104 = arith.constant 1.000000e+00 : f32
        %jit3A_2105 = arith.constant 0.000000e+00 : f32
        %broadcast_in_dim3A_2106 = vector.broadcast %jit3A_2104 : f32 to vector<16xf32>
        %broadcast_in_dim3A_2107 = vector.broadcast %jit3A_2105 : f32 to vector<16xf32>
        %select_n3A_2108 = arith.select %eq3A_2103, %broadcast_in_dim3A_2106, %broadcast_in_dim3A_2107 : vector<16xi1>, vector<16xf32>
        %swap3A_2109 = arith.constant 6 : i32
        %swap3A_2110 = arith.index_cast %rem3A_853 : i32 to index
        %swap3A_2111 = arith.index_cast %swap3A_2109 : i32 to index
        %swap3A_2112 = arith.index_cast %scan3A_1239 : i32 to index
        %swap3A_2113 = arith.constant 64 : index
        %swap3A_2114 = tpu.vector_load %arg5[%swap3A_2110, %swap3A_2111, %swap3A_2112, %swap3A_2113] {strides = array<i32>} : memref<2x21x8x128xf32, #tpu.memory_space<vmem>>, vector<16xf32>,
        tpu.vector_store %arg5[%swap3A_2110, %swap3A_2111, %swap3A_2112, %swap3A_2113], %select_n3A_2108 {strides = array<i32>} : memref<2x21x8x128xf32, #tpu.memory_space<vmem>>, vector<16xf32>,
        %eq3A_2115 = arith.constant 7 : i32
        %eq3A_2116 = vector.broadcast %eq3A_2115 : i32 to vector<16xi32>
        %eq3A_2117 = arith.cmpi eq, %gather3A_1271, %eq3A_2116 : vector<16xi32>
        %jit3A_2118 = arith.constant 1.000000e+00 : f32
        %jit3A_2119 = arith.constant 0.000000e+00 : f32
        %broadcast_in_dim3A_2120 = vector.broadcast %jit3A_2118 : f32 to vector<16xf32>
        %broadcast_in_dim3A_2121 = vector.broadcast %jit3A_2119 : f32 to vector<16xf32>
        %select_n3A_2122 = arith.select %eq3A_2117, %broadcast_in_dim3A_2120, %broadcast_in_dim3A_2121 : vector<16xi1>, vector<16xf32>
        %swap3A_2123 = arith.constant 6 : i32
        %swap3A_2124 = arith.index_cast %rem3A_853 : i32 to index
        %swap3A_2125 = arith.index_cast %swap3A_2123 : i32 to index
        %swap3A_2126 = arith.index_cast %scan3A_1239 : i32 to index
        %swap3A_2127 = arith.constant 80 : index
        %swap3A_2128 = tpu.vector_load %arg5[%swap3A_2124, %swap3A_2125, %swap3A_2126, %swap3A_2127] {strides = array<i32>} : memref<2x21x8x128xf32, #tpu.memory_space<vmem>>, vector<16xf32>,
        tpu.vector_store %arg5[%swap3A_2124, %swap3A_2125, %swap3A_2126, %swap3A_2127], %select_n3A_2122 {strides = array<i32>} : memref<2x21x8x128xf32, #tpu.memory_space<vmem>>, vector<16xf32>,
        %eq3A_2129 = arith.constant 7 : i32
        %eq3A_2130 = vector.broadcast %eq3A_2129 : i32 to vector<16xi32>
        %eq3A_2131 = arith.cmpi eq, %gather3A_1276, %eq3A_2130 : vector<16xi32>
        %jit3A_2132 = arith.constant 1.000000e+00 : f32
        %jit3A_2133 = arith.constant 0.000000e+00 : f32
        %broadcast_in_dim3A_2134 = vector.broadcast %jit3A_2132 : f32 to vector<16xf32>
        %broadcast_in_dim3A_2135 = vector.broadcast %jit3A_2133 : f32 to vector<16xf32>
        %select_n3A_2136 = arith.select %eq3A_2131, %broadcast_in_dim3A_2134, %broadcast_in_dim3A_2135 : vector<16xi1>, vector<16xf32>
        %swap3A_2137 = arith.constant 6 : i32
        %swap3A_2138 = arith.index_cast %rem3A_853 : i32 to index
        %swap3A_2139 = arith.index_cast %swap3A_2137 : i32 to index
        %swap3A_2140 = arith.index_cast %scan3A_1239 : i32 to index
        %swap3A_2141 = arith.constant 96 : index
        %swap3A_2142 = tpu.vector_load %arg5[%swap3A_2138, %swap3A_2139, %swap3A_2140, %swap3A_2141] {strides = array<i32>} : memref<2x21x8x128xf32, #tpu.memory_space<vmem>>, vector<16xf32>,
        tpu.vector_store %arg5[%swap3A_2138, %swap3A_2139, %swap3A_2140, %swap3A_2141], %select_n3A_2136 {strides = array<i32>} : memref<2x21x8x128xf32, #tpu.memory_space<vmem>>, vector<16xf32>,
        %eq3A_2143 = arith.constant 7 : i32
        %eq3A_2144 = vector.broadcast %eq3A_2143 : i32 to vector<16xi32>
        %eq3A_2145 = arith.cmpi eq, %gather3A_1281, %eq3A_2144 : vector<16xi32>
        %jit3A_2146 = arith.constant 1.000000e+00 : f32
        %jit3A_2147 = arith.constant 0.000000e+00 : f32
        %broadcast_in_dim3A_2148 = vector.broadcast %jit3A_2146 : f32 to vector<16xf32>
        %broadcast_in_dim3A_2149 = vector.broadcast %jit3A_2147 : f32 to vector<16xf32>
        %select_n3A_2150 = arith.select %eq3A_2145, %broadcast_in_dim3A_2148, %broadcast_in_dim3A_2149 : vector<16xi1>, vector<16xf32>
        %swap3A_2151 = arith.constant 6 : i32
        %swap3A_2152 = arith.index_cast %rem3A_853 : i32 to index
        %swap3A_2153 = arith.index_cast %swap3A_2151 : i32 to index
        %swap3A_2154 = arith.index_cast %scan3A_1239 : i32 to index
        %swap3A_2155 = arith.constant 112 : index
        %swap3A_2156 = tpu.vector_load %arg5[%swap3A_2152, %swap3A_2153, %swap3A_2154, %swap3A_2155] {strides = array<i32>} : memref<2x21x8x128xf32, #tpu.memory_space<vmem>>, vector<16xf32>,
        tpu.vector_store %arg5[%swap3A_2152, %swap3A_2153, %swap3A_2154, %swap3A_2155], %select_n3A_2150 {strides = array<i32>} : memref<2x21x8x128xf32, #tpu.memory_space<vmem>>, vector<16xf32>,
        %eq3A_2157 = arith.constant 8 : i32
        %eq3A_2158 = vector.broadcast %eq3A_2157 : i32 to vector<16xi32>
        %eq3A_2159 = arith.cmpi eq, %gather3A, %eq3A_2158 : vector<16xi32>
        %eq3A_2160 = arith.constant 24 : i32
        %eq3A_2161 = vector.broadcast %eq3A_2160 : i32 to vector<16xi32>
        %eq3A_2162 = arith.cmpi eq, %gather3A, %eq3A_2161 : vector<16xi32>
        %jit3A_2163 = arith.constant 5.000000e-01 : f32
        %jit3A_2164 = arith.constant 0.000000e+00 : f32
        %broadcast_in_dim3A_2165 = vector.broadcast %jit3A_2163 : f32 to vector<16xf32>
        %broadcast_in_dim3A_2166 = vector.broadcast %jit3A_2164 : f32 to vector<16xf32>
        %select_n3A_2167 = arith.select %eq3A_2162, %broadcast_in_dim3A_2165, %broadcast_in_dim3A_2166 : vector<16xi1>, vector<16xf32>
        %jit3A_2168 = arith.constant 1.000000e+00 : f32
        %broadcast_in_dim3A_2169 = vector.broadcast %jit3A_2168 : f32 to vector<16xf32>
        %select_n3A_2170 = arith.select %eq3A_2159, %broadcast_in_dim3A_2169, %select_n3A_2167 : vector<16xi1>, vector<16xf32>
        %swap3A_2171 = arith.constant 7 : i32
        %swap3A_2172 = arith.index_cast %rem3A_853 : i32 to index
        %swap3A_2173 = arith.index_cast %swap3A_2171 : i32 to index
        %swap3A_2174 = arith.index_cast %scan3A_1239 : i32 to index
        %swap3A_2175 = arith.constant 0 : index
        %swap3A_2176 = tpu.vector_load %arg5[%swap3A_2172, %swap3A_2173, %swap3A_2174, %swap3A_2175] {strides = array<i32>} : memref<2x21x8x128xf32, #tpu.memory_space<vmem>>, vector<16xf32>,
        tpu.vector_store %arg5[%swap3A_2172, %swap3A_2173, %swap3A_2174, %swap3A_2175], %select_n3A_2170 {strides = array<i32>} : memref<2x21x8x128xf32, #tpu.memory_space<vmem>>, vector<16xf32>,
        %eq3A_2177 = arith.constant 8 : i32
        %eq3A_2178 = vector.broadcast %eq3A_2177 : i32 to vector<16xi32>
        %eq3A_2179 = arith.cmpi eq, %gather3A_1251, %eq3A_2178 : vector<16xi32>
        %eq3A_2180 = arith.constant 24 : i32
        %eq3A_2181 = vector.broadcast %eq3A_2180 : i32 to vector<16xi32>
        %eq3A_2182 = arith.cmpi eq, %gather3A_1251, %eq3A_2181 : vector<16xi32>
        %jit3A_2183 = arith.constant 5.000000e-01 : f32
        %jit3A_2184 = arith.constant 0.000000e+00 : f32
        %broadcast_in_dim3A_2185 = vector.broadcast %jit3A_2183 : f32 to vector<16xf32>
        %broadcast_in_dim3A_2186 = vector.broadcast %jit3A_2184 : f32 to vector<16xf32>
        %select_n3A_2187 = arith.select %eq3A_2182, %broadcast_in_dim3A_2185, %broadcast_in_dim3A_2186 : vector<16xi1>, vector<16xf32>
        %jit3A_2188 = arith.constant 1.000000e+00 : f32
        %broadcast_in_dim3A_2189 = vector.broadcast %jit3A_2188 : f32 to vector<16xf32>
        %select_n3A_2190 = arith.select %eq3A_2179, %broadcast_in_dim3A_2189, %select_n3A_2187 : vector<16xi1>, vector<16xf32>
        %swap3A_2191 = arith.constant 7 : i32
        %swap3A_2192 = arith.index_cast %rem3A_853 : i32 to index
        %swap3A_2193 = arith.index_cast %swap3A_2191 : i32 to index
        %swap3A_2194 = arith.index_cast %scan3A_1239 : i32 to index
        %swap3A_2195 = arith.constant 16 : index
        %swap3A_2196 = tpu.vector_load %arg5[%swap3A_2192, %swap3A_2193, %swap3A_2194, %swap3A_2195] {strides = array<i32>} : memref<2x21x8x128xf32, #tpu.memory_space<vmem>>, vector<16xf32>,
        tpu.vector_store %arg5[%swap3A_2192, %swap3A_2193, %swap3A_2194, %swap3A_2195], %select_n3A_2190 {strides = array<i32>} : memref<2x21x8x128xf32, #tpu.memory_space<vmem>>, vector<16xf32>,
        %eq3A_2197 = arith.constant 8 : i32
        %eq3A_2198 = vector.broadcast %eq3A_2197 : i32 to vector<16xi32>
        %eq3A_2199 = arith.cmpi eq, %gather3A_1256, %eq3A_2198 : vector<16xi32>
        %eq3A_2200 = arith.constant 24 : i32
        %eq3A_2201 = vector.broadcast %eq3A_2200 : i32 to vector<16xi32>
        %eq3A_2202 = arith.cmpi eq, %gather3A_1256, %eq3A_2201 : vector<16xi32>
        %jit3A_2203 = arith.constant 5.000000e-01 : f32
        %jit3A_2204 = arith.constant 0.000000e+00 : f32
        %broadcast_in_dim3A_2205 = vector.broadcast %jit3A_2203 : f32 to vector<16xf32>
        %broadcast_in_dim3A_2206 = vector.broadcast %jit3A_2204 : f32 to vector<16xf32>
        %select_n3A_2207 = arith.select %eq3A_2202, %broadcast_in_dim3A_2205, %broadcast_in_dim3A_2206 : vector<16xi1>, vector<16xf32>
        %jit3A_2208 = arith.constant 1.000000e+00 : f32
        %broadcast_in_dim3A_2209 = vector.broadcast %jit3A_2208 : f32 to vector<16xf32>
        %select_n3A_2210 = arith.select %eq3A_2199, %broadcast_in_dim3A_2209, %select_n3A_2207 : vector<16xi1>, vector<16xf32>
        %swap3A_2211 = arith.constant 7 : i32
        %swap3A_2212 = arith.index_cast %rem3A_853 : i32 to index
        %swap3A_2213 = arith.index_cast %swap3A_2211 : i32 to index
        %swap3A_2214 = arith.index_cast %scan3A_1239 : i32 to index
        %swap3A_2215 = arith.constant 32 : index
        %swap3A_2216 = tpu.vector_load %arg5[%swap3A_2212, %swap3A_2213, %swap3A_2214, %swap3A_2215] {strides = array<i32>} : memref<2x21x8x128xf32, #tpu.memory_space<vmem>>, vector<16xf32>,
        tpu.vector_store %arg5[%swap3A_2212, %swap3A_2213, %swap3A_2214, %swap3A_2215], %select_n3A_2210 {strides = array<i32>} : memref<2x21x8x128xf32, #tpu.memory_space<vmem>>, vector<16xf32>,
        %eq3A_2217 = arith.constant 8 : i32
        %eq3A_2218 = vector.broadcast %eq3A_2217 : i32 to vector<16xi32>
        %eq3A_2219 = arith.cmpi eq, %gather3A_1261, %eq3A_2218 : vector<16xi32>
        %eq3A_2220 = arith.constant 24 : i32
        %eq3A_2221 = vector.broadcast %eq3A_2220 : i32 to vector<16xi32>
        %eq3A_2222 = arith.cmpi eq, %gather3A_1261, %eq3A_2221 : vector<16xi32>
        %jit3A_2223 = arith.constant 5.000000e-01 : f32
        %jit3A_2224 = arith.constant 0.000000e+00 : f32
        %broadcast_in_dim3A_2225 = vector.broadcast %jit3A_2223 : f32 to vector<16xf32>
        %broadcast_in_dim3A_2226 = vector.broadcast %jit3A_2224 : f32 to vector<16xf32>
        %select_n3A_2227 = arith.select %eq3A_2222, %broadcast_in_dim3A_2225, %broadcast_in_dim3A_2226 : vector<16xi1>, vector<16xf32>
        %jit3A_2228 = arith.constant 1.000000e+00 : f32
        %broadcast_in_dim3A_2229 = vector.broadcast %jit3A_2228 : f32 to vector<16xf32>
        %select_n3A_2230 = arith.select %eq3A_2219, %broadcast_in_dim3A_2229, %select_n3A_2227 : vector<16xi1>, vector<16xf32>
        %swap3A_2231 = arith.constant 7 : i32
        %swap3A_2232 = arith.index_cast %rem3A_853 : i32 to index
        %swap3A_2233 = arith.index_cast %swap3A_2231 : i32 to index
        %swap3A_2234 = arith.index_cast %scan3A_1239 : i32 to index
        %swap3A_2235 = arith.constant 48 : index
        %swap3A_2236 = tpu.vector_load %arg5[%swap3A_2232, %swap3A_2233, %swap3A_2234, %swap3A_2235] {strides = array<i32>} : memref<2x21x8x128xf32, #tpu.memory_space<vmem>>, vector<16xf32>,
        tpu.vector_store %arg5[%swap3A_2232, %swap3A_2233, %swap3A_2234, %swap3A_2235], %select_n3A_2230 {strides = array<i32>} : memref<2x21x8x128xf32, #tpu.memory_space<vmem>>, vector<16xf32>,
        %eq3A_2237 = arith.constant 8 : i32
        %eq3A_2238 = vector.broadcast %eq3A_2237 : i32 to vector<16xi32>
        %eq3A_2239 = arith.cmpi eq, %gather3A_1266, %eq3A_2238 : vector<16xi32>
        %eq3A_2240 = arith.constant 24 : i32
        %eq3A_2241 = vector.broadcast %eq3A_2240 : i32 to vector<16xi32>
        %eq3A_2242 = arith.cmpi eq, %gather3A_1266, %eq3A_2241 : vector<16xi32>
        %jit3A_2243 = arith.constant 5.000000e-01 : f32
        %jit3A_2244 = arith.constant 0.000000e+00 : f32
        %broadcast_in_dim3A_2245 = vector.broadcast %jit3A_2243 : f32 to vector<16xf32>
        %broadcast_in_dim3A_2246 = vector.broadcast %jit3A_2244 : f32 to vector<16xf32>
        %select_n3A_2247 = arith.select %eq3A_2242, %broadcast_in_dim3A_2245, %broadcast_in_dim3A_2246 : vector<16xi1>, vector<16xf32>
        %jit3A_2248 = arith.constant 1.000000e+00 : f32
        %broadcast_in_dim3A_2249 = vector.broadcast %jit3A_2248 : f32 to vector<16xf32>
        %select_n3A_2250 = arith.select %eq3A_2239, %broadcast_in_dim3A_2249, %select_n3A_2247 : vector<16xi1>, vector<16xf32>
        %swap3A_2251 = arith.constant 7 : i32
        %swap3A_2252 = arith.index_cast %rem3A_853 : i32 to index
        %swap3A_2253 = arith.index_cast %swap3A_2251 : i32 to index
        %swap3A_2254 = arith.index_cast %scan3A_1239 : i32 to index
        %swap3A_2255 = arith.constant 64 : index
        %swap3A_2256 = tpu.vector_load %arg5[%swap3A_2252, %swap3A_2253, %swap3A_2254, %swap3A_2255] {strides = array<i32>} : memref<2x21x8x128xf32, #tpu.memory_space<vmem>>, vector<16xf32>,
        tpu.vector_store %arg5[%swap3A_2252, %swap3A_2253, %swap3A_2254, %swap3A_2255], %select_n3A_2250 {strides = array<i32>} : memref<2x21x8x128xf32, #tpu.memory_space<vmem>>, vector<16xf32>,
        %eq3A_2257 = arith.constant 8 : i32
        %eq3A_2258 = vector.broadcast %eq3A_2257 : i32 to vector<16xi32>
        %eq3A_2259 = arith.cmpi eq, %gather3A_1271, %eq3A_2258 : vector<16xi32>
        %eq3A_2260 = arith.constant 24 : i32
        %eq3A_2261 = vector.broadcast %eq3A_2260 : i32 to vector<16xi32>
        %eq3A_2262 = arith.cmpi eq, %gather3A_1271, %eq3A_2261 : vector<16xi32>
        %jit3A_2263 = arith.constant 5.000000e-01 : f32
        %jit3A_2264 = arith.constant 0.000000e+00 : f32
        %broadcast_in_dim3A_2265 = vector.broadcast %jit3A_2263 : f32 to vector<16xf32>
        %broadcast_in_dim3A_2266 = vector.broadcast %jit3A_2264 : f32 to vector<16xf32>
        %select_n3A_2267 = arith.select %eq3A_2262, %broadcast_in_dim3A_2265, %broadcast_in_dim3A_2266 : vector<16xi1>, vector<16xf32>
        %jit3A_2268 = arith.constant 1.000000e+00 : f32
        %broadcast_in_dim3A_2269 = vector.broadcast %jit3A_2268 : f32 to vector<16xf32>
        %select_n3A_2270 = arith.select %eq3A_2259, %broadcast_in_dim3A_2269, %select_n3A_2267 : vector<16xi1>, vector<16xf32>
        %swap3A_2271 = arith.constant 7 : i32
        %swap3A_2272 = arith.index_cast %rem3A_853 : i32 to index
        %swap3A_2273 = arith.index_cast %swap3A_2271 : i32 to index
        %swap3A_2274 = arith.index_cast %scan3A_1239 : i32 to index
        %swap3A_2275 = arith.constant 80 : index
        %swap3A_2276 = tpu.vector_load %arg5[%swap3A_2272, %swap3A_2273, %swap3A_2274, %swap3A_2275] {strides = array<i32>} : memref<2x21x8x128xf32, #tpu.memory_space<vmem>>, vector<16xf32>,
        tpu.vector_store %arg5[%swap3A_2272, %swap3A_2273, %swap3A_2274, %swap3A_2275], %select_n3A_2270 {strides = array<i32>} : memref<2x21x8x128xf32, #tpu.memory_space<vmem>>, vector<16xf32>,
        %eq3A_2277 = arith.constant 8 : i32
        %eq3A_2278 = vector.broadcast %eq3A_2277 : i32 to vector<16xi32>
        %eq3A_2279 = arith.cmpi eq, %gather3A_1276, %eq3A_2278 : vector<16xi32>
        %eq3A_2280 = arith.constant 24 : i32
        %eq3A_2281 = vector.broadcast %eq3A_2280 : i32 to vector<16xi32>
        %eq3A_2282 = arith.cmpi eq, %gather3A_1276, %eq3A_2281 : vector<16xi32>
        %jit3A_2283 = arith.constant 5.000000e-01 : f32
        %jit3A_2284 = arith.constant 0.000000e+00 : f32
        %broadcast_in_dim3A_2285 = vector.broadcast %jit3A_2283 : f32 to vector<16xf32>
        %broadcast_in_dim3A_2286 = vector.broadcast %jit3A_2284 : f32 to vector<16xf32>
        %select_n3A_2287 = arith.select %eq3A_2282, %broadcast_in_dim3A_2285, %broadcast_in_dim3A_2286 : vector<16xi1>, vector<16xf32>
        %jit3A_2288 = arith.constant 1.000000e+00 : f32
        %broadcast_in_dim3A_2289 = vector.broadcast %jit3A_2288 : f32 to vector<16xf32>
        %select_n3A_2290 = arith.select %eq3A_2279, %broadcast_in_dim3A_2289, %select_n3A_2287 : vector<16xi1>, vector<16xf32>
        %swap3A_2291 = arith.constant 7 : i32
        %swap3A_2292 = arith.index_cast %rem3A_853 : i32 to index
        %swap3A_2293 = arith.index_cast %swap3A_2291 : i32 to index
        %swap3A_2294 = arith.index_cast %scan3A_1239 : i32 to index
        %swap3A_2295 = arith.constant 96 : index
        %swap3A_2296 = tpu.vector_load %arg5[%swap3A_2292, %swap3A_2293, %swap3A_2294, %swap3A_2295] {strides = array<i32>} : memref<2x21x8x128xf32, #tpu.memory_space<vmem>>, vector<16xf32>,
        tpu.vector_store %arg5[%swap3A_2292, %swap3A_2293, %swap3A_2294, %swap3A_2295], %select_n3A_2290 {strides = array<i32>} : memref<2x21x8x128xf32, #tpu.memory_space<vmem>>, vector<16xf32>,
        %eq3A_2297 = arith.constant 8 : i32
        %eq3A_2298 = vector.broadcast %eq3A_2297 : i32 to vector<16xi32>
        %eq3A_2299 = arith.cmpi eq, %gather3A_1281, %eq3A_2298 : vector<16xi32>
        %eq3A_2300 = arith.constant 24 : i32
        %eq3A_2301 = vector.broadcast %eq3A_2300 : i32 to vector<16xi32>
        %eq3A_2302 = arith.cmpi eq, %gather3A_1281, %eq3A_2301 : vector<16xi32>
        %jit3A_2303 = arith.constant 5.000000e-01 : f32
        %jit3A_2304 = arith.constant 0.000000e+00 : f32
        %broadcast_in_dim3A_2305 = vector.broadcast %jit3A_2303 : f32 to vector<16xf32>
        %broadcast_in_dim3A_2306 = vector.broadcast %jit3A_2304 : f32 to vector<16xf32>
        %select_n3A_2307 = arith.select %eq3A_2302, %broadcast_in_dim3A_2305, %broadcast_in_dim3A_2306 : vector<16xi1>, vector<16xf32>
        %jit3A_2308 = arith.constant 1.000000e+00 : f32
        %broadcast_in_dim3A_2309 = vector.broadcast %jit3A_2308 : f32 to vector<16xf32>
        %select_n3A_2310 = arith.select %eq3A_2299, %broadcast_in_dim3A_2309, %select_n3A_2307 : vector<16xi1>, vector<16xf32>
        %swap3A_2311 = arith.constant 7 : i32
        %swap3A_2312 = arith.index_cast %rem3A_853 : i32 to index
        %swap3A_2313 = arith.index_cast %swap3A_2311 : i32 to index
        %swap3A_2314 = arith.index_cast %scan3A_1239 : i32 to index
        %swap3A_2315 = arith.constant 112 : index
        %swap3A_2316 = tpu.vector_load %arg5[%swap3A_2312, %swap3A_2313, %swap3A_2314, %swap3A_2315] {strides = array<i32>} : memref<2x21x8x128xf32, #tpu.memory_space<vmem>>, vector<16xf32>,
        tpu.vector_store %arg5[%swap3A_2312, %swap3A_2313, %swap3A_2314, %swap3A_2315], %select_n3A_2310 {strides = array<i32>} : memref<2x21x8x128xf32, #tpu.memory_space<vmem>>, vector<16xf32>,
        %eq3A_2317 = arith.constant 9 : i32
        %eq3A_2318 = vector.broadcast %eq3A_2317 : i32 to vector<16xi32>
        %eq3A_2319 = arith.cmpi eq, %gather3A, %eq3A_2318 : vector<16xi32>
        %jit3A_2320 = arith.constant 1.000000e+00 : f32
        %jit3A_2321 = arith.constant 0.000000e+00 : f32
        %broadcast_in_dim3A_2322 = vector.broadcast %jit3A_2320 : f32 to vector<16xf32>
        %broadcast_in_dim3A_2323 = vector.broadcast %jit3A_2321 : f32 to vector<16xf32>
        %select_n3A_2324 = arith.select %eq3A_2319, %broadcast_in_dim3A_2322, %broadcast_in_dim3A_2323 : vector<16xi1>, vector<16xf32>
        %swap3A_2325 = arith.constant 8 : i32
        %swap3A_2326 = arith.index_cast %rem3A_853 : i32 to index
        %swap3A_2327 = arith.index_cast %swap3A_2325 : i32 to index
        %swap3A_2328 = arith.index_cast %scan3A_1239 : i32 to index
        %swap3A_2329 = arith.constant 0 : index
        %swap3A_2330 = tpu.vector_load %arg5[%swap3A_2326, %swap3A_2327, %swap3A_2328, %swap3A_2329] {strides = array<i32>} : memref<2x21x8x128xf32, #tpu.memory_space<vmem>>, vector<16xf32>,
        tpu.vector_store %arg5[%swap3A_2326, %swap3A_2327, %swap3A_2328, %swap3A_2329], %select_n3A_2324 {strides = array<i32>} : memref<2x21x8x128xf32, #tpu.memory_space<vmem>>, vector<16xf32>,
        %eq3A_2331 = arith.constant 9 : i32
        %eq3A_2332 = vector.broadcast %eq3A_2331 : i32 to vector<16xi32>
        %eq3A_2333 = arith.cmpi eq, %gather3A_1251, %eq3A_2332 : vector<16xi32>
        %jit3A_2334 = arith.constant 1.000000e+00 : f32
        %jit3A_2335 = arith.constant 0.000000e+00 : f32
        %broadcast_in_dim3A_2336 = vector.broadcast %jit3A_2334 : f32 to vector<16xf32>
        %broadcast_in_dim3A_2337 = vector.broadcast %jit3A_2335 : f32 to vector<16xf32>
        %select_n3A_2338 = arith.select %eq3A_2333, %broadcast_in_dim3A_2336, %broadcast_in_dim3A_2337 : vector<16xi1>, vector<16xf32>
        %swap3A_2339 = arith.constant 8 : i32
        %swap3A_2340 = arith.index_cast %rem3A_853 : i32 to index
        %swap3A_2341 = arith.index_cast %swap3A_2339 : i32 to index
        %swap3A_2342 = arith.index_cast %scan3A_1239 : i32 to index
        %swap3A_2343 = arith.constant 16 : index
        %swap3A_2344 = tpu.vector_load %arg5[%swap3A_2340, %swap3A_2341, %swap3A_2342, %swap3A_2343] {strides = array<i32>} : memref<2x21x8x128xf32, #tpu.memory_space<vmem>>, vector<16xf32>,
        tpu.vector_store %arg5[%swap3A_2340, %swap3A_2341, %swap3A_2342, %swap3A_2343], %select_n3A_2338 {strides = array<i32>} : memref<2x21x8x128xf32, #tpu.memory_space<vmem>>, vector<16xf32>,
        %eq3A_2345 = arith.constant 9 : i32
        %eq3A_2346 = vector.broadcast %eq3A_2345 : i32 to vector<16xi32>
        %eq3A_2347 = arith.cmpi eq, %gather3A_1256, %eq3A_2346 : vector<16xi32>
        %jit3A_2348 = arith.constant 1.000000e+00 : f32
        %jit3A_2349 = arith.constant 0.000000e+00 : f32
        %broadcast_in_dim3A_2350 = vector.broadcast %jit3A_2348 : f32 to vector<16xf32>
        %broadcast_in_dim3A_2351 = vector.broadcast %jit3A_2349 : f32 to vector<16xf32>
        %select_n3A_2352 = arith.select %eq3A_2347, %broadcast_in_dim3A_2350, %broadcast_in_dim3A_2351 : vector<16xi1>, vector<16xf32>
        %swap3A_2353 = arith.constant 8 : i32
        %swap3A_2354 = arith.index_cast %rem3A_853 : i32 to index
        %swap3A_2355 = arith.index_cast %swap3A_2353 : i32 to index
        %swap3A_2356 = arith.index_cast %scan3A_1239 : i32 to index
        %swap3A_2357 = arith.constant 32 : index
        %swap3A_2358 = tpu.vector_load %arg5[%swap3A_2354, %swap3A_2355, %swap3A_2356, %swap3A_2357] {strides = array<i32>} : memref<2x21x8x128xf32, #tpu.memory_space<vmem>>, vector<16xf32>,
        tpu.vector_store %arg5[%swap3A_2354, %swap3A_2355, %swap3A_2356, %swap3A_2357], %select_n3A_2352 {strides = array<i32>} : memref<2x21x8x128xf32, #tpu.memory_space<vmem>>, vector<16xf32>,
        %eq3A_2359 = arith.constant 9 : i32
        %eq3A_2360 = vector.broadcast %eq3A_2359 : i32 to vector<16xi32>
        %eq3A_2361 = arith.cmpi eq, %gather3A_1261, %eq3A_2360 : vector<16xi32>
        %jit3A_2362 = arith.constant 1.000000e+00 : f32
        %jit3A_2363 = arith.constant 0.000000e+00 : f32
        %broadcast_in_dim3A_2364 = vector.broadcast %jit3A_2362 : f32 to vector<16xf32>
        %broadcast_in_dim3A_2365 = vector.broadcast %jit3A_2363 : f32 to vector<16xf32>
        %select_n3A_2366 = arith.select %eq3A_2361, %broadcast_in_dim3A_2364, %broadcast_in_dim3A_2365 : vector<16xi1>, vector<16xf32>
        %swap3A_2367 = arith.constant 8 : i32
        %swap3A_2368 = arith.index_cast %rem3A_853 : i32 to index
        %swap3A_2369 = arith.index_cast %swap3A_2367 : i32 to index
        %swap3A_2370 = arith.index_cast %scan3A_1239 : i32 to index
        %swap3A_2371 = arith.constant 48 : index
        %swap3A_2372 = tpu.vector_load %arg5[%swap3A_2368, %swap3A_2369, %swap3A_2370, %swap3A_2371] {strides = array<i32>} : memref<2x21x8x128xf32, #tpu.memory_space<vmem>>, vector<16xf32>,
        tpu.vector_store %arg5[%swap3A_2368, %swap3A_2369, %swap3A_2370, %swap3A_2371], %select_n3A_2366 {strides = array<i32>} : memref<2x21x8x128xf32, #tpu.memory_space<vmem>>, vector<16xf32>,
        %eq3A_2373 = arith.constant 9 : i32
        %eq3A_2374 = vector.broadcast %eq3A_2373 : i32 to vector<16xi32>
        %eq3A_2375 = arith.cmpi eq, %gather3A_1266, %eq3A_2374 : vector<16xi32>
        %jit3A_2376 = arith.constant 1.000000e+00 : f32
        %jit3A_2377 = arith.constant 0.000000e+00 : f32
        %broadcast_in_dim3A_2378 = vector.broadcast %jit3A_2376 : f32 to vector<16xf32>
        %broadcast_in_dim3A_2379 = vector.broadcast %jit3A_2377 : f32 to vector<16xf32>
        %select_n3A_2380 = arith.select %eq3A_2375, %broadcast_in_dim3A_2378, %broadcast_in_dim3A_2379 : vector<16xi1>, vector<16xf32>
        %swap3A_2381 = arith.constant 8 : i32
        %swap3A_2382 = arith.index_cast %rem3A_853 : i32 to index
        %swap3A_2383 = arith.index_cast %swap3A_2381 : i32 to index
        %swap3A_2384 = arith.index_cast %scan3A_1239 : i32 to index
        %swap3A_2385 = arith.constant 64 : index
        %swap3A_2386 = tpu.vector_load %arg5[%swap3A_2382, %swap3A_2383, %swap3A_2384, %swap3A_2385] {strides = array<i32>} : memref<2x21x8x128xf32, #tpu.memory_space<vmem>>, vector<16xf32>,
        tpu.vector_store %arg5[%swap3A_2382, %swap3A_2383, %swap3A_2384, %swap3A_2385], %select_n3A_2380 {strides = array<i32>} : memref<2x21x8x128xf32, #tpu.memory_space<vmem>>, vector<16xf32>,
        %eq3A_2387 = arith.constant 9 : i32
        %eq3A_2388 = vector.broadcast %eq3A_2387 : i32 to vector<16xi32>
        %eq3A_2389 = arith.cmpi eq, %gather3A_1271, %eq3A_2388 : vector<16xi32>
        %jit3A_2390 = arith.constant 1.000000e+00 : f32
        %jit3A_2391 = arith.constant 0.000000e+00 : f32
        %broadcast_in_dim3A_2392 = vector.broadcast %jit3A_2390 : f32 to vector<16xf32>
        %broadcast_in_dim3A_2393 = vector.broadcast %jit3A_2391 : f32 to vector<16xf32>
        %select_n3A_2394 = arith.select %eq3A_2389, %broadcast_in_dim3A_2392, %broadcast_in_dim3A_2393 : vector<16xi1>, vector<16xf32>
        %swap3A_2395 = arith.constant 8 : i32
        %swap3A_2396 = arith.index_cast %rem3A_853 : i32 to index
        %swap3A_2397 = arith.index_cast %swap3A_2395 : i32 to index
        %swap3A_2398 = arith.index_cast %scan3A_1239 : i32 to index
        %swap3A_2399 = arith.constant 80 : index
        %swap3A_2400 = tpu.vector_load %arg5[%swap3A_2396, %swap3A_2397, %swap3A_2398, %swap3A_2399] {strides = array<i32>} : memref<2x21x8x128xf32, #tpu.memory_space<vmem>>, vector<16xf32>,
        tpu.vector_store %arg5[%swap3A_2396, %swap3A_2397, %swap3A_2398, %swap3A_2399], %select_n3A_2394 {strides = array<i32>} : memref<2x21x8x128xf32, #tpu.memory_space<vmem>>, vector<16xf32>,
        %eq3A_2401 = arith.constant 9 : i32
        %eq3A_2402 = vector.broadcast %eq3A_2401 : i32 to vector<16xi32>
        %eq3A_2403 = arith.cmpi eq, %gather3A_1276, %eq3A_2402 : vector<16xi32>
        %jit3A_2404 = arith.constant 1.000000e+00 : f32
        %jit3A_2405 = arith.constant 0.000000e+00 : f32
        %broadcast_in_dim3A_2406 = vector.broadcast %jit3A_2404 : f32 to vector<16xf32>
        %broadcast_in_dim3A_2407 = vector.broadcast %jit3A_2405 : f32 to vector<16xf32>
        %select_n3A_2408 = arith.select %eq3A_2403, %broadcast_in_dim3A_2406, %broadcast_in_dim3A_2407 : vector<16xi1>, vector<16xf32>
        %swap3A_2409 = arith.constant 8 : i32
        %swap3A_2410 = arith.index_cast %rem3A_853 : i32 to index
        %swap3A_2411 = arith.index_cast %swap3A_2409 : i32 to index
        %swap3A_2412 = arith.index_cast %scan3A_1239 : i32 to index
        %swap3A_2413 = arith.constant 96 : index
        %swap3A_2414 = tpu.vector_load %arg5[%swap3A_2410, %swap3A_2411, %swap3A_2412, %swap3A_2413] {strides = array<i32>} : memref<2x21x8x128xf32, #tpu.memory_space<vmem>>, vector<16xf32>,
        tpu.vector_store %arg5[%swap3A_2410, %swap3A_2411, %swap3A_2412, %swap3A_2413], %select_n3A_2408 {strides = array<i32>} : memref<2x21x8x128xf32, #tpu.memory_space<vmem>>, vector<16xf32>,
        %eq3A_2415 = arith.constant 9 : i32
        %eq3A_2416 = vector.broadcast %eq3A_2415 : i32 to vector<16xi32>
        %eq3A_2417 = arith.cmpi eq, %gather3A_1281, %eq3A_2416 : vector<16xi32>
        %jit3A_2418 = arith.constant 1.000000e+00 : f32
        %jit3A_2419 = arith.constant 0.000000e+00 : f32
        %broadcast_in_dim3A_2420 = vector.broadcast %jit3A_2418 : f32 to vector<16xf32>
        %broadcast_in_dim3A_2421 = vector.broadcast %jit3A_2419 : f32 to vector<16xf32>
        %select_n3A_2422 = arith.select %eq3A_2417, %broadcast_in_dim3A_2420, %broadcast_in_dim3A_2421 : vector<16xi1>, vector<16xf32>
        %swap3A_2423 = arith.constant 8 : i32
        %swap3A_2424 = arith.index_cast %rem3A_853 : i32 to index
        %swap3A_2425 = arith.index_cast %swap3A_2423 : i32 to index
        %swap3A_2426 = arith.index_cast %scan3A_1239 : i32 to index
        %swap3A_2427 = arith.constant 112 : index
        %swap3A_2428 = tpu.vector_load %arg5[%swap3A_2424, %swap3A_2425, %swap3A_2426, %swap3A_2427] {strides = array<i32>} : memref<2x21x8x128xf32, #tpu.memory_space<vmem>>, vector<16xf32>,
        tpu.vector_store %arg5[%swap3A_2424, %swap3A_2425, %swap3A_2426, %swap3A_2427], %select_n3A_2422 {strides = array<i32>} : memref<2x21x8x128xf32, #tpu.memory_space<vmem>>, vector<16xf32>,
        %eq3A_2429 = arith.constant 10 : i32
        %eq3A_2430 = vector.broadcast %eq3A_2429 : i32 to vector<16xi32>
        %eq3A_2431 = arith.cmpi eq, %gather3A, %eq3A_2430 : vector<16xi32>
        %eq3A_2432 = arith.constant 24 : i32
        %eq3A_2433 = vector.broadcast %eq3A_2432 : i32 to vector<16xi32>
        %eq3A_2434 = arith.cmpi eq, %gather3A, %eq3A_2433 : vector<16xi32>
        %jit3A_2435 = arith.constant 5.000000e-01 : f32
        %jit3A_2436 = arith.constant 0.000000e+00 : f32
        %broadcast_in_dim3A_2437 = vector.broadcast %jit3A_2435 : f32 to vector<16xf32>
        %broadcast_in_dim3A_2438 = vector.broadcast %jit3A_2436 : f32 to vector<16xf32>
        %select_n3A_2439 = arith.select %eq3A_2434, %broadcast_in_dim3A_2437, %broadcast_in_dim3A_2438 : vector<16xi1>, vector<16xf32>
        %jit3A_2440 = arith.constant 1.000000e+00 : f32
        %broadcast_in_dim3A_2441 = vector.broadcast %jit3A_2440 : f32 to vector<16xf32>
        %select_n3A_2442 = arith.select %eq3A_2431, %broadcast_in_dim3A_2441, %select_n3A_2439 : vector<16xi1>, vector<16xf32>
        %swap3A_2443 = arith.constant 9 : i32
        %swap3A_2444 = arith.index_cast %rem3A_853 : i32 to index
        %swap3A_2445 = arith.index_cast %swap3A_2443 : i32 to index
        %swap3A_2446 = arith.index_cast %scan3A_1239 : i32 to index
        %swap3A_2447 = arith.constant 0 : index
        %swap3A_2448 = tpu.vector_load %arg5[%swap3A_2444, %swap3A_2445, %swap3A_2446, %swap3A_2447] {strides = array<i32>} : memref<2x21x8x128xf32, #tpu.memory_space<vmem>>, vector<16xf32>,
        tpu.vector_store %arg5[%swap3A_2444, %swap3A_2445, %swap3A_2446, %swap3A_2447], %select_n3A_2442 {strides = array<i32>} : memref<2x21x8x128xf32, #tpu.memory_space<vmem>>, vector<16xf32>,
        %eq3A_2449 = arith.constant 10 : i32
        %eq3A_2450 = vector.broadcast %eq3A_2449 : i32 to vector<16xi32>
        %eq3A_2451 = arith.cmpi eq, %gather3A_1251, %eq3A_2450 : vector<16xi32>
        %eq3A_2452 = arith.constant 24 : i32
        %eq3A_2453 = vector.broadcast %eq3A_2452 : i32 to vector<16xi32>
        %eq3A_2454 = arith.cmpi eq, %gather3A_1251, %eq3A_2453 : vector<16xi32>
        %jit3A_2455 = arith.constant 5.000000e-01 : f32
        %jit3A_2456 = arith.constant 0.000000e+00 : f32
        %broadcast_in_dim3A_2457 = vector.broadcast %jit3A_2455 : f32 to vector<16xf32>
        %broadcast_in_dim3A_2458 = vector.broadcast %jit3A_2456 : f32 to vector<16xf32>
        %select_n3A_2459 = arith.select %eq3A_2454, %broadcast_in_dim3A_2457, %broadcast_in_dim3A_2458 : vector<16xi1>, vector<16xf32>
        %jit3A_2460 = arith.constant 1.000000e+00 : f32
        %broadcast_in_dim3A_2461 = vector.broadcast %jit3A_2460 : f32 to vector<16xf32>
        %select_n3A_2462 = arith.select %eq3A_2451, %broadcast_in_dim3A_2461, %select_n3A_2459 : vector<16xi1>, vector<16xf32>
        %swap3A_2463 = arith.constant 9 : i32
        %swap3A_2464 = arith.index_cast %rem3A_853 : i32 to index
        %swap3A_2465 = arith.index_cast %swap3A_2463 : i32 to index
        %swap3A_2466 = arith.index_cast %scan3A_1239 : i32 to index
        %swap3A_2467 = arith.constant 16 : index
        %swap3A_2468 = tpu.vector_load %arg5[%swap3A_2464, %swap3A_2465, %swap3A_2466, %swap3A_2467] {strides = array<i32>} : memref<2x21x8x128xf32, #tpu.memory_space<vmem>>, vector<16xf32>,
        tpu.vector_store %arg5[%swap3A_2464, %swap3A_2465, %swap3A_2466, %swap3A_2467], %select_n3A_2462 {strides = array<i32>} : memref<2x21x8x128xf32, #tpu.memory_space<vmem>>, vector<16xf32>,
        %eq3A_2469 = arith.constant 10 : i32
        %eq3A_2470 = vector.broadcast %eq3A_2469 : i32 to vector<16xi32>
        %eq3A_2471 = arith.cmpi eq, %gather3A_1256, %eq3A_2470 : vector<16xi32>
        %eq3A_2472 = arith.constant 24 : i32
        %eq3A_2473 = vector.broadcast %eq3A_2472 : i32 to vector<16xi32>
        %eq3A_2474 = arith.cmpi eq, %gather3A_1256, %eq3A_2473 : vector<16xi32>
        %jit3A_2475 = arith.constant 5.000000e-01 : f32
        %jit3A_2476 = arith.constant 0.000000e+00 : f32
        %broadcast_in_dim3A_2477 = vector.broadcast %jit3A_2475 : f32 to vector<16xf32>
        %broadcast_in_dim3A_2478 = vector.broadcast %jit3A_2476 : f32 to vector<16xf32>
        %select_n3A_2479 = arith.select %eq3A_2474, %broadcast_in_dim3A_2477, %broadcast_in_dim3A_2478 : vector<16xi1>, vector<16xf32>
        %jit3A_2480 = arith.constant 1.000000e+00 : f32
        %broadcast_in_dim3A_2481 = vector.broadcast %jit3A_2480 : f32 to vector<16xf32>
        %select_n3A_2482 = arith.select %eq3A_2471, %broadcast_in_dim3A_2481, %select_n3A_2479 : vector<16xi1>, vector<16xf32>
        %swap3A_2483 = arith.constant 9 : i32
        %swap3A_2484 = arith.index_cast %rem3A_853 : i32 to index
        %swap3A_2485 = arith.index_cast %swap3A_2483 : i32 to index
        %swap3A_2486 = arith.index_cast %scan3A_1239 : i32 to index
        %swap3A_2487 = arith.constant 32 : index
        %swap3A_2488 = tpu.vector_load %arg5[%swap3A_2484, %swap3A_2485, %swap3A_2486, %swap3A_2487] {strides = array<i32>} : memref<2x21x8x128xf32, #tpu.memory_space<vmem>>, vector<16xf32>,
        tpu.vector_store %arg5[%swap3A_2484, %swap3A_2485, %swap3A_2486, %swap3A_2487], %select_n3A_2482 {strides = array<i32>} : memref<2x21x8x128xf32, #tpu.memory_space<vmem>>, vector<16xf32>,
        %eq3A_2489 = arith.constant 10 : i32
        %eq3A_2490 = vector.broadcast %eq3A_2489 : i32 to vector<16xi32>
        %eq3A_2491 = arith.cmpi eq, %gather3A_1261, %eq3A_2490 : vector<16xi32>
        %eq3A_2492 = arith.constant 24 : i32
        %eq3A_2493 = vector.broadcast %eq3A_2492 : i32 to vector<16xi32>
        %eq3A_2494 = arith.cmpi eq, %gather3A_1261, %eq3A_2493 : vector<16xi32>
        %jit3A_2495 = arith.constant 5.000000e-01 : f32
        %jit3A_2496 = arith.constant 0.000000e+00 : f32
        %broadcast_in_dim3A_2497 = vector.broadcast %jit3A_2495 : f32 to vector<16xf32>
        %broadcast_in_dim3A_2498 = vector.broadcast %jit3A_2496 : f32 to vector<16xf32>
        %select_n3A_2499 = arith.select %eq3A_2494, %broadcast_in_dim3A_2497, %broadcast_in_dim3A_2498 : vector<16xi1>, vector<16xf32>
        %jit3A_2500 = arith.constant 1.000000e+00 : f32
        %broadcast_in_dim3A_2501 = vector.broadcast %jit3A_2500 : f32 to vector<16xf32>
        %select_n3A_2502 = arith.select %eq3A_2491, %broadcast_in_dim3A_2501, %select_n3A_2499 : vector<16xi1>, vector<16xf32>
        %swap3A_2503 = arith.constant 9 : i32
        %swap3A_2504 = arith.index_cast %rem3A_853 : i32 to index
        %swap3A_2505 = arith.index_cast %swap3A_2503 : i32 to index
        %swap3A_2506 = arith.index_cast %scan3A_1239 : i32 to index
        %swap3A_2507 = arith.constant 48 : index
        %swap3A_2508 = tpu.vector_load %arg5[%swap3A_2504, %swap3A_2505, %swap3A_2506, %swap3A_2507] {strides = array<i32>} : memref<2x21x8x128xf32, #tpu.memory_space<vmem>>, vector<16xf32>,
        tpu.vector_store %arg5[%swap3A_2504, %swap3A_2505, %swap3A_2506, %swap3A_2507], %select_n3A_2502 {strides = array<i32>} : memref<2x21x8x128xf32, #tpu.memory_space<vmem>>, vector<16xf32>,
        %eq3A_2509 = arith.constant 10 : i32
        %eq3A_2510 = vector.broadcast %eq3A_2509 : i32 to vector<16xi32>
        %eq3A_2511 = arith.cmpi eq, %gather3A_1266, %eq3A_2510 : vector<16xi32>
        %eq3A_2512 = arith.constant 24 : i32
        %eq3A_2513 = vector.broadcast %eq3A_2512 : i32 to vector<16xi32>
        %eq3A_2514 = arith.cmpi eq, %gather3A_1266, %eq3A_2513 : vector<16xi32>
        %jit3A_2515 = arith.constant 5.000000e-01 : f32
        %jit3A_2516 = arith.constant 0.000000e+00 : f32
        %broadcast_in_dim3A_2517 = vector.broadcast %jit3A_2515 : f32 to vector<16xf32>
        %broadcast_in_dim3A_2518 = vector.broadcast %jit3A_2516 : f32 to vector<16xf32>
        %select_n3A_2519 = arith.select %eq3A_2514, %broadcast_in_dim3A_2517, %broadcast_in_dim3A_2518 : vector<16xi1>, vector<16xf32>
        %jit3A_2520 = arith.constant 1.000000e+00 : f32
        %broadcast_in_dim3A_2521 = vector.broadcast %jit3A_2520 : f32 to vector<16xf32>
        %select_n3A_2522 = arith.select %eq3A_2511, %broadcast_in_dim3A_2521, %select_n3A_2519 : vector<16xi1>, vector<16xf32>
        %swap3A_2523 = arith.constant 9 : i32
        %swap3A_2524 = arith.index_cast %rem3A_853 : i32 to index
        %swap3A_2525 = arith.index_cast %swap3A_2523 : i32 to index
        %swap3A_2526 = arith.index_cast %scan3A_1239 : i32 to index
        %swap3A_2527 = arith.constant 64 : index
        %swap3A_2528 = tpu.vector_load %arg5[%swap3A_2524, %swap3A_2525, %swap3A_2526, %swap3A_2527] {strides = array<i32>} : memref<2x21x8x128xf32, #tpu.memory_space<vmem>>, vector<16xf32>,
        tpu.vector_store %arg5[%swap3A_2524, %swap3A_2525, %swap3A_2526, %swap3A_2527], %select_n3A_2522 {strides = array<i32>} : memref<2x21x8x128xf32, #tpu.memory_space<vmem>>, vector<16xf32>,
        %eq3A_2529 = arith.constant 10 : i32
        %eq3A_2530 = vector.broadcast %eq3A_2529 : i32 to vector<16xi32>
        %eq3A_2531 = arith.cmpi eq, %gather3A_1271, %eq3A_2530 : vector<16xi32>
        %eq3A_2532 = arith.constant 24 : i32
        %eq3A_2533 = vector.broadcast %eq3A_2532 : i32 to vector<16xi32>
        %eq3A_2534 = arith.cmpi eq, %gather3A_1271, %eq3A_2533 : vector<16xi32>
        %jit3A_2535 = arith.constant 5.000000e-01 : f32
        %jit3A_2536 = arith.constant 0.000000e+00 : f32
        %broadcast_in_dim3A_2537 = vector.broadcast %jit3A_2535 : f32 to vector<16xf32>
        %broadcast_in_dim3A_2538 = vector.broadcast %jit3A_2536 : f32 to vector<16xf32>
        %select_n3A_2539 = arith.select %eq3A_2534, %broadcast_in_dim3A_2537, %broadcast_in_dim3A_2538 : vector<16xi1>, vector<16xf32>
        %jit3A_2540 = arith.constant 1.000000e+00 : f32
        %broadcast_in_dim3A_2541 = vector.broadcast %jit3A_2540 : f32 to vector<16xf32>
        %select_n3A_2542 = arith.select %eq3A_2531, %broadcast_in_dim3A_2541, %select_n3A_2539 : vector<16xi1>, vector<16xf32>
        %swap3A_2543 = arith.constant 9 : i32
        %swap3A_2544 = arith.index_cast %rem3A_853 : i32 to index
        %swap3A_2545 = arith.index_cast %swap3A_2543 : i32 to index
        %swap3A_2546 = arith.index_cast %scan3A_1239 : i32 to index
        %swap3A_2547 = arith.constant 80 : index
        %swap3A_2548 = tpu.vector_load %arg5[%swap3A_2544, %swap3A_2545, %swap3A_2546, %swap3A_2547] {strides = array<i32>} : memref<2x21x8x128xf32, #tpu.memory_space<vmem>>, vector<16xf32>,
        tpu.vector_store %arg5[%swap3A_2544, %swap3A_2545, %swap3A_2546, %swap3A_2547], %select_n3A_2542 {strides = array<i32>} : memref<2x21x8x128xf32, #tpu.memory_space<vmem>>, vector<16xf32>,
        %eq3A_2549 = arith.constant 10 : i32
        %eq3A_2550 = vector.broadcast %eq3A_2549 : i32 to vector<16xi32>
        %eq3A_2551 = arith.cmpi eq, %gather3A_1276, %eq3A_2550 : vector<16xi32>
        %eq3A_2552 = arith.constant 24 : i32
        %eq3A_2553 = vector.broadcast %eq3A_2552 : i32 to vector<16xi32>
        %eq3A_2554 = arith.cmpi eq, %gather3A_1276, %eq3A_2553 : vector<16xi32>
        %jit3A_2555 = arith.constant 5.000000e-01 : f32
        %jit3A_2556 = arith.constant 0.000000e+00 : f32
        %broadcast_in_dim3A_2557 = vector.broadcast %jit3A_2555 : f32 to vector<16xf32>
        %broadcast_in_dim3A_2558 = vector.broadcast %jit3A_2556 : f32 to vector<16xf32>
        %select_n3A_2559 = arith.select %eq3A_2554, %broadcast_in_dim3A_2557, %broadcast_in_dim3A_2558 : vector<16xi1>, vector<16xf32>
        %jit3A_2560 = arith.constant 1.000000e+00 : f32
        %broadcast_in_dim3A_2561 = vector.broadcast %jit3A_2560 : f32 to vector<16xf32>
        %select_n3A_2562 = arith.select %eq3A_2551, %broadcast_in_dim3A_2561, %select_n3A_2559 : vector<16xi1>, vector<16xf32>
        %swap3A_2563 = arith.constant 9 : i32
        %swap3A_2564 = arith.index_cast %rem3A_853 : i32 to index
        %swap3A_2565 = arith.index_cast %swap3A_2563 : i32 to index
        %swap3A_2566 = arith.index_cast %scan3A_1239 : i32 to index
        %swap3A_2567 = arith.constant 96 : index
        %swap3A_2568 = tpu.vector_load %arg5[%swap3A_2564, %swap3A_2565, %swap3A_2566, %swap3A_2567] {strides = array<i32>} : memref<2x21x8x128xf32, #tpu.memory_space<vmem>>, vector<16xf32>,
        tpu.vector_store %arg5[%swap3A_2564, %swap3A_2565, %swap3A_2566, %swap3A_2567], %select_n3A_2562 {strides = array<i32>} : memref<2x21x8x128xf32, #tpu.memory_space<vmem>>, vector<16xf32>,
        %eq3A_2569 = arith.constant 10 : i32
        %eq3A_2570 = vector.broadcast %eq3A_2569 : i32 to vector<16xi32>
        %eq3A_2571 = arith.cmpi eq, %gather3A_1281, %eq3A_2570 : vector<16xi32>
        %eq3A_2572 = arith.constant 24 : i32
        %eq3A_2573 = vector.broadcast %eq3A_2572 : i32 to vector<16xi32>
        %eq3A_2574 = arith.cmpi eq, %gather3A_1281, %eq3A_2573 : vector<16xi32>
        %jit3A_2575 = arith.constant 5.000000e-01 : f32
        %jit3A_2576 = arith.constant 0.000000e+00 : f32
        %broadcast_in_dim3A_2577 = vector.broadcast %jit3A_2575 : f32 to vector<16xf32>
        %broadcast_in_dim3A_2578 = vector.broadcast %jit3A_2576 : f32 to vector<16xf32>
        %select_n3A_2579 = arith.select %eq3A_2574, %broadcast_in_dim3A_2577, %broadcast_in_dim3A_2578 : vector<16xi1>, vector<16xf32>
        %jit3A_2580 = arith.constant 1.000000e+00 : f32
        %broadcast_in_dim3A_2581 = vector.broadcast %jit3A_2580 : f32 to vector<16xf32>
        %select_n3A_2582 = arith.select %eq3A_2571, %broadcast_in_dim3A_2581, %select_n3A_2579 : vector<16xi1>, vector<16xf32>
        %swap3A_2583 = arith.constant 9 : i32
        %swap3A_2584 = arith.index_cast %rem3A_853 : i32 to index
        %swap3A_2585 = arith.index_cast %swap3A_2583 : i32 to index
        %swap3A_2586 = arith.index_cast %scan3A_1239 : i32 to index
        %swap3A_2587 = arith.constant 112 : index
        %swap3A_2588 = tpu.vector_load %arg5[%swap3A_2584, %swap3A_2585, %swap3A_2586, %swap3A_2587] {strides = array<i32>} : memref<2x21x8x128xf32, #tpu.memory_space<vmem>>, vector<16xf32>,
        tpu.vector_store %arg5[%swap3A_2584, %swap3A_2585, %swap3A_2586, %swap3A_2587], %select_n3A_2582 {strides = array<i32>} : memref<2x21x8x128xf32, #tpu.memory_space<vmem>>, vector<16xf32>,
        %eq3A_2589 = arith.constant 11 : i32
        %eq3A_2590 = vector.broadcast %eq3A_2589 : i32 to vector<16xi32>
        %eq3A_2591 = arith.cmpi eq, %gather3A, %eq3A_2590 : vector<16xi32>
        %jit3A_2592 = arith.constant 1.000000e+00 : f32
        %jit3A_2593 = arith.constant 0.000000e+00 : f32
        %broadcast_in_dim3A_2594 = vector.broadcast %jit3A_2592 : f32 to vector<16xf32>
        %broadcast_in_dim3A_2595 = vector.broadcast %jit3A_2593 : f32 to vector<16xf32>
        %select_n3A_2596 = arith.select %eq3A_2591, %broadcast_in_dim3A_2594, %broadcast_in_dim3A_2595 : vector<16xi1>, vector<16xf32>
        %swap3A_2597 = arith.constant 10 : i32
        %swap3A_2598 = arith.index_cast %rem3A_853 : i32 to index
        %swap3A_2599 = arith.index_cast %swap3A_2597 : i32 to index
        %swap3A_2600 = arith.index_cast %scan3A_1239 : i32 to index
        %swap3A_2601 = arith.constant 0 : index
        %swap3A_2602 = tpu.vector_load %arg5[%swap3A_2598, %swap3A_2599, %swap3A_2600, %swap3A_2601] {strides = array<i32>} : memref<2x21x8x128xf32, #tpu.memory_space<vmem>>, vector<16xf32>,
        tpu.vector_store %arg5[%swap3A_2598, %swap3A_2599, %swap3A_2600, %swap3A_2601], %select_n3A_2596 {strides = array<i32>} : memref<2x21x8x128xf32, #tpu.memory_space<vmem>>, vector<16xf32>,
        %eq3A_2603 = arith.constant 11 : i32
        %eq3A_2604 = vector.broadcast %eq3A_2603 : i32 to vector<16xi32>
        %eq3A_2605 = arith.cmpi eq, %gather3A_1251, %eq3A_2604 : vector<16xi32>
        %jit3A_2606 = arith.constant 1.000000e+00 : f32
        %jit3A_2607 = arith.constant 0.000000e+00 : f32
        %broadcast_in_dim3A_2608 = vector.broadcast %jit3A_2606 : f32 to vector<16xf32>
        %broadcast_in_dim3A_2609 = vector.broadcast %jit3A_2607 : f32 to vector<16xf32>
        %select_n3A_2610 = arith.select %eq3A_2605, %broadcast_in_dim3A_2608, %broadcast_in_dim3A_2609 : vector<16xi1>, vector<16xf32>
        %swap3A_2611 = arith.constant 10 : i32
        %swap3A_2612 = arith.index_cast %rem3A_853 : i32 to index
        %swap3A_2613 = arith.index_cast %swap3A_2611 : i32 to index
        %swap3A_2614 = arith.index_cast %scan3A_1239 : i32 to index
        %swap3A_2615 = arith.constant 16 : index
        %swap3A_2616 = tpu.vector_load %arg5[%swap3A_2612, %swap3A_2613, %swap3A_2614, %swap3A_2615] {strides = array<i32>} : memref<2x21x8x128xf32, #tpu.memory_space<vmem>>, vector<16xf32>,
        tpu.vector_store %arg5[%swap3A_2612, %swap3A_2613, %swap3A_2614, %swap3A_2615], %select_n3A_2610 {strides = array<i32>} : memref<2x21x8x128xf32, #tpu.memory_space<vmem>>, vector<16xf32>,
        %eq3A_2617 = arith.constant 11 : i32
        %eq3A_2618 = vector.broadcast %eq3A_2617 : i32 to vector<16xi32>
        %eq3A_2619 = arith.cmpi eq, %gather3A_1256, %eq3A_2618 : vector<16xi32>
        %jit3A_2620 = arith.constant 1.000000e+00 : f32
        %jit3A_2621 = arith.constant 0.000000e+00 : f32
        %broadcast_in_dim3A_2622 = vector.broadcast %jit3A_2620 : f32 to vector<16xf32>
        %broadcast_in_dim3A_2623 = vector.broadcast %jit3A_2621 : f32 to vector<16xf32>
        %select_n3A_2624 = arith.select %eq3A_2619, %broadcast_in_dim3A_2622, %broadcast_in_dim3A_2623 : vector<16xi1>, vector<16xf32>
        %swap3A_2625 = arith.constant 10 : i32
        %swap3A_2626 = arith.index_cast %rem3A_853 : i32 to index
        %swap3A_2627 = arith.index_cast %swap3A_2625 : i32 to index
        %swap3A_2628 = arith.index_cast %scan3A_1239 : i32 to index
        %swap3A_2629 = arith.constant 32 : index
        %swap3A_2630 = tpu.vector_load %arg5[%swap3A_2626, %swap3A_2627, %swap3A_2628, %swap3A_2629] {strides = array<i32>} : memref<2x21x8x128xf32, #tpu.memory_space<vmem>>, vector<16xf32>,
        tpu.vector_store %arg5[%swap3A_2626, %swap3A_2627, %swap3A_2628, %swap3A_2629], %select_n3A_2624 {strides = array<i32>} : memref<2x21x8x128xf32, #tpu.memory_space<vmem>>, vector<16xf32>,
        %eq3A_2631 = arith.constant 11 : i32
        %eq3A_2632 = vector.broadcast %eq3A_2631 : i32 to vector<16xi32>
        %eq3A_2633 = arith.cmpi eq, %gather3A_1261, %eq3A_2632 : vector<16xi32>
        %jit3A_2634 = arith.constant 1.000000e+00 : f32
        %jit3A_2635 = arith.constant 0.000000e+00 : f32
        %broadcast_in_dim3A_2636 = vector.broadcast %jit3A_2634 : f32 to vector<16xf32>
        %broadcast_in_dim3A_2637 = vector.broadcast %jit3A_2635 : f32 to vector<16xf32>
        %select_n3A_2638 = arith.select %eq3A_2633, %broadcast_in_dim3A_2636, %broadcast_in_dim3A_2637 : vector<16xi1>, vector<16xf32>
        %swap3A_2639 = arith.constant 10 : i32
        %swap3A_2640 = arith.index_cast %rem3A_853 : i32 to index
        %swap3A_2641 = arith.index_cast %swap3A_2639 : i32 to index
        %swap3A_2642 = arith.index_cast %scan3A_1239 : i32 to index
        %swap3A_2643 = arith.constant 48 : index
        %swap3A_2644 = tpu.vector_load %arg5[%swap3A_2640, %swap3A_2641, %swap3A_2642, %swap3A_2643] {strides = array<i32>} : memref<2x21x8x128xf32, #tpu.memory_space<vmem>>, vector<16xf32>,
        tpu.vector_store %arg5[%swap3A_2640, %swap3A_2641, %swap3A_2642, %swap3A_2643], %select_n3A_2638 {strides = array<i32>} : memref<2x21x8x128xf32, #tpu.memory_space<vmem>>, vector<16xf32>,
        %eq3A_2645 = arith.constant 11 : i32
        %eq3A_2646 = vector.broadcast %eq3A_2645 : i32 to vector<16xi32>
        %eq3A_2647 = arith.cmpi eq, %gather3A_1266, %eq3A_2646 : vector<16xi32>
        %jit3A_2648 = arith.constant 1.000000e+00 : f32
        %jit3A_2649 = arith.constant 0.000000e+00 : f32
        %broadcast_in_dim3A_2650 = vector.broadcast %jit3A_2648 : f32 to vector<16xf32>
        %broadcast_in_dim3A_2651 = vector.broadcast %jit3A_2649 : f32 to vector<16xf32>
        %select_n3A_2652 = arith.select %eq3A_2647, %broadcast_in_dim3A_2650, %broadcast_in_dim3A_2651 : vector<16xi1>, vector<16xf32>
        %swap3A_2653 = arith.constant 10 : i32
        %swap3A_2654 = arith.index_cast %rem3A_853 : i32 to index
        %swap3A_2655 = arith.index_cast %swap3A_2653 : i32 to index
        %swap3A_2656 = arith.index_cast %scan3A_1239 : i32 to index
        %swap3A_2657 = arith.constant 64 : index
        %swap3A_2658 = tpu.vector_load %arg5[%swap3A_2654, %swap3A_2655, %swap3A_2656, %swap3A_2657] {strides = array<i32>} : memref<2x21x8x128xf32, #tpu.memory_space<vmem>>, vector<16xf32>,
        tpu.vector_store %arg5[%swap3A_2654, %swap3A_2655, %swap3A_2656, %swap3A_2657], %select_n3A_2652 {strides = array<i32>} : memref<2x21x8x128xf32, #tpu.memory_space<vmem>>, vector<16xf32>,
        %eq3A_2659 = arith.constant 11 : i32
        %eq3A_2660 = vector.broadcast %eq3A_2659 : i32 to vector<16xi32>
        %eq3A_2661 = arith.cmpi eq, %gather3A_1271, %eq3A_2660 : vector<16xi32>
        %jit3A_2662 = arith.constant 1.000000e+00 : f32
        %jit3A_2663 = arith.constant 0.000000e+00 : f32
        %broadcast_in_dim3A_2664 = vector.broadcast %jit3A_2662 : f32 to vector<16xf32>
        %broadcast_in_dim3A_2665 = vector.broadcast %jit3A_2663 : f32 to vector<16xf32>
        %select_n3A_2666 = arith.select %eq3A_2661, %broadcast_in_dim3A_2664, %broadcast_in_dim3A_2665 : vector<16xi1>, vector<16xf32>
        %swap3A_2667 = arith.constant 10 : i32
        %swap3A_2668 = arith.index_cast %rem3A_853 : i32 to index
        %swap3A_2669 = arith.index_cast %swap3A_2667 : i32 to index
        %swap3A_2670 = arith.index_cast %scan3A_1239 : i32 to index
        %swap3A_2671 = arith.constant 80 : index
        %swap3A_2672 = tpu.vector_load %arg5[%swap3A_2668, %swap3A_2669, %swap3A_2670, %swap3A_2671] {strides = array<i32>} : memref<2x21x8x128xf32, #tpu.memory_space<vmem>>, vector<16xf32>,
        tpu.vector_store %arg5[%swap3A_2668, %swap3A_2669, %swap3A_2670, %swap3A_2671], %select_n3A_2666 {strides = array<i32>} : memref<2x21x8x128xf32, #tpu.memory_space<vmem>>, vector<16xf32>,
        %eq3A_2673 = arith.constant 11 : i32
        %eq3A_2674 = vector.broadcast %eq3A_2673 : i32 to vector<16xi32>
        %eq3A_2675 = arith.cmpi eq, %gather3A_1276, %eq3A_2674 : vector<16xi32>
        %jit3A_2676 = arith.constant 1.000000e+00 : f32
        %jit3A_2677 = arith.constant 0.000000e+00 : f32
        %broadcast_in_dim3A_2678 = vector.broadcast %jit3A_2676 : f32 to vector<16xf32>
        %broadcast_in_dim3A_2679 = vector.broadcast %jit3A_2677 : f32 to vector<16xf32>
        %select_n3A_2680 = arith.select %eq3A_2675, %broadcast_in_dim3A_2678, %broadcast_in_dim3A_2679 : vector<16xi1>, vector<16xf32>
        %swap3A_2681 = arith.constant 10 : i32
        %swap3A_2682 = arith.index_cast %rem3A_853 : i32 to index
        %swap3A_2683 = arith.index_cast %swap3A_2681 : i32 to index
        %swap3A_2684 = arith.index_cast %scan3A_1239 : i32 to index
        %swap3A_2685 = arith.constant 96 : index
        %swap3A_2686 = tpu.vector_load %arg5[%swap3A_2682, %swap3A_2683, %swap3A_2684, %swap3A_2685] {strides = array<i32>} : memref<2x21x8x128xf32, #tpu.memory_space<vmem>>, vector<16xf32>,
        tpu.vector_store %arg5[%swap3A_2682, %swap3A_2683, %swap3A_2684, %swap3A_2685], %select_n3A_2680 {strides = array<i32>} : memref<2x21x8x128xf32, #tpu.memory_space<vmem>>, vector<16xf32>,
        %eq3A_2687 = arith.constant 11 : i32
        %eq3A_2688 = vector.broadcast %eq3A_2687 : i32 to vector<16xi32>
        %eq3A_2689 = arith.cmpi eq, %gather3A_1281, %eq3A_2688 : vector<16xi32>
        %jit3A_2690 = arith.constant 1.000000e+00 : f32
        %jit3A_2691 = arith.constant 0.000000e+00 : f32
        %broadcast_in_dim3A_2692 = vector.broadcast %jit3A_2690 : f32 to vector<16xf32>
        %broadcast_in_dim3A_2693 = vector.broadcast %jit3A_2691 : f32 to vector<16xf32>
        %select_n3A_2694 = arith.select %eq3A_2689, %broadcast_in_dim3A_2692, %broadcast_in_dim3A_2693 : vector<16xi1>, vector<16xf32>
        %swap3A_2695 = arith.constant 10 : i32
        %swap3A_2696 = arith.index_cast %rem3A_853 : i32 to index
        %swap3A_2697 = arith.index_cast %swap3A_2695 : i32 to index
        %swap3A_2698 = arith.index_cast %scan3A_1239 : i32 to index
        %swap3A_2699 = arith.constant 112 : index
        %swap3A_2700 = tpu.vector_load %arg5[%swap3A_2696, %swap3A_2697, %swap3A_2698, %swap3A_2699] {strides = array<i32>} : memref<2x21x8x128xf32, #tpu.memory_space<vmem>>, vector<16xf32>,
        tpu.vector_store %arg5[%swap3A_2696, %swap3A_2697, %swap3A_2698, %swap3A_2699], %select_n3A_2694 {strides = array<i32>} : memref<2x21x8x128xf32, #tpu.memory_space<vmem>>, vector<16xf32>,
        %eq3A_2701 = arith.constant 12 : i32
        %eq3A_2702 = vector.broadcast %eq3A_2701 : i32 to vector<16xi32>
        %eq3A_2703 = arith.cmpi eq, %gather3A, %eq3A_2702 : vector<16xi32>
        %eq3A_2704 = arith.constant 22 : i32
        %eq3A_2705 = vector.broadcast %eq3A_2704 : i32 to vector<16xi32>
        %eq3A_2706 = arith.cmpi eq, %gather3A, %eq3A_2705 : vector<16xi32>
        %jit3A_2707 = arith.constant 5.000000e-01 : f32
        %jit3A_2708 = arith.constant 0.000000e+00 : f32
        %broadcast_in_dim3A_2709 = vector.broadcast %jit3A_2707 : f32 to vector<16xf32>
        %broadcast_in_dim3A_2710 = vector.broadcast %jit3A_2708 : f32 to vector<16xf32>
        %select_n3A_2711 = arith.select %eq3A_2706, %broadcast_in_dim3A_2709, %broadcast_in_dim3A_2710 : vector<16xi1>, vector<16xf32>
        %jit3A_2712 = arith.constant 1.000000e+00 : f32
        %broadcast_in_dim3A_2713 = vector.broadcast %jit3A_2712 : f32 to vector<16xf32>
        %select_n3A_2714 = arith.select %eq3A_2703, %broadcast_in_dim3A_2713, %select_n3A_2711 : vector<16xi1>, vector<16xf32>
        %swap3A_2715 = arith.constant 11 : i32
        %swap3A_2716 = arith.index_cast %rem3A_853 : i32 to index
        %swap3A_2717 = arith.index_cast %swap3A_2715 : i32 to index
        %swap3A_2718 = arith.index_cast %scan3A_1239 : i32 to index
        %swap3A_2719 = arith.constant 0 : index
        %swap3A_2720 = tpu.vector_load %arg5[%swap3A_2716, %swap3A_2717, %swap3A_2718, %swap3A_2719] {strides = array<i32>} : memref<2x21x8x128xf32, #tpu.memory_space<vmem>>, vector<16xf32>,
        tpu.vector_store %arg5[%swap3A_2716, %swap3A_2717, %swap3A_2718, %swap3A_2719], %select_n3A_2714 {strides = array<i32>} : memref<2x21x8x128xf32, #tpu.memory_space<vmem>>, vector<16xf32>,
        %eq3A_2721 = arith.constant 12 : i32
        %eq3A_2722 = vector.broadcast %eq3A_2721 : i32 to vector<16xi32>
        %eq3A_2723 = arith.cmpi eq, %gather3A_1251, %eq3A_2722 : vector<16xi32>
        %eq3A_2724 = arith.constant 22 : i32
        %eq3A_2725 = vector.broadcast %eq3A_2724 : i32 to vector<16xi32>
        %eq3A_2726 = arith.cmpi eq, %gather3A_1251, %eq3A_2725 : vector<16xi32>
        %jit3A_2727 = arith.constant 5.000000e-01 : f32
        %jit3A_2728 = arith.constant 0.000000e+00 : f32
        %broadcast_in_dim3A_2729 = vector.broadcast %jit3A_2727 : f32 to vector<16xf32>
        %broadcast_in_dim3A_2730 = vector.broadcast %jit3A_2728 : f32 to vector<16xf32>
        %select_n3A_2731 = arith.select %eq3A_2726, %broadcast_in_dim3A_2729, %broadcast_in_dim3A_2730 : vector<16xi1>, vector<16xf32>
        %jit3A_2732 = arith.constant 1.000000e+00 : f32
        %broadcast_in_dim3A_2733 = vector.broadcast %jit3A_2732 : f32 to vector<16xf32>
        %select_n3A_2734 = arith.select %eq3A_2723, %broadcast_in_dim3A_2733, %select_n3A_2731 : vector<16xi1>, vector<16xf32>
        %swap3A_2735 = arith.constant 11 : i32
        %swap3A_2736 = arith.index_cast %rem3A_853 : i32 to index
        %swap3A_2737 = arith.index_cast %swap3A_2735 : i32 to index
        %swap3A_2738 = arith.index_cast %scan3A_1239 : i32 to index
        %swap3A_2739 = arith.constant 16 : index
        %swap3A_2740 = tpu.vector_load %arg5[%swap3A_2736, %swap3A_2737, %swap3A_2738, %swap3A_2739] {strides = array<i32>} : memref<2x21x8x128xf32, #tpu.memory_space<vmem>>, vector<16xf32>,
        tpu.vector_store %arg5[%swap3A_2736, %swap3A_2737, %swap3A_2738, %swap3A_2739], %select_n3A_2734 {strides = array<i32>} : memref<2x21x8x128xf32, #tpu.memory_space<vmem>>, vector<16xf32>,
        %eq3A_2741 = arith.constant 12 : i32
        %eq3A_2742 = vector.broadcast %eq3A_2741 : i32 to vector<16xi32>
        %eq3A_2743 = arith.cmpi eq, %gather3A_1256, %eq3A_2742 : vector<16xi32>
        %eq3A_2744 = arith.constant 22 : i32
        %eq3A_2745 = vector.broadcast %eq3A_2744 : i32 to vector<16xi32>
        %eq3A_2746 = arith.cmpi eq, %gather3A_1256, %eq3A_2745 : vector<16xi32>
        %jit3A_2747 = arith.constant 5.000000e-01 : f32
        %jit3A_2748 = arith.constant 0.000000e+00 : f32
        %broadcast_in_dim3A_2749 = vector.broadcast %jit3A_2747 : f32 to vector<16xf32>
        %broadcast_in_dim3A_2750 = vector.broadcast %jit3A_2748 : f32 to vector<16xf32>
        %select_n3A_2751 = arith.select %eq3A_2746, %broadcast_in_dim3A_2749, %broadcast_in_dim3A_2750 : vector<16xi1>, vector<16xf32>
        %jit3A_2752 = arith.constant 1.000000e+00 : f32
        %broadcast_in_dim3A_2753 = vector.broadcast %jit3A_2752 : f32 to vector<16xf32>
        %select_n3A_2754 = arith.select %eq3A_2743, %broadcast_in_dim3A_2753, %select_n3A_2751 : vector<16xi1>, vector<16xf32>
        %swap3A_2755 = arith.constant 11 : i32
        %swap3A_2756 = arith.index_cast %rem3A_853 : i32 to index
        %swap3A_2757 = arith.index_cast %swap3A_2755 : i32 to index
        %swap3A_2758 = arith.index_cast %scan3A_1239 : i32 to index
        %swap3A_2759 = arith.constant 32 : index
        %swap3A_2760 = tpu.vector_load %arg5[%swap3A_2756, %swap3A_2757, %swap3A_2758, %swap3A_2759] {strides = array<i32>} : memref<2x21x8x128xf32, #tpu.memory_space<vmem>>, vector<16xf32>,
        tpu.vector_store %arg5[%swap3A_2756, %swap3A_2757, %swap3A_2758, %swap3A_2759], %select_n3A_2754 {strides = array<i32>} : memref<2x21x8x128xf32, #tpu.memory_space<vmem>>, vector<16xf32>,
        %eq3A_2761 = arith.constant 12 : i32
        %eq3A_2762 = vector.broadcast %eq3A_2761 : i32 to vector<16xi32>
        %eq3A_2763 = arith.cmpi eq, %gather3A_1261, %eq3A_2762 : vector<16xi32>
        %eq3A_2764 = arith.constant 22 : i32
        %eq3A_2765 = vector.broadcast %eq3A_2764 : i32 to vector<16xi32>
        %eq3A_2766 = arith.cmpi eq, %gather3A_1261, %eq3A_2765 : vector<16xi32>
        %jit3A_2767 = arith.constant 5.000000e-01 : f32
        %jit3A_2768 = arith.constant 0.000000e+00 : f32
        %broadcast_in_dim3A_2769 = vector.broadcast %jit3A_2767 : f32 to vector<16xf32>
        %broadcast_in_dim3A_2770 = vector.broadcast %jit3A_2768 : f32 to vector<16xf32>
        %select_n3A_2771 = arith.select %eq3A_2766, %broadcast_in_dim3A_2769, %broadcast_in_dim3A_2770 : vector<16xi1>, vector<16xf32>
        %jit3A_2772 = arith.constant 1.000000e+00 : f32
        %broadcast_in_dim3A_2773 = vector.broadcast %jit3A_2772 : f32 to vector<16xf32>
        %select_n3A_2774 = arith.select %eq3A_2763, %broadcast_in_dim3A_2773, %select_n3A_2771 : vector<16xi1>, vector<16xf32>
        %swap3A_2775 = arith.constant 11 : i32
        %swap3A_2776 = arith.index_cast %rem3A_853 : i32 to index
        %swap3A_2777 = arith.index_cast %swap3A_2775 : i32 to index
        %swap3A_2778 = arith.index_cast %scan3A_1239 : i32 to index
        %swap3A_2779 = arith.constant 48 : index
        %swap3A_2780 = tpu.vector_load %arg5[%swap3A_2776, %swap3A_2777, %swap3A_2778, %swap3A_2779] {strides = array<i32>} : memref<2x21x8x128xf32, #tpu.memory_space<vmem>>, vector<16xf32>,
        tpu.vector_store %arg5[%swap3A_2776, %swap3A_2777, %swap3A_2778, %swap3A_2779], %select_n3A_2774 {strides = array<i32>} : memref<2x21x8x128xf32, #tpu.memory_space<vmem>>, vector<16xf32>,
        %eq3A_2781 = arith.constant 12 : i32
        %eq3A_2782 = vector.broadcast %eq3A_2781 : i32 to vector<16xi32>
        %eq3A_2783 = arith.cmpi eq, %gather3A_1266, %eq3A_2782 : vector<16xi32>
        %eq3A_2784 = arith.constant 22 : i32
        %eq3A_2785 = vector.broadcast %eq3A_2784 : i32 to vector<16xi32>
        %eq3A_2786 = arith.cmpi eq, %gather3A_1266, %eq3A_2785 : vector<16xi32>
        %jit3A_2787 = arith.constant 5.000000e-01 : f32
        %jit3A_2788 = arith.constant 0.000000e+00 : f32
        %broadcast_in_dim3A_2789 = vector.broadcast %jit3A_2787 : f32 to vector<16xf32>
        %broadcast_in_dim3A_2790 = vector.broadcast %jit3A_2788 : f32 to vector<16xf32>
        %select_n3A_2791 = arith.select %eq3A_2786, %broadcast_in_dim3A_2789, %broadcast_in_dim3A_2790 : vector<16xi1>, vector<16xf32>
        %jit3A_2792 = arith.constant 1.000000e+00 : f32
        %broadcast_in_dim3A_2793 = vector.broadcast %jit3A_2792 : f32 to vector<16xf32>
        %select_n3A_2794 = arith.select %eq3A_2783, %broadcast_in_dim3A_2793, %select_n3A_2791 : vector<16xi1>, vector<16xf32>
        %swap3A_2795 = arith.constant 11 : i32
        %swap3A_2796 = arith.index_cast %rem3A_853 : i32 to index
        %swap3A_2797 = arith.index_cast %swap3A_2795 : i32 to index
        %swap3A_2798 = arith.index_cast %scan3A_1239 : i32 to index
        %swap3A_2799 = arith.constant 64 : index
        %swap3A_2800 = tpu.vector_load %arg5[%swap3A_2796, %swap3A_2797, %swap3A_2798, %swap3A_2799] {strides = array<i32>} : memref<2x21x8x128xf32, #tpu.memory_space<vmem>>, vector<16xf32>,
        tpu.vector_store %arg5[%swap3A_2796, %swap3A_2797, %swap3A_2798, %swap3A_2799], %select_n3A_2794 {strides = array<i32>} : memref<2x21x8x128xf32, #tpu.memory_space<vmem>>, vector<16xf32>,
        %eq3A_2801 = arith.constant 12 : i32
        %eq3A_2802 = vector.broadcast %eq3A_2801 : i32 to vector<16xi32>
        %eq3A_2803 = arith.cmpi eq, %gather3A_1271, %eq3A_2802 : vector<16xi32>
        %eq3A_2804 = arith.constant 22 : i32
        %eq3A_2805 = vector.broadcast %eq3A_2804 : i32 to vector<16xi32>
        %eq3A_2806 = arith.cmpi eq, %gather3A_1271, %eq3A_2805 : vector<16xi32>
        %jit3A_2807 = arith.constant 5.000000e-01 : f32
        %jit3A_2808 = arith.constant 0.000000e+00 : f32
        %broadcast_in_dim3A_2809 = vector.broadcast %jit3A_2807 : f32 to vector<16xf32>
        %broadcast_in_dim3A_2810 = vector.broadcast %jit3A_2808 : f32 to vector<16xf32>
        %select_n3A_2811 = arith.select %eq3A_2806, %broadcast_in_dim3A_2809, %broadcast_in_dim3A_2810 : vector<16xi1>, vector<16xf32>
        %jit3A_2812 = arith.constant 1.000000e+00 : f32
        %broadcast_in_dim3A_2813 = vector.broadcast %jit3A_2812 : f32 to vector<16xf32>
        %select_n3A_2814 = arith.select %eq3A_2803, %broadcast_in_dim3A_2813, %select_n3A_2811 : vector<16xi1>, vector<16xf32>
        %swap3A_2815 = arith.constant 11 : i32
        %swap3A_2816 = arith.index_cast %rem3A_853 : i32 to index
        %swap3A_2817 = arith.index_cast %swap3A_2815 : i32 to index
        %swap3A_2818 = arith.index_cast %scan3A_1239 : i32 to index
        %swap3A_2819 = arith.constant 80 : index
        %swap3A_2820 = tpu.vector_load %arg5[%swap3A_2816, %swap3A_2817, %swap3A_2818, %swap3A_2819] {strides = array<i32>} : memref<2x21x8x128xf32, #tpu.memory_space<vmem>>, vector<16xf32>,
        tpu.vector_store %arg5[%swap3A_2816, %swap3A_2817, %swap3A_2818, %swap3A_2819], %select_n3A_2814 {strides = array<i32>} : memref<2x21x8x128xf32, #tpu.memory_space<vmem>>, vector<16xf32>,
        %eq3A_2821 = arith.constant 12 : i32
        %eq3A_2822 = vector.broadcast %eq3A_2821 : i32 to vector<16xi32>
        %eq3A_2823 = arith.cmpi eq, %gather3A_1276, %eq3A_2822 : vector<16xi32>
        %eq3A_2824 = arith.constant 22 : i32
        %eq3A_2825 = vector.broadcast %eq3A_2824 : i32 to vector<16xi32>
        %eq3A_2826 = arith.cmpi eq, %gather3A_1276, %eq3A_2825 : vector<16xi32>
        %jit3A_2827 = arith.constant 5.000000e-01 : f32
        %jit3A_2828 = arith.constant 0.000000e+00 : f32
        %broadcast_in_dim3A_2829 = vector.broadcast %jit3A_2827 : f32 to vector<16xf32>
        %broadcast_in_dim3A_2830 = vector.broadcast %jit3A_2828 : f32 to vector<16xf32>
        %select_n3A_2831 = arith.select %eq3A_2826, %broadcast_in_dim3A_2829, %broadcast_in_dim3A_2830 : vector<16xi1>, vector<16xf32>
        %jit3A_2832 = arith.constant 1.000000e+00 : f32
        %broadcast_in_dim3A_2833 = vector.broadcast %jit3A_2832 : f32 to vector<16xf32>
        %select_n3A_2834 = arith.select %eq3A_2823, %broadcast_in_dim3A_2833, %select_n3A_2831 : vector<16xi1>, vector<16xf32>
        %swap3A_2835 = arith.constant 11 : i32
        %swap3A_2836 = arith.index_cast %rem3A_853 : i32 to index
        %swap3A_2837 = arith.index_cast %swap3A_2835 : i32 to index
        %swap3A_2838 = arith.index_cast %scan3A_1239 : i32 to index
        %swap3A_2839 = arith.constant 96 : index
        %swap3A_2840 = tpu.vector_load %arg5[%swap3A_2836, %swap3A_2837, %swap3A_2838, %swap3A_2839] {strides = array<i32>} : memref<2x21x8x128xf32, #tpu.memory_space<vmem>>, vector<16xf32>,
        tpu.vector_store %arg5[%swap3A_2836, %swap3A_2837, %swap3A_2838, %swap3A_2839], %select_n3A_2834 {strides = array<i32>} : memref<2x21x8x128xf32, #tpu.memory_space<vmem>>, vector<16xf32>,
        %eq3A_2841 = arith.constant 12 : i32
        %eq3A_2842 = vector.broadcast %eq3A_2841 : i32 to vector<16xi32>
        %eq3A_2843 = arith.cmpi eq, %gather3A_1281, %eq3A_2842 : vector<16xi32>
        %eq3A_2844 = arith.constant 22 : i32
        %eq3A_2845 = vector.broadcast %eq3A_2844 : i32 to vector<16xi32>
        %eq3A_2846 = arith.cmpi eq, %gather3A_1281, %eq3A_2845 : vector<16xi32>
        %jit3A_2847 = arith.constant 5.000000e-01 : f32
        %jit3A_2848 = arith.constant 0.000000e+00 : f32
        %broadcast_in_dim3A_2849 = vector.broadcast %jit3A_2847 : f32 to vector<16xf32>
        %broadcast_in_dim3A_2850 = vector.broadcast %jit3A_2848 : f32 to vector<16xf32>
        %select_n3A_2851 = arith.select %eq3A_2846, %broadcast_in_dim3A_2849, %broadcast_in_dim3A_2850 : vector<16xi1>, vector<16xf32>
        %jit3A_2852 = arith.constant 1.000000e+00 : f32
        %broadcast_in_dim3A_2853 = vector.broadcast %jit3A_2852 : f32 to vector<16xf32>
        %select_n3A_2854 = arith.select %eq3A_2843, %broadcast_in_dim3A_2853, %select_n3A_2851 : vector<16xi1>, vector<16xf32>
        %swap3A_2855 = arith.constant 11 : i32
        %swap3A_2856 = arith.index_cast %rem3A_853 : i32 to index
        %swap3A_2857 = arith.index_cast %swap3A_2855 : i32 to index
        %swap3A_2858 = arith.index_cast %scan3A_1239 : i32 to index
        %swap3A_2859 = arith.constant 112 : index
        %swap3A_2860 = tpu.vector_load %arg5[%swap3A_2856, %swap3A_2857, %swap3A_2858, %swap3A_2859] {strides = array<i32>} : memref<2x21x8x128xf32, #tpu.memory_space<vmem>>, vector<16xf32>,
        tpu.vector_store %arg5[%swap3A_2856, %swap3A_2857, %swap3A_2858, %swap3A_2859], %select_n3A_2854 {strides = array<i32>} : memref<2x21x8x128xf32, #tpu.memory_space<vmem>>, vector<16xf32>,
        %eq3A_2861 = arith.constant 13 : i32
        %eq3A_2862 = vector.broadcast %eq3A_2861 : i32 to vector<16xi32>
        %eq3A_2863 = arith.cmpi eq, %gather3A, %eq3A_2862 : vector<16xi32>
        %jit3A_2864 = arith.constant 1.000000e+00 : f32
        %jit3A_2865 = arith.constant 0.000000e+00 : f32
        %broadcast_in_dim3A_2866 = vector.broadcast %jit3A_2864 : f32 to vector<16xf32>
        %broadcast_in_dim3A_2867 = vector.broadcast %jit3A_2865 : f32 to vector<16xf32>
        %select_n3A_2868 = arith.select %eq3A_2863, %broadcast_in_dim3A_2866, %broadcast_in_dim3A_2867 : vector<16xi1>, vector<16xf32>
        %swap3A_2869 = arith.constant 12 : i32
        %swap3A_2870 = arith.index_cast %rem3A_853 : i32 to index
        %swap3A_2871 = arith.index_cast %swap3A_2869 : i32 to index
        %swap3A_2872 = arith.index_cast %scan3A_1239 : i32 to index
        %swap3A_2873 = arith.constant 0 : index
        %swap3A_2874 = tpu.vector_load %arg5[%swap3A_2870, %swap3A_2871, %swap3A_2872, %swap3A_2873] {strides = array<i32>} : memref<2x21x8x128xf32, #tpu.memory_space<vmem>>, vector<16xf32>,
        tpu.vector_store %arg5[%swap3A_2870, %swap3A_2871, %swap3A_2872, %swap3A_2873], %select_n3A_2868 {strides = array<i32>} : memref<2x21x8x128xf32, #tpu.memory_space<vmem>>, vector<16xf32>,
        %eq3A_2875 = arith.constant 13 : i32
        %eq3A_2876 = vector.broadcast %eq3A_2875 : i32 to vector<16xi32>
        %eq3A_2877 = arith.cmpi eq, %gather3A_1251, %eq3A_2876 : vector<16xi32>
        %jit3A_2878 = arith.constant 1.000000e+00 : f32
        %jit3A_2879 = arith.constant 0.000000e+00 : f32
        %broadcast_in_dim3A_2880 = vector.broadcast %jit3A_2878 : f32 to vector<16xf32>
        %broadcast_in_dim3A_2881 = vector.broadcast %jit3A_2879 : f32 to vector<16xf32>
        %select_n3A_2882 = arith.select %eq3A_2877, %broadcast_in_dim3A_2880, %broadcast_in_dim3A_2881 : vector<16xi1>, vector<16xf32>
        %swap3A_2883 = arith.constant 12 : i32
        %swap3A_2884 = arith.index_cast %rem3A_853 : i32 to index
        %swap3A_2885 = arith.index_cast %swap3A_2883 : i32 to index
        %swap3A_2886 = arith.index_cast %scan3A_1239 : i32 to index
        %swap3A_2887 = arith.constant 16 : index
        %swap3A_2888 = tpu.vector_load %arg5[%swap3A_2884, %swap3A_2885, %swap3A_2886, %swap3A_2887] {strides = array<i32>} : memref<2x21x8x128xf32, #tpu.memory_space<vmem>>, vector<16xf32>,
        tpu.vector_store %arg5[%swap3A_2884, %swap3A_2885, %swap3A_2886, %swap3A_2887], %select_n3A_2882 {strides = array<i32>} : memref<2x21x8x128xf32, #tpu.memory_space<vmem>>, vector<16xf32>,
        %eq3A_2889 = arith.constant 13 : i32
        %eq3A_2890 = vector.broadcast %eq3A_2889 : i32 to vector<16xi32>
        %eq3A_2891 = arith.cmpi eq, %gather3A_1256, %eq3A_2890 : vector<16xi32>
        %jit3A_2892 = arith.constant 1.000000e+00 : f32
        %jit3A_2893 = arith.constant 0.000000e+00 : f32
        %broadcast_in_dim3A_2894 = vector.broadcast %jit3A_2892 : f32 to vector<16xf32>
        %broadcast_in_dim3A_2895 = vector.broadcast %jit3A_2893 : f32 to vector<16xf32>
        %select_n3A_2896 = arith.select %eq3A_2891, %broadcast_in_dim3A_2894, %broadcast_in_dim3A_2895 : vector<16xi1>, vector<16xf32>
        %swap3A_2897 = arith.constant 12 : i32
        %swap3A_2898 = arith.index_cast %rem3A_853 : i32 to index
        %swap3A_2899 = arith.index_cast %swap3A_2897 : i32 to index
        %swap3A_2900 = arith.index_cast %scan3A_1239 : i32 to index
        %swap3A_2901 = arith.constant 32 : index
        %swap3A_2902 = tpu.vector_load %arg5[%swap3A_2898, %swap3A_2899, %swap3A_2900, %swap3A_2901] {strides = array<i32>} : memref<2x21x8x128xf32, #tpu.memory_space<vmem>>, vector<16xf32>,
        tpu.vector_store %arg5[%swap3A_2898, %swap3A_2899, %swap3A_2900, %swap3A_2901], %select_n3A_2896 {strides = array<i32>} : memref<2x21x8x128xf32, #tpu.memory_space<vmem>>, vector<16xf32>,
        %eq3A_2903 = arith.constant 13 : i32
        %eq3A_2904 = vector.broadcast %eq3A_2903 : i32 to vector<16xi32>
        %eq3A_2905 = arith.cmpi eq, %gather3A_1261, %eq3A_2904 : vector<16xi32>
        %jit3A_2906 = arith.constant 1.000000e+00 : f32
        %jit3A_2907 = arith.constant 0.000000e+00 : f32
        %broadcast_in_dim3A_2908 = vector.broadcast %jit3A_2906 : f32 to vector<16xf32>
        %broadcast_in_dim3A_2909 = vector.broadcast %jit3A_2907 : f32 to vector<16xf32>
        %select_n3A_2910 = arith.select %eq3A_2905, %broadcast_in_dim3A_2908, %broadcast_in_dim3A_2909 : vector<16xi1>, vector<16xf32>
        %swap3A_2911 = arith.constant 12 : i32
        %swap3A_2912 = arith.index_cast %rem3A_853 : i32 to index
        %swap3A_2913 = arith.index_cast %swap3A_2911 : i32 to index
        %swap3A_2914 = arith.index_cast %scan3A_1239 : i32 to index
        %swap3A_2915 = arith.constant 48 : index
        %swap3A_2916 = tpu.vector_load %arg5[%swap3A_2912, %swap3A_2913, %swap3A_2914, %swap3A_2915] {strides = array<i32>} : memref<2x21x8x128xf32, #tpu.memory_space<vmem>>, vector<16xf32>,
        tpu.vector_store %arg5[%swap3A_2912, %swap3A_2913, %swap3A_2914, %swap3A_2915], %select_n3A_2910 {strides = array<i32>} : memref<2x21x8x128xf32, #tpu.memory_space<vmem>>, vector<16xf32>,
        %eq3A_2917 = arith.constant 13 : i32
        %eq3A_2918 = vector.broadcast %eq3A_2917 : i32 to vector<16xi32>
        %eq3A_2919 = arith.cmpi eq, %gather3A_1266, %eq3A_2918 : vector<16xi32>
        %jit3A_2920 = arith.constant 1.000000e+00 : f32
        %jit3A_2921 = arith.constant 0.000000e+00 : f32
        %broadcast_in_dim3A_2922 = vector.broadcast %jit3A_2920 : f32 to vector<16xf32>
        %broadcast_in_dim3A_2923 = vector.broadcast %jit3A_2921 : f32 to vector<16xf32>
        %select_n3A_2924 = arith.select %eq3A_2919, %broadcast_in_dim3A_2922, %broadcast_in_dim3A_2923 : vector<16xi1>, vector<16xf32>
        %swap3A_2925 = arith.constant 12 : i32
        %swap3A_2926 = arith.index_cast %rem3A_853 : i32 to index
        %swap3A_2927 = arith.index_cast %swap3A_2925 : i32 to index
        %swap3A_2928 = arith.index_cast %scan3A_1239 : i32 to index
        %swap3A_2929 = arith.constant 64 : index
        %swap3A_2930 = tpu.vector_load %arg5[%swap3A_2926, %swap3A_2927, %swap3A_2928, %swap3A_2929] {strides = array<i32>} : memref<2x21x8x128xf32, #tpu.memory_space<vmem>>, vector<16xf32>,
        tpu.vector_store %arg5[%swap3A_2926, %swap3A_2927, %swap3A_2928, %swap3A_2929], %select_n3A_2924 {strides = array<i32>} : memref<2x21x8x128xf32, #tpu.memory_space<vmem>>, vector<16xf32>,
        %eq3A_2931 = arith.constant 13 : i32
        %eq3A_2932 = vector.broadcast %eq3A_2931 : i32 to vector<16xi32>
        %eq3A_2933 = arith.cmpi eq, %gather3A_1271, %eq3A_2932 : vector<16xi32>
        %jit3A_2934 = arith.constant 1.000000e+00 : f32
        %jit3A_2935 = arith.constant 0.000000e+00 : f32
        %broadcast_in_dim3A_2936 = vector.broadcast %jit3A_2934 : f32 to vector<16xf32>
        %broadcast_in_dim3A_2937 = vector.broadcast %jit3A_2935 : f32 to vector<16xf32>
        %select_n3A_2938 = arith.select %eq3A_2933, %broadcast_in_dim3A_2936, %broadcast_in_dim3A_2937 : vector<16xi1>, vector<16xf32>
        %swap3A_2939 = arith.constant 12 : i32
        %swap3A_2940 = arith.index_cast %rem3A_853 : i32 to index
        %swap3A_2941 = arith.index_cast %swap3A_2939 : i32 to index
        %swap3A_2942 = arith.index_cast %scan3A_1239 : i32 to index
        %swap3A_2943 = arith.constant 80 : index
        %swap3A_2944 = tpu.vector_load %arg5[%swap3A_2940, %swap3A_2941, %swap3A_2942, %swap3A_2943] {strides = array<i32>} : memref<2x21x8x128xf32, #tpu.memory_space<vmem>>, vector<16xf32>,
        tpu.vector_store %arg5[%swap3A_2940, %swap3A_2941, %swap3A_2942, %swap3A_2943], %select_n3A_2938 {strides = array<i32>} : memref<2x21x8x128xf32, #tpu.memory_space<vmem>>, vector<16xf32>,
        %eq3A_2945 = arith.constant 13 : i32
        %eq3A_2946 = vector.broadcast %eq3A_2945 : i32 to vector<16xi32>
        %eq3A_2947 = arith.cmpi eq, %gather3A_1276, %eq3A_2946 : vector<16xi32>
        %jit3A_2948 = arith.constant 1.000000e+00 : f32
        %jit3A_2949 = arith.constant 0.000000e+00 : f32
        %broadcast_in_dim3A_2950 = vector.broadcast %jit3A_2948 : f32 to vector<16xf32>
        %broadcast_in_dim3A_2951 = vector.broadcast %jit3A_2949 : f32 to vector<16xf32>
        %select_n3A_2952 = arith.select %eq3A_2947, %broadcast_in_dim3A_2950, %broadcast_in_dim3A_2951 : vector<16xi1>, vector<16xf32>
        %swap3A_2953 = arith.constant 12 : i32
        %swap3A_2954 = arith.index_cast %rem3A_853 : i32 to index
        %swap3A_2955 = arith.index_cast %swap3A_2953 : i32 to index
        %swap3A_2956 = arith.index_cast %scan3A_1239 : i32 to index
        %swap3A_2957 = arith.constant 96 : index
        %swap3A_2958 = tpu.vector_load %arg5[%swap3A_2954, %swap3A_2955, %swap3A_2956, %swap3A_2957] {strides = array<i32>} : memref<2x21x8x128xf32, #tpu.memory_space<vmem>>, vector<16xf32>,
        tpu.vector_store %arg5[%swap3A_2954, %swap3A_2955, %swap3A_2956, %swap3A_2957], %select_n3A_2952 {strides = array<i32>} : memref<2x21x8x128xf32, #tpu.memory_space<vmem>>, vector<16xf32>,
        %eq3A_2959 = arith.constant 13 : i32
        %eq3A_2960 = vector.broadcast %eq3A_2959 : i32 to vector<16xi32>
        %eq3A_2961 = arith.cmpi eq, %gather3A_1281, %eq3A_2960 : vector<16xi32>
        %jit3A_2962 = arith.constant 1.000000e+00 : f32
        %jit3A_2963 = arith.constant 0.000000e+00 : f32
        %broadcast_in_dim3A_2964 = vector.broadcast %jit3A_2962 : f32 to vector<16xf32>
        %broadcast_in_dim3A_2965 = vector.broadcast %jit3A_2963 : f32 to vector<16xf32>
        %select_n3A_2966 = arith.select %eq3A_2961, %broadcast_in_dim3A_2964, %broadcast_in_dim3A_2965 : vector<16xi1>, vector<16xf32>
        %swap3A_2967 = arith.constant 12 : i32
        %swap3A_2968 = arith.index_cast %rem3A_853 : i32 to index
        %swap3A_2969 = arith.index_cast %swap3A_2967 : i32 to index
        %swap3A_2970 = arith.index_cast %scan3A_1239 : i32 to index
        %swap3A_2971 = arith.constant 112 : index
        %swap3A_2972 = tpu.vector_load %arg5[%swap3A_2968, %swap3A_2969, %swap3A_2970, %swap3A_2971] {strides = array<i32>} : memref<2x21x8x128xf32, #tpu.memory_space<vmem>>, vector<16xf32>,
        tpu.vector_store %arg5[%swap3A_2968, %swap3A_2969, %swap3A_2970, %swap3A_2971], %select_n3A_2966 {strides = array<i32>} : memref<2x21x8x128xf32, #tpu.memory_space<vmem>>, vector<16xf32>,
        %eq3A_2973 = arith.constant 14 : i32
        %eq3A_2974 = vector.broadcast %eq3A_2973 : i32 to vector<16xi32>
        %eq3A_2975 = arith.cmpi eq, %gather3A, %eq3A_2974 : vector<16xi32>
        %eq3A_2976 = arith.constant 23 : i32
        %eq3A_2977 = vector.broadcast %eq3A_2976 : i32 to vector<16xi32>
        %eq3A_2978 = arith.cmpi eq, %gather3A, %eq3A_2977 : vector<16xi32>
        %jit3A_2979 = arith.constant 5.000000e-01 : f32
        %jit3A_2980 = arith.constant 0.000000e+00 : f32
        %broadcast_in_dim3A_2981 = vector.broadcast %jit3A_2979 : f32 to vector<16xf32>
        %broadcast_in_dim3A_2982 = vector.broadcast %jit3A_2980 : f32 to vector<16xf32>
        %select_n3A_2983 = arith.select %eq3A_2978, %broadcast_in_dim3A_2981, %broadcast_in_dim3A_2982 : vector<16xi1>, vector<16xf32>
        %jit3A_2984 = arith.constant 1.000000e+00 : f32
        %broadcast_in_dim3A_2985 = vector.broadcast %jit3A_2984 : f32 to vector<16xf32>
        %select_n3A_2986 = arith.select %eq3A_2975, %broadcast_in_dim3A_2985, %select_n3A_2983 : vector<16xi1>, vector<16xf32>
        %swap3A_2987 = arith.constant 13 : i32
        %swap3A_2988 = arith.index_cast %rem3A_853 : i32 to index
        %swap3A_2989 = arith.index_cast %swap3A_2987 : i32 to index
        %swap3A_2990 = arith.index_cast %scan3A_1239 : i32 to index
        %swap3A_2991 = arith.constant 0 : index
        %swap3A_2992 = tpu.vector_load %arg5[%swap3A_2988, %swap3A_2989, %swap3A_2990, %swap3A_2991] {strides = array<i32>} : memref<2x21x8x128xf32, #tpu.memory_space<vmem>>, vector<16xf32>,
        tpu.vector_store %arg5[%swap3A_2988, %swap3A_2989, %swap3A_2990, %swap3A_2991], %select_n3A_2986 {strides = array<i32>} : memref<2x21x8x128xf32, #tpu.memory_space<vmem>>, vector<16xf32>,
        %eq3A_2993 = arith.constant 14 : i32
        %eq3A_2994 = vector.broadcast %eq3A_2993 : i32 to vector<16xi32>
        %eq3A_2995 = arith.cmpi eq, %gather3A_1251, %eq3A_2994 : vector<16xi32>
        %eq3A_2996 = arith.constant 23 : i32
        %eq3A_2997 = vector.broadcast %eq3A_2996 : i32 to vector<16xi32>
        %eq3A_2998 = arith.cmpi eq, %gather3A_1251, %eq3A_2997 : vector<16xi32>
        %jit3A_2999 = arith.constant 5.000000e-01 : f32
        %jit3A_3000 = arith.constant 0.000000e+00 : f32
        %broadcast_in_dim3A_3001 = vector.broadcast %jit3A_2999 : f32 to vector<16xf32>
        %broadcast_in_dim3A_3002 = vector.broadcast %jit3A_3000 : f32 to vector<16xf32>
        %select_n3A_3003 = arith.select %eq3A_2998, %broadcast_in_dim3A_3001, %broadcast_in_dim3A_3002 : vector<16xi1>, vector<16xf32>
        %jit3A_3004 = arith.constant 1.000000e+00 : f32
        %broadcast_in_dim3A_3005 = vector.broadcast %jit3A_3004 : f32 to vector<16xf32>
        %select_n3A_3006 = arith.select %eq3A_2995, %broadcast_in_dim3A_3005, %select_n3A_3003 : vector<16xi1>, vector<16xf32>
        %swap3A_3007 = arith.constant 13 : i32
        %swap3A_3008 = arith.index_cast %rem3A_853 : i32 to index
        %swap3A_3009 = arith.index_cast %swap3A_3007 : i32 to index
        %swap3A_3010 = arith.index_cast %scan3A_1239 : i32 to index
        %swap3A_3011 = arith.constant 16 : index
        %swap3A_3012 = tpu.vector_load %arg5[%swap3A_3008, %swap3A_3009, %swap3A_3010, %swap3A_3011] {strides = array<i32>} : memref<2x21x8x128xf32, #tpu.memory_space<vmem>>, vector<16xf32>,
        tpu.vector_store %arg5[%swap3A_3008, %swap3A_3009, %swap3A_3010, %swap3A_3011], %select_n3A_3006 {strides = array<i32>} : memref<2x21x8x128xf32, #tpu.memory_space<vmem>>, vector<16xf32>,
        %eq3A_3013 = arith.constant 14 : i32
        %eq3A_3014 = vector.broadcast %eq3A_3013 : i32 to vector<16xi32>
        %eq3A_3015 = arith.cmpi eq, %gather3A_1256, %eq3A_3014 : vector<16xi32>
        %eq3A_3016 = arith.constant 23 : i32
        %eq3A_3017 = vector.broadcast %eq3A_3016 : i32 to vector<16xi32>
        %eq3A_3018 = arith.cmpi eq, %gather3A_1256, %eq3A_3017 : vector<16xi32>
        %jit3A_3019 = arith.constant 5.000000e-01 : f32
        %jit3A_3020 = arith.constant 0.000000e+00 : f32
        %broadcast_in_dim3A_3021 = vector.broadcast %jit3A_3019 : f32 to vector<16xf32>
        %broadcast_in_dim3A_3022 = vector.broadcast %jit3A_3020 : f32 to vector<16xf32>
        %select_n3A_3023 = arith.select %eq3A_3018, %broadcast_in_dim3A_3021, %broadcast_in_dim3A_3022 : vector<16xi1>, vector<16xf32>
        %jit3A_3024 = arith.constant 1.000000e+00 : f32
        %broadcast_in_dim3A_3025 = vector.broadcast %jit3A_3024 : f32 to vector<16xf32>
        %select_n3A_3026 = arith.select %eq3A_3015, %broadcast_in_dim3A_3025, %select_n3A_3023 : vector<16xi1>, vector<16xf32>
        %swap3A_3027 = arith.constant 13 : i32
        %swap3A_3028 = arith.index_cast %rem3A_853 : i32 to index
        %swap3A_3029 = arith.index_cast %swap3A_3027 : i32 to index
        %swap3A_3030 = arith.index_cast %scan3A_1239 : i32 to index
        %swap3A_3031 = arith.constant 32 : index
        %swap3A_3032 = tpu.vector_load %arg5[%swap3A_3028, %swap3A_3029, %swap3A_3030, %swap3A_3031] {strides = array<i32>} : memref<2x21x8x128xf32, #tpu.memory_space<vmem>>, vector<16xf32>,
        tpu.vector_store %arg5[%swap3A_3028, %swap3A_3029, %swap3A_3030, %swap3A_3031], %select_n3A_3026 {strides = array<i32>} : memref<2x21x8x128xf32, #tpu.memory_space<vmem>>, vector<16xf32>,
        %eq3A_3033 = arith.constant 14 : i32
        %eq3A_3034 = vector.broadcast %eq3A_3033 : i32 to vector<16xi32>
        %eq3A_3035 = arith.cmpi eq, %gather3A_1261, %eq3A_3034 : vector<16xi32>
        %eq3A_3036 = arith.constant 23 : i32
        %eq3A_3037 = vector.broadcast %eq3A_3036 : i32 to vector<16xi32>
        %eq3A_3038 = arith.cmpi eq, %gather3A_1261, %eq3A_3037 : vector<16xi32>
        %jit3A_3039 = arith.constant 5.000000e-01 : f32
        %jit3A_3040 = arith.constant 0.000000e+00 : f32
        %broadcast_in_dim3A_3041 = vector.broadcast %jit3A_3039 : f32 to vector<16xf32>
        %broadcast_in_dim3A_3042 = vector.broadcast %jit3A_3040 : f32 to vector<16xf32>
        %select_n3A_3043 = arith.select %eq3A_3038, %broadcast_in_dim3A_3041, %broadcast_in_dim3A_3042 : vector<16xi1>, vector<16xf32>
        %jit3A_3044 = arith.constant 1.000000e+00 : f32
        %broadcast_in_dim3A_3045 = vector.broadcast %jit3A_3044 : f32 to vector<16xf32>
        %select_n3A_3046 = arith.select %eq3A_3035, %broadcast_in_dim3A_3045, %select_n3A_3043 : vector<16xi1>, vector<16xf32>
        %swap3A_3047 = arith.constant 13 : i32
        %swap3A_3048 = arith.index_cast %rem3A_853 : i32 to index
        %swap3A_3049 = arith.index_cast %swap3A_3047 : i32 to index
        %swap3A_3050 = arith.index_cast %scan3A_1239 : i32 to index
        %swap3A_3051 = arith.constant 48 : index
        %swap3A_3052 = tpu.vector_load %arg5[%swap3A_3048, %swap3A_3049, %swap3A_3050, %swap3A_3051] {strides = array<i32>} : memref<2x21x8x128xf32, #tpu.memory_space<vmem>>, vector<16xf32>,
        tpu.vector_store %arg5[%swap3A_3048, %swap3A_3049, %swap3A_3050, %swap3A_3051], %select_n3A_3046 {strides = array<i32>} : memref<2x21x8x128xf32, #tpu.memory_space<vmem>>, vector<16xf32>,
        %eq3A_3053 = arith.constant 14 : i32
        %eq3A_3054 = vector.broadcast %eq3A_3053 : i32 to vector<16xi32>
        %eq3A_3055 = arith.cmpi eq, %gather3A_1266, %eq3A_3054 : vector<16xi32>
        %eq3A_3056 = arith.constant 23 : i32
        %eq3A_3057 = vector.broadcast %eq3A_3056 : i32 to vector<16xi32>
        %eq3A_3058 = arith.cmpi eq, %gather3A_1266, %eq3A_3057 : vector<16xi32>
        %jit3A_3059 = arith.constant 5.000000e-01 : f32
        %jit3A_3060 = arith.constant 0.000000e+00 : f32
        %broadcast_in_dim3A_3061 = vector.broadcast %jit3A_3059 : f32 to vector<16xf32>
        %broadcast_in_dim3A_3062 = vector.broadcast %jit3A_3060 : f32 to vector<16xf32>
        %select_n3A_3063 = arith.select %eq3A_3058, %broadcast_in_dim3A_3061, %broadcast_in_dim3A_3062 : vector<16xi1>, vector<16xf32>
        %jit3A_3064 = arith.constant 1.000000e+00 : f32
        %broadcast_in_dim3A_3065 = vector.broadcast %jit3A_3064 : f32 to vector<16xf32>
        %select_n3A_3066 = arith.select %eq3A_3055, %broadcast_in_dim3A_3065, %select_n3A_3063 : vector<16xi1>, vector<16xf32>
        %swap3A_3067 = arith.constant 13 : i32
        %swap3A_3068 = arith.index_cast %rem3A_853 : i32 to index
        %swap3A_3069 = arith.index_cast %swap3A_3067 : i32 to index
        %swap3A_3070 = arith.index_cast %scan3A_1239 : i32 to index
        %swap3A_3071 = arith.constant 64 : index
        %swap3A_3072 = tpu.vector_load %arg5[%swap3A_3068, %swap3A_3069, %swap3A_3070, %swap3A_3071] {strides = array<i32>} : memref<2x21x8x128xf32, #tpu.memory_space<vmem>>, vector<16xf32>,
        tpu.vector_store %arg5[%swap3A_3068, %swap3A_3069, %swap3A_3070, %swap3A_3071], %select_n3A_3066 {strides = array<i32>} : memref<2x21x8x128xf32, #tpu.memory_space<vmem>>, vector<16xf32>,
        %eq3A_3073 = arith.constant 14 : i32
        %eq3A_3074 = vector.broadcast %eq3A_3073 : i32 to vector<16xi32>
        %eq3A_3075 = arith.cmpi eq, %gather3A_1271, %eq3A_3074 : vector<16xi32>
        %eq3A_3076 = arith.constant 23 : i32
        %eq3A_3077 = vector.broadcast %eq3A_3076 : i32 to vector<16xi32>
        %eq3A_3078 = arith.cmpi eq, %gather3A_1271, %eq3A_3077 : vector<16xi32>
        %jit3A_3079 = arith.constant 5.000000e-01 : f32
        %jit3A_3080 = arith.constant 0.000000e+00 : f32
        %broadcast_in_dim3A_3081 = vector.broadcast %jit3A_3079 : f32 to vector<16xf32>
        %broadcast_in_dim3A_3082 = vector.broadcast %jit3A_3080 : f32 to vector<16xf32>
        %select_n3A_3083 = arith.select %eq3A_3078, %broadcast_in_dim3A_3081, %broadcast_in_dim3A_3082 : vector<16xi1>, vector<16xf32>
        %jit3A_3084 = arith.constant 1.000000e+00 : f32
        %broadcast_in_dim3A_3085 = vector.broadcast %jit3A_3084 : f32 to vector<16xf32>
        %select_n3A_3086 = arith.select %eq3A_3075, %broadcast_in_dim3A_3085, %select_n3A_3083 : vector<16xi1>, vector<16xf32>
        %swap3A_3087 = arith.constant 13 : i32
        %swap3A_3088 = arith.index_cast %rem3A_853 : i32 to index
        %swap3A_3089 = arith.index_cast %swap3A_3087 : i32 to index
        %swap3A_3090 = arith.index_cast %scan3A_1239 : i32 to index
        %swap3A_3091 = arith.constant 80 : index
        %swap3A_3092 = tpu.vector_load %arg5[%swap3A_3088, %swap3A_3089, %swap3A_3090, %swap3A_3091] {strides = array<i32>} : memref<2x21x8x128xf32, #tpu.memory_space<vmem>>, vector<16xf32>,
        tpu.vector_store %arg5[%swap3A_3088, %swap3A_3089, %swap3A_3090, %swap3A_3091], %select_n3A_3086 {strides = array<i32>} : memref<2x21x8x128xf32, #tpu.memory_space<vmem>>, vector<16xf32>,
        %eq3A_3093 = arith.constant 14 : i32
        %eq3A_3094 = vector.broadcast %eq3A_3093 : i32 to vector<16xi32>
        %eq3A_3095 = arith.cmpi eq, %gather3A_1276, %eq3A_3094 : vector<16xi32>
        %eq3A_3096 = arith.constant 23 : i32
        %eq3A_3097 = vector.broadcast %eq3A_3096 : i32 to vector<16xi32>
        %eq3A_3098 = arith.cmpi eq, %gather3A_1276, %eq3A_3097 : vector<16xi32>
        %jit3A_3099 = arith.constant 5.000000e-01 : f32
        %jit3A_3100 = arith.constant 0.000000e+00 : f32
        %broadcast_in_dim3A_3101 = vector.broadcast %jit3A_3099 : f32 to vector<16xf32>
        %broadcast_in_dim3A_3102 = vector.broadcast %jit3A_3100 : f32 to vector<16xf32>
        %select_n3A_3103 = arith.select %eq3A_3098, %broadcast_in_dim3A_3101, %broadcast_in_dim3A_3102 : vector<16xi1>, vector<16xf32>
        %jit3A_3104 = arith.constant 1.000000e+00 : f32
        %broadcast_in_dim3A_3105 = vector.broadcast %jit3A_3104 : f32 to vector<16xf32>
        %select_n3A_3106 = arith.select %eq3A_3095, %broadcast_in_dim3A_3105, %select_n3A_3103 : vector<16xi1>, vector<16xf32>
        %swap3A_3107 = arith.constant 13 : i32
        %swap3A_3108 = arith.index_cast %rem3A_853 : i32 to index
        %swap3A_3109 = arith.index_cast %swap3A_3107 : i32 to index
        %swap3A_3110 = arith.index_cast %scan3A_1239 : i32 to index
        %swap3A_3111 = arith.constant 96 : index
        %swap3A_3112 = tpu.vector_load %arg5[%swap3A_3108, %swap3A_3109, %swap3A_3110, %swap3A_3111] {strides = array<i32>} : memref<2x21x8x128xf32, #tpu.memory_space<vmem>>, vector<16xf32>,
        tpu.vector_store %arg5[%swap3A_3108, %swap3A_3109, %swap3A_3110, %swap3A_3111], %select_n3A_3106 {strides = array<i32>} : memref<2x21x8x128xf32, #tpu.memory_space<vmem>>, vector<16xf32>,
        %eq3A_3113 = arith.constant 14 : i32
        %eq3A_3114 = vector.broadcast %eq3A_3113 : i32 to vector<16xi32>
        %eq3A_3115 = arith.cmpi eq, %gather3A_1281, %eq3A_3114 : vector<16xi32>
        %eq3A_3116 = arith.constant 23 : i32
        %eq3A_3117 = vector.broadcast %eq3A_3116 : i32 to vector<16xi32>
        %eq3A_3118 = arith.cmpi eq, %gather3A_1281, %eq3A_3117 : vector<16xi32>
        %jit3A_3119 = arith.constant 5.000000e-01 : f32
        %jit3A_3120 = arith.constant 0.000000e+00 : f32
        %broadcast_in_dim3A_3121 = vector.broadcast %jit3A_3119 : f32 to vector<16xf32>
        %broadcast_in_dim3A_3122 = vector.broadcast %jit3A_3120 : f32 to vector<16xf32>
        %select_n3A_3123 = arith.select %eq3A_3118, %broadcast_in_dim3A_3121, %broadcast_in_dim3A_3122 : vector<16xi1>, vector<16xf32>
        %jit3A_3124 = arith.constant 1.000000e+00 : f32
        %broadcast_in_dim3A_3125 = vector.broadcast %jit3A_3124 : f32 to vector<16xf32>
        %select_n3A_3126 = arith.select %eq3A_3115, %broadcast_in_dim3A_3125, %select_n3A_3123 : vector<16xi1>, vector<16xf32>
        %swap3A_3127 = arith.constant 13 : i32
        %swap3A_3128 = arith.index_cast %rem3A_853 : i32 to index
        %swap3A_3129 = arith.index_cast %swap3A_3127 : i32 to index
        %swap3A_3130 = arith.index_cast %scan3A_1239 : i32 to index
        %swap3A_3131 = arith.constant 112 : index
        %swap3A_3132 = tpu.vector_load %arg5[%swap3A_3128, %swap3A_3129, %swap3A_3130, %swap3A_3131] {strides = array<i32>} : memref<2x21x8x128xf32, #tpu.memory_space<vmem>>, vector<16xf32>,
        tpu.vector_store %arg5[%swap3A_3128, %swap3A_3129, %swap3A_3130, %swap3A_3131], %select_n3A_3126 {strides = array<i32>} : memref<2x21x8x128xf32, #tpu.memory_space<vmem>>, vector<16xf32>,
        %eq3A_3133 = arith.constant 15 : i32
        %eq3A_3134 = vector.broadcast %eq3A_3133 : i32 to vector<16xi32>
        %eq3A_3135 = arith.cmpi eq, %gather3A, %eq3A_3134 : vector<16xi32>
        %jit3A_3136 = arith.constant 1.000000e+00 : f32
        %jit3A_3137 = arith.constant 0.000000e+00 : f32
        %broadcast_in_dim3A_3138 = vector.broadcast %jit3A_3136 : f32 to vector<16xf32>
        %broadcast_in_dim3A_3139 = vector.broadcast %jit3A_3137 : f32 to vector<16xf32>
        %select_n3A_3140 = arith.select %eq3A_3135, %broadcast_in_dim3A_3138, %broadcast_in_dim3A_3139 : vector<16xi1>, vector<16xf32>
        %swap3A_3141 = arith.constant 14 : i32
        %swap3A_3142 = arith.index_cast %rem3A_853 : i32 to index
        %swap3A_3143 = arith.index_cast %swap3A_3141 : i32 to index
        %swap3A_3144 = arith.index_cast %scan3A_1239 : i32 to index
        %swap3A_3145 = arith.constant 0 : index
        %swap3A_3146 = tpu.vector_load %arg5[%swap3A_3142, %swap3A_3143, %swap3A_3144, %swap3A_3145] {strides = array<i32>} : memref<2x21x8x128xf32, #tpu.memory_space<vmem>>, vector<16xf32>,
        tpu.vector_store %arg5[%swap3A_3142, %swap3A_3143, %swap3A_3144, %swap3A_3145], %select_n3A_3140 {strides = array<i32>} : memref<2x21x8x128xf32, #tpu.memory_space<vmem>>, vector<16xf32>,
        %eq3A_3147 = arith.constant 15 : i32
        %eq3A_3148 = vector.broadcast %eq3A_3147 : i32 to vector<16xi32>
        %eq3A_3149 = arith.cmpi eq, %gather3A_1251, %eq3A_3148 : vector<16xi32>
        %jit3A_3150 = arith.constant 1.000000e+00 : f32
        %jit3A_3151 = arith.constant 0.000000e+00 : f32
        %broadcast_in_dim3A_3152 = vector.broadcast %jit3A_3150 : f32 to vector<16xf32>
        %broadcast_in_dim3A_3153 = vector.broadcast %jit3A_3151 : f32 to vector<16xf32>
        %select_n3A_3154 = arith.select %eq3A_3149, %broadcast_in_dim3A_3152, %broadcast_in_dim3A_3153 : vector<16xi1>, vector<16xf32>
        %swap3A_3155 = arith.constant 14 : i32
        %swap3A_3156 = arith.index_cast %rem3A_853 : i32 to index
        %swap3A_3157 = arith.index_cast %swap3A_3155 : i32 to index
        %swap3A_3158 = arith.index_cast %scan3A_1239 : i32 to index
        %swap3A_3159 = arith.constant 16 : index
        %swap3A_3160 = tpu.vector_load %arg5[%swap3A_3156, %swap3A_3157, %swap3A_3158, %swap3A_3159] {strides = array<i32>} : memref<2x21x8x128xf32, #tpu.memory_space<vmem>>, vector<16xf32>,
        tpu.vector_store %arg5[%swap3A_3156, %swap3A_3157, %swap3A_3158, %swap3A_3159], %select_n3A_3154 {strides = array<i32>} : memref<2x21x8x128xf32, #tpu.memory_space<vmem>>, vector<16xf32>,
        %eq3A_3161 = arith.constant 15 : i32
        %eq3A_3162 = vector.broadcast %eq3A_3161 : i32 to vector<16xi32>
        %eq3A_3163 = arith.cmpi eq, %gather3A_1256, %eq3A_3162 : vector<16xi32>
        %jit3A_3164 = arith.constant 1.000000e+00 : f32
        %jit3A_3165 = arith.constant 0.000000e+00 : f32
        %broadcast_in_dim3A_3166 = vector.broadcast %jit3A_3164 : f32 to vector<16xf32>
        %broadcast_in_dim3A_3167 = vector.broadcast %jit3A_3165 : f32 to vector<16xf32>
        %select_n3A_3168 = arith.select %eq3A_3163, %broadcast_in_dim3A_3166, %broadcast_in_dim3A_3167 : vector<16xi1>, vector<16xf32>
        %swap3A_3169 = arith.constant 14 : i32
        %swap3A_3170 = arith.index_cast %rem3A_853 : i32 to index
        %swap3A_3171 = arith.index_cast %swap3A_3169 : i32 to index
        %swap3A_3172 = arith.index_cast %scan3A_1239 : i32 to index
        %swap3A_3173 = arith.constant 32 : index
        %swap3A_3174 = tpu.vector_load %arg5[%swap3A_3170, %swap3A_3171, %swap3A_3172, %swap3A_3173] {strides = array<i32>} : memref<2x21x8x128xf32, #tpu.memory_space<vmem>>, vector<16xf32>,
        tpu.vector_store %arg5[%swap3A_3170, %swap3A_3171, %swap3A_3172, %swap3A_3173], %select_n3A_3168 {strides = array<i32>} : memref<2x21x8x128xf32, #tpu.memory_space<vmem>>, vector<16xf32>,
        %eq3A_3175 = arith.constant 15 : i32
        %eq3A_3176 = vector.broadcast %eq3A_3175 : i32 to vector<16xi32>
        %eq3A_3177 = arith.cmpi eq, %gather3A_1261, %eq3A_3176 : vector<16xi32>
        %jit3A_3178 = arith.constant 1.000000e+00 : f32
        %jit3A_3179 = arith.constant 0.000000e+00 : f32
        %broadcast_in_dim3A_3180 = vector.broadcast %jit3A_3178 : f32 to vector<16xf32>
        %broadcast_in_dim3A_3181 = vector.broadcast %jit3A_3179 : f32 to vector<16xf32>
        %select_n3A_3182 = arith.select %eq3A_3177, %broadcast_in_dim3A_3180, %broadcast_in_dim3A_3181 : vector<16xi1>, vector<16xf32>
        %swap3A_3183 = arith.constant 14 : i32
        %swap3A_3184 = arith.index_cast %rem3A_853 : i32 to index
        %swap3A_3185 = arith.index_cast %swap3A_3183 : i32 to index
        %swap3A_3186 = arith.index_cast %scan3A_1239 : i32 to index
        %swap3A_3187 = arith.constant 48 : index
        %swap3A_3188 = tpu.vector_load %arg5[%swap3A_3184, %swap3A_3185, %swap3A_3186, %swap3A_3187] {strides = array<i32>} : memref<2x21x8x128xf32, #tpu.memory_space<vmem>>, vector<16xf32>,
        tpu.vector_store %arg5[%swap3A_3184, %swap3A_3185, %swap3A_3186, %swap3A_3187], %select_n3A_3182 {strides = array<i32>} : memref<2x21x8x128xf32, #tpu.memory_space<vmem>>, vector<16xf32>,
        %eq3A_3189 = arith.constant 15 : i32
        %eq3A_3190 = vector.broadcast %eq3A_3189 : i32 to vector<16xi32>
        %eq3A_3191 = arith.cmpi eq, %gather3A_1266, %eq3A_3190 : vector<16xi32>
        %jit3A_3192 = arith.constant 1.000000e+00 : f32
        %jit3A_3193 = arith.constant 0.000000e+00 : f32
        %broadcast_in_dim3A_3194 = vector.broadcast %jit3A_3192 : f32 to vector<16xf32>
        %broadcast_in_dim3A_3195 = vector.broadcast %jit3A_3193 : f32 to vector<16xf32>
        %select_n3A_3196 = arith.select %eq3A_3191, %broadcast_in_dim3A_3194, %broadcast_in_dim3A_3195 : vector<16xi1>, vector<16xf32>
        %swap3A_3197 = arith.constant 14 : i32
        %swap3A_3198 = arith.index_cast %rem3A_853 : i32 to index
        %swap3A_3199 = arith.index_cast %swap3A_3197 : i32 to index
        %swap3A_3200 = arith.index_cast %scan3A_1239 : i32 to index
        %swap3A_3201 = arith.constant 64 : index
        %swap3A_3202 = tpu.vector_load %arg5[%swap3A_3198, %swap3A_3199, %swap3A_3200, %swap3A_3201] {strides = array<i32>} : memref<2x21x8x128xf32, #tpu.memory_space<vmem>>, vector<16xf32>,
        tpu.vector_store %arg5[%swap3A_3198, %swap3A_3199, %swap3A_3200, %swap3A_3201], %select_n3A_3196 {strides = array<i32>} : memref<2x21x8x128xf32, #tpu.memory_space<vmem>>, vector<16xf32>,
        %eq3A_3203 = arith.constant 15 : i32
        %eq3A_3204 = vector.broadcast %eq3A_3203 : i32 to vector<16xi32>
        %eq3A_3205 = arith.cmpi eq, %gather3A_1271, %eq3A_3204 : vector<16xi32>
        %jit3A_3206 = arith.constant 1.000000e+00 : f32
        %jit3A_3207 = arith.constant 0.000000e+00 : f32
        %broadcast_in_dim3A_3208 = vector.broadcast %jit3A_3206 : f32 to vector<16xf32>
        %broadcast_in_dim3A_3209 = vector.broadcast %jit3A_3207 : f32 to vector<16xf32>
        %select_n3A_3210 = arith.select %eq3A_3205, %broadcast_in_dim3A_3208, %broadcast_in_dim3A_3209 : vector<16xi1>, vector<16xf32>
        %swap3A_3211 = arith.constant 14 : i32
        %swap3A_3212 = arith.index_cast %rem3A_853 : i32 to index
        %swap3A_3213 = arith.index_cast %swap3A_3211 : i32 to index
        %swap3A_3214 = arith.index_cast %scan3A_1239 : i32 to index
        %swap3A_3215 = arith.constant 80 : index
        %swap3A_3216 = tpu.vector_load %arg5[%swap3A_3212, %swap3A_3213, %swap3A_3214, %swap3A_3215] {strides = array<i32>} : memref<2x21x8x128xf32, #tpu.memory_space<vmem>>, vector<16xf32>,
        tpu.vector_store %arg5[%swap3A_3212, %swap3A_3213, %swap3A_3214, %swap3A_3215], %select_n3A_3210 {strides = array<i32>} : memref<2x21x8x128xf32, #tpu.memory_space<vmem>>, vector<16xf32>,
        %eq3A_3217 = arith.constant 15 : i32
        %eq3A_3218 = vector.broadcast %eq3A_3217 : i32 to vector<16xi32>
        %eq3A_3219 = arith.cmpi eq, %gather3A_1276, %eq3A_3218 : vector<16xi32>
        %jit3A_3220 = arith.constant 1.000000e+00 : f32
        %jit3A_3221 = arith.constant 0.000000e+00 : f32
        %broadcast_in_dim3A_3222 = vector.broadcast %jit3A_3220 : f32 to vector<16xf32>
        %broadcast_in_dim3A_3223 = vector.broadcast %jit3A_3221 : f32 to vector<16xf32>
        %select_n3A_3224 = arith.select %eq3A_3219, %broadcast_in_dim3A_3222, %broadcast_in_dim3A_3223 : vector<16xi1>, vector<16xf32>
        %swap3A_3225 = arith.constant 14 : i32
        %swap3A_3226 = arith.index_cast %rem3A_853 : i32 to index
        %swap3A_3227 = arith.index_cast %swap3A_3225 : i32 to index
        %swap3A_3228 = arith.index_cast %scan3A_1239 : i32 to index
        %swap3A_3229 = arith.constant 96 : index
        %swap3A_3230 = tpu.vector_load %arg5[%swap3A_3226, %swap3A_3227, %swap3A_3228, %swap3A_3229] {strides = array<i32>} : memref<2x21x8x128xf32, #tpu.memory_space<vmem>>, vector<16xf32>,
        tpu.vector_store %arg5[%swap3A_3226, %swap3A_3227, %swap3A_3228, %swap3A_3229], %select_n3A_3224 {strides = array<i32>} : memref<2x21x8x128xf32, #tpu.memory_space<vmem>>, vector<16xf32>,
        %eq3A_3231 = arith.constant 15 : i32
        %eq3A_3232 = vector.broadcast %eq3A_3231 : i32 to vector<16xi32>
        %eq3A_3233 = arith.cmpi eq, %gather3A_1281, %eq3A_3232 : vector<16xi32>
        %jit3A_3234 = arith.constant 1.000000e+00 : f32
        %jit3A_3235 = arith.constant 0.000000e+00 : f32
        %broadcast_in_dim3A_3236 = vector.broadcast %jit3A_3234 : f32 to vector<16xf32>
        %broadcast_in_dim3A_3237 = vector.broadcast %jit3A_3235 : f32 to vector<16xf32>
        %select_n3A_3238 = arith.select %eq3A_3233, %broadcast_in_dim3A_3236, %broadcast_in_dim3A_3237 : vector<16xi1>, vector<16xf32>
        %swap3A_3239 = arith.constant 14 : i32
        %swap3A_3240 = arith.index_cast %rem3A_853 : i32 to index
        %swap3A_3241 = arith.index_cast %swap3A_3239 : i32 to index
        %swap3A_3242 = arith.index_cast %scan3A_1239 : i32 to index
        %swap3A_3243 = arith.constant 112 : index
        %swap3A_3244 = tpu.vector_load %arg5[%swap3A_3240, %swap3A_3241, %swap3A_3242, %swap3A_3243] {strides = array<i32>} : memref<2x21x8x128xf32, #tpu.memory_space<vmem>>, vector<16xf32>,
        tpu.vector_store %arg5[%swap3A_3240, %swap3A_3241, %swap3A_3242, %swap3A_3243], %select_n3A_3238 {strides = array<i32>} : memref<2x21x8x128xf32, #tpu.memory_space<vmem>>, vector<16xf32>,
        %eq3A_3245 = arith.constant 16 : i32
        %eq3A_3246 = vector.broadcast %eq3A_3245 : i32 to vector<16xi32>
        %eq3A_3247 = arith.cmpi eq, %gather3A, %eq3A_3246 : vector<16xi32>
        %jit3A_3248 = arith.constant 1.000000e+00 : f32
        %jit3A_3249 = arith.constant 0.000000e+00 : f32
        %broadcast_in_dim3A_3250 = vector.broadcast %jit3A_3248 : f32 to vector<16xf32>
        %broadcast_in_dim3A_3251 = vector.broadcast %jit3A_3249 : f32 to vector<16xf32>
        %select_n3A_3252 = arith.select %eq3A_3247, %broadcast_in_dim3A_3250, %broadcast_in_dim3A_3251 : vector<16xi1>, vector<16xf32>
        %swap3A_3253 = arith.constant 15 : i32
        %swap3A_3254 = arith.index_cast %rem3A_853 : i32 to index
        %swap3A_3255 = arith.index_cast %swap3A_3253 : i32 to index
        %swap3A_3256 = arith.index_cast %scan3A_1239 : i32 to index
        %swap3A_3257 = arith.constant 0 : index
        %swap3A_3258 = tpu.vector_load %arg5[%swap3A_3254, %swap3A_3255, %swap3A_3256, %swap3A_3257] {strides = array<i32>} : memref<2x21x8x128xf32, #tpu.memory_space<vmem>>, vector<16xf32>,
        tpu.vector_store %arg5[%swap3A_3254, %swap3A_3255, %swap3A_3256, %swap3A_3257], %select_n3A_3252 {strides = array<i32>} : memref<2x21x8x128xf32, #tpu.memory_space<vmem>>, vector<16xf32>,
        %eq3A_3259 = arith.constant 16 : i32
        %eq3A_3260 = vector.broadcast %eq3A_3259 : i32 to vector<16xi32>
        %eq3A_3261 = arith.cmpi eq, %gather3A_1251, %eq3A_3260 : vector<16xi32>
        %jit3A_3262 = arith.constant 1.000000e+00 : f32
        %jit3A_3263 = arith.constant 0.000000e+00 : f32
        %broadcast_in_dim3A_3264 = vector.broadcast %jit3A_3262 : f32 to vector<16xf32>
        %broadcast_in_dim3A_3265 = vector.broadcast %jit3A_3263 : f32 to vector<16xf32>
        %select_n3A_3266 = arith.select %eq3A_3261, %broadcast_in_dim3A_3264, %broadcast_in_dim3A_3265 : vector<16xi1>, vector<16xf32>
        %swap3A_3267 = arith.constant 15 : i32
        %swap3A_3268 = arith.index_cast %rem3A_853 : i32 to index
        %swap3A_3269 = arith.index_cast %swap3A_3267 : i32 to index
        %swap3A_3270 = arith.index_cast %scan3A_1239 : i32 to index
        %swap3A_3271 = arith.constant 16 : index
        %swap3A_3272 = tpu.vector_load %arg5[%swap3A_3268, %swap3A_3269, %swap3A_3270, %swap3A_3271] {strides = array<i32>} : memref<2x21x8x128xf32, #tpu.memory_space<vmem>>, vector<16xf32>,
        tpu.vector_store %arg5[%swap3A_3268, %swap3A_3269, %swap3A_3270, %swap3A_3271], %select_n3A_3266 {strides = array<i32>} : memref<2x21x8x128xf32, #tpu.memory_space<vmem>>, vector<16xf32>,
        %eq3A_3273 = arith.constant 16 : i32
        %eq3A_3274 = vector.broadcast %eq3A_3273 : i32 to vector<16xi32>
        %eq3A_3275 = arith.cmpi eq, %gather3A_1256, %eq3A_3274 : vector<16xi32>
        %jit3A_3276 = arith.constant 1.000000e+00 : f32
        %jit3A_3277 = arith.constant 0.000000e+00 : f32
        %broadcast_in_dim3A_3278 = vector.broadcast %jit3A_3276 : f32 to vector<16xf32>
        %broadcast_in_dim3A_3279 = vector.broadcast %jit3A_3277 : f32 to vector<16xf32>
        %select_n3A_3280 = arith.select %eq3A_3275, %broadcast_in_dim3A_3278, %broadcast_in_dim3A_3279 : vector<16xi1>, vector<16xf32>
        %swap3A_3281 = arith.constant 15 : i32
        %swap3A_3282 = arith.index_cast %rem3A_853 : i32 to index
        %swap3A_3283 = arith.index_cast %swap3A_3281 : i32 to index
        %swap3A_3284 = arith.index_cast %scan3A_1239 : i32 to index
        %swap3A_3285 = arith.constant 32 : index
        %swap3A_3286 = tpu.vector_load %arg5[%swap3A_3282, %swap3A_3283, %swap3A_3284, %swap3A_3285] {strides = array<i32>} : memref<2x21x8x128xf32, #tpu.memory_space<vmem>>, vector<16xf32>,
        tpu.vector_store %arg5[%swap3A_3282, %swap3A_3283, %swap3A_3284, %swap3A_3285], %select_n3A_3280 {strides = array<i32>} : memref<2x21x8x128xf32, #tpu.memory_space<vmem>>, vector<16xf32>,
        %eq3A_3287 = arith.constant 16 : i32
        %eq3A_3288 = vector.broadcast %eq3A_3287 : i32 to vector<16xi32>
        %eq3A_3289 = arith.cmpi eq, %gather3A_1261, %eq3A_3288 : vector<16xi32>
        %jit3A_3290 = arith.constant 1.000000e+00 : f32
        %jit3A_3291 = arith.constant 0.000000e+00 : f32
        %broadcast_in_dim3A_3292 = vector.broadcast %jit3A_3290 : f32 to vector<16xf32>
        %broadcast_in_dim3A_3293 = vector.broadcast %jit3A_3291 : f32 to vector<16xf32>
        %select_n3A_3294 = arith.select %eq3A_3289, %broadcast_in_dim3A_3292, %broadcast_in_dim3A_3293 : vector<16xi1>, vector<16xf32>
        %swap3A_3295 = arith.constant 15 : i32
        %swap3A_3296 = arith.index_cast %rem3A_853 : i32 to index
        %swap3A_3297 = arith.index_cast %swap3A_3295 : i32 to index
        %swap3A_3298 = arith.index_cast %scan3A_1239 : i32 to index
        %swap3A_3299 = arith.constant 48 : index
        %swap3A_3300 = tpu.vector_load %arg5[%swap3A_3296, %swap3A_3297, %swap3A_3298, %swap3A_3299] {strides = array<i32>} : memref<2x21x8x128xf32, #tpu.memory_space<vmem>>, vector<16xf32>,
        tpu.vector_store %arg5[%swap3A_3296, %swap3A_3297, %swap3A_3298, %swap3A_3299], %select_n3A_3294 {strides = array<i32>} : memref<2x21x8x128xf32, #tpu.memory_space<vmem>>, vector<16xf32>,
        %eq3A_3301 = arith.constant 16 : i32
        %eq3A_3302 = vector.broadcast %eq3A_3301 : i32 to vector<16xi32>
        %eq3A_3303 = arith.cmpi eq, %gather3A_1266, %eq3A_3302 : vector<16xi32>
        %jit3A_3304 = arith.constant 1.000000e+00 : f32
        %jit3A_3305 = arith.constant 0.000000e+00 : f32
        %broadcast_in_dim3A_3306 = vector.broadcast %jit3A_3304 : f32 to vector<16xf32>
        %broadcast_in_dim3A_3307 = vector.broadcast %jit3A_3305 : f32 to vector<16xf32>
        %select_n3A_3308 = arith.select %eq3A_3303, %broadcast_in_dim3A_3306, %broadcast_in_dim3A_3307 : vector<16xi1>, vector<16xf32>
        %swap3A_3309 = arith.constant 15 : i32
        %swap3A_3310 = arith.index_cast %rem3A_853 : i32 to index
        %swap3A_3311 = arith.index_cast %swap3A_3309 : i32 to index
        %swap3A_3312 = arith.index_cast %scan3A_1239 : i32 to index
        %swap3A_3313 = arith.constant 64 : index
        %swap3A_3314 = tpu.vector_load %arg5[%swap3A_3310, %swap3A_3311, %swap3A_3312, %swap3A_3313] {strides = array<i32>} : memref<2x21x8x128xf32, #tpu.memory_space<vmem>>, vector<16xf32>,
        tpu.vector_store %arg5[%swap3A_3310, %swap3A_3311, %swap3A_3312, %swap3A_3313], %select_n3A_3308 {strides = array<i32>} : memref<2x21x8x128xf32, #tpu.memory_space<vmem>>, vector<16xf32>,
        %eq3A_3315 = arith.constant 16 : i32
        %eq3A_3316 = vector.broadcast %eq3A_3315 : i32 to vector<16xi32>
        %eq3A_3317 = arith.cmpi eq, %gather3A_1271, %eq3A_3316 : vector<16xi32>
        %jit3A_3318 = arith.constant 1.000000e+00 : f32
        %jit3A_3319 = arith.constant 0.000000e+00 : f32
        %broadcast_in_dim3A_3320 = vector.broadcast %jit3A_3318 : f32 to vector<16xf32>
        %broadcast_in_dim3A_3321 = vector.broadcast %jit3A_3319 : f32 to vector<16xf32>
        %select_n3A_3322 = arith.select %eq3A_3317, %broadcast_in_dim3A_3320, %broadcast_in_dim3A_3321 : vector<16xi1>, vector<16xf32>
        %swap3A_3323 = arith.constant 15 : i32
        %swap3A_3324 = arith.index_cast %rem3A_853 : i32 to index
        %swap3A_3325 = arith.index_cast %swap3A_3323 : i32 to index
        %swap3A_3326 = arith.index_cast %scan3A_1239 : i32 to index
        %swap3A_3327 = arith.constant 80 : index
        %swap3A_3328 = tpu.vector_load %arg5[%swap3A_3324, %swap3A_3325, %swap3A_3326, %swap3A_3327] {strides = array<i32>} : memref<2x21x8x128xf32, #tpu.memory_space<vmem>>, vector<16xf32>,
        tpu.vector_store %arg5[%swap3A_3324, %swap3A_3325, %swap3A_3326, %swap3A_3327], %select_n3A_3322 {strides = array<i32>} : memref<2x21x8x128xf32, #tpu.memory_space<vmem>>, vector<16xf32>,
        %eq3A_3329 = arith.constant 16 : i32
        %eq3A_3330 = vector.broadcast %eq3A_3329 : i32 to vector<16xi32>
        %eq3A_3331 = arith.cmpi eq, %gather3A_1276, %eq3A_3330 : vector<16xi32>
        %jit3A_3332 = arith.constant 1.000000e+00 : f32
        %jit3A_3333 = arith.constant 0.000000e+00 : f32
        %broadcast_in_dim3A_3334 = vector.broadcast %jit3A_3332 : f32 to vector<16xf32>
        %broadcast_in_dim3A_3335 = vector.broadcast %jit3A_3333 : f32 to vector<16xf32>
        %select_n3A_3336 = arith.select %eq3A_3331, %broadcast_in_dim3A_3334, %broadcast_in_dim3A_3335 : vector<16xi1>, vector<16xf32>
        %swap3A_3337 = arith.constant 15 : i32
        %swap3A_3338 = arith.index_cast %rem3A_853 : i32 to index
        %swap3A_3339 = arith.index_cast %swap3A_3337 : i32 to index
        %swap3A_3340 = arith.index_cast %scan3A_1239 : i32 to index
        %swap3A_3341 = arith.constant 96 : index
        %swap3A_3342 = tpu.vector_load %arg5[%swap3A_3338, %swap3A_3339, %swap3A_3340, %swap3A_3341] {strides = array<i32>} : memref<2x21x8x128xf32, #tpu.memory_space<vmem>>, vector<16xf32>,
        tpu.vector_store %arg5[%swap3A_3338, %swap3A_3339, %swap3A_3340, %swap3A_3341], %select_n3A_3336 {strides = array<i32>} : memref<2x21x8x128xf32, #tpu.memory_space<vmem>>, vector<16xf32>,
        %eq3A_3343 = arith.constant 16 : i32
        %eq3A_3344 = vector.broadcast %eq3A_3343 : i32 to vector<16xi32>
        %eq3A_3345 = arith.cmpi eq, %gather3A_1281, %eq3A_3344 : vector<16xi32>
        %jit3A_3346 = arith.constant 1.000000e+00 : f32
        %jit3A_3347 = arith.constant 0.000000e+00 : f32
        %broadcast_in_dim3A_3348 = vector.broadcast %jit3A_3346 : f32 to vector<16xf32>
        %broadcast_in_dim3A_3349 = vector.broadcast %jit3A_3347 : f32 to vector<16xf32>
        %select_n3A_3350 = arith.select %eq3A_3345, %broadcast_in_dim3A_3348, %broadcast_in_dim3A_3349 : vector<16xi1>, vector<16xf32>
        %swap3A_3351 = arith.constant 15 : i32
        %swap3A_3352 = arith.index_cast %rem3A_853 : i32 to index
        %swap3A_3353 = arith.index_cast %swap3A_3351 : i32 to index
        %swap3A_3354 = arith.index_cast %scan3A_1239 : i32 to index
        %swap3A_3355 = arith.constant 112 : index
        %swap3A_3356 = tpu.vector_load %arg5[%swap3A_3352, %swap3A_3353, %swap3A_3354, %swap3A_3355] {strides = array<i32>} : memref<2x21x8x128xf32, #tpu.memory_space<vmem>>, vector<16xf32>,
        tpu.vector_store %arg5[%swap3A_3352, %swap3A_3353, %swap3A_3354, %swap3A_3355], %select_n3A_3350 {strides = array<i32>} : memref<2x21x8x128xf32, #tpu.memory_space<vmem>>, vector<16xf32>,
        %eq3A_3357 = arith.constant 17 : i32
        %eq3A_3358 = vector.broadcast %eq3A_3357 : i32 to vector<16xi32>
        %eq3A_3359 = arith.cmpi eq, %gather3A, %eq3A_3358 : vector<16xi32>
        %jit3A_3360 = arith.constant 1.000000e+00 : f32
        %jit3A_3361 = arith.constant 0.000000e+00 : f32
        %broadcast_in_dim3A_3362 = vector.broadcast %jit3A_3360 : f32 to vector<16xf32>
        %broadcast_in_dim3A_3363 = vector.broadcast %jit3A_3361 : f32 to vector<16xf32>
        %select_n3A_3364 = arith.select %eq3A_3359, %broadcast_in_dim3A_3362, %broadcast_in_dim3A_3363 : vector<16xi1>, vector<16xf32>
        %swap3A_3365 = arith.constant 16 : i32
        %swap3A_3366 = arith.index_cast %rem3A_853 : i32 to index
        %swap3A_3367 = arith.index_cast %swap3A_3365 : i32 to index
        %swap3A_3368 = arith.index_cast %scan3A_1239 : i32 to index
        %swap3A_3369 = arith.constant 0 : index
        %swap3A_3370 = tpu.vector_load %arg5[%swap3A_3366, %swap3A_3367, %swap3A_3368, %swap3A_3369] {strides = array<i32>} : memref<2x21x8x128xf32, #tpu.memory_space<vmem>>, vector<16xf32>,
        tpu.vector_store %arg5[%swap3A_3366, %swap3A_3367, %swap3A_3368, %swap3A_3369], %select_n3A_3364 {strides = array<i32>} : memref<2x21x8x128xf32, #tpu.memory_space<vmem>>, vector<16xf32>,
        %eq3A_3371 = arith.constant 17 : i32
        %eq3A_3372 = vector.broadcast %eq3A_3371 : i32 to vector<16xi32>
        %eq3A_3373 = arith.cmpi eq, %gather3A_1251, %eq3A_3372 : vector<16xi32>
        %jit3A_3374 = arith.constant 1.000000e+00 : f32
        %jit3A_3375 = arith.constant 0.000000e+00 : f32
        %broadcast_in_dim3A_3376 = vector.broadcast %jit3A_3374 : f32 to vector<16xf32>
        %broadcast_in_dim3A_3377 = vector.broadcast %jit3A_3375 : f32 to vector<16xf32>
        %select_n3A_3378 = arith.select %eq3A_3373, %broadcast_in_dim3A_3376, %broadcast_in_dim3A_3377 : vector<16xi1>, vector<16xf32>
        %swap3A_3379 = arith.constant 16 : i32
        %swap3A_3380 = arith.index_cast %rem3A_853 : i32 to index
        %swap3A_3381 = arith.index_cast %swap3A_3379 : i32 to index
        %swap3A_3382 = arith.index_cast %scan3A_1239 : i32 to index
        %swap3A_3383 = arith.constant 16 : index
        %swap3A_3384 = tpu.vector_load %arg5[%swap3A_3380, %swap3A_3381, %swap3A_3382, %swap3A_3383] {strides = array<i32>} : memref<2x21x8x128xf32, #tpu.memory_space<vmem>>, vector<16xf32>,
        tpu.vector_store %arg5[%swap3A_3380, %swap3A_3381, %swap3A_3382, %swap3A_3383], %select_n3A_3378 {strides = array<i32>} : memref<2x21x8x128xf32, #tpu.memory_space<vmem>>, vector<16xf32>,
        %eq3A_3385 = arith.constant 17 : i32
        %eq3A_3386 = vector.broadcast %eq3A_3385 : i32 to vector<16xi32>
        %eq3A_3387 = arith.cmpi eq, %gather3A_1256, %eq3A_3386 : vector<16xi32>
        %jit3A_3388 = arith.constant 1.000000e+00 : f32
        %jit3A_3389 = arith.constant 0.000000e+00 : f32
        %broadcast_in_dim3A_3390 = vector.broadcast %jit3A_3388 : f32 to vector<16xf32>
        %broadcast_in_dim3A_3391 = vector.broadcast %jit3A_3389 : f32 to vector<16xf32>
        %select_n3A_3392 = arith.select %eq3A_3387, %broadcast_in_dim3A_3390, %broadcast_in_dim3A_3391 : vector<16xi1>, vector<16xf32>
        %swap3A_3393 = arith.constant 16 : i32
        %swap3A_3394 = arith.index_cast %rem3A_853 : i32 to index
        %swap3A_3395 = arith.index_cast %swap3A_3393 : i32 to index
        %swap3A_3396 = arith.index_cast %scan3A_1239 : i32 to index
        %swap3A_3397 = arith.constant 32 : index
        %swap3A_3398 = tpu.vector_load %arg5[%swap3A_3394, %swap3A_3395, %swap3A_3396, %swap3A_3397] {strides = array<i32>} : memref<2x21x8x128xf32, #tpu.memory_space<vmem>>, vector<16xf32>,
        tpu.vector_store %arg5[%swap3A_3394, %swap3A_3395, %swap3A_3396, %swap3A_3397], %select_n3A_3392 {strides = array<i32>} : memref<2x21x8x128xf32, #tpu.memory_space<vmem>>, vector<16xf32>,
        %eq3A_3399 = arith.constant 17 : i32
        %eq3A_3400 = vector.broadcast %eq3A_3399 : i32 to vector<16xi32>
        %eq3A_3401 = arith.cmpi eq, %gather3A_1261, %eq3A_3400 : vector<16xi32>
        %jit3A_3402 = arith.constant 1.000000e+00 : f32
        %jit3A_3403 = arith.constant 0.000000e+00 : f32
        %broadcast_in_dim3A_3404 = vector.broadcast %jit3A_3402 : f32 to vector<16xf32>
        %broadcast_in_dim3A_3405 = vector.broadcast %jit3A_3403 : f32 to vector<16xf32>
        %select_n3A_3406 = arith.select %eq3A_3401, %broadcast_in_dim3A_3404, %broadcast_in_dim3A_3405 : vector<16xi1>, vector<16xf32>
        %swap3A_3407 = arith.constant 16 : i32
        %swap3A_3408 = arith.index_cast %rem3A_853 : i32 to index
        %swap3A_3409 = arith.index_cast %swap3A_3407 : i32 to index
        %swap3A_3410 = arith.index_cast %scan3A_1239 : i32 to index
        %swap3A_3411 = arith.constant 48 : index
        %swap3A_3412 = tpu.vector_load %arg5[%swap3A_3408, %swap3A_3409, %swap3A_3410, %swap3A_3411] {strides = array<i32>} : memref<2x21x8x128xf32, #tpu.memory_space<vmem>>, vector<16xf32>,
        tpu.vector_store %arg5[%swap3A_3408, %swap3A_3409, %swap3A_3410, %swap3A_3411], %select_n3A_3406 {strides = array<i32>} : memref<2x21x8x128xf32, #tpu.memory_space<vmem>>, vector<16xf32>,
        %eq3A_3413 = arith.constant 17 : i32
        %eq3A_3414 = vector.broadcast %eq3A_3413 : i32 to vector<16xi32>
        %eq3A_3415 = arith.cmpi eq, %gather3A_1266, %eq3A_3414 : vector<16xi32>
        %jit3A_3416 = arith.constant 1.000000e+00 : f32
        %jit3A_3417 = arith.constant 0.000000e+00 : f32
        %broadcast_in_dim3A_3418 = vector.broadcast %jit3A_3416 : f32 to vector<16xf32>
        %broadcast_in_dim3A_3419 = vector.broadcast %jit3A_3417 : f32 to vector<16xf32>
        %select_n3A_3420 = arith.select %eq3A_3415, %broadcast_in_dim3A_3418, %broadcast_in_dim3A_3419 : vector<16xi1>, vector<16xf32>
        %swap3A_3421 = arith.constant 16 : i32
        %swap3A_3422 = arith.index_cast %rem3A_853 : i32 to index
        %swap3A_3423 = arith.index_cast %swap3A_3421 : i32 to index
        %swap3A_3424 = arith.index_cast %scan3A_1239 : i32 to index
        %swap3A_3425 = arith.constant 64 : index
        %swap3A_3426 = tpu.vector_load %arg5[%swap3A_3422, %swap3A_3423, %swap3A_3424, %swap3A_3425] {strides = array<i32>} : memref<2x21x8x128xf32, #tpu.memory_space<vmem>>, vector<16xf32>,
        tpu.vector_store %arg5[%swap3A_3422, %swap3A_3423, %swap3A_3424, %swap3A_3425], %select_n3A_3420 {strides = array<i32>} : memref<2x21x8x128xf32, #tpu.memory_space<vmem>>, vector<16xf32>,
        %eq3A_3427 = arith.constant 17 : i32
        %eq3A_3428 = vector.broadcast %eq3A_3427 : i32 to vector<16xi32>
        %eq3A_3429 = arith.cmpi eq, %gather3A_1271, %eq3A_3428 : vector<16xi32>
        %jit3A_3430 = arith.constant 1.000000e+00 : f32
        %jit3A_3431 = arith.constant 0.000000e+00 : f32
        %broadcast_in_dim3A_3432 = vector.broadcast %jit3A_3430 : f32 to vector<16xf32>
        %broadcast_in_dim3A_3433 = vector.broadcast %jit3A_3431 : f32 to vector<16xf32>
        %select_n3A_3434 = arith.select %eq3A_3429, %broadcast_in_dim3A_3432, %broadcast_in_dim3A_3433 : vector<16xi1>, vector<16xf32>
        %swap3A_3435 = arith.constant 16 : i32
        %swap3A_3436 = arith.index_cast %rem3A_853 : i32 to index
        %swap3A_3437 = arith.index_cast %swap3A_3435 : i32 to index
        %swap3A_3438 = arith.index_cast %scan3A_1239 : i32 to index
        %swap3A_3439 = arith.constant 80 : index
        %swap3A_3440 = tpu.vector_load %arg5[%swap3A_3436, %swap3A_3437, %swap3A_3438, %swap3A_3439] {strides = array<i32>} : memref<2x21x8x128xf32, #tpu.memory_space<vmem>>, vector<16xf32>,
        tpu.vector_store %arg5[%swap3A_3436, %swap3A_3437, %swap3A_3438, %swap3A_3439], %select_n3A_3434 {strides = array<i32>} : memref<2x21x8x128xf32, #tpu.memory_space<vmem>>, vector<16xf32>,
        %eq3A_3441 = arith.constant 17 : i32
        %eq3A_3442 = vector.broadcast %eq3A_3441 : i32 to vector<16xi32>
        %eq3A_3443 = arith.cmpi eq, %gather3A_1276, %eq3A_3442 : vector<16xi32>
        %jit3A_3444 = arith.constant 1.000000e+00 : f32
        %jit3A_3445 = arith.constant 0.000000e+00 : f32
        %broadcast_in_dim3A_3446 = vector.broadcast %jit3A_3444 : f32 to vector<16xf32>
        %broadcast_in_dim3A_3447 = vector.broadcast %jit3A_3445 : f32 to vector<16xf32>
        %select_n3A_3448 = arith.select %eq3A_3443, %broadcast_in_dim3A_3446, %broadcast_in_dim3A_3447 : vector<16xi1>, vector<16xf32>
        %swap3A_3449 = arith.constant 16 : i32
        %swap3A_3450 = arith.index_cast %rem3A_853 : i32 to index
        %swap3A_3451 = arith.index_cast %swap3A_3449 : i32 to index
        %swap3A_3452 = arith.index_cast %scan3A_1239 : i32 to index
        %swap3A_3453 = arith.constant 96 : index
        %swap3A_3454 = tpu.vector_load %arg5[%swap3A_3450, %swap3A_3451, %swap3A_3452, %swap3A_3453] {strides = array<i32>} : memref<2x21x8x128xf32, #tpu.memory_space<vmem>>, vector<16xf32>,
        tpu.vector_store %arg5[%swap3A_3450, %swap3A_3451, %swap3A_3452, %swap3A_3453], %select_n3A_3448 {strides = array<i32>} : memref<2x21x8x128xf32, #tpu.memory_space<vmem>>, vector<16xf32>,
        %eq3A_3455 = arith.constant 17 : i32
        %eq3A_3456 = vector.broadcast %eq3A_3455 : i32 to vector<16xi32>
        %eq3A_3457 = arith.cmpi eq, %gather3A_1281, %eq3A_3456 : vector<16xi32>
        %jit3A_3458 = arith.constant 1.000000e+00 : f32
        %jit3A_3459 = arith.constant 0.000000e+00 : f32
        %broadcast_in_dim3A_3460 = vector.broadcast %jit3A_3458 : f32 to vector<16xf32>
        %broadcast_in_dim3A_3461 = vector.broadcast %jit3A_3459 : f32 to vector<16xf32>
        %select_n3A_3462 = arith.select %eq3A_3457, %broadcast_in_dim3A_3460, %broadcast_in_dim3A_3461 : vector<16xi1>, vector<16xf32>
        %swap3A_3463 = arith.constant 16 : i32
        %swap3A_3464 = arith.index_cast %rem3A_853 : i32 to index
        %swap3A_3465 = arith.index_cast %swap3A_3463 : i32 to index
        %swap3A_3466 = arith.index_cast %scan3A_1239 : i32 to index
        %swap3A_3467 = arith.constant 112 : index
        %swap3A_3468 = tpu.vector_load %arg5[%swap3A_3464, %swap3A_3465, %swap3A_3466, %swap3A_3467] {strides = array<i32>} : memref<2x21x8x128xf32, #tpu.memory_space<vmem>>, vector<16xf32>,
        tpu.vector_store %arg5[%swap3A_3464, %swap3A_3465, %swap3A_3466, %swap3A_3467], %select_n3A_3462 {strides = array<i32>} : memref<2x21x8x128xf32, #tpu.memory_space<vmem>>, vector<16xf32>,
        %eq3A_3469 = arith.constant 18 : i32
        %eq3A_3470 = vector.broadcast %eq3A_3469 : i32 to vector<16xi32>
        %eq3A_3471 = arith.cmpi eq, %gather3A, %eq3A_3470 : vector<16xi32>
        %jit3A_3472 = arith.constant 1.000000e+00 : f32
        %jit3A_3473 = arith.constant 0.000000e+00 : f32
        %broadcast_in_dim3A_3474 = vector.broadcast %jit3A_3472 : f32 to vector<16xf32>
        %broadcast_in_dim3A_3475 = vector.broadcast %jit3A_3473 : f32 to vector<16xf32>
        %select_n3A_3476 = arith.select %eq3A_3471, %broadcast_in_dim3A_3474, %broadcast_in_dim3A_3475 : vector<16xi1>, vector<16xf32>
        %swap3A_3477 = arith.constant 17 : i32
        %swap3A_3478 = arith.index_cast %rem3A_853 : i32 to index
        %swap3A_3479 = arith.index_cast %swap3A_3477 : i32 to index
        %swap3A_3480 = arith.index_cast %scan3A_1239 : i32 to index
        %swap3A_3481 = arith.constant 0 : index
        %swap3A_3482 = tpu.vector_load %arg5[%swap3A_3478, %swap3A_3479, %swap3A_3480, %swap3A_3481] {strides = array<i32>} : memref<2x21x8x128xf32, #tpu.memory_space<vmem>>, vector<16xf32>,
        tpu.vector_store %arg5[%swap3A_3478, %swap3A_3479, %swap3A_3480, %swap3A_3481], %select_n3A_3476 {strides = array<i32>} : memref<2x21x8x128xf32, #tpu.memory_space<vmem>>, vector<16xf32>,
        %eq3A_3483 = arith.constant 18 : i32
        %eq3A_3484 = vector.broadcast %eq3A_3483 : i32 to vector<16xi32>
        %eq3A_3485 = arith.cmpi eq, %gather3A_1251, %eq3A_3484 : vector<16xi32>
        %jit3A_3486 = arith.constant 1.000000e+00 : f32
        %jit3A_3487 = arith.constant 0.000000e+00 : f32
        %broadcast_in_dim3A_3488 = vector.broadcast %jit3A_3486 : f32 to vector<16xf32>
        %broadcast_in_dim3A_3489 = vector.broadcast %jit3A_3487 : f32 to vector<16xf32>
        %select_n3A_3490 = arith.select %eq3A_3485, %broadcast_in_dim3A_3488, %broadcast_in_dim3A_3489 : vector<16xi1>, vector<16xf32>
        %swap3A_3491 = arith.constant 17 : i32
        %swap3A_3492 = arith.index_cast %rem3A_853 : i32 to index
        %swap3A_3493 = arith.index_cast %swap3A_3491 : i32 to index
        %swap3A_3494 = arith.index_cast %scan3A_1239 : i32 to index
        %swap3A_3495 = arith.constant 16 : index
        %swap3A_3496 = tpu.vector_load %arg5[%swap3A_3492, %swap3A_3493, %swap3A_3494, %swap3A_3495] {strides = array<i32>} : memref<2x21x8x128xf32, #tpu.memory_space<vmem>>, vector<16xf32>,
        tpu.vector_store %arg5[%swap3A_3492, %swap3A_3493, %swap3A_3494, %swap3A_3495], %select_n3A_3490 {strides = array<i32>} : memref<2x21x8x128xf32, #tpu.memory_space<vmem>>, vector<16xf32>,
        %eq3A_3497 = arith.constant 18 : i32
        %eq3A_3498 = vector.broadcast %eq3A_3497 : i32 to vector<16xi32>
        %eq3A_3499 = arith.cmpi eq, %gather3A_1256, %eq3A_3498 : vector<16xi32>
        %jit3A_3500 = arith.constant 1.000000e+00 : f32
        %jit3A_3501 = arith.constant 0.000000e+00 : f32
        %broadcast_in_dim3A_3502 = vector.broadcast %jit3A_3500 : f32 to vector<16xf32>
        %broadcast_in_dim3A_3503 = vector.broadcast %jit3A_3501 : f32 to vector<16xf32>
        %select_n3A_3504 = arith.select %eq3A_3499, %broadcast_in_dim3A_3502, %broadcast_in_dim3A_3503 : vector<16xi1>, vector<16xf32>
        %swap3A_3505 = arith.constant 17 : i32
        %swap3A_3506 = arith.index_cast %rem3A_853 : i32 to index
        %swap3A_3507 = arith.index_cast %swap3A_3505 : i32 to index
        %swap3A_3508 = arith.index_cast %scan3A_1239 : i32 to index
        %swap3A_3509 = arith.constant 32 : index
        %swap3A_3510 = tpu.vector_load %arg5[%swap3A_3506, %swap3A_3507, %swap3A_3508, %swap3A_3509] {strides = array<i32>} : memref<2x21x8x128xf32, #tpu.memory_space<vmem>>, vector<16xf32>,
        tpu.vector_store %arg5[%swap3A_3506, %swap3A_3507, %swap3A_3508, %swap3A_3509], %select_n3A_3504 {strides = array<i32>} : memref<2x21x8x128xf32, #tpu.memory_space<vmem>>, vector<16xf32>,
        %eq3A_3511 = arith.constant 18 : i32
        %eq3A_3512 = vector.broadcast %eq3A_3511 : i32 to vector<16xi32>
        %eq3A_3513 = arith.cmpi eq, %gather3A_1261, %eq3A_3512 : vector<16xi32>
        %jit3A_3514 = arith.constant 1.000000e+00 : f32
        %jit3A_3515 = arith.constant 0.000000e+00 : f32
        %broadcast_in_dim3A_3516 = vector.broadcast %jit3A_3514 : f32 to vector<16xf32>
        %broadcast_in_dim3A_3517 = vector.broadcast %jit3A_3515 : f32 to vector<16xf32>
        %select_n3A_3518 = arith.select %eq3A_3513, %broadcast_in_dim3A_3516, %broadcast_in_dim3A_3517 : vector<16xi1>, vector<16xf32>
        %swap3A_3519 = arith.constant 17 : i32
        %swap3A_3520 = arith.index_cast %rem3A_853 : i32 to index
        %swap3A_3521 = arith.index_cast %swap3A_3519 : i32 to index
        %swap3A_3522 = arith.index_cast %scan3A_1239 : i32 to index
        %swap3A_3523 = arith.constant 48 : index
        %swap3A_3524 = tpu.vector_load %arg5[%swap3A_3520, %swap3A_3521, %swap3A_3522, %swap3A_3523] {strides = array<i32>} : memref<2x21x8x128xf32, #tpu.memory_space<vmem>>, vector<16xf32>,
        tpu.vector_store %arg5[%swap3A_3520, %swap3A_3521, %swap3A_3522, %swap3A_3523], %select_n3A_3518 {strides = array<i32>} : memref<2x21x8x128xf32, #tpu.memory_space<vmem>>, vector<16xf32>,
        %eq3A_3525 = arith.constant 18 : i32
        %eq3A_3526 = vector.broadcast %eq3A_3525 : i32 to vector<16xi32>
        %eq3A_3527 = arith.cmpi eq, %gather3A_1266, %eq3A_3526 : vector<16xi32>
        %jit3A_3528 = arith.constant 1.000000e+00 : f32
        %jit3A_3529 = arith.constant 0.000000e+00 : f32
        %broadcast_in_dim3A_3530 = vector.broadcast %jit3A_3528 : f32 to vector<16xf32>
        %broadcast_in_dim3A_3531 = vector.broadcast %jit3A_3529 : f32 to vector<16xf32>
        %select_n3A_3532 = arith.select %eq3A_3527, %broadcast_in_dim3A_3530, %broadcast_in_dim3A_3531 : vector<16xi1>, vector<16xf32>
        %swap3A_3533 = arith.constant 17 : i32
        %swap3A_3534 = arith.index_cast %rem3A_853 : i32 to index
        %swap3A_3535 = arith.index_cast %swap3A_3533 : i32 to index
        %swap3A_3536 = arith.index_cast %scan3A_1239 : i32 to index
        %swap3A_3537 = arith.constant 64 : index
        %swap3A_3538 = tpu.vector_load %arg5[%swap3A_3534, %swap3A_3535, %swap3A_3536, %swap3A_3537] {strides = array<i32>} : memref<2x21x8x128xf32, #tpu.memory_space<vmem>>, vector<16xf32>,
        tpu.vector_store %arg5[%swap3A_3534, %swap3A_3535, %swap3A_3536, %swap3A_3537], %select_n3A_3532 {strides = array<i32>} : memref<2x21x8x128xf32, #tpu.memory_space<vmem>>, vector<16xf32>,
        %eq3A_3539 = arith.constant 18 : i32
        %eq3A_3540 = vector.broadcast %eq3A_3539 : i32 to vector<16xi32>
        %eq3A_3541 = arith.cmpi eq, %gather3A_1271, %eq3A_3540 : vector<16xi32>
        %jit3A_3542 = arith.constant 1.000000e+00 : f32
        %jit3A_3543 = arith.constant 0.000000e+00 : f32
        %broadcast_in_dim3A_3544 = vector.broadcast %jit3A_3542 : f32 to vector<16xf32>
        %broadcast_in_dim3A_3545 = vector.broadcast %jit3A_3543 : f32 to vector<16xf32>
        %select_n3A_3546 = arith.select %eq3A_3541, %broadcast_in_dim3A_3544, %broadcast_in_dim3A_3545 : vector<16xi1>, vector<16xf32>
        %swap3A_3547 = arith.constant 17 : i32
        %swap3A_3548 = arith.index_cast %rem3A_853 : i32 to index
        %swap3A_3549 = arith.index_cast %swap3A_3547 : i32 to index
        %swap3A_3550 = arith.index_cast %scan3A_1239 : i32 to index
        %swap3A_3551 = arith.constant 80 : index
        %swap3A_3552 = tpu.vector_load %arg5[%swap3A_3548, %swap3A_3549, %swap3A_3550, %swap3A_3551] {strides = array<i32>} : memref<2x21x8x128xf32, #tpu.memory_space<vmem>>, vector<16xf32>,
        tpu.vector_store %arg5[%swap3A_3548, %swap3A_3549, %swap3A_3550, %swap3A_3551], %select_n3A_3546 {strides = array<i32>} : memref<2x21x8x128xf32, #tpu.memory_space<vmem>>, vector<16xf32>,
        %eq3A_3553 = arith.constant 18 : i32
        %eq3A_3554 = vector.broadcast %eq3A_3553 : i32 to vector<16xi32>
        %eq3A_3555 = arith.cmpi eq, %gather3A_1276, %eq3A_3554 : vector<16xi32>
        %jit3A_3556 = arith.constant 1.000000e+00 : f32
        %jit3A_3557 = arith.constant 0.000000e+00 : f32
        %broadcast_in_dim3A_3558 = vector.broadcast %jit3A_3556 : f32 to vector<16xf32>
        %broadcast_in_dim3A_3559 = vector.broadcast %jit3A_3557 : f32 to vector<16xf32>
        %select_n3A_3560 = arith.select %eq3A_3555, %broadcast_in_dim3A_3558, %broadcast_in_dim3A_3559 : vector<16xi1>, vector<16xf32>
        %swap3A_3561 = arith.constant 17 : i32
        %swap3A_3562 = arith.index_cast %rem3A_853 : i32 to index
        %swap3A_3563 = arith.index_cast %swap3A_3561 : i32 to index
        %swap3A_3564 = arith.index_cast %scan3A_1239 : i32 to index
        %swap3A_3565 = arith.constant 96 : index
        %swap3A_3566 = tpu.vector_load %arg5[%swap3A_3562, %swap3A_3563, %swap3A_3564, %swap3A_3565] {strides = array<i32>} : memref<2x21x8x128xf32, #tpu.memory_space<vmem>>, vector<16xf32>,
        tpu.vector_store %arg5[%swap3A_3562, %swap3A_3563, %swap3A_3564, %swap3A_3565], %select_n3A_3560 {strides = array<i32>} : memref<2x21x8x128xf32, #tpu.memory_space<vmem>>, vector<16xf32>,
        %eq3A_3567 = arith.constant 18 : i32
        %eq3A_3568 = vector.broadcast %eq3A_3567 : i32 to vector<16xi32>
        %eq3A_3569 = arith.cmpi eq, %gather3A_1281, %eq3A_3568 : vector<16xi32>
        %jit3A_3570 = arith.constant 1.000000e+00 : f32
        %jit3A_3571 = arith.constant 0.000000e+00 : f32
        %broadcast_in_dim3A_3572 = vector.broadcast %jit3A_3570 : f32 to vector<16xf32>
        %broadcast_in_dim3A_3573 = vector.broadcast %jit3A_3571 : f32 to vector<16xf32>
        %select_n3A_3574 = arith.select %eq3A_3569, %broadcast_in_dim3A_3572, %broadcast_in_dim3A_3573 : vector<16xi1>, vector<16xf32>
        %swap3A_3575 = arith.constant 17 : i32
        %swap3A_3576 = arith.index_cast %rem3A_853 : i32 to index
        %swap3A_3577 = arith.index_cast %swap3A_3575 : i32 to index
        %swap3A_3578 = arith.index_cast %scan3A_1239 : i32 to index
        %swap3A_3579 = arith.constant 112 : index
        %swap3A_3580 = tpu.vector_load %arg5[%swap3A_3576, %swap3A_3577, %swap3A_3578, %swap3A_3579] {strides = array<i32>} : memref<2x21x8x128xf32, #tpu.memory_space<vmem>>, vector<16xf32>,
        tpu.vector_store %arg5[%swap3A_3576, %swap3A_3577, %swap3A_3578, %swap3A_3579], %select_n3A_3574 {strides = array<i32>} : memref<2x21x8x128xf32, #tpu.memory_space<vmem>>, vector<16xf32>,
        %eq3A_3581 = arith.constant 19 : i32
        %eq3A_3582 = vector.broadcast %eq3A_3581 : i32 to vector<16xi32>
        %eq3A_3583 = arith.cmpi eq, %gather3A, %eq3A_3582 : vector<16xi32>
        %jit3A_3584 = arith.constant 1.000000e+00 : f32
        %jit3A_3585 = arith.constant 0.000000e+00 : f32
        %broadcast_in_dim3A_3586 = vector.broadcast %jit3A_3584 : f32 to vector<16xf32>
        %broadcast_in_dim3A_3587 = vector.broadcast %jit3A_3585 : f32 to vector<16xf32>
        %select_n3A_3588 = arith.select %eq3A_3583, %broadcast_in_dim3A_3586, %broadcast_in_dim3A_3587 : vector<16xi1>, vector<16xf32>
        %swap3A_3589 = arith.constant 18 : i32
        %swap3A_3590 = arith.index_cast %rem3A_853 : i32 to index
        %swap3A_3591 = arith.index_cast %swap3A_3589 : i32 to index
        %swap3A_3592 = arith.index_cast %scan3A_1239 : i32 to index
        %swap3A_3593 = arith.constant 0 : index
        %swap3A_3594 = tpu.vector_load %arg5[%swap3A_3590, %swap3A_3591, %swap3A_3592, %swap3A_3593] {strides = array<i32>} : memref<2x21x8x128xf32, #tpu.memory_space<vmem>>, vector<16xf32>,
        tpu.vector_store %arg5[%swap3A_3590, %swap3A_3591, %swap3A_3592, %swap3A_3593], %select_n3A_3588 {strides = array<i32>} : memref<2x21x8x128xf32, #tpu.memory_space<vmem>>, vector<16xf32>,
        %eq3A_3595 = arith.constant 19 : i32
        %eq3A_3596 = vector.broadcast %eq3A_3595 : i32 to vector<16xi32>
        %eq3A_3597 = arith.cmpi eq, %gather3A_1251, %eq3A_3596 : vector<16xi32>
        %jit3A_3598 = arith.constant 1.000000e+00 : f32
        %jit3A_3599 = arith.constant 0.000000e+00 : f32
        %broadcast_in_dim3A_3600 = vector.broadcast %jit3A_3598 : f32 to vector<16xf32>
        %broadcast_in_dim3A_3601 = vector.broadcast %jit3A_3599 : f32 to vector<16xf32>
        %select_n3A_3602 = arith.select %eq3A_3597, %broadcast_in_dim3A_3600, %broadcast_in_dim3A_3601 : vector<16xi1>, vector<16xf32>
        %swap3A_3603 = arith.constant 18 : i32
        %swap3A_3604 = arith.index_cast %rem3A_853 : i32 to index
        %swap3A_3605 = arith.index_cast %swap3A_3603 : i32 to index
        %swap3A_3606 = arith.index_cast %scan3A_1239 : i32 to index
        %swap3A_3607 = arith.constant 16 : index
        %swap3A_3608 = tpu.vector_load %arg5[%swap3A_3604, %swap3A_3605, %swap3A_3606, %swap3A_3607] {strides = array<i32>} : memref<2x21x8x128xf32, #tpu.memory_space<vmem>>, vector<16xf32>,
        tpu.vector_store %arg5[%swap3A_3604, %swap3A_3605, %swap3A_3606, %swap3A_3607], %select_n3A_3602 {strides = array<i32>} : memref<2x21x8x128xf32, #tpu.memory_space<vmem>>, vector<16xf32>,
        %eq3A_3609 = arith.constant 19 : i32
        %eq3A_3610 = vector.broadcast %eq3A_3609 : i32 to vector<16xi32>
        %eq3A_3611 = arith.cmpi eq, %gather3A_1256, %eq3A_3610 : vector<16xi32>
        %jit3A_3612 = arith.constant 1.000000e+00 : f32
        %jit3A_3613 = arith.constant 0.000000e+00 : f32
        %broadcast_in_dim3A_3614 = vector.broadcast %jit3A_3612 : f32 to vector<16xf32>
        %broadcast_in_dim3A_3615 = vector.broadcast %jit3A_3613 : f32 to vector<16xf32>
        %select_n3A_3616 = arith.select %eq3A_3611, %broadcast_in_dim3A_3614, %broadcast_in_dim3A_3615 : vector<16xi1>, vector<16xf32>
        %swap3A_3617 = arith.constant 18 : i32
        %swap3A_3618 = arith.index_cast %rem3A_853 : i32 to index
        %swap3A_3619 = arith.index_cast %swap3A_3617 : i32 to index
        %swap3A_3620 = arith.index_cast %scan3A_1239 : i32 to index
        %swap3A_3621 = arith.constant 32 : index
        %swap3A_3622 = tpu.vector_load %arg5[%swap3A_3618, %swap3A_3619, %swap3A_3620, %swap3A_3621] {strides = array<i32>} : memref<2x21x8x128xf32, #tpu.memory_space<vmem>>, vector<16xf32>,
        tpu.vector_store %arg5[%swap3A_3618, %swap3A_3619, %swap3A_3620, %swap3A_3621], %select_n3A_3616 {strides = array<i32>} : memref<2x21x8x128xf32, #tpu.memory_space<vmem>>, vector<16xf32>,
        %eq3A_3623 = arith.constant 19 : i32
        %eq3A_3624 = vector.broadcast %eq3A_3623 : i32 to vector<16xi32>
        %eq3A_3625 = arith.cmpi eq, %gather3A_1261, %eq3A_3624 : vector<16xi32>
        %jit3A_3626 = arith.constant 1.000000e+00 : f32
        %jit3A_3627 = arith.constant 0.000000e+00 : f32
        %broadcast_in_dim3A_3628 = vector.broadcast %jit3A_3626 : f32 to vector<16xf32>
        %broadcast_in_dim3A_3629 = vector.broadcast %jit3A_3627 : f32 to vector<16xf32>
        %select_n3A_3630 = arith.select %eq3A_3625, %broadcast_in_dim3A_3628, %broadcast_in_dim3A_3629 : vector<16xi1>, vector<16xf32>
        %swap3A_3631 = arith.constant 18 : i32
        %swap3A_3632 = arith.index_cast %rem3A_853 : i32 to index
        %swap3A_3633 = arith.index_cast %swap3A_3631 : i32 to index
        %swap3A_3634 = arith.index_cast %scan3A_1239 : i32 to index
        %swap3A_3635 = arith.constant 48 : index
        %swap3A_3636 = tpu.vector_load %arg5[%swap3A_3632, %swap3A_3633, %swap3A_3634, %swap3A_3635] {strides = array<i32>} : memref<2x21x8x128xf32, #tpu.memory_space<vmem>>, vector<16xf32>,
        tpu.vector_store %arg5[%swap3A_3632, %swap3A_3633, %swap3A_3634, %swap3A_3635], %select_n3A_3630 {strides = array<i32>} : memref<2x21x8x128xf32, #tpu.memory_space<vmem>>, vector<16xf32>,
        %eq3A_3637 = arith.constant 19 : i32
        %eq3A_3638 = vector.broadcast %eq3A_3637 : i32 to vector<16xi32>
        %eq3A_3639 = arith.cmpi eq, %gather3A_1266, %eq3A_3638 : vector<16xi32>
        %jit3A_3640 = arith.constant 1.000000e+00 : f32
        %jit3A_3641 = arith.constant 0.000000e+00 : f32
        %broadcast_in_dim3A_3642 = vector.broadcast %jit3A_3640 : f32 to vector<16xf32>
        %broadcast_in_dim3A_3643 = vector.broadcast %jit3A_3641 : f32 to vector<16xf32>
        %select_n3A_3644 = arith.select %eq3A_3639, %broadcast_in_dim3A_3642, %broadcast_in_dim3A_3643 : vector<16xi1>, vector<16xf32>
        %swap3A_3645 = arith.constant 18 : i32
        %swap3A_3646 = arith.index_cast %rem3A_853 : i32 to index
        %swap3A_3647 = arith.index_cast %swap3A_3645 : i32 to index
        %swap3A_3648 = arith.index_cast %scan3A_1239 : i32 to index
        %swap3A_3649 = arith.constant 64 : index
        %swap3A_3650 = tpu.vector_load %arg5[%swap3A_3646, %swap3A_3647, %swap3A_3648, %swap3A_3649] {strides = array<i32>} : memref<2x21x8x128xf32, #tpu.memory_space<vmem>>, vector<16xf32>,
        tpu.vector_store %arg5[%swap3A_3646, %swap3A_3647, %swap3A_3648, %swap3A_3649], %select_n3A_3644 {strides = array<i32>} : memref<2x21x8x128xf32, #tpu.memory_space<vmem>>, vector<16xf32>,
        %eq3A_3651 = arith.constant 19 : i32
        %eq3A_3652 = vector.broadcast %eq3A_3651 : i32 to vector<16xi32>
        %eq3A_3653 = arith.cmpi eq, %gather3A_1271, %eq3A_3652 : vector<16xi32>
        %jit3A_3654 = arith.constant 1.000000e+00 : f32
        %jit3A_3655 = arith.constant 0.000000e+00 : f32
        %broadcast_in_dim3A_3656 = vector.broadcast %jit3A_3654 : f32 to vector<16xf32>
        %broadcast_in_dim3A_3657 = vector.broadcast %jit3A_3655 : f32 to vector<16xf32>
        %select_n3A_3658 = arith.select %eq3A_3653, %broadcast_in_dim3A_3656, %broadcast_in_dim3A_3657 : vector<16xi1>, vector<16xf32>
        %swap3A_3659 = arith.constant 18 : i32
        %swap3A_3660 = arith.index_cast %rem3A_853 : i32 to index
        %swap3A_3661 = arith.index_cast %swap3A_3659 : i32 to index
        %swap3A_3662 = arith.index_cast %scan3A_1239 : i32 to index
        %swap3A_3663 = arith.constant 80 : index
        %swap3A_3664 = tpu.vector_load %arg5[%swap3A_3660, %swap3A_3661, %swap3A_3662, %swap3A_3663] {strides = array<i32>} : memref<2x21x8x128xf32, #tpu.memory_space<vmem>>, vector<16xf32>,
        tpu.vector_store %arg5[%swap3A_3660, %swap3A_3661, %swap3A_3662, %swap3A_3663], %select_n3A_3658 {strides = array<i32>} : memref<2x21x8x128xf32, #tpu.memory_space<vmem>>, vector<16xf32>,
        %eq3A_3665 = arith.constant 19 : i32
        %eq3A_3666 = vector.broadcast %eq3A_3665 : i32 to vector<16xi32>
        %eq3A_3667 = arith.cmpi eq, %gather3A_1276, %eq3A_3666 : vector<16xi32>
        %jit3A_3668 = arith.constant 1.000000e+00 : f32
        %jit3A_3669 = arith.constant 0.000000e+00 : f32
        %broadcast_in_dim3A_3670 = vector.broadcast %jit3A_3668 : f32 to vector<16xf32>
        %broadcast_in_dim3A_3671 = vector.broadcast %jit3A_3669 : f32 to vector<16xf32>
        %select_n3A_3672 = arith.select %eq3A_3667, %broadcast_in_dim3A_3670, %broadcast_in_dim3A_3671 : vector<16xi1>, vector<16xf32>
        %swap3A_3673 = arith.constant 18 : i32
        %swap3A_3674 = arith.index_cast %rem3A_853 : i32 to index
        %swap3A_3675 = arith.index_cast %swap3A_3673 : i32 to index
        %swap3A_3676 = arith.index_cast %scan3A_1239 : i32 to index
        %swap3A_3677 = arith.constant 96 : index
        %swap3A_3678 = tpu.vector_load %arg5[%swap3A_3674, %swap3A_3675, %swap3A_3676, %swap3A_3677] {strides = array<i32>} : memref<2x21x8x128xf32, #tpu.memory_space<vmem>>, vector<16xf32>,
        tpu.vector_store %arg5[%swap3A_3674, %swap3A_3675, %swap3A_3676, %swap3A_3677], %select_n3A_3672 {strides = array<i32>} : memref<2x21x8x128xf32, #tpu.memory_space<vmem>>, vector<16xf32>,
        %eq3A_3679 = arith.constant 19 : i32
        %eq3A_3680 = vector.broadcast %eq3A_3679 : i32 to vector<16xi32>
        %eq3A_3681 = arith.cmpi eq, %gather3A_1281, %eq3A_3680 : vector<16xi32>
        %jit3A_3682 = arith.constant 1.000000e+00 : f32
        %jit3A_3683 = arith.constant 0.000000e+00 : f32
        %broadcast_in_dim3A_3684 = vector.broadcast %jit3A_3682 : f32 to vector<16xf32>
        %broadcast_in_dim3A_3685 = vector.broadcast %jit3A_3683 : f32 to vector<16xf32>
        %select_n3A_3686 = arith.select %eq3A_3681, %broadcast_in_dim3A_3684, %broadcast_in_dim3A_3685 : vector<16xi1>, vector<16xf32>
        %swap3A_3687 = arith.constant 18 : i32
        %swap3A_3688 = arith.index_cast %rem3A_853 : i32 to index
        %swap3A_3689 = arith.index_cast %swap3A_3687 : i32 to index
        %swap3A_3690 = arith.index_cast %scan3A_1239 : i32 to index
        %swap3A_3691 = arith.constant 112 : index
        %swap3A_3692 = tpu.vector_load %arg5[%swap3A_3688, %swap3A_3689, %swap3A_3690, %swap3A_3691] {strides = array<i32>} : memref<2x21x8x128xf32, #tpu.memory_space<vmem>>, vector<16xf32>,
        tpu.vector_store %arg5[%swap3A_3688, %swap3A_3689, %swap3A_3690, %swap3A_3691], %select_n3A_3686 {strides = array<i32>} : memref<2x21x8x128xf32, #tpu.memory_space<vmem>>, vector<16xf32>,
        %eq3A_3693 = arith.constant 20 : i32
        %eq3A_3694 = vector.broadcast %eq3A_3693 : i32 to vector<16xi32>
        %eq3A_3695 = arith.cmpi eq, %gather3A, %eq3A_3694 : vector<16xi32>
        %jit3A_3696 = arith.constant 1.000000e+00 : f32
        %jit3A_3697 = arith.constant 0.000000e+00 : f32
        %broadcast_in_dim3A_3698 = vector.broadcast %jit3A_3696 : f32 to vector<16xf32>
        %broadcast_in_dim3A_3699 = vector.broadcast %jit3A_3697 : f32 to vector<16xf32>
        %select_n3A_3700 = arith.select %eq3A_3695, %broadcast_in_dim3A_3698, %broadcast_in_dim3A_3699 : vector<16xi1>, vector<16xf32>
        %swap3A_3701 = arith.constant 19 : i32
        %swap3A_3702 = arith.index_cast %rem3A_853 : i32 to index
        %swap3A_3703 = arith.index_cast %swap3A_3701 : i32 to index
        %swap3A_3704 = arith.index_cast %scan3A_1239 : i32 to index
        %swap3A_3705 = arith.constant 0 : index
        %swap3A_3706 = tpu.vector_load %arg5[%swap3A_3702, %swap3A_3703, %swap3A_3704, %swap3A_3705] {strides = array<i32>} : memref<2x21x8x128xf32, #tpu.memory_space<vmem>>, vector<16xf32>,
        tpu.vector_store %arg5[%swap3A_3702, %swap3A_3703, %swap3A_3704, %swap3A_3705], %select_n3A_3700 {strides = array<i32>} : memref<2x21x8x128xf32, #tpu.memory_space<vmem>>, vector<16xf32>,
        %eq3A_3707 = arith.constant 20 : i32
        %eq3A_3708 = vector.broadcast %eq3A_3707 : i32 to vector<16xi32>
        %eq3A_3709 = arith.cmpi eq, %gather3A_1251, %eq3A_3708 : vector<16xi32>
        %jit3A_3710 = arith.constant 1.000000e+00 : f32
        %jit3A_3711 = arith.constant 0.000000e+00 : f32
        %broadcast_in_dim3A_3712 = vector.broadcast %jit3A_3710 : f32 to vector<16xf32>
        %broadcast_in_dim3A_3713 = vector.broadcast %jit3A_3711 : f32 to vector<16xf32>
        %select_n3A_3714 = arith.select %eq3A_3709, %broadcast_in_dim3A_3712, %broadcast_in_dim3A_3713 : vector<16xi1>, vector<16xf32>
        %swap3A_3715 = arith.constant 19 : i32
        %swap3A_3716 = arith.index_cast %rem3A_853 : i32 to index
        %swap3A_3717 = arith.index_cast %swap3A_3715 : i32 to index
        %swap3A_3718 = arith.index_cast %scan3A_1239 : i32 to index
        %swap3A_3719 = arith.constant 16 : index
        %swap3A_3720 = tpu.vector_load %arg5[%swap3A_3716, %swap3A_3717, %swap3A_3718, %swap3A_3719] {strides = array<i32>} : memref<2x21x8x128xf32, #tpu.memory_space<vmem>>, vector<16xf32>,
        tpu.vector_store %arg5[%swap3A_3716, %swap3A_3717, %swap3A_3718, %swap3A_3719], %select_n3A_3714 {strides = array<i32>} : memref<2x21x8x128xf32, #tpu.memory_space<vmem>>, vector<16xf32>,
        %eq3A_3721 = arith.constant 20 : i32
        %eq3A_3722 = vector.broadcast %eq3A_3721 : i32 to vector<16xi32>
        %eq3A_3723 = arith.cmpi eq, %gather3A_1256, %eq3A_3722 : vector<16xi32>
        %jit3A_3724 = arith.constant 1.000000e+00 : f32
        %jit3A_3725 = arith.constant 0.000000e+00 : f32
        %broadcast_in_dim3A_3726 = vector.broadcast %jit3A_3724 : f32 to vector<16xf32>
        %broadcast_in_dim3A_3727 = vector.broadcast %jit3A_3725 : f32 to vector<16xf32>
        %select_n3A_3728 = arith.select %eq3A_3723, %broadcast_in_dim3A_3726, %broadcast_in_dim3A_3727 : vector<16xi1>, vector<16xf32>
        %swap3A_3729 = arith.constant 19 : i32
        %swap3A_3730 = arith.index_cast %rem3A_853 : i32 to index
        %swap3A_3731 = arith.index_cast %swap3A_3729 : i32 to index
        %swap3A_3732 = arith.index_cast %scan3A_1239 : i32 to index
        %swap3A_3733 = arith.constant 32 : index
        %swap3A_3734 = tpu.vector_load %arg5[%swap3A_3730, %swap3A_3731, %swap3A_3732, %swap3A_3733] {strides = array<i32>} : memref<2x21x8x128xf32, #tpu.memory_space<vmem>>, vector<16xf32>,
        tpu.vector_store %arg5[%swap3A_3730, %swap3A_3731, %swap3A_3732, %swap3A_3733], %select_n3A_3728 {strides = array<i32>} : memref<2x21x8x128xf32, #tpu.memory_space<vmem>>, vector<16xf32>,
        %eq3A_3735 = arith.constant 20 : i32
        %eq3A_3736 = vector.broadcast %eq3A_3735 : i32 to vector<16xi32>
        %eq3A_3737 = arith.cmpi eq, %gather3A_1261, %eq3A_3736 : vector<16xi32>
        %jit3A_3738 = arith.constant 1.000000e+00 : f32
        %jit3A_3739 = arith.constant 0.000000e+00 : f32
        %broadcast_in_dim3A_3740 = vector.broadcast %jit3A_3738 : f32 to vector<16xf32>
        %broadcast_in_dim3A_3741 = vector.broadcast %jit3A_3739 : f32 to vector<16xf32>
        %select_n3A_3742 = arith.select %eq3A_3737, %broadcast_in_dim3A_3740, %broadcast_in_dim3A_3741 : vector<16xi1>, vector<16xf32>
        %swap3A_3743 = arith.constant 19 : i32
        %swap3A_3744 = arith.index_cast %rem3A_853 : i32 to index
        %swap3A_3745 = arith.index_cast %swap3A_3743 : i32 to index
        %swap3A_3746 = arith.index_cast %scan3A_1239 : i32 to index
        %swap3A_3747 = arith.constant 48 : index
        %swap3A_3748 = tpu.vector_load %arg5[%swap3A_3744, %swap3A_3745, %swap3A_3746, %swap3A_3747] {strides = array<i32>} : memref<2x21x8x128xf32, #tpu.memory_space<vmem>>, vector<16xf32>,
        tpu.vector_store %arg5[%swap3A_3744, %swap3A_3745, %swap3A_3746, %swap3A_3747], %select_n3A_3742 {strides = array<i32>} : memref<2x21x8x128xf32, #tpu.memory_space<vmem>>, vector<16xf32>,
        %eq3A_3749 = arith.constant 20 : i32
        %eq3A_3750 = vector.broadcast %eq3A_3749 : i32 to vector<16xi32>
        %eq3A_3751 = arith.cmpi eq, %gather3A_1266, %eq3A_3750 : vector<16xi32>
        %jit3A_3752 = arith.constant 1.000000e+00 : f32
        %jit3A_3753 = arith.constant 0.000000e+00 : f32
        %broadcast_in_dim3A_3754 = vector.broadcast %jit3A_3752 : f32 to vector<16xf32>
        %broadcast_in_dim3A_3755 = vector.broadcast %jit3A_3753 : f32 to vector<16xf32>
        %select_n3A_3756 = arith.select %eq3A_3751, %broadcast_in_dim3A_3754, %broadcast_in_dim3A_3755 : vector<16xi1>, vector<16xf32>
        %swap3A_3757 = arith.constant 19 : i32
        %swap3A_3758 = arith.index_cast %rem3A_853 : i32 to index
        %swap3A_3759 = arith.index_cast %swap3A_3757 : i32 to index
        %swap3A_3760 = arith.index_cast %scan3A_1239 : i32 to index
        %swap3A_3761 = arith.constant 64 : index
        %swap3A_3762 = tpu.vector_load %arg5[%swap3A_3758, %swap3A_3759, %swap3A_3760, %swap3A_3761] {strides = array<i32>} : memref<2x21x8x128xf32, #tpu.memory_space<vmem>>, vector<16xf32>,
        tpu.vector_store %arg5[%swap3A_3758, %swap3A_3759, %swap3A_3760, %swap3A_3761], %select_n3A_3756 {strides = array<i32>} : memref<2x21x8x128xf32, #tpu.memory_space<vmem>>, vector<16xf32>,
        %eq3A_3763 = arith.constant 20 : i32
        %eq3A_3764 = vector.broadcast %eq3A_3763 : i32 to vector<16xi32>
        %eq3A_3765 = arith.cmpi eq, %gather3A_1271, %eq3A_3764 : vector<16xi32>
        %jit3A_3766 = arith.constant 1.000000e+00 : f32
        %jit3A_3767 = arith.constant 0.000000e+00 : f32
        %broadcast_in_dim3A_3768 = vector.broadcast %jit3A_3766 : f32 to vector<16xf32>
        %broadcast_in_dim3A_3769 = vector.broadcast %jit3A_3767 : f32 to vector<16xf32>
        %select_n3A_3770 = arith.select %eq3A_3765, %broadcast_in_dim3A_3768, %broadcast_in_dim3A_3769 : vector<16xi1>, vector<16xf32>
        %swap3A_3771 = arith.constant 19 : i32
        %swap3A_3772 = arith.index_cast %rem3A_853 : i32 to index
        %swap3A_3773 = arith.index_cast %swap3A_3771 : i32 to index
        %swap3A_3774 = arith.index_cast %scan3A_1239 : i32 to index
        %swap3A_3775 = arith.constant 80 : index
        %swap3A_3776 = tpu.vector_load %arg5[%swap3A_3772, %swap3A_3773, %swap3A_3774, %swap3A_3775] {strides = array<i32>} : memref<2x21x8x128xf32, #tpu.memory_space<vmem>>, vector<16xf32>,
        tpu.vector_store %arg5[%swap3A_3772, %swap3A_3773, %swap3A_3774, %swap3A_3775], %select_n3A_3770 {strides = array<i32>} : memref<2x21x8x128xf32, #tpu.memory_space<vmem>>, vector<16xf32>,
        %eq3A_3777 = arith.constant 20 : i32
        %eq3A_3778 = vector.broadcast %eq3A_3777 : i32 to vector<16xi32>
        %eq3A_3779 = arith.cmpi eq, %gather3A_1276, %eq3A_3778 : vector<16xi32>
        %jit3A_3780 = arith.constant 1.000000e+00 : f32
        %jit3A_3781 = arith.constant 0.000000e+00 : f32
        %broadcast_in_dim3A_3782 = vector.broadcast %jit3A_3780 : f32 to vector<16xf32>
        %broadcast_in_dim3A_3783 = vector.broadcast %jit3A_3781 : f32 to vector<16xf32>
        %select_n3A_3784 = arith.select %eq3A_3779, %broadcast_in_dim3A_3782, %broadcast_in_dim3A_3783 : vector<16xi1>, vector<16xf32>
        %swap3A_3785 = arith.constant 19 : i32
        %swap3A_3786 = arith.index_cast %rem3A_853 : i32 to index
        %swap3A_3787 = arith.index_cast %swap3A_3785 : i32 to index
        %swap3A_3788 = arith.index_cast %scan3A_1239 : i32 to index
        %swap3A_3789 = arith.constant 96 : index
        %swap3A_3790 = tpu.vector_load %arg5[%swap3A_3786, %swap3A_3787, %swap3A_3788, %swap3A_3789] {strides = array<i32>} : memref<2x21x8x128xf32, #tpu.memory_space<vmem>>, vector<16xf32>,
        tpu.vector_store %arg5[%swap3A_3786, %swap3A_3787, %swap3A_3788, %swap3A_3789], %select_n3A_3784 {strides = array<i32>} : memref<2x21x8x128xf32, #tpu.memory_space<vmem>>, vector<16xf32>,
        %eq3A_3791 = arith.constant 20 : i32
        %eq3A_3792 = vector.broadcast %eq3A_3791 : i32 to vector<16xi32>
        %eq3A_3793 = arith.cmpi eq, %gather3A_1281, %eq3A_3792 : vector<16xi32>
        %jit3A_3794 = arith.constant 1.000000e+00 : f32
        %jit3A_3795 = arith.constant 0.000000e+00 : f32
        %broadcast_in_dim3A_3796 = vector.broadcast %jit3A_3794 : f32 to vector<16xf32>
        %broadcast_in_dim3A_3797 = vector.broadcast %jit3A_3795 : f32 to vector<16xf32>
        %select_n3A_3798 = arith.select %eq3A_3793, %broadcast_in_dim3A_3796, %broadcast_in_dim3A_3797 : vector<16xi1>, vector<16xf32>
        %swap3A_3799 = arith.constant 19 : i32
        %swap3A_3800 = arith.index_cast %rem3A_853 : i32 to index
        %swap3A_3801 = arith.index_cast %swap3A_3799 : i32 to index
        %swap3A_3802 = arith.index_cast %scan3A_1239 : i32 to index
        %swap3A_3803 = arith.constant 112 : index
        %swap3A_3804 = tpu.vector_load %arg5[%swap3A_3800, %swap3A_3801, %swap3A_3802, %swap3A_3803] {strides = array<i32>} : memref<2x21x8x128xf32, #tpu.memory_space<vmem>>, vector<16xf32>,
        tpu.vector_store %arg5[%swap3A_3800, %swap3A_3801, %swap3A_3802, %swap3A_3803], %select_n3A_3798 {strides = array<i32>} : memref<2x21x8x128xf32, #tpu.memory_space<vmem>>, vector<16xf32>,
        %eq3A_3805 = arith.constant 21 : i32
        %eq3A_3806 = vector.broadcast %eq3A_3805 : i32 to vector<16xi32>
        %eq3A_3807 = arith.cmpi eq, %gather3A, %eq3A_3806 : vector<16xi32>
        %jit3A_3808 = arith.constant 1.000000e+00 : f32
        %jit3A_3809 = arith.constant 0.000000e+00 : f32
        %broadcast_in_dim3A_3810 = vector.broadcast %jit3A_3808 : f32 to vector<16xf32>
        %broadcast_in_dim3A_3811 = vector.broadcast %jit3A_3809 : f32 to vector<16xf32>
        %select_n3A_3812 = arith.select %eq3A_3807, %broadcast_in_dim3A_3810, %broadcast_in_dim3A_3811 : vector<16xi1>, vector<16xf32>
        %swap3A_3813 = arith.constant 20 : i32
        %swap3A_3814 = arith.index_cast %rem3A_853 : i32 to index
        %swap3A_3815 = arith.index_cast %swap3A_3813 : i32 to index
        %swap3A_3816 = arith.index_cast %scan3A_1239 : i32 to index
        %swap3A_3817 = arith.constant 0 : index
        %swap3A_3818 = tpu.vector_load %arg5[%swap3A_3814, %swap3A_3815, %swap3A_3816, %swap3A_3817] {strides = array<i32>} : memref<2x21x8x128xf32, #tpu.memory_space<vmem>>, vector<16xf32>,
        tpu.vector_store %arg5[%swap3A_3814, %swap3A_3815, %swap3A_3816, %swap3A_3817], %select_n3A_3812 {strides = array<i32>} : memref<2x21x8x128xf32, #tpu.memory_space<vmem>>, vector<16xf32>,
        %eq3A_3819 = arith.constant 21 : i32
        %eq3A_3820 = vector.broadcast %eq3A_3819 : i32 to vector<16xi32>
        %eq3A_3821 = arith.cmpi eq, %gather3A_1251, %eq3A_3820 : vector<16xi32>
        %jit3A_3822 = arith.constant 1.000000e+00 : f32
        %jit3A_3823 = arith.constant 0.000000e+00 : f32
        %broadcast_in_dim3A_3824 = vector.broadcast %jit3A_3822 : f32 to vector<16xf32>
        %broadcast_in_dim3A_3825 = vector.broadcast %jit3A_3823 : f32 to vector<16xf32>
        %select_n3A_3826 = arith.select %eq3A_3821, %broadcast_in_dim3A_3824, %broadcast_in_dim3A_3825 : vector<16xi1>, vector<16xf32>
        %swap3A_3827 = arith.constant 20 : i32
        %swap3A_3828 = arith.index_cast %rem3A_853 : i32 to index
        %swap3A_3829 = arith.index_cast %swap3A_3827 : i32 to index
        %swap3A_3830 = arith.index_cast %scan3A_1239 : i32 to index
        %swap3A_3831 = arith.constant 16 : index
        %swap3A_3832 = tpu.vector_load %arg5[%swap3A_3828, %swap3A_3829, %swap3A_3830, %swap3A_3831] {strides = array<i32>} : memref<2x21x8x128xf32, #tpu.memory_space<vmem>>, vector<16xf32>,
        tpu.vector_store %arg5[%swap3A_3828, %swap3A_3829, %swap3A_3830, %swap3A_3831], %select_n3A_3826 {strides = array<i32>} : memref<2x21x8x128xf32, #tpu.memory_space<vmem>>, vector<16xf32>,
        %eq3A_3833 = arith.constant 21 : i32
        %eq3A_3834 = vector.broadcast %eq3A_3833 : i32 to vector<16xi32>
        %eq3A_3835 = arith.cmpi eq, %gather3A_1256, %eq3A_3834 : vector<16xi32>
        %jit3A_3836 = arith.constant 1.000000e+00 : f32
        %jit3A_3837 = arith.constant 0.000000e+00 : f32
        %broadcast_in_dim3A_3838 = vector.broadcast %jit3A_3836 : f32 to vector<16xf32>
        %broadcast_in_dim3A_3839 = vector.broadcast %jit3A_3837 : f32 to vector<16xf32>
        %select_n3A_3840 = arith.select %eq3A_3835, %broadcast_in_dim3A_3838, %broadcast_in_dim3A_3839 : vector<16xi1>, vector<16xf32>
        %swap3A_3841 = arith.constant 20 : i32
        %swap3A_3842 = arith.index_cast %rem3A_853 : i32 to index
        %swap3A_3843 = arith.index_cast %swap3A_3841 : i32 to index
        %swap3A_3844 = arith.index_cast %scan3A_1239 : i32 to index
        %swap3A_3845 = arith.constant 32 : index
        %swap3A_3846 = tpu.vector_load %arg5[%swap3A_3842, %swap3A_3843, %swap3A_3844, %swap3A_3845] {strides = array<i32>} : memref<2x21x8x128xf32, #tpu.memory_space<vmem>>, vector<16xf32>,
        tpu.vector_store %arg5[%swap3A_3842, %swap3A_3843, %swap3A_3844, %swap3A_3845], %select_n3A_3840 {strides = array<i32>} : memref<2x21x8x128xf32, #tpu.memory_space<vmem>>, vector<16xf32>,
        %eq3A_3847 = arith.constant 21 : i32
        %eq3A_3848 = vector.broadcast %eq3A_3847 : i32 to vector<16xi32>
        %eq3A_3849 = arith.cmpi eq, %gather3A_1261, %eq3A_3848 : vector<16xi32>
        %jit3A_3850 = arith.constant 1.000000e+00 : f32
        %jit3A_3851 = arith.constant 0.000000e+00 : f32
        %broadcast_in_dim3A_3852 = vector.broadcast %jit3A_3850 : f32 to vector<16xf32>
        %broadcast_in_dim3A_3853 = vector.broadcast %jit3A_3851 : f32 to vector<16xf32>
        %select_n3A_3854 = arith.select %eq3A_3849, %broadcast_in_dim3A_3852, %broadcast_in_dim3A_3853 : vector<16xi1>, vector<16xf32>
        %swap3A_3855 = arith.constant 20 : i32
        %swap3A_3856 = arith.index_cast %rem3A_853 : i32 to index
        %swap3A_3857 = arith.index_cast %swap3A_3855 : i32 to index
        %swap3A_3858 = arith.index_cast %scan3A_1239 : i32 to index
        %swap3A_3859 = arith.constant 48 : index
        %swap3A_3860 = tpu.vector_load %arg5[%swap3A_3856, %swap3A_3857, %swap3A_3858, %swap3A_3859] {strides = array<i32>} : memref<2x21x8x128xf32, #tpu.memory_space<vmem>>, vector<16xf32>,
        tpu.vector_store %arg5[%swap3A_3856, %swap3A_3857, %swap3A_3858, %swap3A_3859], %select_n3A_3854 {strides = array<i32>} : memref<2x21x8x128xf32, #tpu.memory_space<vmem>>, vector<16xf32>,
        %eq3A_3861 = arith.constant 21 : i32
        %eq3A_3862 = vector.broadcast %eq3A_3861 : i32 to vector<16xi32>
        %eq3A_3863 = arith.cmpi eq, %gather3A_1266, %eq3A_3862 : vector<16xi32>
        %jit3A_3864 = arith.constant 1.000000e+00 : f32
        %jit3A_3865 = arith.constant 0.000000e+00 : f32
        %broadcast_in_dim3A_3866 = vector.broadcast %jit3A_3864 : f32 to vector<16xf32>
        %broadcast_in_dim3A_3867 = vector.broadcast %jit3A_3865 : f32 to vector<16xf32>
        %select_n3A_3868 = arith.select %eq3A_3863, %broadcast_in_dim3A_3866, %broadcast_in_dim3A_3867 : vector<16xi1>, vector<16xf32>
        %swap3A_3869 = arith.constant 20 : i32
        %swap3A_3870 = arith.index_cast %rem3A_853 : i32 to index
        %swap3A_3871 = arith.index_cast %swap3A_3869 : i32 to index
        %swap3A_3872 = arith.index_cast %scan3A_1239 : i32 to index
        %swap3A_3873 = arith.constant 64 : index
        %swap3A_3874 = tpu.vector_load %arg5[%swap3A_3870, %swap3A_3871, %swap3A_3872, %swap3A_3873] {strides = array<i32>} : memref<2x21x8x128xf32, #tpu.memory_space<vmem>>, vector<16xf32>,
        tpu.vector_store %arg5[%swap3A_3870, %swap3A_3871, %swap3A_3872, %swap3A_3873], %select_n3A_3868 {strides = array<i32>} : memref<2x21x8x128xf32, #tpu.memory_space<vmem>>, vector<16xf32>,
        %eq3A_3875 = arith.constant 21 : i32
        %eq3A_3876 = vector.broadcast %eq3A_3875 : i32 to vector<16xi32>
        %eq3A_3877 = arith.cmpi eq, %gather3A_1271, %eq3A_3876 : vector<16xi32>
        %jit3A_3878 = arith.constant 1.000000e+00 : f32
        %jit3A_3879 = arith.constant 0.000000e+00 : f32
        %broadcast_in_dim3A_3880 = vector.broadcast %jit3A_3878 : f32 to vector<16xf32>
        %broadcast_in_dim3A_3881 = vector.broadcast %jit3A_3879 : f32 to vector<16xf32>
        %select_n3A_3882 = arith.select %eq3A_3877, %broadcast_in_dim3A_3880, %broadcast_in_dim3A_3881 : vector<16xi1>, vector<16xf32>
        %swap3A_3883 = arith.constant 20 : i32
        %swap3A_3884 = arith.index_cast %rem3A_853 : i32 to index
        %swap3A_3885 = arith.index_cast %swap3A_3883 : i32 to index
        %swap3A_3886 = arith.index_cast %scan3A_1239 : i32 to index
        %swap3A_3887 = arith.constant 80 : index
        %swap3A_3888 = tpu.vector_load %arg5[%swap3A_3884, %swap3A_3885, %swap3A_3886, %swap3A_3887] {strides = array<i32>} : memref<2x21x8x128xf32, #tpu.memory_space<vmem>>, vector<16xf32>,
        tpu.vector_store %arg5[%swap3A_3884, %swap3A_3885, %swap3A_3886, %swap3A_3887], %select_n3A_3882 {strides = array<i32>} : memref<2x21x8x128xf32, #tpu.memory_space<vmem>>, vector<16xf32>,
        %eq3A_3889 = arith.constant 21 : i32
        %eq3A_3890 = vector.broadcast %eq3A_3889 : i32 to vector<16xi32>
        %eq3A_3891 = arith.cmpi eq, %gather3A_1276, %eq3A_3890 : vector<16xi32>
        %jit3A_3892 = arith.constant 1.000000e+00 : f32
        %jit3A_3893 = arith.constant 0.000000e+00 : f32
        %broadcast_in_dim3A_3894 = vector.broadcast %jit3A_3892 : f32 to vector<16xf32>
        %broadcast_in_dim3A_3895 = vector.broadcast %jit3A_3893 : f32 to vector<16xf32>
        %select_n3A_3896 = arith.select %eq3A_3891, %broadcast_in_dim3A_3894, %broadcast_in_dim3A_3895 : vector<16xi1>, vector<16xf32>
        %swap3A_3897 = arith.constant 20 : i32
        %swap3A_3898 = arith.index_cast %rem3A_853 : i32 to index
        %swap3A_3899 = arith.index_cast %swap3A_3897 : i32 to index
        %swap3A_3900 = arith.index_cast %scan3A_1239 : i32 to index
        %swap3A_3901 = arith.constant 96 : index
        %swap3A_3902 = tpu.vector_load %arg5[%swap3A_3898, %swap3A_3899, %swap3A_3900, %swap3A_3901] {strides = array<i32>} : memref<2x21x8x128xf32, #tpu.memory_space<vmem>>, vector<16xf32>,
        tpu.vector_store %arg5[%swap3A_3898, %swap3A_3899, %swap3A_3900, %swap3A_3901], %select_n3A_3896 {strides = array<i32>} : memref<2x21x8x128xf32, #tpu.memory_space<vmem>>, vector<16xf32>,
        %eq3A_3903 = arith.constant 21 : i32
        %eq3A_3904 = vector.broadcast %eq3A_3903 : i32 to vector<16xi32>
        %eq3A_3905 = arith.cmpi eq, %gather3A_1281, %eq3A_3904 : vector<16xi32>
        %jit3A_3906 = arith.constant 1.000000e+00 : f32
        %jit3A_3907 = arith.constant 0.000000e+00 : f32
        %broadcast_in_dim3A_3908 = vector.broadcast %jit3A_3906 : f32 to vector<16xf32>
        %broadcast_in_dim3A_3909 = vector.broadcast %jit3A_3907 : f32 to vector<16xf32>
        %select_n3A_3910 = arith.select %eq3A_3905, %broadcast_in_dim3A_3908, %broadcast_in_dim3A_3909 : vector<16xi1>, vector<16xf32>
        %swap3A_3911 = arith.constant 20 : i32
        %swap3A_3912 = arith.index_cast %rem3A_853 : i32 to index
        %swap3A_3913 = arith.index_cast %swap3A_3911 : i32 to index
        %swap3A_3914 = arith.index_cast %scan3A_1239 : i32 to index
        %swap3A_3915 = arith.constant 112 : index
        %swap3A_3916 = tpu.vector_load %arg5[%swap3A_3912, %swap3A_3913, %swap3A_3914, %swap3A_3915] {strides = array<i32>} : memref<2x21x8x128xf32, #tpu.memory_space<vmem>>, vector<16xf32>,
        tpu.vector_store %arg5[%swap3A_3912, %swap3A_3913, %swap3A_3914, %swap3A_3915], %select_n3A_3910 {strides = array<i32>} : memref<2x21x8x128xf32, #tpu.memory_space<vmem>>, vector<16xf32>,
      }
      %scan3A_861 = arith.constant 8 : i32
      %dma_start3A = arith.constant 0 : i32
      %dma_start3A_862 = arith.constant 0 : i32
      %dma_start3A_863 = arith.constant 0 : i32
      %dma_start3A_864 = arith.constant 0 : i32
      %dma_start3A_865 = tpu.memref_slice %arg5[%rem3A_853, %dma_start3A, %dma_start3A_863, %dma_start3A_864] : memref<2x21x8x128xf32, #tpu.memory_space<vmem>> -> memref<1x1x8x128xf32, #tpu.memory_space<vmem>>
      %dma_start3A_866 = tpu.memref_squeeze %dma_start3A_865 : memref<1x1x8x128xf32, #tpu.memory_space<vmem>> -> memref<8x128xf32, #tpu.memory_space<vmem>>
      %dma_start3A_867 = arith.constant 0 : i32
      %dma_start3A_868 = arith.constant 0 : i32
      %dma_start3A_869 = tpu.memref_slice %arg3[%dma_start3A_862, %scan3A_852, %add3A, %dma_start3A_867, %dma_start3A_868] : memref<21x25x32x8x128xf32, #tpu.memory_space<hbm>> -> memref<1x1x1x8x128xf32, #tpu.memory_space<hbm>>
      %dma_start3A_870 = tpu.memref_squeeze %dma_start3A_869 : memref<1x1x1x8x128xf32, #tpu.memory_space<hbm>> -> memref<8x128xf32, #tpu.memory_space<hbm>>
      %dma_start3A_871 = arith.constant 0 : i32
      %dma_start3A_872 = arith.constant 0 : i32
      %dma_start3A_873 = tpu.memref_slice %arg3[%dma_start3A_862, %scan3A_852, %add3A, %dma_start3A_871, %dma_start3A_872] : memref<21x25x32x8x128xf32, #tpu.memory_space<hbm>> -> memref<1x1x1x8x128xf32, #tpu.memory_space<hbm>>
      %dma_start3A_874 = tpu.memref_squeeze %dma_start3A_873 : memref<1x1x1x8x128xf32, #tpu.memory_space<hbm>> -> memref<8x128xf32, #tpu.memory_space<hbm>>
      %dma_start3A_875 = arith.constant 0 : i32
      %dma_start3A_876 = arith.constant 0 : i32
      %dma_start3A_877 = tpu.memref_slice %arg5[%rem3A_853, %dma_start3A, %dma_start3A_875, %dma_start3A_876] : memref<2x21x8x128xf32, #tpu.memory_space<vmem>> -> memref<1x1x8x128xf32, #tpu.memory_space<vmem>>
      %dma_start3A_878 = tpu.memref_squeeze %dma_start3A_877 : memref<1x1x8x128xf32, #tpu.memory_space<vmem>> -> memref<8x128xf32, #tpu.memory_space<vmem>>
      tpu.enqueue_dma source(%dma_start3A_878 : memref<8x128xf32, #tpu.memory_space<vmem>>) target(%dma_start3A_874 : memref<8x128xf32, #tpu.memory_space<hbm>>) target_semaphore(%arg6 : memref<!tpu.dma_semaphore, #tpu.memory_space<semaphore_mem>>)
      %dma_start3A_879 = arith.constant 1 : i32
      %dma_start3A_880 = arith.constant 1 : i32
      %dma_start3A_881 = arith.constant 0 : i32
      %dma_start3A_882 = arith.constant 0 : i32
      %dma_start3A_883 = tpu.memref_slice %arg5[%rem3A_853, %dma_start3A_879, %dma_start3A_881, %dma_start3A_882] : memref<2x21x8x128xf32, #tpu.memory_space<vmem>> -> memref<1x1x8x128xf32, #tpu.memory_space<vmem>>
      %dma_start3A_884 = tpu.memref_squeeze %dma_start3A_883 : memref<1x1x8x128xf32, #tpu.memory_space<vmem>> -> memref<8x128xf32, #tpu.memory_space<vmem>>
      %dma_start3A_885 = arith.constant 0 : i32
      %dma_start3A_886 = arith.constant 0 : i32
      %dma_start3A_887 = tpu.memref_slice %arg3[%dma_start3A_880, %scan3A_852, %add3A, %dma_start3A_885, %dma_start3A_886] : memref<21x25x32x8x128xf32, #tpu.memory_space<hbm>> -> memref<1x1x1x8x128xf32, #tpu.memory_space<hbm>>
      %dma_start3A_888 = tpu.memref_squeeze %dma_start3A_887 : memref<1x1x1x8x128xf32, #tpu.memory_space<hbm>> -> memref<8x128xf32, #tpu.memory_space<hbm>>
      %dma_start3A_889 = arith.constant 0 : i32
      %dma_start3A_890 = arith.constant 0 : i32
      %dma_start3A_891 = tpu.memref_slice %arg3[%dma_start3A_880, %scan3A_852, %add3A, %dma_start3A_889, %dma_start3A_890] : memref<21x25x32x8x128xf32, #tpu.memory_space<hbm>> -> memref<1x1x1x8x128xf32, #tpu.memory_space<hbm>>
      %dma_start3A_892 = tpu.memref_squeeze %dma_start3A_891 : memref<1x1x1x8x128xf32, #tpu.memory_space<hbm>> -> memref<8x128xf32, #tpu.memory_space<hbm>>
      %dma_start3A_893 = arith.constant 0 : i32
      %dma_start3A_894 = arith.constant 0 : i32
      %dma_start3A_895 = tpu.memref_slice %arg5[%rem3A_853, %dma_start3A_879, %dma_start3A_893, %dma_start3A_894] : memref<2x21x8x128xf32, #tpu.memory_space<vmem>> -> memref<1x1x8x128xf32, #tpu.memory_space<vmem>>
      %dma_start3A_896 = tpu.memref_squeeze %dma_start3A_895 : memref<1x1x8x128xf32, #tpu.memory_space<vmem>> -> memref<8x128xf32, #tpu.memory_space<vmem>>
      tpu.enqueue_dma source(%dma_start3A_896 : memref<8x128xf32, #tpu.memory_space<vmem>>) target(%dma_start3A_892 : memref<8x128xf32, #tpu.memory_space<hbm>>) target_semaphore(%arg6 : memref<!tpu.dma_semaphore, #tpu.memory_space<semaphore_mem>>)
      %dma_start3A_897 = arith.constant 2 : i32
      %dma_start3A_898 = arith.constant 2 : i32
      %dma_start3A_899 = arith.constant 0 : i32
      %dma_start3A_900 = arith.constant 0 : i32
      %dma_start3A_901 = tpu.memref_slice %arg5[%rem3A_853, %dma_start3A_897, %dma_start3A_899, %dma_start3A_900] : memref<2x21x8x128xf32, #tpu.memory_space<vmem>> -> memref<1x1x8x128xf32, #tpu.memory_space<vmem>>
      %dma_start3A_902 = tpu.memref_squeeze %dma_start3A_901 : memref<1x1x8x128xf32, #tpu.memory_space<vmem>> -> memref<8x128xf32, #tpu.memory_space<vmem>>
      %dma_start3A_903 = arith.constant 0 : i32
      %dma_start3A_904 = arith.constant 0 : i32
      %dma_start3A_905 = tpu.memref_slice %arg3[%dma_start3A_898, %scan3A_852, %add3A, %dma_start3A_903, %dma_start3A_904] : memref<21x25x32x8x128xf32, #tpu.memory_space<hbm>> -> memref<1x1x1x8x128xf32, #tpu.memory_space<hbm>>
      %dma_start3A_906 = tpu.memref_squeeze %dma_start3A_905 : memref<1x1x1x8x128xf32, #tpu.memory_space<hbm>> -> memref<8x128xf32, #tpu.memory_space<hbm>>
      %dma_start3A_907 = arith.constant 0 : i32
      %dma_start3A_908 = arith.constant 0 : i32
      %dma_start3A_909 = tpu.memref_slice %arg3[%dma_start3A_898, %scan3A_852, %add3A, %dma_start3A_907, %dma_start3A_908] : memref<21x25x32x8x128xf32, #tpu.memory_space<hbm>> -> memref<1x1x1x8x128xf32, #tpu.memory_space<hbm>>
      %dma_start3A_910 = tpu.memref_squeeze %dma_start3A_909 : memref<1x1x1x8x128xf32, #tpu.memory_space<hbm>> -> memref<8x128xf32, #tpu.memory_space<hbm>>
      %dma_start3A_911 = arith.constant 0 : i32
      %dma_start3A_912 = arith.constant 0 : i32
      %dma_start3A_913 = tpu.memref_slice %arg5[%rem3A_853, %dma_start3A_897, %dma_start3A_911, %dma_start3A_912] : memref<2x21x8x128xf32, #tpu.memory_space<vmem>> -> memref<1x1x8x128xf32, #tpu.memory_space<vmem>>
      %dma_start3A_914 = tpu.memref_squeeze %dma_start3A_913 : memref<1x1x8x128xf32, #tpu.memory_space<vmem>> -> memref<8x128xf32, #tpu.memory_space<vmem>>
      tpu.enqueue_dma source(%dma_start3A_914 : memref<8x128xf32, #tpu.memory_space<vmem>>) target(%dma_start3A_910 : memref<8x128xf32, #tpu.memory_space<hbm>>) target_semaphore(%arg6 : memref<!tpu.dma_semaphore, #tpu.memory_space<semaphore_mem>>)
      %dma_start3A_915 = arith.constant 3 : i32
      %dma_start3A_916 = arith.constant 3 : i32
      %dma_start3A_917 = arith.constant 0 : i32
      %dma_start3A_918 = arith.constant 0 : i32
      %dma_start3A_919 = tpu.memref_slice %arg5[%rem3A_853, %dma_start3A_915, %dma_start3A_917, %dma_start3A_918] : memref<2x21x8x128xf32, #tpu.memory_space<vmem>> -> memref<1x1x8x128xf32, #tpu.memory_space<vmem>>
      %dma_start3A_920 = tpu.memref_squeeze %dma_start3A_919 : memref<1x1x8x128xf32, #tpu.memory_space<vmem>> -> memref<8x128xf32, #tpu.memory_space<vmem>>
      %dma_start3A_921 = arith.constant 0 : i32
      %dma_start3A_922 = arith.constant 0 : i32
      %dma_start3A_923 = tpu.memref_slice %arg3[%dma_start3A_916, %scan3A_852, %add3A, %dma_start3A_921, %dma_start3A_922] : memref<21x25x32x8x128xf32, #tpu.memory_space<hbm>> -> memref<1x1x1x8x128xf32, #tpu.memory_space<hbm>>
      %dma_start3A_924 = tpu.memref_squeeze %dma_start3A_923 : memref<1x1x1x8x128xf32, #tpu.memory_space<hbm>> -> memref<8x128xf32, #tpu.memory_space<hbm>>
      %dma_start3A_925 = arith.constant 0 : i32
      %dma_start3A_926 = arith.constant 0 : i32
      %dma_start3A_927 = tpu.memref_slice %arg3[%dma_start3A_916, %scan3A_852, %add3A, %dma_start3A_925, %dma_start3A_926] : memref<21x25x32x8x128xf32, #tpu.memory_space<hbm>> -> memref<1x1x1x8x128xf32, #tpu.memory_space<hbm>>
      %dma_start3A_928 = tpu.memref_squeeze %dma_start3A_927 : memref<1x1x1x8x128xf32, #tpu.memory_space<hbm>> -> memref<8x128xf32, #tpu.memory_space<hbm>>
      %dma_start3A_929 = arith.constant 0 : i32
      %dma_start3A_930 = arith.constant 0 : i32
      %dma_start3A_931 = tpu.memref_slice %arg5[%rem3A_853, %dma_start3A_915, %dma_start3A_929, %dma_start3A_930] : memref<2x21x8x128xf32, #tpu.memory_space<vmem>> -> memref<1x1x8x128xf32, #tpu.memory_space<vmem>>
      %dma_start3A_932 = tpu.memref_squeeze %dma_start3A_931 : memref<1x1x8x128xf32, #tpu.memory_space<vmem>> -> memref<8x128xf32, #tpu.memory_space<vmem>>
      tpu.enqueue_dma source(%dma_start3A_932 : memref<8x128xf32, #tpu.memory_space<vmem>>) target(%dma_start3A_928 : memref<8x128xf32, #tpu.memory_space<hbm>>) target_semaphore(%arg6 : memref<!tpu.dma_semaphore, #tpu.memory_space<semaphore_mem>>)
      %dma_start3A_933 = arith.constant 4 : i32
      %dma_start3A_934 = arith.constant 4 : i32
      %dma_start3A_935 = arith.constant 0 : i32
      %dma_start3A_936 = arith.constant 0 : i32
      %dma_start3A_937 = tpu.memref_slice %arg5[%rem3A_853, %dma_start3A_933, %dma_start3A_935, %dma_start3A_936] : memref<2x21x8x128xf32, #tpu.memory_space<vmem>> -> memref<1x1x8x128xf32, #tpu.memory_space<vmem>>
      %dma_start3A_938 = tpu.memref_squeeze %dma_start3A_937 : memref<1x1x8x128xf32, #tpu.memory_space<vmem>> -> memref<8x128xf32, #tpu.memory_space<vmem>>
      %dma_start3A_939 = arith.constant 0 : i32
      %dma_start3A_940 = arith.constant 0 : i32
      %dma_start3A_941 = tpu.memref_slice %arg3[%dma_start3A_934, %scan3A_852, %add3A, %dma_start3A_939, %dma_start3A_940] : memref<21x25x32x8x128xf32, #tpu.memory_space<hbm>> -> memref<1x1x1x8x128xf32, #tpu.memory_space<hbm>>
      %dma_start3A_942 = tpu.memref_squeeze %dma_start3A_941 : memref<1x1x1x8x128xf32, #tpu.memory_space<hbm>> -> memref<8x128xf32, #tpu.memory_space<hbm>>
      %dma_start3A_943 = arith.constant 0 : i32
      %dma_start3A_944 = arith.constant 0 : i32
      %dma_start3A_945 = tpu.memref_slice %arg3[%dma_start3A_934, %scan3A_852, %add3A, %dma_start3A_943, %dma_start3A_944] : memref<21x25x32x8x128xf32, #tpu.memory_space<hbm>> -> memref<1x1x1x8x128xf32, #tpu.memory_space<hbm>>
      %dma_start3A_946 = tpu.memref_squeeze %dma_start3A_945 : memref<1x1x1x8x128xf32, #tpu.memory_space<hbm>> -> memref<8x128xf32, #tpu.memory_space<hbm>>
      %dma_start3A_947 = arith.constant 0 : i32
      %dma_start3A_948 = arith.constant 0 : i32
      %dma_start3A_949 = tpu.memref_slice %arg5[%rem3A_853, %dma_start3A_933, %dma_start3A_947, %dma_start3A_948] : memref<2x21x8x128xf32, #tpu.memory_space<vmem>> -> memref<1x1x8x128xf32, #tpu.memory_space<vmem>>
      %dma_start3A_950 = tpu.memref_squeeze %dma_start3A_949 : memref<1x1x8x128xf32, #tpu.memory_space<vmem>> -> memref<8x128xf32, #tpu.memory_space<vmem>>
      tpu.enqueue_dma source(%dma_start3A_950 : memref<8x128xf32, #tpu.memory_space<vmem>>) target(%dma_start3A_946 : memref<8x128xf32, #tpu.memory_space<hbm>>) target_semaphore(%arg6 : memref<!tpu.dma_semaphore, #tpu.memory_space<semaphore_mem>>)
      %dma_start3A_951 = arith.constant 5 : i32
      %dma_start3A_952 = arith.constant 5 : i32
      %dma_start3A_953 = arith.constant 0 : i32
      %dma_start3A_954 = arith.constant 0 : i32
      %dma_start3A_955 = tpu.memref_slice %arg5[%rem3A_853, %dma_start3A_951, %dma_start3A_953, %dma_start3A_954] : memref<2x21x8x128xf32, #tpu.memory_space<vmem>> -> memref<1x1x8x128xf32, #tpu.memory_space<vmem>>
      %dma_start3A_956 = tpu.memref_squeeze %dma_start3A_955 : memref<1x1x8x128xf32, #tpu.memory_space<vmem>> -> memref<8x128xf32, #tpu.memory_space<vmem>>
      %dma_start3A_957 = arith.constant 0 : i32
      %dma_start3A_958 = arith.constant 0 : i32
      %dma_start3A_959 = tpu.memref_slice %arg3[%dma_start3A_952, %scan3A_852, %add3A, %dma_start3A_957, %dma_start3A_958] : memref<21x25x32x8x128xf32, #tpu.memory_space<hbm>> -> memref<1x1x1x8x128xf32, #tpu.memory_space<hbm>>
      %dma_start3A_960 = tpu.memref_squeeze %dma_start3A_959 : memref<1x1x1x8x128xf32, #tpu.memory_space<hbm>> -> memref<8x128xf32, #tpu.memory_space<hbm>>
      %dma_start3A_961 = arith.constant 0 : i32
      %dma_start3A_962 = arith.constant 0 : i32
      %dma_start3A_963 = tpu.memref_slice %arg3[%dma_start3A_952, %scan3A_852, %add3A, %dma_start3A_961, %dma_start3A_962] : memref<21x25x32x8x128xf32, #tpu.memory_space<hbm>> -> memref<1x1x1x8x128xf32, #tpu.memory_space<hbm>>
      %dma_start3A_964 = tpu.memref_squeeze %dma_start3A_963 : memref<1x1x1x8x128xf32, #tpu.memory_space<hbm>> -> memref<8x128xf32, #tpu.memory_space<hbm>>
      %dma_start3A_965 = arith.constant 0 : i32
      %dma_start3A_966 = arith.constant 0 : i32
      %dma_start3A_967 = tpu.memref_slice %arg5[%rem3A_853, %dma_start3A_951, %dma_start3A_965, %dma_start3A_966] : memref<2x21x8x128xf32, #tpu.memory_space<vmem>> -> memref<1x1x8x128xf32, #tpu.memory_space<vmem>>
      %dma_start3A_968 = tpu.memref_squeeze %dma_start3A_967 : memref<1x1x8x128xf32, #tpu.memory_space<vmem>> -> memref<8x128xf32, #tpu.memory_space<vmem>>
      tpu.enqueue_dma source(%dma_start3A_968 : memref<8x128xf32, #tpu.memory_space<vmem>>) target(%dma_start3A_964 : memref<8x128xf32, #tpu.memory_space<hbm>>) target_semaphore(%arg6 : memref<!tpu.dma_semaphore, #tpu.memory_space<semaphore_mem>>)
      %dma_start3A_969 = arith.constant 6 : i32
      %dma_start3A_970 = arith.constant 6 : i32
      %dma_start3A_971 = arith.constant 0 : i32
      %dma_start3A_972 = arith.constant 0 : i32
      %dma_start3A_973 = tpu.memref_slice %arg5[%rem3A_853, %dma_start3A_969, %dma_start3A_971, %dma_start3A_972] : memref<2x21x8x128xf32, #tpu.memory_space<vmem>> -> memref<1x1x8x128xf32, #tpu.memory_space<vmem>>
      %dma_start3A_974 = tpu.memref_squeeze %dma_start3A_973 : memref<1x1x8x128xf32, #tpu.memory_space<vmem>> -> memref<8x128xf32, #tpu.memory_space<vmem>>
      %dma_start3A_975 = arith.constant 0 : i32
      %dma_start3A_976 = arith.constant 0 : i32
      %dma_start3A_977 = tpu.memref_slice %arg3[%dma_start3A_970, %scan3A_852, %add3A, %dma_start3A_975, %dma_start3A_976] : memref<21x25x32x8x128xf32, #tpu.memory_space<hbm>> -> memref<1x1x1x8x128xf32, #tpu.memory_space<hbm>>
      %dma_start3A_978 = tpu.memref_squeeze %dma_start3A_977 : memref<1x1x1x8x128xf32, #tpu.memory_space<hbm>> -> memref<8x128xf32, #tpu.memory_space<hbm>>
      %dma_start3A_979 = arith.constant 0 : i32
      %dma_start3A_980 = arith.constant 0 : i32
      %dma_start3A_981 = tpu.memref_slice %arg3[%dma_start3A_970, %scan3A_852, %add3A, %dma_start3A_979, %dma_start3A_980] : memref<21x25x32x8x128xf32, #tpu.memory_space<hbm>> -> memref<1x1x1x8x128xf32, #tpu.memory_space<hbm>>
      %dma_start3A_982 = tpu.memref_squeeze %dma_start3A_981 : memref<1x1x1x8x128xf32, #tpu.memory_space<hbm>> -> memref<8x128xf32, #tpu.memory_space<hbm>>
      %dma_start3A_983 = arith.constant 0 : i32
      %dma_start3A_984 = arith.constant 0 : i32
      %dma_start3A_985 = tpu.memref_slice %arg5[%rem3A_853, %dma_start3A_969, %dma_start3A_983, %dma_start3A_984] : memref<2x21x8x128xf32, #tpu.memory_space<vmem>> -> memref<1x1x8x128xf32, #tpu.memory_space<vmem>>
      %dma_start3A_986 = tpu.memref_squeeze %dma_start3A_985 : memref<1x1x8x128xf32, #tpu.memory_space<vmem>> -> memref<8x128xf32, #tpu.memory_space<vmem>>
      tpu.enqueue_dma source(%dma_start3A_986 : memref<8x128xf32, #tpu.memory_space<vmem>>) target(%dma_start3A_982 : memref<8x128xf32, #tpu.memory_space<hbm>>) target_semaphore(%arg6 : memref<!tpu.dma_semaphore, #tpu.memory_space<semaphore_mem>>)
      %dma_start3A_987 = arith.constant 7 : i32
      %dma_start3A_988 = arith.constant 7 : i32
      %dma_start3A_989 = arith.constant 0 : i32
      %dma_start3A_990 = arith.constant 0 : i32
      %dma_start3A_991 = tpu.memref_slice %arg5[%rem3A_853, %dma_start3A_987, %dma_start3A_989, %dma_start3A_990] : memref<2x21x8x128xf32, #tpu.memory_space<vmem>> -> memref<1x1x8x128xf32, #tpu.memory_space<vmem>>
      %dma_start3A_992 = tpu.memref_squeeze %dma_start3A_991 : memref<1x1x8x128xf32, #tpu.memory_space<vmem>> -> memref<8x128xf32, #tpu.memory_space<vmem>>
      %dma_start3A_993 = arith.constant 0 : i32
      %dma_start3A_994 = arith.constant 0 : i32
      %dma_start3A_995 = tpu.memref_slice %arg3[%dma_start3A_988, %scan3A_852, %add3A, %dma_start3A_993, %dma_start3A_994] : memref<21x25x32x8x128xf32, #tpu.memory_space<hbm>> -> memref<1x1x1x8x128xf32, #tpu.memory_space<hbm>>
      %dma_start3A_996 = tpu.memref_squeeze %dma_start3A_995 : memref<1x1x1x8x128xf32, #tpu.memory_space<hbm>> -> memref<8x128xf32, #tpu.memory_space<hbm>>
      %dma_start3A_997 = arith.constant 0 : i32
      %dma_start3A_998 = arith.constant 0 : i32
      %dma_start3A_999 = tpu.memref_slice %arg3[%dma_start3A_988, %scan3A_852, %add3A, %dma_start3A_997, %dma_start3A_998] : memref<21x25x32x8x128xf32, #tpu.memory_space<hbm>> -> memref<1x1x1x8x128xf32, #tpu.memory_space<hbm>>
      %dma_start3A_1000 = tpu.memref_squeeze %dma_start3A_999 : memref<1x1x1x8x128xf32, #tpu.memory_space<hbm>> -> memref<8x128xf32, #tpu.memory_space<hbm>>
      %dma_start3A_1001 = arith.constant 0 : i32
      %dma_start3A_1002 = arith.constant 0 : i32
      %dma_start3A_1003 = tpu.memref_slice %arg5[%rem3A_853, %dma_start3A_987, %dma_start3A_1001, %dma_start3A_1002] : memref<2x21x8x128xf32, #tpu.memory_space<vmem>> -> memref<1x1x8x128xf32, #tpu.memory_space<vmem>>
      %dma_start3A_1004 = tpu.memref_squeeze %dma_start3A_1003 : memref<1x1x8x128xf32, #tpu.memory_space<vmem>> -> memref<8x128xf32, #tpu.memory_space<vmem>>
      tpu.enqueue_dma source(%dma_start3A_1004 : memref<8x128xf32, #tpu.memory_space<vmem>>) target(%dma_start3A_1000 : memref<8x128xf32, #tpu.memory_space<hbm>>) target_semaphore(%arg6 : memref<!tpu.dma_semaphore, #tpu.memory_space<semaphore_mem>>)
      %dma_start3A_1005 = arith.constant 8 : i32
      %dma_start3A_1006 = arith.constant 8 : i32
      %dma_start3A_1007 = arith.constant 0 : i32
      %dma_start3A_1008 = arith.constant 0 : i32
      %dma_start3A_1009 = tpu.memref_slice %arg5[%rem3A_853, %dma_start3A_1005, %dma_start3A_1007, %dma_start3A_1008] : memref<2x21x8x128xf32, #tpu.memory_space<vmem>> -> memref<1x1x8x128xf32, #tpu.memory_space<vmem>>
      %dma_start3A_1010 = tpu.memref_squeeze %dma_start3A_1009 : memref<1x1x8x128xf32, #tpu.memory_space<vmem>> -> memref<8x128xf32, #tpu.memory_space<vmem>>
      %dma_start3A_1011 = arith.constant 0 : i32
      %dma_start3A_1012 = arith.constant 0 : i32
      %dma_start3A_1013 = tpu.memref_slice %arg3[%dma_start3A_1006, %scan3A_852, %add3A, %dma_start3A_1011, %dma_start3A_1012] : memref<21x25x32x8x128xf32, #tpu.memory_space<hbm>> -> memref<1x1x1x8x128xf32, #tpu.memory_space<hbm>>
      %dma_start3A_1014 = tpu.memref_squeeze %dma_start3A_1013 : memref<1x1x1x8x128xf32, #tpu.memory_space<hbm>> -> memref<8x128xf32, #tpu.memory_space<hbm>>
      %dma_start3A_1015 = arith.constant 0 : i32
      %dma_start3A_1016 = arith.constant 0 : i32
      %dma_start3A_1017 = tpu.memref_slice %arg3[%dma_start3A_1006, %scan3A_852, %add3A, %dma_start3A_1015, %dma_start3A_1016] : memref<21x25x32x8x128xf32, #tpu.memory_space<hbm>> -> memref<1x1x1x8x128xf32, #tpu.memory_space<hbm>>
      %dma_start3A_1018 = tpu.memref_squeeze %dma_start3A_1017 : memref<1x1x1x8x128xf32, #tpu.memory_space<hbm>> -> memref<8x128xf32, #tpu.memory_space<hbm>>
      %dma_start3A_1019 = arith.constant 0 : i32
      %dma_start3A_1020 = arith.constant 0 : i32
      %dma_start3A_1021 = tpu.memref_slice %arg5[%rem3A_853, %dma_start3A_1005, %dma_start3A_1019, %dma_start3A_1020] : memref<2x21x8x128xf32, #tpu.memory_space<vmem>> -> memref<1x1x8x128xf32, #tpu.memory_space<vmem>>
      %dma_start3A_1022 = tpu.memref_squeeze %dma_start3A_1021 : memref<1x1x8x128xf32, #tpu.memory_space<vmem>> -> memref<8x128xf32, #tpu.memory_space<vmem>>
      tpu.enqueue_dma source(%dma_start3A_1022 : memref<8x128xf32, #tpu.memory_space<vmem>>) target(%dma_start3A_1018 : memref<8x128xf32, #tpu.memory_space<hbm>>) target_semaphore(%arg6 : memref<!tpu.dma_semaphore, #tpu.memory_space<semaphore_mem>>)
      %dma_start3A_1023 = arith.constant 9 : i32
      %dma_start3A_1024 = arith.constant 9 : i32
      %dma_start3A_1025 = arith.constant 0 : i32
      %dma_start3A_1026 = arith.constant 0 : i32
      %dma_start3A_1027 = tpu.memref_slice %arg5[%rem3A_853, %dma_start3A_1023, %dma_start3A_1025, %dma_start3A_1026] : memref<2x21x8x128xf32, #tpu.memory_space<vmem>> -> memref<1x1x8x128xf32, #tpu.memory_space<vmem>>
      %dma_start3A_1028 = tpu.memref_squeeze %dma_start3A_1027 : memref<1x1x8x128xf32, #tpu.memory_space<vmem>> -> memref<8x128xf32, #tpu.memory_space<vmem>>
      %dma_start3A_1029 = arith.constant 0 : i32
      %dma_start3A_1030 = arith.constant 0 : i32
      %dma_start3A_1031 = tpu.memref_slice %arg3[%dma_start3A_1024, %scan3A_852, %add3A, %dma_start3A_1029, %dma_start3A_1030] : memref<21x25x32x8x128xf32, #tpu.memory_space<hbm>> -> memref<1x1x1x8x128xf32, #tpu.memory_space<hbm>>
      %dma_start3A_1032 = tpu.memref_squeeze %dma_start3A_1031 : memref<1x1x1x8x128xf32, #tpu.memory_space<hbm>> -> memref<8x128xf32, #tpu.memory_space<hbm>>
      %dma_start3A_1033 = arith.constant 0 : i32
      %dma_start3A_1034 = arith.constant 0 : i32
      %dma_start3A_1035 = tpu.memref_slice %arg3[%dma_start3A_1024, %scan3A_852, %add3A, %dma_start3A_1033, %dma_start3A_1034] : memref<21x25x32x8x128xf32, #tpu.memory_space<hbm>> -> memref<1x1x1x8x128xf32, #tpu.memory_space<hbm>>
      %dma_start3A_1036 = tpu.memref_squeeze %dma_start3A_1035 : memref<1x1x1x8x128xf32, #tpu.memory_space<hbm>> -> memref<8x128xf32, #tpu.memory_space<hbm>>
      %dma_start3A_1037 = arith.constant 0 : i32
      %dma_start3A_1038 = arith.constant 0 : i32
      %dma_start3A_1039 = tpu.memref_slice %arg5[%rem3A_853, %dma_start3A_1023, %dma_start3A_1037, %dma_start3A_1038] : memref<2x21x8x128xf32, #tpu.memory_space<vmem>> -> memref<1x1x8x128xf32, #tpu.memory_space<vmem>>
      %dma_start3A_1040 = tpu.memref_squeeze %dma_start3A_1039 : memref<1x1x8x128xf32, #tpu.memory_space<vmem>> -> memref<8x128xf32, #tpu.memory_space<vmem>>
      tpu.enqueue_dma source(%dma_start3A_1040 : memref<8x128xf32, #tpu.memory_space<vmem>>) target(%dma_start3A_1036 : memref<8x128xf32, #tpu.memory_space<hbm>>) target_semaphore(%arg6 : memref<!tpu.dma_semaphore, #tpu.memory_space<semaphore_mem>>)
      %dma_start3A_1041 = arith.constant 10 : i32
      %dma_start3A_1042 = arith.constant 10 : i32
      %dma_start3A_1043 = arith.constant 0 : i32
      %dma_start3A_1044 = arith.constant 0 : i32
      %dma_start3A_1045 = tpu.memref_slice %arg5[%rem3A_853, %dma_start3A_1041, %dma_start3A_1043, %dma_start3A_1044] : memref<2x21x8x128xf32, #tpu.memory_space<vmem>> -> memref<1x1x8x128xf32, #tpu.memory_space<vmem>>
      %dma_start3A_1046 = tpu.memref_squeeze %dma_start3A_1045 : memref<1x1x8x128xf32, #tpu.memory_space<vmem>> -> memref<8x128xf32, #tpu.memory_space<vmem>>
      %dma_start3A_1047 = arith.constant 0 : i32
      %dma_start3A_1048 = arith.constant 0 : i32
      %dma_start3A_1049 = tpu.memref_slice %arg3[%dma_start3A_1042, %scan3A_852, %add3A, %dma_start3A_1047, %dma_start3A_1048] : memref<21x25x32x8x128xf32, #tpu.memory_space<hbm>> -> memref<1x1x1x8x128xf32, #tpu.memory_space<hbm>>
      %dma_start3A_1050 = tpu.memref_squeeze %dma_start3A_1049 : memref<1x1x1x8x128xf32, #tpu.memory_space<hbm>> -> memref<8x128xf32, #tpu.memory_space<hbm>>
      %dma_start3A_1051 = arith.constant 0 : i32
      %dma_start3A_1052 = arith.constant 0 : i32
      %dma_start3A_1053 = tpu.memref_slice %arg3[%dma_start3A_1042, %scan3A_852, %add3A, %dma_start3A_1051, %dma_start3A_1052] : memref<21x25x32x8x128xf32, #tpu.memory_space<hbm>> -> memref<1x1x1x8x128xf32, #tpu.memory_space<hbm>>
      %dma_start3A_1054 = tpu.memref_squeeze %dma_start3A_1053 : memref<1x1x1x8x128xf32, #tpu.memory_space<hbm>> -> memref<8x128xf32, #tpu.memory_space<hbm>>
      %dma_start3A_1055 = arith.constant 0 : i32
      %dma_start3A_1056 = arith.constant 0 : i32
      %dma_start3A_1057 = tpu.memref_slice %arg5[%rem3A_853, %dma_start3A_1041, %dma_start3A_1055, %dma_start3A_1056] : memref<2x21x8x128xf32, #tpu.memory_space<vmem>> -> memref<1x1x8x128xf32, #tpu.memory_space<vmem>>
      %dma_start3A_1058 = tpu.memref_squeeze %dma_start3A_1057 : memref<1x1x8x128xf32, #tpu.memory_space<vmem>> -> memref<8x128xf32, #tpu.memory_space<vmem>>
      tpu.enqueue_dma source(%dma_start3A_1058 : memref<8x128xf32, #tpu.memory_space<vmem>>) target(%dma_start3A_1054 : memref<8x128xf32, #tpu.memory_space<hbm>>) target_semaphore(%arg6 : memref<!tpu.dma_semaphore, #tpu.memory_space<semaphore_mem>>)
      %dma_start3A_1059 = arith.constant 11 : i32
      %dma_start3A_1060 = arith.constant 11 : i32
      %dma_start3A_1061 = arith.constant 0 : i32
      %dma_start3A_1062 = arith.constant 0 : i32
      %dma_start3A_1063 = tpu.memref_slice %arg5[%rem3A_853, %dma_start3A_1059, %dma_start3A_1061, %dma_start3A_1062] : memref<2x21x8x128xf32, #tpu.memory_space<vmem>> -> memref<1x1x8x128xf32, #tpu.memory_space<vmem>>
      %dma_start3A_1064 = tpu.memref_squeeze %dma_start3A_1063 : memref<1x1x8x128xf32, #tpu.memory_space<vmem>> -> memref<8x128xf32, #tpu.memory_space<vmem>>
      %dma_start3A_1065 = arith.constant 0 : i32
      %dma_start3A_1066 = arith.constant 0 : i32
      %dma_start3A_1067 = tpu.memref_slice %arg3[%dma_start3A_1060, %scan3A_852, %add3A, %dma_start3A_1065, %dma_start3A_1066] : memref<21x25x32x8x128xf32, #tpu.memory_space<hbm>> -> memref<1x1x1x8x128xf32, #tpu.memory_space<hbm>>
      %dma_start3A_1068 = tpu.memref_squeeze %dma_start3A_1067 : memref<1x1x1x8x128xf32, #tpu.memory_space<hbm>> -> memref<8x128xf32, #tpu.memory_space<hbm>>
      %dma_start3A_1069 = arith.constant 0 : i32
      %dma_start3A_1070 = arith.constant 0 : i32
      %dma_start3A_1071 = tpu.memref_slice %arg3[%dma_start3A_1060, %scan3A_852, %add3A, %dma_start3A_1069, %dma_start3A_1070] : memref<21x25x32x8x128xf32, #tpu.memory_space<hbm>> -> memref<1x1x1x8x128xf32, #tpu.memory_space<hbm>>
      %dma_start3A_1072 = tpu.memref_squeeze %dma_start3A_1071 : memref<1x1x1x8x128xf32, #tpu.memory_space<hbm>> -> memref<8x128xf32, #tpu.memory_space<hbm>>
      %dma_start3A_1073 = arith.constant 0 : i32
      %dma_start3A_1074 = arith.constant 0 : i32
      %dma_start3A_1075 = tpu.memref_slice %arg5[%rem3A_853, %dma_start3A_1059, %dma_start3A_1073, %dma_start3A_1074] : memref<2x21x8x128xf32, #tpu.memory_space<vmem>> -> memref<1x1x8x128xf32, #tpu.memory_space<vmem>>
      %dma_start3A_1076 = tpu.memref_squeeze %dma_start3A_1075 : memref<1x1x8x128xf32, #tpu.memory_space<vmem>> -> memref<8x128xf32, #tpu.memory_space<vmem>>
      tpu.enqueue_dma source(%dma_start3A_1076 : memref<8x128xf32, #tpu.memory_space<vmem>>) target(%dma_start3A_1072 : memref<8x128xf32, #tpu.memory_space<hbm>>) target_semaphore(%arg6 : memref<!tpu.dma_semaphore, #tpu.memory_space<semaphore_mem>>)
      %dma_start3A_1077 = arith.constant 12 : i32
      %dma_start3A_1078 = arith.constant 12 : i32
      %dma_start3A_1079 = arith.constant 0 : i32
      %dma_start3A_1080 = arith.constant 0 : i32
      %dma_start3A_1081 = tpu.memref_slice %arg5[%rem3A_853, %dma_start3A_1077, %dma_start3A_1079, %dma_start3A_1080] : memref<2x21x8x128xf32, #tpu.memory_space<vmem>> -> memref<1x1x8x128xf32, #tpu.memory_space<vmem>>
      %dma_start3A_1082 = tpu.memref_squeeze %dma_start3A_1081 : memref<1x1x8x128xf32, #tpu.memory_space<vmem>> -> memref<8x128xf32, #tpu.memory_space<vmem>>
      %dma_start3A_1083 = arith.constant 0 : i32
      %dma_start3A_1084 = arith.constant 0 : i32
      %dma_start3A_1085 = tpu.memref_slice %arg3[%dma_start3A_1078, %scan3A_852, %add3A, %dma_start3A_1083, %dma_start3A_1084] : memref<21x25x32x8x128xf32, #tpu.memory_space<hbm>> -> memref<1x1x1x8x128xf32, #tpu.memory_space<hbm>>
      %dma_start3A_1086 = tpu.memref_squeeze %dma_start3A_1085 : memref<1x1x1x8x128xf32, #tpu.memory_space<hbm>> -> memref<8x128xf32, #tpu.memory_space<hbm>>
      %dma_start3A_1087 = arith.constant 0 : i32
      %dma_start3A_1088 = arith.constant 0 : i32
      %dma_start3A_1089 = tpu.memref_slice %arg3[%dma_start3A_1078, %scan3A_852, %add3A, %dma_start3A_1087, %dma_start3A_1088] : memref<21x25x32x8x128xf32, #tpu.memory_space<hbm>> -> memref<1x1x1x8x128xf32, #tpu.memory_space<hbm>>
      %dma_start3A_1090 = tpu.memref_squeeze %dma_start3A_1089 : memref<1x1x1x8x128xf32, #tpu.memory_space<hbm>> -> memref<8x128xf32, #tpu.memory_space<hbm>>
      %dma_start3A_1091 = arith.constant 0 : i32
      %dma_start3A_1092 = arith.constant 0 : i32
      %dma_start3A_1093 = tpu.memref_slice %arg5[%rem3A_853, %dma_start3A_1077, %dma_start3A_1091, %dma_start3A_1092] : memref<2x21x8x128xf32, #tpu.memory_space<vmem>> -> memref<1x1x8x128xf32, #tpu.memory_space<vmem>>
      %dma_start3A_1094 = tpu.memref_squeeze %dma_start3A_1093 : memref<1x1x8x128xf32, #tpu.memory_space<vmem>> -> memref<8x128xf32, #tpu.memory_space<vmem>>
      tpu.enqueue_dma source(%dma_start3A_1094 : memref<8x128xf32, #tpu.memory_space<vmem>>) target(%dma_start3A_1090 : memref<8x128xf32, #tpu.memory_space<hbm>>) target_semaphore(%arg6 : memref<!tpu.dma_semaphore, #tpu.memory_space<semaphore_mem>>)
      %dma_start3A_1095 = arith.constant 13 : i32
      %dma_start3A_1096 = arith.constant 13 : i32
      %dma_start3A_1097 = arith.constant 0 : i32
      %dma_start3A_1098 = arith.constant 0 : i32
      %dma_start3A_1099 = tpu.memref_slice %arg5[%rem3A_853, %dma_start3A_1095, %dma_start3A_1097, %dma_start3A_1098] : memref<2x21x8x128xf32, #tpu.memory_space<vmem>> -> memref<1x1x8x128xf32, #tpu.memory_space<vmem>>
      %dma_start3A_1100 = tpu.memref_squeeze %dma_start3A_1099 : memref<1x1x8x128xf32, #tpu.memory_space<vmem>> -> memref<8x128xf32, #tpu.memory_space<vmem>>
      %dma_start3A_1101 = arith.constant 0 : i32
      %dma_start3A_1102 = arith.constant 0 : i32
      %dma_start3A_1103 = tpu.memref_slice %arg3[%dma_start3A_1096, %scan3A_852, %add3A, %dma_start3A_1101, %dma_start3A_1102] : memref<21x25x32x8x128xf32, #tpu.memory_space<hbm>> -> memref<1x1x1x8x128xf32, #tpu.memory_space<hbm>>
      %dma_start3A_1104 = tpu.memref_squeeze %dma_start3A_1103 : memref<1x1x1x8x128xf32, #tpu.memory_space<hbm>> -> memref<8x128xf32, #tpu.memory_space<hbm>>
      %dma_start3A_1105 = arith.constant 0 : i32
      %dma_start3A_1106 = arith.constant 0 : i32
      %dma_start3A_1107 = tpu.memref_slice %arg3[%dma_start3A_1096, %scan3A_852, %add3A, %dma_start3A_1105, %dma_start3A_1106] : memref<21x25x32x8x128xf32, #tpu.memory_space<hbm>> -> memref<1x1x1x8x128xf32, #tpu.memory_space<hbm>>
      %dma_start3A_1108 = tpu.memref_squeeze %dma_start3A_1107 : memref<1x1x1x8x128xf32, #tpu.memory_space<hbm>> -> memref<8x128xf32, #tpu.memory_space<hbm>>
      %dma_start3A_1109 = arith.constant 0 : i32
      %dma_start3A_1110 = arith.constant 0 : i32
      %dma_start3A_1111 = tpu.memref_slice %arg5[%rem3A_853, %dma_start3A_1095, %dma_start3A_1109, %dma_start3A_1110] : memref<2x21x8x128xf32, #tpu.memory_space<vmem>> -> memref<1x1x8x128xf32, #tpu.memory_space<vmem>>
      %dma_start3A_1112 = tpu.memref_squeeze %dma_start3A_1111 : memref<1x1x8x128xf32, #tpu.memory_space<vmem>> -> memref<8x128xf32, #tpu.memory_space<vmem>>
      tpu.enqueue_dma source(%dma_start3A_1112 : memref<8x128xf32, #tpu.memory_space<vmem>>) target(%dma_start3A_1108 : memref<8x128xf32, #tpu.memory_space<hbm>>) target_semaphore(%arg6 : memref<!tpu.dma_semaphore, #tpu.memory_space<semaphore_mem>>)
      %dma_start3A_1113 = arith.constant 14 : i32
      %dma_start3A_1114 = arith.constant 14 : i32
      %dma_start3A_1115 = arith.constant 0 : i32
      %dma_start3A_1116 = arith.constant 0 : i32
      %dma_start3A_1117 = tpu.memref_slice %arg5[%rem3A_853, %dma_start3A_1113, %dma_start3A_1115, %dma_start3A_1116] : memref<2x21x8x128xf32, #tpu.memory_space<vmem>> -> memref<1x1x8x128xf32, #tpu.memory_space<vmem>>
      %dma_start3A_1118 = tpu.memref_squeeze %dma_start3A_1117 : memref<1x1x8x128xf32, #tpu.memory_space<vmem>> -> memref<8x128xf32, #tpu.memory_space<vmem>>
      %dma_start3A_1119 = arith.constant 0 : i32
      %dma_start3A_1120 = arith.constant 0 : i32
      %dma_start3A_1121 = tpu.memref_slice %arg3[%dma_start3A_1114, %scan3A_852, %add3A, %dma_start3A_1119, %dma_start3A_1120] : memref<21x25x32x8x128xf32, #tpu.memory_space<hbm>> -> memref<1x1x1x8x128xf32, #tpu.memory_space<hbm>>
      %dma_start3A_1122 = tpu.memref_squeeze %dma_start3A_1121 : memref<1x1x1x8x128xf32, #tpu.memory_space<hbm>> -> memref<8x128xf32, #tpu.memory_space<hbm>>
      %dma_start3A_1123 = arith.constant 0 : i32
      %dma_start3A_1124 = arith.constant 0 : i32
      %dma_start3A_1125 = tpu.memref_slice %arg3[%dma_start3A_1114, %scan3A_852, %add3A, %dma_start3A_1123, %dma_start3A_1124] : memref<21x25x32x8x128xf32, #tpu.memory_space<hbm>> -> memref<1x1x1x8x128xf32, #tpu.memory_space<hbm>>
      %dma_start3A_1126 = tpu.memref_squeeze %dma_start3A_1125 : memref<1x1x1x8x128xf32, #tpu.memory_space<hbm>> -> memref<8x128xf32, #tpu.memory_space<hbm>>
      %dma_start3A_1127 = arith.constant 0 : i32
      %dma_start3A_1128 = arith.constant 0 : i32
      %dma_start3A_1129 = tpu.memref_slice %arg5[%rem3A_853, %dma_start3A_1113, %dma_start3A_1127, %dma_start3A_1128] : memref<2x21x8x128xf32, #tpu.memory_space<vmem>> -> memref<1x1x8x128xf32, #tpu.memory_space<vmem>>
      %dma_start3A_1130 = tpu.memref_squeeze %dma_start3A_1129 : memref<1x1x8x128xf32, #tpu.memory_space<vmem>> -> memref<8x128xf32, #tpu.memory_space<vmem>>
      tpu.enqueue_dma source(%dma_start3A_1130 : memref<8x128xf32, #tpu.memory_space<vmem>>) target(%dma_start3A_1126 : memref<8x128xf32, #tpu.memory_space<hbm>>) target_semaphore(%arg6 : memref<!tpu.dma_semaphore, #tpu.memory_space<semaphore_mem>>)
      %dma_start3A_1131 = arith.constant 15 : i32
      %dma_start3A_1132 = arith.constant 15 : i32
      %dma_start3A_1133 = arith.constant 0 : i32
      %dma_start3A_1134 = arith.constant 0 : i32
      %dma_start3A_1135 = tpu.memref_slice %arg5[%rem3A_853, %dma_start3A_1131, %dma_start3A_1133, %dma_start3A_1134] : memref<2x21x8x128xf32, #tpu.memory_space<vmem>> -> memref<1x1x8x128xf32, #tpu.memory_space<vmem>>
      %dma_start3A_1136 = tpu.memref_squeeze %dma_start3A_1135 : memref<1x1x8x128xf32, #tpu.memory_space<vmem>> -> memref<8x128xf32, #tpu.memory_space<vmem>>
      %dma_start3A_1137 = arith.constant 0 : i32
      %dma_start3A_1138 = arith.constant 0 : i32
      %dma_start3A_1139 = tpu.memref_slice %arg3[%dma_start3A_1132, %scan3A_852, %add3A, %dma_start3A_1137, %dma_start3A_1138] : memref<21x25x32x8x128xf32, #tpu.memory_space<hbm>> -> memref<1x1x1x8x128xf32, #tpu.memory_space<hbm>>
      %dma_start3A_1140 = tpu.memref_squeeze %dma_start3A_1139 : memref<1x1x1x8x128xf32, #tpu.memory_space<hbm>> -> memref<8x128xf32, #tpu.memory_space<hbm>>
      %dma_start3A_1141 = arith.constant 0 : i32
      %dma_start3A_1142 = arith.constant 0 : i32
      %dma_start3A_1143 = tpu.memref_slice %arg3[%dma_start3A_1132, %scan3A_852, %add3A, %dma_start3A_1141, %dma_start3A_1142] : memref<21x25x32x8x128xf32, #tpu.memory_space<hbm>> -> memref<1x1x1x8x128xf32, #tpu.memory_space<hbm>>
      %dma_start3A_1144 = tpu.memref_squeeze %dma_start3A_1143 : memref<1x1x1x8x128xf32, #tpu.memory_space<hbm>> -> memref<8x128xf32, #tpu.memory_space<hbm>>
      %dma_start3A_1145 = arith.constant 0 : i32
      %dma_start3A_1146 = arith.constant 0 : i32
      %dma_start3A_1147 = tpu.memref_slice %arg5[%rem3A_853, %dma_start3A_1131, %dma_start3A_1145, %dma_start3A_1146] : memref<2x21x8x128xf32, #tpu.memory_space<vmem>> -> memref<1x1x8x128xf32, #tpu.memory_space<vmem>>
      %dma_start3A_1148 = tpu.memref_squeeze %dma_start3A_1147 : memref<1x1x8x128xf32, #tpu.memory_space<vmem>> -> memref<8x128xf32, #tpu.memory_space<vmem>>
      tpu.enqueue_dma source(%dma_start3A_1148 : memref<8x128xf32, #tpu.memory_space<vmem>>) target(%dma_start3A_1144 : memref<8x128xf32, #tpu.memory_space<hbm>>) target_semaphore(%arg6 : memref<!tpu.dma_semaphore, #tpu.memory_space<semaphore_mem>>)
      %dma_start3A_1149 = arith.constant 16 : i32
      %dma_start3A_1150 = arith.constant 16 : i32
      %dma_start3A_1151 = arith.constant 0 : i32
      %dma_start3A_1152 = arith.constant 0 : i32
      %dma_start3A_1153 = tpu.memref_slice %arg5[%rem3A_853, %dma_start3A_1149, %dma_start3A_1151, %dma_start3A_1152] : memref<2x21x8x128xf32, #tpu.memory_space<vmem>> -> memref<1x1x8x128xf32, #tpu.memory_space<vmem>>
      %dma_start3A_1154 = tpu.memref_squeeze %dma_start3A_1153 : memref<1x1x8x128xf32, #tpu.memory_space<vmem>> -> memref<8x128xf32, #tpu.memory_space<vmem>>
      %dma_start3A_1155 = arith.constant 0 : i32
      %dma_start3A_1156 = arith.constant 0 : i32
      %dma_start3A_1157 = tpu.memref_slice %arg3[%dma_start3A_1150, %scan3A_852, %add3A, %dma_start3A_1155, %dma_start3A_1156] : memref<21x25x32x8x128xf32, #tpu.memory_space<hbm>> -> memref<1x1x1x8x128xf32, #tpu.memory_space<hbm>>
      %dma_start3A_1158 = tpu.memref_squeeze %dma_start3A_1157 : memref<1x1x1x8x128xf32, #tpu.memory_space<hbm>> -> memref<8x128xf32, #tpu.memory_space<hbm>>
      %dma_start3A_1159 = arith.constant 0 : i32
      %dma_start3A_1160 = arith.constant 0 : i32
      %dma_start3A_1161 = tpu.memref_slice %arg3[%dma_start3A_1150, %scan3A_852, %add3A, %dma_start3A_1159, %dma_start3A_1160] : memref<21x25x32x8x128xf32, #tpu.memory_space<hbm>> -> memref<1x1x1x8x128xf32, #tpu.memory_space<hbm>>
      %dma_start3A_1162 = tpu.memref_squeeze %dma_start3A_1161 : memref<1x1x1x8x128xf32, #tpu.memory_space<hbm>> -> memref<8x128xf32, #tpu.memory_space<hbm>>
      %dma_start3A_1163 = arith.constant 0 : i32
      %dma_start3A_1164 = arith.constant 0 : i32
      %dma_start3A_1165 = tpu.memref_slice %arg5[%rem3A_853, %dma_start3A_1149, %dma_start3A_1163, %dma_start3A_1164] : memref<2x21x8x128xf32, #tpu.memory_space<vmem>> -> memref<1x1x8x128xf32, #tpu.memory_space<vmem>>
      %dma_start3A_1166 = tpu.memref_squeeze %dma_start3A_1165 : memref<1x1x8x128xf32, #tpu.memory_space<vmem>> -> memref<8x128xf32, #tpu.memory_space<vmem>>
      tpu.enqueue_dma source(%dma_start3A_1166 : memref<8x128xf32, #tpu.memory_space<vmem>>) target(%dma_start3A_1162 : memref<8x128xf32, #tpu.memory_space<hbm>>) target_semaphore(%arg6 : memref<!tpu.dma_semaphore, #tpu.memory_space<semaphore_mem>>)
      %dma_start3A_1167 = arith.constant 17 : i32
      %dma_start3A_1168 = arith.constant 17 : i32
      %dma_start3A_1169 = arith.constant 0 : i32
      %dma_start3A_1170 = arith.constant 0 : i32
      %dma_start3A_1171 = tpu.memref_slice %arg5[%rem3A_853, %dma_start3A_1167, %dma_start3A_1169, %dma_start3A_1170] : memref<2x21x8x128xf32, #tpu.memory_space<vmem>> -> memref<1x1x8x128xf32, #tpu.memory_space<vmem>>
      %dma_start3A_1172 = tpu.memref_squeeze %dma_start3A_1171 : memref<1x1x8x128xf32, #tpu.memory_space<vmem>> -> memref<8x128xf32, #tpu.memory_space<vmem>>
      %dma_start3A_1173 = arith.constant 0 : i32
      %dma_start3A_1174 = arith.constant 0 : i32
      %dma_start3A_1175 = tpu.memref_slice %arg3[%dma_start3A_1168, %scan3A_852, %add3A, %dma_start3A_1173, %dma_start3A_1174] : memref<21x25x32x8x128xf32, #tpu.memory_space<hbm>> -> memref<1x1x1x8x128xf32, #tpu.memory_space<hbm>>
      %dma_start3A_1176 = tpu.memref_squeeze %dma_start3A_1175 : memref<1x1x1x8x128xf32, #tpu.memory_space<hbm>> -> memref<8x128xf32, #tpu.memory_space<hbm>>
      %dma_start3A_1177 = arith.constant 0 : i32
      %dma_start3A_1178 = arith.constant 0 : i32
      %dma_start3A_1179 = tpu.memref_slice %arg3[%dma_start3A_1168, %scan3A_852, %add3A, %dma_start3A_1177, %dma_start3A_1178] : memref<21x25x32x8x128xf32, #tpu.memory_space<hbm>> -> memref<1x1x1x8x128xf32, #tpu.memory_space<hbm>>
      %dma_start3A_1180 = tpu.memref_squeeze %dma_start3A_1179 : memref<1x1x1x8x128xf32, #tpu.memory_space<hbm>> -> memref<8x128xf32, #tpu.memory_space<hbm>>
      %dma_start3A_1181 = arith.constant 0 : i32
      %dma_start3A_1182 = arith.constant 0 : i32
      %dma_start3A_1183 = tpu.memref_slice %arg5[%rem3A_853, %dma_start3A_1167, %dma_start3A_1181, %dma_start3A_1182] : memref<2x21x8x128xf32, #tpu.memory_space<vmem>> -> memref<1x1x8x128xf32, #tpu.memory_space<vmem>>
      %dma_start3A_1184 = tpu.memref_squeeze %dma_start3A_1183 : memref<1x1x8x128xf32, #tpu.memory_space<vmem>> -> memref<8x128xf32, #tpu.memory_space<vmem>>
      tpu.enqueue_dma source(%dma_start3A_1184 : memref<8x128xf32, #tpu.memory_space<vmem>>) target(%dma_start3A_1180 : memref<8x128xf32, #tpu.memory_space<hbm>>) target_semaphore(%arg6 : memref<!tpu.dma_semaphore, #tpu.memory_space<semaphore_mem>>)
      %dma_start3A_1185 = arith.constant 18 : i32
      %dma_start3A_1186 = arith.constant 18 : i32
      %dma_start3A_1187 = arith.constant 0 : i32
      %dma_start3A_1188 = arith.constant 0 : i32
      %dma_start3A_1189 = tpu.memref_slice %arg5[%rem3A_853, %dma_start3A_1185, %dma_start3A_1187, %dma_start3A_1188] : memref<2x21x8x128xf32, #tpu.memory_space<vmem>> -> memref<1x1x8x128xf32, #tpu.memory_space<vmem>>
      %dma_start3A_1190 = tpu.memref_squeeze %dma_start3A_1189 : memref<1x1x8x128xf32, #tpu.memory_space<vmem>> -> memref<8x128xf32, #tpu.memory_space<vmem>>
      %dma_start3A_1191 = arith.constant 0 : i32
      %dma_start3A_1192 = arith.constant 0 : i32
      %dma_start3A_1193 = tpu.memref_slice %arg3[%dma_start3A_1186, %scan3A_852, %add3A, %dma_start3A_1191, %dma_start3A_1192] : memref<21x25x32x8x128xf32, #tpu.memory_space<hbm>> -> memref<1x1x1x8x128xf32, #tpu.memory_space<hbm>>
      %dma_start3A_1194 = tpu.memref_squeeze %dma_start3A_1193 : memref<1x1x1x8x128xf32, #tpu.memory_space<hbm>> -> memref<8x128xf32, #tpu.memory_space<hbm>>
      %dma_start3A_1195 = arith.constant 0 : i32
      %dma_start3A_1196 = arith.constant 0 : i32
      %dma_start3A_1197 = tpu.memref_slice %arg3[%dma_start3A_1186, %scan3A_852, %add3A, %dma_start3A_1195, %dma_start3A_1196] : memref<21x25x32x8x128xf32, #tpu.memory_space<hbm>> -> memref<1x1x1x8x128xf32, #tpu.memory_space<hbm>>
      %dma_start3A_1198 = tpu.memref_squeeze %dma_start3A_1197 : memref<1x1x1x8x128xf32, #tpu.memory_space<hbm>> -> memref<8x128xf32, #tpu.memory_space<hbm>>
      %dma_start3A_1199 = arith.constant 0 : i32
      %dma_start3A_1200 = arith.constant 0 : i32
      %dma_start3A_1201 = tpu.memref_slice %arg5[%rem3A_853, %dma_start3A_1185, %dma_start3A_1199, %dma_start3A_1200] : memref<2x21x8x128xf32, #tpu.memory_space<vmem>> -> memref<1x1x8x128xf32, #tpu.memory_space<vmem>>
      %dma_start3A_1202 = tpu.memref_squeeze %dma_start3A_1201 : memref<1x1x8x128xf32, #tpu.memory_space<vmem>> -> memref<8x128xf32, #tpu.memory_space<vmem>>
      tpu.enqueue_dma source(%dma_start3A_1202 : memref<8x128xf32, #tpu.memory_space<vmem>>) target(%dma_start3A_1198 : memref<8x128xf32, #tpu.memory_space<hbm>>) target_semaphore(%arg6 : memref<!tpu.dma_semaphore, #tpu.memory_space<semaphore_mem>>)
      %dma_start3A_1203 = arith.constant 19 : i32
      %dma_start3A_1204 = arith.constant 19 : i32
      %dma_start3A_1205 = arith.constant 0 : i32
      %dma_start3A_1206 = arith.constant 0 : i32
      %dma_start3A_1207 = tpu.memref_slice %arg5[%rem3A_853, %dma_start3A_1203, %dma_start3A_1205, %dma_start3A_1206] : memref<2x21x8x128xf32, #tpu.memory_space<vmem>> -> memref<1x1x8x128xf32, #tpu.memory_space<vmem>>
      %dma_start3A_1208 = tpu.memref_squeeze %dma_start3A_1207 : memref<1x1x8x128xf32, #tpu.memory_space<vmem>> -> memref<8x128xf32, #tpu.memory_space<vmem>>
      %dma_start3A_1209 = arith.constant 0 : i32
      %dma_start3A_1210 = arith.constant 0 : i32
      %dma_start3A_1211 = tpu.memref_slice %arg3[%dma_start3A_1204, %scan3A_852, %add3A, %dma_start3A_1209, %dma_start3A_1210] : memref<21x25x32x8x128xf32, #tpu.memory_space<hbm>> -> memref<1x1x1x8x128xf32, #tpu.memory_space<hbm>>
      %dma_start3A_1212 = tpu.memref_squeeze %dma_start3A_1211 : memref<1x1x1x8x128xf32, #tpu.memory_space<hbm>> -> memref<8x128xf32, #tpu.memory_space<hbm>>
      %dma_start3A_1213 = arith.constant 0 : i32
      %dma_start3A_1214 = arith.constant 0 : i32
      %dma_start3A_1215 = tpu.memref_slice %arg3[%dma_start3A_1204, %scan3A_852, %add3A, %dma_start3A_1213, %dma_start3A_1214] : memref<21x25x32x8x128xf32, #tpu.memory_space<hbm>> -> memref<1x1x1x8x128xf32, #tpu.memory_space<hbm>>
      %dma_start3A_1216 = tpu.memref_squeeze %dma_start3A_1215 : memref<1x1x1x8x128xf32, #tpu.memory_space<hbm>> -> memref<8x128xf32, #tpu.memory_space<hbm>>
      %dma_start3A_1217 = arith.constant 0 : i32
      %dma_start3A_1218 = arith.constant 0 : i32
      %dma_start3A_1219 = tpu.memref_slice %arg5[%rem3A_853, %dma_start3A_1203, %dma_start3A_1217, %dma_start3A_1218] : memref<2x21x8x128xf32, #tpu.memory_space<vmem>> -> memref<1x1x8x128xf32, #tpu.memory_space<vmem>>
      %dma_start3A_1220 = tpu.memref_squeeze %dma_start3A_1219 : memref<1x1x8x128xf32, #tpu.memory_space<vmem>> -> memref<8x128xf32, #tpu.memory_space<vmem>>
      tpu.enqueue_dma source(%dma_start3A_1220 : memref<8x128xf32, #tpu.memory_space<vmem>>) target(%dma_start3A_1216 : memref<8x128xf32, #tpu.memory_space<hbm>>) target_semaphore(%arg6 : memref<!tpu.dma_semaphore, #tpu.memory_space<semaphore_mem>>)
      %dma_start3A_1221 = arith.constant 20 : i32
      %dma_start3A_1222 = arith.constant 20 : i32
      %dma_start3A_1223 = arith.constant 0 : i32
      %dma_start3A_1224 = arith.constant 0 : i32
      %dma_start3A_1225 = tpu.memref_slice %arg5[%rem3A_853, %dma_start3A_1221, %dma_start3A_1223, %dma_start3A_1224] : memref<2x21x8x128xf32, #tpu.memory_space<vmem>> -> memref<1x1x8x128xf32, #tpu.memory_space<vmem>>
      %dma_start3A_1226 = tpu.memref_squeeze %dma_start3A_1225 : memref<1x1x8x128xf32, #tpu.memory_space<vmem>> -> memref<8x128xf32, #tpu.memory_space<vmem>>
      %dma_start3A_1227 = arith.constant 0 : i32
      %dma_start3A_1228 = arith.constant 0 : i32
      %dma_start3A_1229 = tpu.memref_slice %arg3[%dma_start3A_1222, %scan3A_852, %add3A, %dma_start3A_1227, %dma_start3A_1228] : memref<21x25x32x8x128xf32, #tpu.memory_space<hbm>> -> memref<1x1x1x8x128xf32, #tpu.memory_space<hbm>>
      %dma_start3A_1230 = tpu.memref_squeeze %dma_start3A_1229 : memref<1x1x1x8x128xf32, #tpu.memory_space<hbm>> -> memref<8x128xf32, #tpu.memory_space<hbm>>
      %dma_start3A_1231 = arith.constant 0 : i32
      %dma_start3A_1232 = arith.constant 0 : i32
      %dma_start3A_1233 = tpu.memref_slice %arg3[%dma_start3A_1222, %scan3A_852, %add3A, %dma_start3A_1231, %dma_start3A_1232] : memref<21x25x32x8x128xf32, #tpu.memory_space<hbm>> -> memref<1x1x1x8x128xf32, #tpu.memory_space<hbm>>
      %dma_start3A_1234 = tpu.memref_squeeze %dma_start3A_1233 : memref<1x1x1x8x128xf32, #tpu.memory_space<hbm>> -> memref<8x128xf32, #tpu.memory_space<hbm>>
      %dma_start3A_1235 = arith.constant 0 : i32
      %dma_start3A_1236 = arith.constant 0 : i32
      %dma_start3A_1237 = tpu.memref_slice %arg5[%rem3A_853, %dma_start3A_1221, %dma_start3A_1235, %dma_start3A_1236] : memref<2x21x8x128xf32, #tpu.memory_space<vmem>> -> memref<1x1x8x128xf32, #tpu.memory_space<vmem>>
      %dma_start3A_1238 = tpu.memref_squeeze %dma_start3A_1237 : memref<1x1x8x128xf32, #tpu.memory_space<vmem>> -> memref<8x128xf32, #tpu.memory_space<vmem>>
      tpu.enqueue_dma source(%dma_start3A_1238 : memref<8x128xf32, #tpu.memory_space<vmem>>) target(%dma_start3A_1234 : memref<8x128xf32, #tpu.memory_space<hbm>>) target_semaphore(%arg6 : memref<!tpu.dma_semaphore, #tpu.memory_space<semaphore_mem>>)
    }
    %scan3A_12 = arith.constant 25 : i32
    %dma_wait3A = arith.constant 1 : i32
    %dma_wait3A_13 = arith.constant 0 : i32
    %dma_wait3A_14 = arith.constant 0 : i32
    %dma_wait3A_15 = arith.constant 23 : i32
    %dma_wait3A_16 = arith.constant 0 : i32
    %dma_wait3A_17 = arith.constant 0 : i32
    %dma_wait3A_18 = tpu.memref_slice %arg5[%dma_wait3A, %dma_wait3A_13, %dma_wait3A_16, %dma_wait3A_17] : memref<2x21x8x128xf32, #tpu.memory_space<vmem>> -> memref<1x1x8x128xf32, #tpu.memory_space<vmem>>
    %dma_wait3A_19 = tpu.memref_squeeze %dma_wait3A_18 : memref<1x1x8x128xf32, #tpu.memory_space<vmem>> -> memref<8x128xf32, #tpu.memory_space<vmem>>
    %dma_wait3A_20 = arith.constant 0 : i32
    %dma_wait3A_21 = arith.constant 0 : i32
    %dma_wait3A_22 = tpu.memref_slice %arg3[%dma_wait3A_14, %dma_wait3A_15, %add3A, %dma_wait3A_20, %dma_wait3A_21] : memref<21x25x32x8x128xf32, #tpu.memory_space<hbm>> -> memref<1x1x1x8x128xf32, #tpu.memory_space<hbm>>
    %dma_wait3A_23 = tpu.memref_squeeze %dma_wait3A_22 : memref<1x1x1x8x128xf32, #tpu.memory_space<hbm>> -> memref<8x128xf32, #tpu.memory_space<hbm>>
    %dma_wait3A_24 = arith.constant 0 : i32
    %dma_wait3A_25 = arith.constant 0 : i32
    %dma_wait3A_26 = tpu.memref_slice %arg3[%dma_wait3A_14, %dma_wait3A_15, %add3A, %dma_wait3A_24, %dma_wait3A_25] : memref<21x25x32x8x128xf32, #tpu.memory_space<hbm>> -> memref<1x1x1x8x128xf32, #tpu.memory_space<hbm>>
    %dma_wait3A_27 = tpu.memref_squeeze %dma_wait3A_26 : memref<1x1x1x8x128xf32, #tpu.memory_space<hbm>> -> memref<8x128xf32, #tpu.memory_space<hbm>>
    %dma_wait3A_28 = arith.constant 0 : i32
    %dma_wait3A_29 = arith.constant 0 : i32
    %dma_wait3A_30 = tpu.memref_slice %arg5[%dma_wait3A, %dma_wait3A_13, %dma_wait3A_28, %dma_wait3A_29] : memref<2x21x8x128xf32, #tpu.memory_space<vmem>> -> memref<1x1x8x128xf32, #tpu.memory_space<vmem>>
    %dma_wait3A_31 = tpu.memref_squeeze %dma_wait3A_30 : memref<1x1x8x128xf32, #tpu.memory_space<vmem>> -> memref<8x128xf32, #tpu.memory_space<vmem>>
    tpu.wait_dma2 semaphore(%arg6 : memref<!tpu.dma_semaphore, #tpu.memory_space<semaphore_mem>>) src(%dma_wait3A_31 : memref<8x128xf32, #tpu.memory_space<vmem>>) dst(%dma_wait3A_27 : memref<8x128xf32, #tpu.memory_space<hbm>>)
    %dma_wait3A_32 = arith.constant 1 : i32
    %dma_wait3A_33 = arith.constant 1 : i32
    %dma_wait3A_34 = arith.constant 1 : i32
    %dma_wait3A_35 = arith.constant 23 : i32
    %dma_wait3A_36 = arith.constant 0 : i32
    %dma_wait3A_37 = arith.constant 0 : i32
    %dma_wait3A_38 = tpu.memref_slice %arg5[%dma_wait3A_32, %dma_wait3A_33, %dma_wait3A_36, %dma_wait3A_37] : memref<2x21x8x128xf32, #tpu.memory_space<vmem>> -> memref<1x1x8x128xf32, #tpu.memory_space<vmem>>
    %dma_wait3A_39 = tpu.memref_squeeze %dma_wait3A_38 : memref<1x1x8x128xf32, #tpu.memory_space<vmem>> -> memref<8x128xf32, #tpu.memory_space<vmem>>
    %dma_wait3A_40 = arith.constant 0 : i32
    %dma_wait3A_41 = arith.constant 0 : i32
    %dma_wait3A_42 = tpu.memref_slice %arg3[%dma_wait3A_34, %dma_wait3A_35, %add3A, %dma_wait3A_40, %dma_wait3A_41] : memref<21x25x32x8x128xf32, #tpu.memory_space<hbm>> -> memref<1x1x1x8x128xf32, #tpu.memory_space<hbm>>
    %dma_wait3A_43 = tpu.memref_squeeze %dma_wait3A_42 : memref<1x1x1x8x128xf32, #tpu.memory_space<hbm>> -> memref<8x128xf32, #tpu.memory_space<hbm>>
    %dma_wait3A_44 = arith.constant 0 : i32
    %dma_wait3A_45 = arith.constant 0 : i32
    %dma_wait3A_46 = tpu.memref_slice %arg3[%dma_wait3A_34, %dma_wait3A_35, %add3A, %dma_wait3A_44, %dma_wait3A_45] : memref<21x25x32x8x128xf32, #tpu.memory_space<hbm>> -> memref<1x1x1x8x128xf32, #tpu.memory_space<hbm>>
    %dma_wait3A_47 = tpu.memref_squeeze %dma_wait3A_46 : memref<1x1x1x8x128xf32, #tpu.memory_space<hbm>> -> memref<8x128xf32, #tpu.memory_space<hbm>>
    %dma_wait3A_48 = arith.constant 0 : i32
    %dma_wait3A_49 = arith.constant 0 : i32
    %dma_wait3A_50 = tpu.memref_slice %arg5[%dma_wait3A_32, %dma_wait3A_33, %dma_wait3A_48, %dma_wait3A_49] : memref<2x21x8x128xf32, #tpu.memory_space<vmem>> -> memref<1x1x8x128xf32, #tpu.memory_space<vmem>>
    %dma_wait3A_51 = tpu.memref_squeeze %dma_wait3A_50 : memref<1x1x8x128xf32, #tpu.memory_space<vmem>> -> memref<8x128xf32, #tpu.memory_space<vmem>>
    tpu.wait_dma2 semaphore(%arg6 : memref<!tpu.dma_semaphore, #tpu.memory_space<semaphore_mem>>) src(%dma_wait3A_51 : memref<8x128xf32, #tpu.memory_space<vmem>>) dst(%dma_wait3A_47 : memref<8x128xf32, #tpu.memory_space<hbm>>)
    %dma_wait3A_52 = arith.constant 1 : i32
    %dma_wait3A_53 = arith.constant 2 : i32
    %dma_wait3A_54 = arith.constant 2 : i32
    %dma_wait3A_55 = arith.constant 23 : i32
    %dma_wait3A_56 = arith.constant 0 : i32
    %dma_wait3A_57 = arith.constant 0 : i32
    %dma_wait3A_58 = tpu.memref_slice %arg5[%dma_wait3A_52, %dma_wait3A_53, %dma_wait3A_56, %dma_wait3A_57] : memref<2x21x8x128xf32, #tpu.memory_space<vmem>> -> memref<1x1x8x128xf32, #tpu.memory_space<vmem>>
    %dma_wait3A_59 = tpu.memref_squeeze %dma_wait3A_58 : memref<1x1x8x128xf32, #tpu.memory_space<vmem>> -> memref<8x128xf32, #tpu.memory_space<vmem>>
    %dma_wait3A_60 = arith.constant 0 : i32
    %dma_wait3A_61 = arith.constant 0 : i32
    %dma_wait3A_62 = tpu.memref_slice %arg3[%dma_wait3A_54, %dma_wait3A_55, %add3A, %dma_wait3A_60, %dma_wait3A_61] : memref<21x25x32x8x128xf32, #tpu.memory_space<hbm>> -> memref<1x1x1x8x128xf32, #tpu.memory_space<hbm>>
    %dma_wait3A_63 = tpu.memref_squeeze %dma_wait3A_62 : memref<1x1x1x8x128xf32, #tpu.memory_space<hbm>> -> memref<8x128xf32, #tpu.memory_space<hbm>>
    %dma_wait3A_64 = arith.constant 0 : i32
    %dma_wait3A_65 = arith.constant 0 : i32
    %dma_wait3A_66 = tpu.memref_slice %arg3[%dma_wait3A_54, %dma_wait3A_55, %add3A, %dma_wait3A_64, %dma_wait3A_65] : memref<21x25x32x8x128xf32, #tpu.memory_space<hbm>> -> memref<1x1x1x8x128xf32, #tpu.memory_space<hbm>>
    %dma_wait3A_67 = tpu.memref_squeeze %dma_wait3A_66 : memref<1x1x1x8x128xf32, #tpu.memory_space<hbm>> -> memref<8x128xf32, #tpu.memory_space<hbm>>
    %dma_wait3A_68 = arith.constant 0 : i32
    %dma_wait3A_69 = arith.constant 0 : i32
    %dma_wait3A_70 = tpu.memref_slice %arg5[%dma_wait3A_52, %dma_wait3A_53, %dma_wait3A_68, %dma_wait3A_69] : memref<2x21x8x128xf32, #tpu.memory_space<vmem>> -> memref<1x1x8x128xf32, #tpu.memory_space<vmem>>
    %dma_wait3A_71 = tpu.memref_squeeze %dma_wait3A_70 : memref<1x1x8x128xf32, #tpu.memory_space<vmem>> -> memref<8x128xf32, #tpu.memory_space<vmem>>
    tpu.wait_dma2 semaphore(%arg6 : memref<!tpu.dma_semaphore, #tpu.memory_space<semaphore_mem>>) src(%dma_wait3A_71 : memref<8x128xf32, #tpu.memory_space<vmem>>) dst(%dma_wait3A_67 : memref<8x128xf32, #tpu.memory_space<hbm>>)
    %dma_wait3A_72 = arith.constant 1 : i32
    %dma_wait3A_73 = arith.constant 3 : i32
    %dma_wait3A_74 = arith.constant 3 : i32
    %dma_wait3A_75 = arith.constant 23 : i32
    %dma_wait3A_76 = arith.constant 0 : i32
    %dma_wait3A_77 = arith.constant 0 : i32
    %dma_wait3A_78 = tpu.memref_slice %arg5[%dma_wait3A_72, %dma_wait3A_73, %dma_wait3A_76, %dma_wait3A_77] : memref<2x21x8x128xf32, #tpu.memory_space<vmem>> -> memref<1x1x8x128xf32, #tpu.memory_space<vmem>>
    %dma_wait3A_79 = tpu.memref_squeeze %dma_wait3A_78 : memref<1x1x8x128xf32, #tpu.memory_space<vmem>> -> memref<8x128xf32, #tpu.memory_space<vmem>>
    %dma_wait3A_80 = arith.constant 0 : i32
    %dma_wait3A_81 = arith.constant 0 : i32
    %dma_wait3A_82 = tpu.memref_slice %arg3[%dma_wait3A_74, %dma_wait3A_75, %add3A, %dma_wait3A_80, %dma_wait3A_81] : memref<21x25x32x8x128xf32, #tpu.memory_space<hbm>> -> memref<1x1x1x8x128xf32, #tpu.memory_space<hbm>>
    %dma_wait3A_83 = tpu.memref_squeeze %dma_wait3A_82 : memref<1x1x1x8x128xf32, #tpu.memory_space<hbm>> -> memref<8x128xf32, #tpu.memory_space<hbm>>
    %dma_wait3A_84 = arith.constant 0 : i32
    %dma_wait3A_85 = arith.constant 0 : i32
    %dma_wait3A_86 = tpu.memref_slice %arg3[%dma_wait3A_74, %dma_wait3A_75, %add3A, %dma_wait3A_84, %dma_wait3A_85] : memref<21x25x32x8x128xf32, #tpu.memory_space<hbm>> -> memref<1x1x1x8x128xf32, #tpu.memory_space<hbm>>
    %dma_wait3A_87 = tpu.memref_squeeze %dma_wait3A_86 : memref<1x1x1x8x128xf32, #tpu.memory_space<hbm>> -> memref<8x128xf32, #tpu.memory_space<hbm>>
    %dma_wait3A_88 = arith.constant 0 : i32
    %dma_wait3A_89 = arith.constant 0 : i32
    %dma_wait3A_90 = tpu.memref_slice %arg5[%dma_wait3A_72, %dma_wait3A_73, %dma_wait3A_88, %dma_wait3A_89] : memref<2x21x8x128xf32, #tpu.memory_space<vmem>> -> memref<1x1x8x128xf32, #tpu.memory_space<vmem>>
    %dma_wait3A_91 = tpu.memref_squeeze %dma_wait3A_90 : memref<1x1x8x128xf32, #tpu.memory_space<vmem>> -> memref<8x128xf32, #tpu.memory_space<vmem>>
    tpu.wait_dma2 semaphore(%arg6 : memref<!tpu.dma_semaphore, #tpu.memory_space<semaphore_mem>>) src(%dma_wait3A_91 : memref<8x128xf32, #tpu.memory_space<vmem>>) dst(%dma_wait3A_87 : memref<8x128xf32, #tpu.memory_space<hbm>>)
    %dma_wait3A_92 = arith.constant 1 : i32
    %dma_wait3A_93 = arith.constant 4 : i32
    %dma_wait3A_94 = arith.constant 4 : i32
    %dma_wait3A_95 = arith.constant 23 : i32
    %dma_wait3A_96 = arith.constant 0 : i32
    %dma_wait3A_97 = arith.constant 0 : i32
    %dma_wait3A_98 = tpu.memref_slice %arg5[%dma_wait3A_92, %dma_wait3A_93, %dma_wait3A_96, %dma_wait3A_97] : memref<2x21x8x128xf32, #tpu.memory_space<vmem>> -> memref<1x1x8x128xf32, #tpu.memory_space<vmem>>
    %dma_wait3A_99 = tpu.memref_squeeze %dma_wait3A_98 : memref<1x1x8x128xf32, #tpu.memory_space<vmem>> -> memref<8x128xf32, #tpu.memory_space<vmem>>
    %dma_wait3A_100 = arith.constant 0 : i32
    %dma_wait3A_101 = arith.constant 0 : i32
    %dma_wait3A_102 = tpu.memref_slice %arg3[%dma_wait3A_94, %dma_wait3A_95, %add3A, %dma_wait3A_100, %dma_wait3A_101] : memref<21x25x32x8x128xf32, #tpu.memory_space<hbm>> -> memref<1x1x1x8x128xf32, #tpu.memory_space<hbm>>
    %dma_wait3A_103 = tpu.memref_squeeze %dma_wait3A_102 : memref<1x1x1x8x128xf32, #tpu.memory_space<hbm>> -> memref<8x128xf32, #tpu.memory_space<hbm>>
    %dma_wait3A_104 = arith.constant 0 : i32
    %dma_wait3A_105 = arith.constant 0 : i32
    %dma_wait3A_106 = tpu.memref_slice %arg3[%dma_wait3A_94, %dma_wait3A_95, %add3A, %dma_wait3A_104, %dma_wait3A_105] : memref<21x25x32x8x128xf32, #tpu.memory_space<hbm>> -> memref<1x1x1x8x128xf32, #tpu.memory_space<hbm>>
    %dma_wait3A_107 = tpu.memref_squeeze %dma_wait3A_106 : memref<1x1x1x8x128xf32, #tpu.memory_space<hbm>> -> memref<8x128xf32, #tpu.memory_space<hbm>>
    %dma_wait3A_108 = arith.constant 0 : i32
    %dma_wait3A_109 = arith.constant 0 : i32
    %dma_wait3A_110 = tpu.memref_slice %arg5[%dma_wait3A_92, %dma_wait3A_93, %dma_wait3A_108, %dma_wait3A_109] : memref<2x21x8x128xf32, #tpu.memory_space<vmem>> -> memref<1x1x8x128xf32, #tpu.memory_space<vmem>>
    %dma_wait3A_111 = tpu.memref_squeeze %dma_wait3A_110 : memref<1x1x8x128xf32, #tpu.memory_space<vmem>> -> memref<8x128xf32, #tpu.memory_space<vmem>>
    tpu.wait_dma2 semaphore(%arg6 : memref<!tpu.dma_semaphore, #tpu.memory_space<semaphore_mem>>) src(%dma_wait3A_111 : memref<8x128xf32, #tpu.memory_space<vmem>>) dst(%dma_wait3A_107 : memref<8x128xf32, #tpu.memory_space<hbm>>)
    %dma_wait3A_112 = arith.constant 1 : i32
    %dma_wait3A_113 = arith.constant 5 : i32
    %dma_wait3A_114 = arith.constant 5 : i32
    %dma_wait3A_115 = arith.constant 23 : i32
    %dma_wait3A_116 = arith.constant 0 : i32
    %dma_wait3A_117 = arith.constant 0 : i32
    %dma_wait3A_118 = tpu.memref_slice %arg5[%dma_wait3A_112, %dma_wait3A_113, %dma_wait3A_116, %dma_wait3A_117] : memref<2x21x8x128xf32, #tpu.memory_space<vmem>> -> memref<1x1x8x128xf32, #tpu.memory_space<vmem>>
    %dma_wait3A_119 = tpu.memref_squeeze %dma_wait3A_118 : memref<1x1x8x128xf32, #tpu.memory_space<vmem>> -> memref<8x128xf32, #tpu.memory_space<vmem>>
    %dma_wait3A_120 = arith.constant 0 : i32
    %dma_wait3A_121 = arith.constant 0 : i32
    %dma_wait3A_122 = tpu.memref_slice %arg3[%dma_wait3A_114, %dma_wait3A_115, %add3A, %dma_wait3A_120, %dma_wait3A_121] : memref<21x25x32x8x128xf32, #tpu.memory_space<hbm>> -> memref<1x1x1x8x128xf32, #tpu.memory_space<hbm>>
    %dma_wait3A_123 = tpu.memref_squeeze %dma_wait3A_122 : memref<1x1x1x8x128xf32, #tpu.memory_space<hbm>> -> memref<8x128xf32, #tpu.memory_space<hbm>>
    %dma_wait3A_124 = arith.constant 0 : i32
    %dma_wait3A_125 = arith.constant 0 : i32
    %dma_wait3A_126 = tpu.memref_slice %arg3[%dma_wait3A_114, %dma_wait3A_115, %add3A, %dma_wait3A_124, %dma_wait3A_125] : memref<21x25x32x8x128xf32, #tpu.memory_space<hbm>> -> memref<1x1x1x8x128xf32, #tpu.memory_space<hbm>>
    %dma_wait3A_127 = tpu.memref_squeeze %dma_wait3A_126 : memref<1x1x1x8x128xf32, #tpu.memory_space<hbm>> -> memref<8x128xf32, #tpu.memory_space<hbm>>
    %dma_wait3A_128 = arith.constant 0 : i32
    %dma_wait3A_129 = arith.constant 0 : i32
    %dma_wait3A_130 = tpu.memref_slice %arg5[%dma_wait3A_112, %dma_wait3A_113, %dma_wait3A_128, %dma_wait3A_129] : memref<2x21x8x128xf32, #tpu.memory_space<vmem>> -> memref<1x1x8x128xf32, #tpu.memory_space<vmem>>
    %dma_wait3A_131 = tpu.memref_squeeze %dma_wait3A_130 : memref<1x1x8x128xf32, #tpu.memory_space<vmem>> -> memref<8x128xf32, #tpu.memory_space<vmem>>
    tpu.wait_dma2 semaphore(%arg6 : memref<!tpu.dma_semaphore, #tpu.memory_space<semaphore_mem>>) src(%dma_wait3A_131 : memref<8x128xf32, #tpu.memory_space<vmem>>) dst(%dma_wait3A_127 : memref<8x128xf32, #tpu.memory_space<hbm>>)
    %dma_wait3A_132 = arith.constant 1 : i32
    %dma_wait3A_133 = arith.constant 6 : i32
    %dma_wait3A_134 = arith.constant 6 : i32
    %dma_wait3A_135 = arith.constant 23 : i32
    %dma_wait3A_136 = arith.constant 0 : i32
    %dma_wait3A_137 = arith.constant 0 : i32
    %dma_wait3A_138 = tpu.memref_slice %arg5[%dma_wait3A_132, %dma_wait3A_133, %dma_wait3A_136, %dma_wait3A_137] : memref<2x21x8x128xf32, #tpu.memory_space<vmem>> -> memref<1x1x8x128xf32, #tpu.memory_space<vmem>>
    %dma_wait3A_139 = tpu.memref_squeeze %dma_wait3A_138 : memref<1x1x8x128xf32, #tpu.memory_space<vmem>> -> memref<8x128xf32, #tpu.memory_space<vmem>>
    %dma_wait3A_140 = arith.constant 0 : i32
    %dma_wait3A_141 = arith.constant 0 : i32
    %dma_wait3A_142 = tpu.memref_slice %arg3[%dma_wait3A_134, %dma_wait3A_135, %add3A, %dma_wait3A_140, %dma_wait3A_141] : memref<21x25x32x8x128xf32, #tpu.memory_space<hbm>> -> memref<1x1x1x8x128xf32, #tpu.memory_space<hbm>>
    %dma_wait3A_143 = tpu.memref_squeeze %dma_wait3A_142 : memref<1x1x1x8x128xf32, #tpu.memory_space<hbm>> -> memref<8x128xf32, #tpu.memory_space<hbm>>
    %dma_wait3A_144 = arith.constant 0 : i32
    %dma_wait3A_145 = arith.constant 0 : i32
    %dma_wait3A_146 = tpu.memref_slice %arg3[%dma_wait3A_134, %dma_wait3A_135, %add3A, %dma_wait3A_144, %dma_wait3A_145] : memref<21x25x32x8x128xf32, #tpu.memory_space<hbm>> -> memref<1x1x1x8x128xf32, #tpu.memory_space<hbm>>
    %dma_wait3A_147 = tpu.memref_squeeze %dma_wait3A_146 : memref<1x1x1x8x128xf32, #tpu.memory_space<hbm>> -> memref<8x128xf32, #tpu.memory_space<hbm>>
    %dma_wait3A_148 = arith.constant 0 : i32
    %dma_wait3A_149 = arith.constant 0 : i32
    %dma_wait3A_150 = tpu.memref_slice %arg5[%dma_wait3A_132, %dma_wait3A_133, %dma_wait3A_148, %dma_wait3A_149] : memref<2x21x8x128xf32, #tpu.memory_space<vmem>> -> memref<1x1x8x128xf32, #tpu.memory_space<vmem>>
    %dma_wait3A_151 = tpu.memref_squeeze %dma_wait3A_150 : memref<1x1x8x128xf32, #tpu.memory_space<vmem>> -> memref<8x128xf32, #tpu.memory_space<vmem>>
    tpu.wait_dma2 semaphore(%arg6 : memref<!tpu.dma_semaphore, #tpu.memory_space<semaphore_mem>>) src(%dma_wait3A_151 : memref<8x128xf32, #tpu.memory_space<vmem>>) dst(%dma_wait3A_147 : memref<8x128xf32, #tpu.memory_space<hbm>>)
    %dma_wait3A_152 = arith.constant 1 : i32
    %dma_wait3A_153 = arith.constant 7 : i32
    %dma_wait3A_154 = arith.constant 7 : i32
    %dma_wait3A_155 = arith.constant 23 : i32
    %dma_wait3A_156 = arith.constant 0 : i32
    %dma_wait3A_157 = arith.constant 0 : i32
    %dma_wait3A_158 = tpu.memref_slice %arg5[%dma_wait3A_152, %dma_wait3A_153, %dma_wait3A_156, %dma_wait3A_157] : memref<2x21x8x128xf32, #tpu.memory_space<vmem>> -> memref<1x1x8x128xf32, #tpu.memory_space<vmem>>
    %dma_wait3A_159 = tpu.memref_squeeze %dma_wait3A_158 : memref<1x1x8x128xf32, #tpu.memory_space<vmem>> -> memref<8x128xf32, #tpu.memory_space<vmem>>
    %dma_wait3A_160 = arith.constant 0 : i32
    %dma_wait3A_161 = arith.constant 0 : i32
    %dma_wait3A_162 = tpu.memref_slice %arg3[%dma_wait3A_154, %dma_wait3A_155, %add3A, %dma_wait3A_160, %dma_wait3A_161] : memref<21x25x32x8x128xf32, #tpu.memory_space<hbm>> -> memref<1x1x1x8x128xf32, #tpu.memory_space<hbm>>
    %dma_wait3A_163 = tpu.memref_squeeze %dma_wait3A_162 : memref<1x1x1x8x128xf32, #tpu.memory_space<hbm>> -> memref<8x128xf32, #tpu.memory_space<hbm>>
    %dma_wait3A_164 = arith.constant 0 : i32
    %dma_wait3A_165 = arith.constant 0 : i32
    %dma_wait3A_166 = tpu.memref_slice %arg3[%dma_wait3A_154, %dma_wait3A_155, %add3A, %dma_wait3A_164, %dma_wait3A_165] : memref<21x25x32x8x128xf32, #tpu.memory_space<hbm>> -> memref<1x1x1x8x128xf32, #tpu.memory_space<hbm>>
    %dma_wait3A_167 = tpu.memref_squeeze %dma_wait3A_166 : memref<1x1x1x8x128xf32, #tpu.memory_space<hbm>> -> memref<8x128xf32, #tpu.memory_space<hbm>>
    %dma_wait3A_168 = arith.constant 0 : i32
    %dma_wait3A_169 = arith.constant 0 : i32
    %dma_wait3A_170 = tpu.memref_slice %arg5[%dma_wait3A_152, %dma_wait3A_153, %dma_wait3A_168, %dma_wait3A_169] : memref<2x21x8x128xf32, #tpu.memory_space<vmem>> -> memref<1x1x8x128xf32, #tpu.memory_space<vmem>>
    %dma_wait3A_171 = tpu.memref_squeeze %dma_wait3A_170 : memref<1x1x8x128xf32, #tpu.memory_space<vmem>> -> memref<8x128xf32, #tpu.memory_space<vmem>>
    tpu.wait_dma2 semaphore(%arg6 : memref<!tpu.dma_semaphore, #tpu.memory_space<semaphore_mem>>) src(%dma_wait3A_171 : memref<8x128xf32, #tpu.memory_space<vmem>>) dst(%dma_wait3A_167 : memref<8x128xf32, #tpu.memory_space<hbm>>)
    %dma_wait3A_172 = arith.constant 1 : i32
    %dma_wait3A_173 = arith.constant 8 : i32
    %dma_wait3A_174 = arith.constant 8 : i32
    %dma_wait3A_175 = arith.constant 23 : i32
    %dma_wait3A_176 = arith.constant 0 : i32
    %dma_wait3A_177 = arith.constant 0 : i32
    %dma_wait3A_178 = tpu.memref_slice %arg5[%dma_wait3A_172, %dma_wait3A_173, %dma_wait3A_176, %dma_wait3A_177] : memref<2x21x8x128xf32, #tpu.memory_space<vmem>> -> memref<1x1x8x128xf32, #tpu.memory_space<vmem>>
    %dma_wait3A_179 = tpu.memref_squeeze %dma_wait3A_178 : memref<1x1x8x128xf32, #tpu.memory_space<vmem>> -> memref<8x128xf32, #tpu.memory_space<vmem>>
    %dma_wait3A_180 = arith.constant 0 : i32
    %dma_wait3A_181 = arith.constant 0 : i32
    %dma_wait3A_182 = tpu.memref_slice %arg3[%dma_wait3A_174, %dma_wait3A_175, %add3A, %dma_wait3A_180, %dma_wait3A_181] : memref<21x25x32x8x128xf32, #tpu.memory_space<hbm>> -> memref<1x1x1x8x128xf32, #tpu.memory_space<hbm>>
    %dma_wait3A_183 = tpu.memref_squeeze %dma_wait3A_182 : memref<1x1x1x8x128xf32, #tpu.memory_space<hbm>> -> memref<8x128xf32, #tpu.memory_space<hbm>>
    %dma_wait3A_184 = arith.constant 0 : i32
    %dma_wait3A_185 = arith.constant 0 : i32
    %dma_wait3A_186 = tpu.memref_slice %arg3[%dma_wait3A_174, %dma_wait3A_175, %add3A, %dma_wait3A_184, %dma_wait3A_185] : memref<21x25x32x8x128xf32, #tpu.memory_space<hbm>> -> memref<1x1x1x8x128xf32, #tpu.memory_space<hbm>>
    %dma_wait3A_187 = tpu.memref_squeeze %dma_wait3A_186 : memref<1x1x1x8x128xf32, #tpu.memory_space<hbm>> -> memref<8x128xf32, #tpu.memory_space<hbm>>
    %dma_wait3A_188 = arith.constant 0 : i32
    %dma_wait3A_189 = arith.constant 0 : i32
    %dma_wait3A_190 = tpu.memref_slice %arg5[%dma_wait3A_172, %dma_wait3A_173, %dma_wait3A_188, %dma_wait3A_189] : memref<2x21x8x128xf32, #tpu.memory_space<vmem>> -> memref<1x1x8x128xf32, #tpu.memory_space<vmem>>
    %dma_wait3A_191 = tpu.memref_squeeze %dma_wait3A_190 : memref<1x1x8x128xf32, #tpu.memory_space<vmem>> -> memref<8x128xf32, #tpu.memory_space<vmem>>
    tpu.wait_dma2 semaphore(%arg6 : memref<!tpu.dma_semaphore, #tpu.memory_space<semaphore_mem>>) src(%dma_wait3A_191 : memref<8x128xf32, #tpu.memory_space<vmem>>) dst(%dma_wait3A_187 : memref<8x128xf32, #tpu.memory_space<hbm>>)
    %dma_wait3A_192 = arith.constant 1 : i32
    %dma_wait3A_193 = arith.constant 9 : i32
    %dma_wait3A_194 = arith.constant 9 : i32
    %dma_wait3A_195 = arith.constant 23 : i32
    %dma_wait3A_196 = arith.constant 0 : i32
    %dma_wait3A_197 = arith.constant 0 : i32
    %dma_wait3A_198 = tpu.memref_slice %arg5[%dma_wait3A_192, %dma_wait3A_193, %dma_wait3A_196, %dma_wait3A_197] : memref<2x21x8x128xf32, #tpu.memory_space<vmem>> -> memref<1x1x8x128xf32, #tpu.memory_space<vmem>>
    %dma_wait3A_199 = tpu.memref_squeeze %dma_wait3A_198 : memref<1x1x8x128xf32, #tpu.memory_space<vmem>> -> memref<8x128xf32, #tpu.memory_space<vmem>>
    %dma_wait3A_200 = arith.constant 0 : i32
    %dma_wait3A_201 = arith.constant 0 : i32
    %dma_wait3A_202 = tpu.memref_slice %arg3[%dma_wait3A_194, %dma_wait3A_195, %add3A, %dma_wait3A_200, %dma_wait3A_201] : memref<21x25x32x8x128xf32, #tpu.memory_space<hbm>> -> memref<1x1x1x8x128xf32, #tpu.memory_space<hbm>>
    %dma_wait3A_203 = tpu.memref_squeeze %dma_wait3A_202 : memref<1x1x1x8x128xf32, #tpu.memory_space<hbm>> -> memref<8x128xf32, #tpu.memory_space<hbm>>
    %dma_wait3A_204 = arith.constant 0 : i32
    %dma_wait3A_205 = arith.constant 0 : i32
    %dma_wait3A_206 = tpu.memref_slice %arg3[%dma_wait3A_194, %dma_wait3A_195, %add3A, %dma_wait3A_204, %dma_wait3A_205] : memref<21x25x32x8x128xf32, #tpu.memory_space<hbm>> -> memref<1x1x1x8x128xf32, #tpu.memory_space<hbm>>
    %dma_wait3A_207 = tpu.memref_squeeze %dma_wait3A_206 : memref<1x1x1x8x128xf32, #tpu.memory_space<hbm>> -> memref<8x128xf32, #tpu.memory_space<hbm>>
    %dma_wait3A_208 = arith.constant 0 : i32
    %dma_wait3A_209 = arith.constant 0 : i32
    %dma_wait3A_210 = tpu.memref_slice %arg5[%dma_wait3A_192, %dma_wait3A_193, %dma_wait3A_208, %dma_wait3A_209] : memref<2x21x8x128xf32, #tpu.memory_space<vmem>> -> memref<1x1x8x128xf32, #tpu.memory_space<vmem>>
    %dma_wait3A_211 = tpu.memref_squeeze %dma_wait3A_210 : memref<1x1x8x128xf32, #tpu.memory_space<vmem>> -> memref<8x128xf32, #tpu.memory_space<vmem>>
    tpu.wait_dma2 semaphore(%arg6 : memref<!tpu.dma_semaphore, #tpu.memory_space<semaphore_mem>>) src(%dma_wait3A_211 : memref<8x128xf32, #tpu.memory_space<vmem>>) dst(%dma_wait3A_207 : memref<8x128xf32, #tpu.memory_space<hbm>>)
    %dma_wait3A_212 = arith.constant 1 : i32
    %dma_wait3A_213 = arith.constant 10 : i32
    %dma_wait3A_214 = arith.constant 10 : i32
    %dma_wait3A_215 = arith.constant 23 : i32
    %dma_wait3A_216 = arith.constant 0 : i32
    %dma_wait3A_217 = arith.constant 0 : i32
    %dma_wait3A_218 = tpu.memref_slice %arg5[%dma_wait3A_212, %dma_wait3A_213, %dma_wait3A_216, %dma_wait3A_217] : memref<2x21x8x128xf32, #tpu.memory_space<vmem>> -> memref<1x1x8x128xf32, #tpu.memory_space<vmem>>
    %dma_wait3A_219 = tpu.memref_squeeze %dma_wait3A_218 : memref<1x1x8x128xf32, #tpu.memory_space<vmem>> -> memref<8x128xf32, #tpu.memory_space<vmem>>
    %dma_wait3A_220 = arith.constant 0 : i32
    %dma_wait3A_221 = arith.constant 0 : i32
    %dma_wait3A_222 = tpu.memref_slice %arg3[%dma_wait3A_214, %dma_wait3A_215, %add3A, %dma_wait3A_220, %dma_wait3A_221] : memref<21x25x32x8x128xf32, #tpu.memory_space<hbm>> -> memref<1x1x1x8x128xf32, #tpu.memory_space<hbm>>
    %dma_wait3A_223 = tpu.memref_squeeze %dma_wait3A_222 : memref<1x1x1x8x128xf32, #tpu.memory_space<hbm>> -> memref<8x128xf32, #tpu.memory_space<hbm>>
    %dma_wait3A_224 = arith.constant 0 : i32
    %dma_wait3A_225 = arith.constant 0 : i32
    %dma_wait3A_226 = tpu.memref_slice %arg3[%dma_wait3A_214, %dma_wait3A_215, %add3A, %dma_wait3A_224, %dma_wait3A_225] : memref<21x25x32x8x128xf32, #tpu.memory_space<hbm>> -> memref<1x1x1x8x128xf32, #tpu.memory_space<hbm>>
    %dma_wait3A_227 = tpu.memref_squeeze %dma_wait3A_226 : memref<1x1x1x8x128xf32, #tpu.memory_space<hbm>> -> memref<8x128xf32, #tpu.memory_space<hbm>>
    %dma_wait3A_228 = arith.constant 0 : i32
    %dma_wait3A_229 = arith.constant 0 : i32
    %dma_wait3A_230 = tpu.memref_slice %arg5[%dma_wait3A_212, %dma_wait3A_213, %dma_wait3A_228, %dma_wait3A_229] : memref<2x21x8x128xf32, #tpu.memory_space<vmem>> -> memref<1x1x8x128xf32, #tpu.memory_space<vmem>>
    %dma_wait3A_231 = tpu.memref_squeeze %dma_wait3A_230 : memref<1x1x8x128xf32, #tpu.memory_space<vmem>> -> memref<8x128xf32, #tpu.memory_space<vmem>>
    tpu.wait_dma2 semaphore(%arg6 : memref<!tpu.dma_semaphore, #tpu.memory_space<semaphore_mem>>) src(%dma_wait3A_231 : memref<8x128xf32, #tpu.memory_space<vmem>>) dst(%dma_wait3A_227 : memref<8x128xf32, #tpu.memory_space<hbm>>)
    %dma_wait3A_232 = arith.constant 1 : i32
    %dma_wait3A_233 = arith.constant 11 : i32
    %dma_wait3A_234 = arith.constant 11 : i32
    %dma_wait3A_235 = arith.constant 23 : i32
    %dma_wait3A_236 = arith.constant 0 : i32
    %dma_wait3A_237 = arith.constant 0 : i32
    %dma_wait3A_238 = tpu.memref_slice %arg5[%dma_wait3A_232, %dma_wait3A_233, %dma_wait3A_236, %dma_wait3A_237] : memref<2x21x8x128xf32, #tpu.memory_space<vmem>> -> memref<1x1x8x128xf32, #tpu.memory_space<vmem>>
    %dma_wait3A_239 = tpu.memref_squeeze %dma_wait3A_238 : memref<1x1x8x128xf32, #tpu.memory_space<vmem>> -> memref<8x128xf32, #tpu.memory_space<vmem>>
    %dma_wait3A_240 = arith.constant 0 : i32
    %dma_wait3A_241 = arith.constant 0 : i32
    %dma_wait3A_242 = tpu.memref_slice %arg3[%dma_wait3A_234, %dma_wait3A_235, %add3A, %dma_wait3A_240, %dma_wait3A_241] : memref<21x25x32x8x128xf32, #tpu.memory_space<hbm>> -> memref<1x1x1x8x128xf32, #tpu.memory_space<hbm>>
    %dma_wait3A_243 = tpu.memref_squeeze %dma_wait3A_242 : memref<1x1x1x8x128xf32, #tpu.memory_space<hbm>> -> memref<8x128xf32, #tpu.memory_space<hbm>>
    %dma_wait3A_244 = arith.constant 0 : i32
    %dma_wait3A_245 = arith.constant 0 : i32
    %dma_wait3A_246 = tpu.memref_slice %arg3[%dma_wait3A_234, %dma_wait3A_235, %add3A, %dma_wait3A_244, %dma_wait3A_245] : memref<21x25x32x8x128xf32, #tpu.memory_space<hbm>> -> memref<1x1x1x8x128xf32, #tpu.memory_space<hbm>>
    %dma_wait3A_247 = tpu.memref_squeeze %dma_wait3A_246 : memref<1x1x1x8x128xf32, #tpu.memory_space<hbm>> -> memref<8x128xf32, #tpu.memory_space<hbm>>
    %dma_wait3A_248 = arith.constant 0 : i32
    %dma_wait3A_249 = arith.constant 0 : i32
    %dma_wait3A_250 = tpu.memref_slice %arg5[%dma_wait3A_232, %dma_wait3A_233, %dma_wait3A_248, %dma_wait3A_249] : memref<2x21x8x128xf32, #tpu.memory_space<vmem>> -> memref<1x1x8x128xf32, #tpu.memory_space<vmem>>
    %dma_wait3A_251 = tpu.memref_squeeze %dma_wait3A_250 : memref<1x1x8x128xf32, #tpu.memory_space<vmem>> -> memref<8x128xf32, #tpu.memory_space<vmem>>
    tpu.wait_dma2 semaphore(%arg6 : memref<!tpu.dma_semaphore, #tpu.memory_space<semaphore_mem>>) src(%dma_wait3A_251 : memref<8x128xf32, #tpu.memory_space<vmem>>) dst(%dma_wait3A_247 : memref<8x128xf32, #tpu.memory_space<hbm>>)
    %dma_wait3A_252 = arith.constant 1 : i32
    %dma_wait3A_253 = arith.constant 12 : i32
    %dma_wait3A_254 = arith.constant 12 : i32
    %dma_wait3A_255 = arith.constant 23 : i32
    %dma_wait3A_256 = arith.constant 0 : i32
    %dma_wait3A_257 = arith.constant 0 : i32
    %dma_wait3A_258 = tpu.memref_slice %arg5[%dma_wait3A_252, %dma_wait3A_253, %dma_wait3A_256, %dma_wait3A_257] : memref<2x21x8x128xf32, #tpu.memory_space<vmem>> -> memref<1x1x8x128xf32, #tpu.memory_space<vmem>>
    %dma_wait3A_259 = tpu.memref_squeeze %dma_wait3A_258 : memref<1x1x8x128xf32, #tpu.memory_space<vmem>> -> memref<8x128xf32, #tpu.memory_space<vmem>>
    %dma_wait3A_260 = arith.constant 0 : i32
    %dma_wait3A_261 = arith.constant 0 : i32
    %dma_wait3A_262 = tpu.memref_slice %arg3[%dma_wait3A_254, %dma_wait3A_255, %add3A, %dma_wait3A_260, %dma_wait3A_261] : memref<21x25x32x8x128xf32, #tpu.memory_space<hbm>> -> memref<1x1x1x8x128xf32, #tpu.memory_space<hbm>>
    %dma_wait3A_263 = tpu.memref_squeeze %dma_wait3A_262 : memref<1x1x1x8x128xf32, #tpu.memory_space<hbm>> -> memref<8x128xf32, #tpu.memory_space<hbm>>
    %dma_wait3A_264 = arith.constant 0 : i32
    %dma_wait3A_265 = arith.constant 0 : i32
    %dma_wait3A_266 = tpu.memref_slice %arg3[%dma_wait3A_254, %dma_wait3A_255, %add3A, %dma_wait3A_264, %dma_wait3A_265] : memref<21x25x32x8x128xf32, #tpu.memory_space<hbm>> -> memref<1x1x1x8x128xf32, #tpu.memory_space<hbm>>
    %dma_wait3A_267 = tpu.memref_squeeze %dma_wait3A_266 : memref<1x1x1x8x128xf32, #tpu.memory_space<hbm>> -> memref<8x128xf32, #tpu.memory_space<hbm>>
    %dma_wait3A_268 = arith.constant 0 : i32
    %dma_wait3A_269 = arith.constant 0 : i32
    %dma_wait3A_270 = tpu.memref_slice %arg5[%dma_wait3A_252, %dma_wait3A_253, %dma_wait3A_268, %dma_wait3A_269] : memref<2x21x8x128xf32, #tpu.memory_space<vmem>> -> memref<1x1x8x128xf32, #tpu.memory_space<vmem>>
    %dma_wait3A_271 = tpu.memref_squeeze %dma_wait3A_270 : memref<1x1x8x128xf32, #tpu.memory_space<vmem>> -> memref<8x128xf32, #tpu.memory_space<vmem>>
    tpu.wait_dma2 semaphore(%arg6 : memref<!tpu.dma_semaphore, #tpu.memory_space<semaphore_mem>>) src(%dma_wait3A_271 : memref<8x128xf32, #tpu.memory_space<vmem>>) dst(%dma_wait3A_267 : memref<8x128xf32, #tpu.memory_space<hbm>>)
    %dma_wait3A_272 = arith.constant 1 : i32
    %dma_wait3A_273 = arith.constant 13 : i32
    %dma_wait3A_274 = arith.constant 13 : i32
    %dma_wait3A_275 = arith.constant 23 : i32
    %dma_wait3A_276 = arith.constant 0 : i32
    %dma_wait3A_277 = arith.constant 0 : i32
    %dma_wait3A_278 = tpu.memref_slice %arg5[%dma_wait3A_272, %dma_wait3A_273, %dma_wait3A_276, %dma_wait3A_277] : memref<2x21x8x128xf32, #tpu.memory_space<vmem>> -> memref<1x1x8x128xf32, #tpu.memory_space<vmem>>
    %dma_wait3A_279 = tpu.memref_squeeze %dma_wait3A_278 : memref<1x1x8x128xf32, #tpu.memory_space<vmem>> -> memref<8x128xf32, #tpu.memory_space<vmem>>
    %dma_wait3A_280 = arith.constant 0 : i32
    %dma_wait3A_281 = arith.constant 0 : i32
    %dma_wait3A_282 = tpu.memref_slice %arg3[%dma_wait3A_274, %dma_wait3A_275, %add3A, %dma_wait3A_280, %dma_wait3A_281] : memref<21x25x32x8x128xf32, #tpu.memory_space<hbm>> -> memref<1x1x1x8x128xf32, #tpu.memory_space<hbm>>
    %dma_wait3A_283 = tpu.memref_squeeze %dma_wait3A_282 : memref<1x1x1x8x128xf32, #tpu.memory_space<hbm>> -> memref<8x128xf32, #tpu.memory_space<hbm>>
    %dma_wait3A_284 = arith.constant 0 : i32
    %dma_wait3A_285 = arith.constant 0 : i32
    %dma_wait3A_286 = tpu.memref_slice %arg3[%dma_wait3A_274, %dma_wait3A_275, %add3A, %dma_wait3A_284, %dma_wait3A_285] : memref<21x25x32x8x128xf32, #tpu.memory_space<hbm>> -> memref<1x1x1x8x128xf32, #tpu.memory_space<hbm>>
    %dma_wait3A_287 = tpu.memref_squeeze %dma_wait3A_286 : memref<1x1x1x8x128xf32, #tpu.memory_space<hbm>> -> memref<8x128xf32, #tpu.memory_space<hbm>>
    %dma_wait3A_288 = arith.constant 0 : i32
    %dma_wait3A_289 = arith.constant 0 : i32
    %dma_wait3A_290 = tpu.memref_slice %arg5[%dma_wait3A_272, %dma_wait3A_273, %dma_wait3A_288, %dma_wait3A_289] : memref<2x21x8x128xf32, #tpu.memory_space<vmem>> -> memref<1x1x8x128xf32, #tpu.memory_space<vmem>>
    %dma_wait3A_291 = tpu.memref_squeeze %dma_wait3A_290 : memref<1x1x8x128xf32, #tpu.memory_space<vmem>> -> memref<8x128xf32, #tpu.memory_space<vmem>>
    tpu.wait_dma2 semaphore(%arg6 : memref<!tpu.dma_semaphore, #tpu.memory_space<semaphore_mem>>) src(%dma_wait3A_291 : memref<8x128xf32, #tpu.memory_space<vmem>>) dst(%dma_wait3A_287 : memref<8x128xf32, #tpu.memory_space<hbm>>)
    %dma_wait3A_292 = arith.constant 1 : i32
    %dma_wait3A_293 = arith.constant 14 : i32
    %dma_wait3A_294 = arith.constant 14 : i32
    %dma_wait3A_295 = arith.constant 23 : i32
    %dma_wait3A_296 = arith.constant 0 : i32
    %dma_wait3A_297 = arith.constant 0 : i32
    %dma_wait3A_298 = tpu.memref_slice %arg5[%dma_wait3A_292, %dma_wait3A_293, %dma_wait3A_296, %dma_wait3A_297] : memref<2x21x8x128xf32, #tpu.memory_space<vmem>> -> memref<1x1x8x128xf32, #tpu.memory_space<vmem>>
    %dma_wait3A_299 = tpu.memref_squeeze %dma_wait3A_298 : memref<1x1x8x128xf32, #tpu.memory_space<vmem>> -> memref<8x128xf32, #tpu.memory_space<vmem>>
    %dma_wait3A_300 = arith.constant 0 : i32
    %dma_wait3A_301 = arith.constant 0 : i32
    %dma_wait3A_302 = tpu.memref_slice %arg3[%dma_wait3A_294, %dma_wait3A_295, %add3A, %dma_wait3A_300, %dma_wait3A_301] : memref<21x25x32x8x128xf32, #tpu.memory_space<hbm>> -> memref<1x1x1x8x128xf32, #tpu.memory_space<hbm>>
    %dma_wait3A_303 = tpu.memref_squeeze %dma_wait3A_302 : memref<1x1x1x8x128xf32, #tpu.memory_space<hbm>> -> memref<8x128xf32, #tpu.memory_space<hbm>>
    %dma_wait3A_304 = arith.constant 0 : i32
    %dma_wait3A_305 = arith.constant 0 : i32
    %dma_wait3A_306 = tpu.memref_slice %arg3[%dma_wait3A_294, %dma_wait3A_295, %add3A, %dma_wait3A_304, %dma_wait3A_305] : memref<21x25x32x8x128xf32, #tpu.memory_space<hbm>> -> memref<1x1x1x8x128xf32, #tpu.memory_space<hbm>>
    %dma_wait3A_307 = tpu.memref_squeeze %dma_wait3A_306 : memref<1x1x1x8x128xf32, #tpu.memory_space<hbm>> -> memref<8x128xf32, #tpu.memory_space<hbm>>
    %dma_wait3A_308 = arith.constant 0 : i32
    %dma_wait3A_309 = arith.constant 0 : i32
    %dma_wait3A_310 = tpu.memref_slice %arg5[%dma_wait3A_292, %dma_wait3A_293, %dma_wait3A_308, %dma_wait3A_309] : memref<2x21x8x128xf32, #tpu.memory_space<vmem>> -> memref<1x1x8x128xf32, #tpu.memory_space<vmem>>
    %dma_wait3A_311 = tpu.memref_squeeze %dma_wait3A_310 : memref<1x1x8x128xf32, #tpu.memory_space<vmem>> -> memref<8x128xf32, #tpu.memory_space<vmem>>
    tpu.wait_dma2 semaphore(%arg6 : memref<!tpu.dma_semaphore, #tpu.memory_space<semaphore_mem>>) src(%dma_wait3A_311 : memref<8x128xf32, #tpu.memory_space<vmem>>) dst(%dma_wait3A_307 : memref<8x128xf32, #tpu.memory_space<hbm>>)
    %dma_wait3A_312 = arith.constant 1 : i32
    %dma_wait3A_313 = arith.constant 15 : i32
    %dma_wait3A_314 = arith.constant 15 : i32
    %dma_wait3A_315 = arith.constant 23 : i32
    %dma_wait3A_316 = arith.constant 0 : i32
    %dma_wait3A_317 = arith.constant 0 : i32
    %dma_wait3A_318 = tpu.memref_slice %arg5[%dma_wait3A_312, %dma_wait3A_313, %dma_wait3A_316, %dma_wait3A_317] : memref<2x21x8x128xf32, #tpu.memory_space<vmem>> -> memref<1x1x8x128xf32, #tpu.memory_space<vmem>>
    %dma_wait3A_319 = tpu.memref_squeeze %dma_wait3A_318 : memref<1x1x8x128xf32, #tpu.memory_space<vmem>> -> memref<8x128xf32, #tpu.memory_space<vmem>>
    %dma_wait3A_320 = arith.constant 0 : i32
    %dma_wait3A_321 = arith.constant 0 : i32
    %dma_wait3A_322 = tpu.memref_slice %arg3[%dma_wait3A_314, %dma_wait3A_315, %add3A, %dma_wait3A_320, %dma_wait3A_321] : memref<21x25x32x8x128xf32, #tpu.memory_space<hbm>> -> memref<1x1x1x8x128xf32, #tpu.memory_space<hbm>>
    %dma_wait3A_323 = tpu.memref_squeeze %dma_wait3A_322 : memref<1x1x1x8x128xf32, #tpu.memory_space<hbm>> -> memref<8x128xf32, #tpu.memory_space<hbm>>
    %dma_wait3A_324 = arith.constant 0 : i32
    %dma_wait3A_325 = arith.constant 0 : i32
    %dma_wait3A_326 = tpu.memref_slice %arg3[%dma_wait3A_314, %dma_wait3A_315, %add3A, %dma_wait3A_324, %dma_wait3A_325] : memref<21x25x32x8x128xf32, #tpu.memory_space<hbm>> -> memref<1x1x1x8x128xf32, #tpu.memory_space<hbm>>
    %dma_wait3A_327 = tpu.memref_squeeze %dma_wait3A_326 : memref<1x1x1x8x128xf32, #tpu.memory_space<hbm>> -> memref<8x128xf32, #tpu.memory_space<hbm>>
    %dma_wait3A_328 = arith.constant 0 : i32
    %dma_wait3A_329 = arith.constant 0 : i32
    %dma_wait3A_330 = tpu.memref_slice %arg5[%dma_wait3A_312, %dma_wait3A_313, %dma_wait3A_328, %dma_wait3A_329] : memref<2x21x8x128xf32, #tpu.memory_space<vmem>> -> memref<1x1x8x128xf32, #tpu.memory_space<vmem>>
    %dma_wait3A_331 = tpu.memref_squeeze %dma_wait3A_330 : memref<1x1x8x128xf32, #tpu.memory_space<vmem>> -> memref<8x128xf32, #tpu.memory_space<vmem>>
    tpu.wait_dma2 semaphore(%arg6 : memref<!tpu.dma_semaphore, #tpu.memory_space<semaphore_mem>>) src(%dma_wait3A_331 : memref<8x128xf32, #tpu.memory_space<vmem>>) dst(%dma_wait3A_327 : memref<8x128xf32, #tpu.memory_space<hbm>>)
    %dma_wait3A_332 = arith.constant 1 : i32
    %dma_wait3A_333 = arith.constant 16 : i32
    %dma_wait3A_334 = arith.constant 16 : i32
    %dma_wait3A_335 = arith.constant 23 : i32
    %dma_wait3A_336 = arith.constant 0 : i32
    %dma_wait3A_337 = arith.constant 0 : i32
    %dma_wait3A_338 = tpu.memref_slice %arg5[%dma_wait3A_332, %dma_wait3A_333, %dma_wait3A_336, %dma_wait3A_337] : memref<2x21x8x128xf32, #tpu.memory_space<vmem>> -> memref<1x1x8x128xf32, #tpu.memory_space<vmem>>
    %dma_wait3A_339 = tpu.memref_squeeze %dma_wait3A_338 : memref<1x1x8x128xf32, #tpu.memory_space<vmem>> -> memref<8x128xf32, #tpu.memory_space<vmem>>
    %dma_wait3A_340 = arith.constant 0 : i32
    %dma_wait3A_341 = arith.constant 0 : i32
    %dma_wait3A_342 = tpu.memref_slice %arg3[%dma_wait3A_334, %dma_wait3A_335, %add3A, %dma_wait3A_340, %dma_wait3A_341] : memref<21x25x32x8x128xf32, #tpu.memory_space<hbm>> -> memref<1x1x1x8x128xf32, #tpu.memory_space<hbm>>
    %dma_wait3A_343 = tpu.memref_squeeze %dma_wait3A_342 : memref<1x1x1x8x128xf32, #tpu.memory_space<hbm>> -> memref<8x128xf32, #tpu.memory_space<hbm>>
    %dma_wait3A_344 = arith.constant 0 : i32
    %dma_wait3A_345 = arith.constant 0 : i32
    %dma_wait3A_346 = tpu.memref_slice %arg3[%dma_wait3A_334, %dma_wait3A_335, %add3A, %dma_wait3A_344, %dma_wait3A_345] : memref<21x25x32x8x128xf32, #tpu.memory_space<hbm>> -> memref<1x1x1x8x128xf32, #tpu.memory_space<hbm>>
    %dma_wait3A_347 = tpu.memref_squeeze %dma_wait3A_346 : memref<1x1x1x8x128xf32, #tpu.memory_space<hbm>> -> memref<8x128xf32, #tpu.memory_space<hbm>>
    %dma_wait3A_348 = arith.constant 0 : i32
    %dma_wait3A_349 = arith.constant 0 : i32
    %dma_wait3A_350 = tpu.memref_slice %arg5[%dma_wait3A_332, %dma_wait3A_333, %dma_wait3A_348, %dma_wait3A_349] : memref<2x21x8x128xf32, #tpu.memory_space<vmem>> -> memref<1x1x8x128xf32, #tpu.memory_space<vmem>>
    %dma_wait3A_351 = tpu.memref_squeeze %dma_wait3A_350 : memref<1x1x8x128xf32, #tpu.memory_space<vmem>> -> memref<8x128xf32, #tpu.memory_space<vmem>>
    tpu.wait_dma2 semaphore(%arg6 : memref<!tpu.dma_semaphore, #tpu.memory_space<semaphore_mem>>) src(%dma_wait3A_351 : memref<8x128xf32, #tpu.memory_space<vmem>>) dst(%dma_wait3A_347 : memref<8x128xf32, #tpu.memory_space<hbm>>)
    %dma_wait3A_352 = arith.constant 1 : i32
    %dma_wait3A_353 = arith.constant 17 : i32
    %dma_wait3A_354 = arith.constant 17 : i32
    %dma_wait3A_355 = arith.constant 23 : i32
    %dma_wait3A_356 = arith.constant 0 : i32
    %dma_wait3A_357 = arith.constant 0 : i32
    %dma_wait3A_358 = tpu.memref_slice %arg5[%dma_wait3A_352, %dma_wait3A_353, %dma_wait3A_356, %dma_wait3A_357] : memref<2x21x8x128xf32, #tpu.memory_space<vmem>> -> memref<1x1x8x128xf32, #tpu.memory_space<vmem>>
    %dma_wait3A_359 = tpu.memref_squeeze %dma_wait3A_358 : memref<1x1x8x128xf32, #tpu.memory_space<vmem>> -> memref<8x128xf32, #tpu.memory_space<vmem>>
    %dma_wait3A_360 = arith.constant 0 : i32
    %dma_wait3A_361 = arith.constant 0 : i32
    %dma_wait3A_362 = tpu.memref_slice %arg3[%dma_wait3A_354, %dma_wait3A_355, %add3A, %dma_wait3A_360, %dma_wait3A_361] : memref<21x25x32x8x128xf32, #tpu.memory_space<hbm>> -> memref<1x1x1x8x128xf32, #tpu.memory_space<hbm>>
    %dma_wait3A_363 = tpu.memref_squeeze %dma_wait3A_362 : memref<1x1x1x8x128xf32, #tpu.memory_space<hbm>> -> memref<8x128xf32, #tpu.memory_space<hbm>>
    %dma_wait3A_364 = arith.constant 0 : i32
    %dma_wait3A_365 = arith.constant 0 : i32
    %dma_wait3A_366 = tpu.memref_slice %arg3[%dma_wait3A_354, %dma_wait3A_355, %add3A, %dma_wait3A_364, %dma_wait3A_365] : memref<21x25x32x8x128xf32, #tpu.memory_space<hbm>> -> memref<1x1x1x8x128xf32, #tpu.memory_space<hbm>>
    %dma_wait3A_367 = tpu.memref_squeeze %dma_wait3A_366 : memref<1x1x1x8x128xf32, #tpu.memory_space<hbm>> -> memref<8x128xf32, #tpu.memory_space<hbm>>
    %dma_wait3A_368 = arith.constant 0 : i32
    %dma_wait3A_369 = arith.constant 0 : i32
    %dma_wait3A_370 = tpu.memref_slice %arg5[%dma_wait3A_352, %dma_wait3A_353, %dma_wait3A_368, %dma_wait3A_369] : memref<2x21x8x128xf32, #tpu.memory_space<vmem>> -> memref<1x1x8x128xf32, #tpu.memory_space<vmem>>
    %dma_wait3A_371 = tpu.memref_squeeze %dma_wait3A_370 : memref<1x1x8x128xf32, #tpu.memory_space<vmem>> -> memref<8x128xf32, #tpu.memory_space<vmem>>
    tpu.wait_dma2 semaphore(%arg6 : memref<!tpu.dma_semaphore, #tpu.memory_space<semaphore_mem>>) src(%dma_wait3A_371 : memref<8x128xf32, #tpu.memory_space<vmem>>) dst(%dma_wait3A_367 : memref<8x128xf32, #tpu.memory_space<hbm>>)
    %dma_wait3A_372 = arith.constant 1 : i32
    %dma_wait3A_373 = arith.constant 18 : i32
    %dma_wait3A_374 = arith.constant 18 : i32
    %dma_wait3A_375 = arith.constant 23 : i32
    %dma_wait3A_376 = arith.constant 0 : i32
    %dma_wait3A_377 = arith.constant 0 : i32
    %dma_wait3A_378 = tpu.memref_slice %arg5[%dma_wait3A_372, %dma_wait3A_373, %dma_wait3A_376, %dma_wait3A_377] : memref<2x21x8x128xf32, #tpu.memory_space<vmem>> -> memref<1x1x8x128xf32, #tpu.memory_space<vmem>>
    %dma_wait3A_379 = tpu.memref_squeeze %dma_wait3A_378 : memref<1x1x8x128xf32, #tpu.memory_space<vmem>> -> memref<8x128xf32, #tpu.memory_space<vmem>>
    %dma_wait3A_380 = arith.constant 0 : i32
    %dma_wait3A_381 = arith.constant 0 : i32
    %dma_wait3A_382 = tpu.memref_slice %arg3[%dma_wait3A_374, %dma_wait3A_375, %add3A, %dma_wait3A_380, %dma_wait3A_381] : memref<21x25x32x8x128xf32, #tpu.memory_space<hbm>> -> memref<1x1x1x8x128xf32, #tpu.memory_space<hbm>>
    %dma_wait3A_383 = tpu.memref_squeeze %dma_wait3A_382 : memref<1x1x1x8x128xf32, #tpu.memory_space<hbm>> -> memref<8x128xf32, #tpu.memory_space<hbm>>
    %dma_wait3A_384 = arith.constant 0 : i32
    %dma_wait3A_385 = arith.constant 0 : i32
    %dma_wait3A_386 = tpu.memref_slice %arg3[%dma_wait3A_374, %dma_wait3A_375, %add3A, %dma_wait3A_384, %dma_wait3A_385] : memref<21x25x32x8x128xf32, #tpu.memory_space<hbm>> -> memref<1x1x1x8x128xf32, #tpu.memory_space<hbm>>
    %dma_wait3A_387 = tpu.memref_squeeze %dma_wait3A_386 : memref<1x1x1x8x128xf32, #tpu.memory_space<hbm>> -> memref<8x128xf32, #tpu.memory_space<hbm>>
    %dma_wait3A_388 = arith.constant 0 : i32
    %dma_wait3A_389 = arith.constant 0 : i32
    %dma_wait3A_390 = tpu.memref_slice %arg5[%dma_wait3A_372, %dma_wait3A_373, %dma_wait3A_388, %dma_wait3A_389] : memref<2x21x8x128xf32, #tpu.memory_space<vmem>> -> memref<1x1x8x128xf32, #tpu.memory_space<vmem>>
    %dma_wait3A_391 = tpu.memref_squeeze %dma_wait3A_390 : memref<1x1x8x128xf32, #tpu.memory_space<vmem>> -> memref<8x128xf32, #tpu.memory_space<vmem>>
    tpu.wait_dma2 semaphore(%arg6 : memref<!tpu.dma_semaphore, #tpu.memory_space<semaphore_mem>>) src(%dma_wait3A_391 : memref<8x128xf32, #tpu.memory_space<vmem>>) dst(%dma_wait3A_387 : memref<8x128xf32, #tpu.memory_space<hbm>>)
    %dma_wait3A_392 = arith.constant 1 : i32
    %dma_wait3A_393 = arith.constant 19 : i32
    %dma_wait3A_394 = arith.constant 19 : i32
    %dma_wait3A_395 = arith.constant 23 : i32
    %dma_wait3A_396 = arith.constant 0 : i32
    %dma_wait3A_397 = arith.constant 0 : i32
    %dma_wait3A_398 = tpu.memref_slice %arg5[%dma_wait3A_392, %dma_wait3A_393, %dma_wait3A_396, %dma_wait3A_397] : memref<2x21x8x128xf32, #tpu.memory_space<vmem>> -> memref<1x1x8x128xf32, #tpu.memory_space<vmem>>
    %dma_wait3A_399 = tpu.memref_squeeze %dma_wait3A_398 : memref<1x1x8x128xf32, #tpu.memory_space<vmem>> -> memref<8x128xf32, #tpu.memory_space<vmem>>
    %dma_wait3A_400 = arith.constant 0 : i32
    %dma_wait3A_401 = arith.constant 0 : i32
    %dma_wait3A_402 = tpu.memref_slice %arg3[%dma_wait3A_394, %dma_wait3A_395, %add3A, %dma_wait3A_400, %dma_wait3A_401] : memref<21x25x32x8x128xf32, #tpu.memory_space<hbm>> -> memref<1x1x1x8x128xf32, #tpu.memory_space<hbm>>
    %dma_wait3A_403 = tpu.memref_squeeze %dma_wait3A_402 : memref<1x1x1x8x128xf32, #tpu.memory_space<hbm>> -> memref<8x128xf32, #tpu.memory_space<hbm>>
    %dma_wait3A_404 = arith.constant 0 : i32
    %dma_wait3A_405 = arith.constant 0 : i32
    %dma_wait3A_406 = tpu.memref_slice %arg3[%dma_wait3A_394, %dma_wait3A_395, %add3A, %dma_wait3A_404, %dma_wait3A_405] : memref<21x25x32x8x128xf32, #tpu.memory_space<hbm>> -> memref<1x1x1x8x128xf32, #tpu.memory_space<hbm>>
    %dma_wait3A_407 = tpu.memref_squeeze %dma_wait3A_406 : memref<1x1x1x8x128xf32, #tpu.memory_space<hbm>> -> memref<8x128xf32, #tpu.memory_space<hbm>>
    %dma_wait3A_408 = arith.constant 0 : i32
    %dma_wait3A_409 = arith.constant 0 : i32
    %dma_wait3A_410 = tpu.memref_slice %arg5[%dma_wait3A_392, %dma_wait3A_393, %dma_wait3A_408, %dma_wait3A_409] : memref<2x21x8x128xf32, #tpu.memory_space<vmem>> -> memref<1x1x8x128xf32, #tpu.memory_space<vmem>>
    %dma_wait3A_411 = tpu.memref_squeeze %dma_wait3A_410 : memref<1x1x8x128xf32, #tpu.memory_space<vmem>> -> memref<8x128xf32, #tpu.memory_space<vmem>>
    tpu.wait_dma2 semaphore(%arg6 : memref<!tpu.dma_semaphore, #tpu.memory_space<semaphore_mem>>) src(%dma_wait3A_411 : memref<8x128xf32, #tpu.memory_space<vmem>>) dst(%dma_wait3A_407 : memref<8x128xf32, #tpu.memory_space<hbm>>)
    %dma_wait3A_412 = arith.constant 1 : i32
    %dma_wait3A_413 = arith.constant 20 : i32
    %dma_wait3A_414 = arith.constant 20 : i32
    %dma_wait3A_415 = arith.constant 23 : i32
    %dma_wait3A_416 = arith.constant 0 : i32
    %dma_wait3A_417 = arith.constant 0 : i32
    %dma_wait3A_418 = tpu.memref_slice %arg5[%dma_wait3A_412, %dma_wait3A_413, %dma_wait3A_416, %dma_wait3A_417] : memref<2x21x8x128xf32, #tpu.memory_space<vmem>> -> memref<1x1x8x128xf32, #tpu.memory_space<vmem>>
    %dma_wait3A_419 = tpu.memref_squeeze %dma_wait3A_418 : memref<1x1x8x128xf32, #tpu.memory_space<vmem>> -> memref<8x128xf32, #tpu.memory_space<vmem>>
    %dma_wait3A_420 = arith.constant 0 : i32
    %dma_wait3A_421 = arith.constant 0 : i32
    %dma_wait3A_422 = tpu.memref_slice %arg3[%dma_wait3A_414, %dma_wait3A_415, %add3A, %dma_wait3A_420, %dma_wait3A_421] : memref<21x25x32x8x128xf32, #tpu.memory_space<hbm>> -> memref<1x1x1x8x128xf32, #tpu.memory_space<hbm>>
    %dma_wait3A_423 = tpu.memref_squeeze %dma_wait3A_422 : memref<1x1x1x8x128xf32, #tpu.memory_space<hbm>> -> memref<8x128xf32, #tpu.memory_space<hbm>>
    %dma_wait3A_424 = arith.constant 0 : i32
    %dma_wait3A_425 = arith.constant 0 : i32
    %dma_wait3A_426 = tpu.memref_slice %arg3[%dma_wait3A_414, %dma_wait3A_415, %add3A, %dma_wait3A_424, %dma_wait3A_425] : memref<21x25x32x8x128xf32, #tpu.memory_space<hbm>> -> memref<1x1x1x8x128xf32, #tpu.memory_space<hbm>>
    %dma_wait3A_427 = tpu.memref_squeeze %dma_wait3A_426 : memref<1x1x1x8x128xf32, #tpu.memory_space<hbm>> -> memref<8x128xf32, #tpu.memory_space<hbm>>
    %dma_wait3A_428 = arith.constant 0 : i32
    %dma_wait3A_429 = arith.constant 0 : i32
    %dma_wait3A_430 = tpu.memref_slice %arg5[%dma_wait3A_412, %dma_wait3A_413, %dma_wait3A_428, %dma_wait3A_429] : memref<2x21x8x128xf32, #tpu.memory_space<vmem>> -> memref<1x1x8x128xf32, #tpu.memory_space<vmem>>
    %dma_wait3A_431 = tpu.memref_squeeze %dma_wait3A_430 : memref<1x1x8x128xf32, #tpu.memory_space<vmem>> -> memref<8x128xf32, #tpu.memory_space<vmem>>
    tpu.wait_dma2 semaphore(%arg6 : memref<!tpu.dma_semaphore, #tpu.memory_space<semaphore_mem>>) src(%dma_wait3A_431 : memref<8x128xf32, #tpu.memory_space<vmem>>) dst(%dma_wait3A_427 : memref<8x128xf32, #tpu.memory_space<hbm>>)
    %dma_wait3A_432 = arith.constant 0 : i32
    %dma_wait3A_433 = arith.constant 0 : i32
    %dma_wait3A_434 = arith.constant 0 : i32
    %dma_wait3A_435 = arith.constant 24 : i32
    %dma_wait3A_436 = arith.constant 0 : i32
    %dma_wait3A_437 = arith.constant 0 : i32
    %dma_wait3A_438 = tpu.memref_slice %arg5[%dma_wait3A_432, %dma_wait3A_433, %dma_wait3A_436, %dma_wait3A_437] : memref<2x21x8x128xf32, #tpu.memory_space<vmem>> -> memref<1x1x8x128xf32, #tpu.memory_space<vmem>>
    %dma_wait3A_439 = tpu.memref_squeeze %dma_wait3A_438 : memref<1x1x8x128xf32, #tpu.memory_space<vmem>> -> memref<8x128xf32, #tpu.memory_space<vmem>>
    %dma_wait3A_440 = arith.constant 0 : i32
    %dma_wait3A_441 = arith.constant 0 : i32
    %dma_wait3A_442 = tpu.memref_slice %arg3[%dma_wait3A_434, %dma_wait3A_435, %add3A, %dma_wait3A_440, %dma_wait3A_441] : memref<21x25x32x8x128xf32, #tpu.memory_space<hbm>> -> memref<1x1x1x8x128xf32, #tpu.memory_space<hbm>>
    %dma_wait3A_443 = tpu.memref_squeeze %dma_wait3A_442 : memref<1x1x1x8x128xf32, #tpu.memory_space<hbm>> -> memref<8x128xf32, #tpu.memory_space<hbm>>
    %dma_wait3A_444 = arith.constant 0 : i32
    %dma_wait3A_445 = arith.constant 0 : i32
    %dma_wait3A_446 = tpu.memref_slice %arg3[%dma_wait3A_434, %dma_wait3A_435, %add3A, %dma_wait3A_444, %dma_wait3A_445] : memref<21x25x32x8x128xf32, #tpu.memory_space<hbm>> -> memref<1x1x1x8x128xf32, #tpu.memory_space<hbm>>
    %dma_wait3A_447 = tpu.memref_squeeze %dma_wait3A_446 : memref<1x1x1x8x128xf32, #tpu.memory_space<hbm>> -> memref<8x128xf32, #tpu.memory_space<hbm>>
    %dma_wait3A_448 = arith.constant 0 : i32
    %dma_wait3A_449 = arith.constant 0 : i32
    %dma_wait3A_450 = tpu.memref_slice %arg5[%dma_wait3A_432, %dma_wait3A_433, %dma_wait3A_448, %dma_wait3A_449] : memref<2x21x8x128xf32, #tpu.memory_space<vmem>> -> memref<1x1x8x128xf32, #tpu.memory_space<vmem>>
    %dma_wait3A_451 = tpu.memref_squeeze %dma_wait3A_450 : memref<1x1x8x128xf32, #tpu.memory_space<vmem>> -> memref<8x128xf32, #tpu.memory_space<vmem>>
    tpu.wait_dma2 semaphore(%arg6 : memref<!tpu.dma_semaphore, #tpu.memory_space<semaphore_mem>>) src(%dma_wait3A_451 : memref<8x128xf32, #tpu.memory_space<vmem>>) dst(%dma_wait3A_447 : memref<8x128xf32, #tpu.memory_space<hbm>>)
    %dma_wait3A_452 = arith.constant 0 : i32
    %dma_wait3A_453 = arith.constant 1 : i32
    %dma_wait3A_454 = arith.constant 1 : i32
    %dma_wait3A_455 = arith.constant 24 : i32
    %dma_wait3A_456 = arith.constant 0 : i32
    %dma_wait3A_457 = arith.constant 0 : i32
    %dma_wait3A_458 = tpu.memref_slice %arg5[%dma_wait3A_452, %dma_wait3A_453, %dma_wait3A_456, %dma_wait3A_457] : memref<2x21x8x128xf32, #tpu.memory_space<vmem>> -> memref<1x1x8x128xf32, #tpu.memory_space<vmem>>
    %dma_wait3A_459 = tpu.memref_squeeze %dma_wait3A_458 : memref<1x1x8x128xf32, #tpu.memory_space<vmem>> -> memref<8x128xf32, #tpu.memory_space<vmem>>
    %dma_wait3A_460 = arith.constant 0 : i32
    %dma_wait3A_461 = arith.constant 0 : i32
    %dma_wait3A_462 = tpu.memref_slice %arg3[%dma_wait3A_454, %dma_wait3A_455, %add3A, %dma_wait3A_460, %dma_wait3A_461] : memref<21x25x32x8x128xf32, #tpu.memory_space<hbm>> -> memref<1x1x1x8x128xf32, #tpu.memory_space<hbm>>
    %dma_wait3A_463 = tpu.memref_squeeze %dma_wait3A_462 : memref<1x1x1x8x128xf32, #tpu.memory_space<hbm>> -> memref<8x128xf32, #tpu.memory_space<hbm>>
    %dma_wait3A_464 = arith.constant 0 : i32
    %dma_wait3A_465 = arith.constant 0 : i32
    %dma_wait3A_466 = tpu.memref_slice %arg3[%dma_wait3A_454, %dma_wait3A_455, %add3A, %dma_wait3A_464, %dma_wait3A_465] : memref<21x25x32x8x128xf32, #tpu.memory_space<hbm>> -> memref<1x1x1x8x128xf32, #tpu.memory_space<hbm>>
    %dma_wait3A_467 = tpu.memref_squeeze %dma_wait3A_466 : memref<1x1x1x8x128xf32, #tpu.memory_space<hbm>> -> memref<8x128xf32, #tpu.memory_space<hbm>>
    %dma_wait3A_468 = arith.constant 0 : i32
    %dma_wait3A_469 = arith.constant 0 : i32
    %dma_wait3A_470 = tpu.memref_slice %arg5[%dma_wait3A_452, %dma_wait3A_453, %dma_wait3A_468, %dma_wait3A_469] : memref<2x21x8x128xf32, #tpu.memory_space<vmem>> -> memref<1x1x8x128xf32, #tpu.memory_space<vmem>>
    %dma_wait3A_471 = tpu.memref_squeeze %dma_wait3A_470 : memref<1x1x8x128xf32, #tpu.memory_space<vmem>> -> memref<8x128xf32, #tpu.memory_space<vmem>>
    tpu.wait_dma2 semaphore(%arg6 : memref<!tpu.dma_semaphore, #tpu.memory_space<semaphore_mem>>) src(%dma_wait3A_471 : memref<8x128xf32, #tpu.memory_space<vmem>>) dst(%dma_wait3A_467 : memref<8x128xf32, #tpu.memory_space<hbm>>)
    %dma_wait3A_472 = arith.constant 0 : i32
    %dma_wait3A_473 = arith.constant 2 : i32
    %dma_wait3A_474 = arith.constant 2 : i32
    %dma_wait3A_475 = arith.constant 24 : i32
    %dma_wait3A_476 = arith.constant 0 : i32
    %dma_wait3A_477 = arith.constant 0 : i32
    %dma_wait3A_478 = tpu.memref_slice %arg5[%dma_wait3A_472, %dma_wait3A_473, %dma_wait3A_476, %dma_wait3A_477] : memref<2x21x8x128xf32, #tpu.memory_space<vmem>> -> memref<1x1x8x128xf32, #tpu.memory_space<vmem>>
    %dma_wait3A_479 = tpu.memref_squeeze %dma_wait3A_478 : memref<1x1x8x128xf32, #tpu.memory_space<vmem>> -> memref<8x128xf32, #tpu.memory_space<vmem>>
    %dma_wait3A_480 = arith.constant 0 : i32
    %dma_wait3A_481 = arith.constant 0 : i32
    %dma_wait3A_482 = tpu.memref_slice %arg3[%dma_wait3A_474, %dma_wait3A_475, %add3A, %dma_wait3A_480, %dma_wait3A_481] : memref<21x25x32x8x128xf32, #tpu.memory_space<hbm>> -> memref<1x1x1x8x128xf32, #tpu.memory_space<hbm>>
    %dma_wait3A_483 = tpu.memref_squeeze %dma_wait3A_482 : memref<1x1x1x8x128xf32, #tpu.memory_space<hbm>> -> memref<8x128xf32, #tpu.memory_space<hbm>>
    %dma_wait3A_484 = arith.constant 0 : i32
    %dma_wait3A_485 = arith.constant 0 : i32
    %dma_wait3A_486 = tpu.memref_slice %arg3[%dma_wait3A_474, %dma_wait3A_475, %add3A, %dma_wait3A_484, %dma_wait3A_485] : memref<21x25x32x8x128xf32, #tpu.memory_space<hbm>> -> memref<1x1x1x8x128xf32, #tpu.memory_space<hbm>>
    %dma_wait3A_487 = tpu.memref_squeeze %dma_wait3A_486 : memref<1x1x1x8x128xf32, #tpu.memory_space<hbm>> -> memref<8x128xf32, #tpu.memory_space<hbm>>
    %dma_wait3A_488 = arith.constant 0 : i32
    %dma_wait3A_489 = arith.constant 0 : i32
    %dma_wait3A_490 = tpu.memref_slice %arg5[%dma_wait3A_472, %dma_wait3A_473, %dma_wait3A_488, %dma_wait3A_489] : memref<2x21x8x128xf32, #tpu.memory_space<vmem>> -> memref<1x1x8x128xf32, #tpu.memory_space<vmem>>
    %dma_wait3A_491 = tpu.memref_squeeze %dma_wait3A_490 : memref<1x1x8x128xf32, #tpu.memory_space<vmem>> -> memref<8x128xf32, #tpu.memory_space<vmem>>
    tpu.wait_dma2 semaphore(%arg6 : memref<!tpu.dma_semaphore, #tpu.memory_space<semaphore_mem>>) src(%dma_wait3A_491 : memref<8x128xf32, #tpu.memory_space<vmem>>) dst(%dma_wait3A_487 : memref<8x128xf32, #tpu.memory_space<hbm>>)
    %dma_wait3A_492 = arith.constant 0 : i32
    %dma_wait3A_493 = arith.constant 3 : i32
    %dma_wait3A_494 = arith.constant 3 : i32
    %dma_wait3A_495 = arith.constant 24 : i32
    %dma_wait3A_496 = arith.constant 0 : i32
    %dma_wait3A_497 = arith.constant 0 : i32
    %dma_wait3A_498 = tpu.memref_slice %arg5[%dma_wait3A_492, %dma_wait3A_493, %dma_wait3A_496, %dma_wait3A_497] : memref<2x21x8x128xf32, #tpu.memory_space<vmem>> -> memref<1x1x8x128xf32, #tpu.memory_space<vmem>>
    %dma_wait3A_499 = tpu.memref_squeeze %dma_wait3A_498 : memref<1x1x8x128xf32, #tpu.memory_space<vmem>> -> memref<8x128xf32, #tpu.memory_space<vmem>>
    %dma_wait3A_500 = arith.constant 0 : i32
    %dma_wait3A_501 = arith.constant 0 : i32
    %dma_wait3A_502 = tpu.memref_slice %arg3[%dma_wait3A_494, %dma_wait3A_495, %add3A, %dma_wait3A_500, %dma_wait3A_501] : memref<21x25x32x8x128xf32, #tpu.memory_space<hbm>> -> memref<1x1x1x8x128xf32, #tpu.memory_space<hbm>>
    %dma_wait3A_503 = tpu.memref_squeeze %dma_wait3A_502 : memref<1x1x1x8x128xf32, #tpu.memory_space<hbm>> -> memref<8x128xf32, #tpu.memory_space<hbm>>
    %dma_wait3A_504 = arith.constant 0 : i32
    %dma_wait3A_505 = arith.constant 0 : i32
    %dma_wait3A_506 = tpu.memref_slice %arg3[%dma_wait3A_494, %dma_wait3A_495, %add3A, %dma_wait3A_504, %dma_wait3A_505] : memref<21x25x32x8x128xf32, #tpu.memory_space<hbm>> -> memref<1x1x1x8x128xf32, #tpu.memory_space<hbm>>
    %dma_wait3A_507 = tpu.memref_squeeze %dma_wait3A_506 : memref<1x1x1x8x128xf32, #tpu.memory_space<hbm>> -> memref<8x128xf32, #tpu.memory_space<hbm>>
    %dma_wait3A_508 = arith.constant 0 : i32
    %dma_wait3A_509 = arith.constant 0 : i32
    %dma_wait3A_510 = tpu.memref_slice %arg5[%dma_wait3A_492, %dma_wait3A_493, %dma_wait3A_508, %dma_wait3A_509] : memref<2x21x8x128xf32, #tpu.memory_space<vmem>> -> memref<1x1x8x128xf32, #tpu.memory_space<vmem>>
    %dma_wait3A_511 = tpu.memref_squeeze %dma_wait3A_510 : memref<1x1x8x128xf32, #tpu.memory_space<vmem>> -> memref<8x128xf32, #tpu.memory_space<vmem>>
    tpu.wait_dma2 semaphore(%arg6 : memref<!tpu.dma_semaphore, #tpu.memory_space<semaphore_mem>>) src(%dma_wait3A_511 : memref<8x128xf32, #tpu.memory_space<vmem>>) dst(%dma_wait3A_507 : memref<8x128xf32, #tpu.memory_space<hbm>>)
    %dma_wait3A_512 = arith.constant 0 : i32
    %dma_wait3A_513 = arith.constant 4 : i32
    %dma_wait3A_514 = arith.constant 4 : i32
    %dma_wait3A_515 = arith.constant 24 : i32
    %dma_wait3A_516 = arith.constant 0 : i32
    %dma_wait3A_517 = arith.constant 0 : i32
    %dma_wait3A_518 = tpu.memref_slice %arg5[%dma_wait3A_512, %dma_wait3A_513, %dma_wait3A_516, %dma_wait3A_517] : memref<2x21x8x128xf32, #tpu.memory_space<vmem>> -> memref<1x1x8x128xf32, #tpu.memory_space<vmem>>
    %dma_wait3A_519 = tpu.memref_squeeze %dma_wait3A_518 : memref<1x1x8x128xf32, #tpu.memory_space<vmem>> -> memref<8x128xf32, #tpu.memory_space<vmem>>
    %dma_wait3A_520 = arith.constant 0 : i32
    %dma_wait3A_521 = arith.constant 0 : i32
    %dma_wait3A_522 = tpu.memref_slice %arg3[%dma_wait3A_514, %dma_wait3A_515, %add3A, %dma_wait3A_520, %dma_wait3A_521] : memref<21x25x32x8x128xf32, #tpu.memory_space<hbm>> -> memref<1x1x1x8x128xf32, #tpu.memory_space<hbm>>
    %dma_wait3A_523 = tpu.memref_squeeze %dma_wait3A_522 : memref<1x1x1x8x128xf32, #tpu.memory_space<hbm>> -> memref<8x128xf32, #tpu.memory_space<hbm>>
    %dma_wait3A_524 = arith.constant 0 : i32
    %dma_wait3A_525 = arith.constant 0 : i32
    %dma_wait3A_526 = tpu.memref_slice %arg3[%dma_wait3A_514, %dma_wait3A_515, %add3A, %dma_wait3A_524, %dma_wait3A_525] : memref<21x25x32x8x128xf32, #tpu.memory_space<hbm>> -> memref<1x1x1x8x128xf32, #tpu.memory_space<hbm>>
    %dma_wait3A_527 = tpu.memref_squeeze %dma_wait3A_526 : memref<1x1x1x8x128xf32, #tpu.memory_space<hbm>> -> memref<8x128xf32, #tpu.memory_space<hbm>>
    %dma_wait3A_528 = arith.constant 0 : i32
    %dma_wait3A_529 = arith.constant 0 : i32
    %dma_wait3A_530 = tpu.memref_slice %arg5[%dma_wait3A_512, %dma_wait3A_513, %dma_wait3A_528, %dma_wait3A_529] : memref<2x21x8x128xf32, #tpu.memory_space<vmem>> -> memref<1x1x8x128xf32, #tpu.memory_space<vmem>>
    %dma_wait3A_531 = tpu.memref_squeeze %dma_wait3A_530 : memref<1x1x8x128xf32, #tpu.memory_space<vmem>> -> memref<8x128xf32, #tpu.memory_space<vmem>>
    tpu.wait_dma2 semaphore(%arg6 : memref<!tpu.dma_semaphore, #tpu.memory_space<semaphore_mem>>) src(%dma_wait3A_531 : memref<8x128xf32, #tpu.memory_space<vmem>>) dst(%dma_wait3A_527 : memref<8x128xf32, #tpu.memory_space<hbm>>)
    %dma_wait3A_532 = arith.constant 0 : i32
    %dma_wait3A_533 = arith.constant 5 : i32
    %dma_wait3A_534 = arith.constant 5 : i32
    %dma_wait3A_535 = arith.constant 24 : i32
    %dma_wait3A_536 = arith.constant 0 : i32
    %dma_wait3A_537 = arith.constant 0 : i32
    %dma_wait3A_538 = tpu.memref_slice %arg5[%dma_wait3A_532, %dma_wait3A_533, %dma_wait3A_536, %dma_wait3A_537] : memref<2x21x8x128xf32, #tpu.memory_space<vmem>> -> memref<1x1x8x128xf32, #tpu.memory_space<vmem>>
    %dma_wait3A_539 = tpu.memref_squeeze %dma_wait3A_538 : memref<1x1x8x128xf32, #tpu.memory_space<vmem>> -> memref<8x128xf32, #tpu.memory_space<vmem>>
    %dma_wait3A_540 = arith.constant 0 : i32
    %dma_wait3A_541 = arith.constant 0 : i32
    %dma_wait3A_542 = tpu.memref_slice %arg3[%dma_wait3A_534, %dma_wait3A_535, %add3A, %dma_wait3A_540, %dma_wait3A_541] : memref<21x25x32x8x128xf32, #tpu.memory_space<hbm>> -> memref<1x1x1x8x128xf32, #tpu.memory_space<hbm>>
    %dma_wait3A_543 = tpu.memref_squeeze %dma_wait3A_542 : memref<1x1x1x8x128xf32, #tpu.memory_space<hbm>> -> memref<8x128xf32, #tpu.memory_space<hbm>>
    %dma_wait3A_544 = arith.constant 0 : i32
    %dma_wait3A_545 = arith.constant 0 : i32
    %dma_wait3A_546 = tpu.memref_slice %arg3[%dma_wait3A_534, %dma_wait3A_535, %add3A, %dma_wait3A_544, %dma_wait3A_545] : memref<21x25x32x8x128xf32, #tpu.memory_space<hbm>> -> memref<1x1x1x8x128xf32, #tpu.memory_space<hbm>>
    %dma_wait3A_547 = tpu.memref_squeeze %dma_wait3A_546 : memref<1x1x1x8x128xf32, #tpu.memory_space<hbm>> -> memref<8x128xf32, #tpu.memory_space<hbm>>
    %dma_wait3A_548 = arith.constant 0 : i32
    %dma_wait3A_549 = arith.constant 0 : i32
    %dma_wait3A_550 = tpu.memref_slice %arg5[%dma_wait3A_532, %dma_wait3A_533, %dma_wait3A_548, %dma_wait3A_549] : memref<2x21x8x128xf32, #tpu.memory_space<vmem>> -> memref<1x1x8x128xf32, #tpu.memory_space<vmem>>
    %dma_wait3A_551 = tpu.memref_squeeze %dma_wait3A_550 : memref<1x1x8x128xf32, #tpu.memory_space<vmem>> -> memref<8x128xf32, #tpu.memory_space<vmem>>
    tpu.wait_dma2 semaphore(%arg6 : memref<!tpu.dma_semaphore, #tpu.memory_space<semaphore_mem>>) src(%dma_wait3A_551 : memref<8x128xf32, #tpu.memory_space<vmem>>) dst(%dma_wait3A_547 : memref<8x128xf32, #tpu.memory_space<hbm>>)
    %dma_wait3A_552 = arith.constant 0 : i32
    %dma_wait3A_553 = arith.constant 6 : i32
    %dma_wait3A_554 = arith.constant 6 : i32
    %dma_wait3A_555 = arith.constant 24 : i32
    %dma_wait3A_556 = arith.constant 0 : i32
    %dma_wait3A_557 = arith.constant 0 : i32
    %dma_wait3A_558 = tpu.memref_slice %arg5[%dma_wait3A_552, %dma_wait3A_553, %dma_wait3A_556, %dma_wait3A_557] : memref<2x21x8x128xf32, #tpu.memory_space<vmem>> -> memref<1x1x8x128xf32, #tpu.memory_space<vmem>>
    %dma_wait3A_559 = tpu.memref_squeeze %dma_wait3A_558 : memref<1x1x8x128xf32, #tpu.memory_space<vmem>> -> memref<8x128xf32, #tpu.memory_space<vmem>>
    %dma_wait3A_560 = arith.constant 0 : i32
    %dma_wait3A_561 = arith.constant 0 : i32
    %dma_wait3A_562 = tpu.memref_slice %arg3[%dma_wait3A_554, %dma_wait3A_555, %add3A, %dma_wait3A_560, %dma_wait3A_561] : memref<21x25x32x8x128xf32, #tpu.memory_space<hbm>> -> memref<1x1x1x8x128xf32, #tpu.memory_space<hbm>>
    %dma_wait3A_563 = tpu.memref_squeeze %dma_wait3A_562 : memref<1x1x1x8x128xf32, #tpu.memory_space<hbm>> -> memref<8x128xf32, #tpu.memory_space<hbm>>
    %dma_wait3A_564 = arith.constant 0 : i32
    %dma_wait3A_565 = arith.constant 0 : i32
    %dma_wait3A_566 = tpu.memref_slice %arg3[%dma_wait3A_554, %dma_wait3A_555, %add3A, %dma_wait3A_564, %dma_wait3A_565] : memref<21x25x32x8x128xf32, #tpu.memory_space<hbm>> -> memref<1x1x1x8x128xf32, #tpu.memory_space<hbm>>
    %dma_wait3A_567 = tpu.memref_squeeze %dma_wait3A_566 : memref<1x1x1x8x128xf32, #tpu.memory_space<hbm>> -> memref<8x128xf32, #tpu.memory_space<hbm>>
    %dma_wait3A_568 = arith.constant 0 : i32
    %dma_wait3A_569 = arith.constant 0 : i32
    %dma_wait3A_570 = tpu.memref_slice %arg5[%dma_wait3A_552, %dma_wait3A_553, %dma_wait3A_568, %dma_wait3A_569] : memref<2x21x8x128xf32, #tpu.memory_space<vmem>> -> memref<1x1x8x128xf32, #tpu.memory_space<vmem>>
    %dma_wait3A_571 = tpu.memref_squeeze %dma_wait3A_570 : memref<1x1x8x128xf32, #tpu.memory_space<vmem>> -> memref<8x128xf32, #tpu.memory_space<vmem>>
    tpu.wait_dma2 semaphore(%arg6 : memref<!tpu.dma_semaphore, #tpu.memory_space<semaphore_mem>>) src(%dma_wait3A_571 : memref<8x128xf32, #tpu.memory_space<vmem>>) dst(%dma_wait3A_567 : memref<8x128xf32, #tpu.memory_space<hbm>>)
    %dma_wait3A_572 = arith.constant 0 : i32
    %dma_wait3A_573 = arith.constant 7 : i32
    %dma_wait3A_574 = arith.constant 7 : i32
    %dma_wait3A_575 = arith.constant 24 : i32
    %dma_wait3A_576 = arith.constant 0 : i32
    %dma_wait3A_577 = arith.constant 0 : i32
    %dma_wait3A_578 = tpu.memref_slice %arg5[%dma_wait3A_572, %dma_wait3A_573, %dma_wait3A_576, %dma_wait3A_577] : memref<2x21x8x128xf32, #tpu.memory_space<vmem>> -> memref<1x1x8x128xf32, #tpu.memory_space<vmem>>
    %dma_wait3A_579 = tpu.memref_squeeze %dma_wait3A_578 : memref<1x1x8x128xf32, #tpu.memory_space<vmem>> -> memref<8x128xf32, #tpu.memory_space<vmem>>
    %dma_wait3A_580 = arith.constant 0 : i32
    %dma_wait3A_581 = arith.constant 0 : i32
    %dma_wait3A_582 = tpu.memref_slice %arg3[%dma_wait3A_574, %dma_wait3A_575, %add3A, %dma_wait3A_580, %dma_wait3A_581] : memref<21x25x32x8x128xf32, #tpu.memory_space<hbm>> -> memref<1x1x1x8x128xf32, #tpu.memory_space<hbm>>
    %dma_wait3A_583 = tpu.memref_squeeze %dma_wait3A_582 : memref<1x1x1x8x128xf32, #tpu.memory_space<hbm>> -> memref<8x128xf32, #tpu.memory_space<hbm>>
    %dma_wait3A_584 = arith.constant 0 : i32
    %dma_wait3A_585 = arith.constant 0 : i32
    %dma_wait3A_586 = tpu.memref_slice %arg3[%dma_wait3A_574, %dma_wait3A_575, %add3A, %dma_wait3A_584, %dma_wait3A_585] : memref<21x25x32x8x128xf32, #tpu.memory_space<hbm>> -> memref<1x1x1x8x128xf32, #tpu.memory_space<hbm>>
    %dma_wait3A_587 = tpu.memref_squeeze %dma_wait3A_586 : memref<1x1x1x8x128xf32, #tpu.memory_space<hbm>> -> memref<8x128xf32, #tpu.memory_space<hbm>>
    %dma_wait3A_588 = arith.constant 0 : i32
    %dma_wait3A_589 = arith.constant 0 : i32
    %dma_wait3A_590 = tpu.memref_slice %arg5[%dma_wait3A_572, %dma_wait3A_573, %dma_wait3A_588, %dma_wait3A_589] : memref<2x21x8x128xf32, #tpu.memory_space<vmem>> -> memref<1x1x8x128xf32, #tpu.memory_space<vmem>>
    %dma_wait3A_591 = tpu.memref_squeeze %dma_wait3A_590 : memref<1x1x8x128xf32, #tpu.memory_space<vmem>> -> memref<8x128xf32, #tpu.memory_space<vmem>>
    tpu.wait_dma2 semaphore(%arg6 : memref<!tpu.dma_semaphore, #tpu.memory_space<semaphore_mem>>) src(%dma_wait3A_591 : memref<8x128xf32, #tpu.memory_space<vmem>>) dst(%dma_wait3A_587 : memref<8x128xf32, #tpu.memory_space<hbm>>)
    %dma_wait3A_592 = arith.constant 0 : i32
    %dma_wait3A_593 = arith.constant 8 : i32
    %dma_wait3A_594 = arith.constant 8 : i32
    %dma_wait3A_595 = arith.constant 24 : i32
    %dma_wait3A_596 = arith.constant 0 : i32
    %dma_wait3A_597 = arith.constant 0 : i32
    %dma_wait3A_598 = tpu.memref_slice %arg5[%dma_wait3A_592, %dma_wait3A_593, %dma_wait3A_596, %dma_wait3A_597] : memref<2x21x8x128xf32, #tpu.memory_space<vmem>> -> memref<1x1x8x128xf32, #tpu.memory_space<vmem>>
    %dma_wait3A_599 = tpu.memref_squeeze %dma_wait3A_598 : memref<1x1x8x128xf32, #tpu.memory_space<vmem>> -> memref<8x128xf32, #tpu.memory_space<vmem>>
    %dma_wait3A_600 = arith.constant 0 : i32
    %dma_wait3A_601 = arith.constant 0 : i32
    %dma_wait3A_602 = tpu.memref_slice %arg3[%dma_wait3A_594, %dma_wait3A_595, %add3A, %dma_wait3A_600, %dma_wait3A_601] : memref<21x25x32x8x128xf32, #tpu.memory_space<hbm>> -> memref<1x1x1x8x128xf32, #tpu.memory_space<hbm>>
    %dma_wait3A_603 = tpu.memref_squeeze %dma_wait3A_602 : memref<1x1x1x8x128xf32, #tpu.memory_space<hbm>> -> memref<8x128xf32, #tpu.memory_space<hbm>>
    %dma_wait3A_604 = arith.constant 0 : i32
    %dma_wait3A_605 = arith.constant 0 : i32
    %dma_wait3A_606 = tpu.memref_slice %arg3[%dma_wait3A_594, %dma_wait3A_595, %add3A, %dma_wait3A_604, %dma_wait3A_605] : memref<21x25x32x8x128xf32, #tpu.memory_space<hbm>> -> memref<1x1x1x8x128xf32, #tpu.memory_space<hbm>>
    %dma_wait3A_607 = tpu.memref_squeeze %dma_wait3A_606 : memref<1x1x1x8x128xf32, #tpu.memory_space<hbm>> -> memref<8x128xf32, #tpu.memory_space<hbm>>
    %dma_wait3A_608 = arith.constant 0 : i32
    %dma_wait3A_609 = arith.constant 0 : i32
    %dma_wait3A_610 = tpu.memref_slice %arg5[%dma_wait3A_592, %dma_wait3A_593, %dma_wait3A_608, %dma_wait3A_609] : memref<2x21x8x128xf32, #tpu.memory_space<vmem>> -> memref<1x1x8x128xf32, #tpu.memory_space<vmem>>
    %dma_wait3A_611 = tpu.memref_squeeze %dma_wait3A_610 : memref<1x1x8x128xf32, #tpu.memory_space<vmem>> -> memref<8x128xf32, #tpu.memory_space<vmem>>
    tpu.wait_dma2 semaphore(%arg6 : memref<!tpu.dma_semaphore, #tpu.memory_space<semaphore_mem>>) src(%dma_wait3A_611 : memref<8x128xf32, #tpu.memory_space<vmem>>) dst(%dma_wait3A_607 : memref<8x128xf32, #tpu.memory_space<hbm>>)
    %dma_wait3A_612 = arith.constant 0 : i32
    %dma_wait3A_613 = arith.constant 9 : i32
    %dma_wait3A_614 = arith.constant 9 : i32
    %dma_wait3A_615 = arith.constant 24 : i32
    %dma_wait3A_616 = arith.constant 0 : i32
    %dma_wait3A_617 = arith.constant 0 : i32
    %dma_wait3A_618 = tpu.memref_slice %arg5[%dma_wait3A_612, %dma_wait3A_613, %dma_wait3A_616, %dma_wait3A_617] : memref<2x21x8x128xf32, #tpu.memory_space<vmem>> -> memref<1x1x8x128xf32, #tpu.memory_space<vmem>>
    %dma_wait3A_619 = tpu.memref_squeeze %dma_wait3A_618 : memref<1x1x8x128xf32, #tpu.memory_space<vmem>> -> memref<8x128xf32, #tpu.memory_space<vmem>>
    %dma_wait3A_620 = arith.constant 0 : i32
    %dma_wait3A_621 = arith.constant 0 : i32
    %dma_wait3A_622 = tpu.memref_slice %arg3[%dma_wait3A_614, %dma_wait3A_615, %add3A, %dma_wait3A_620, %dma_wait3A_621] : memref<21x25x32x8x128xf32, #tpu.memory_space<hbm>> -> memref<1x1x1x8x128xf32, #tpu.memory_space<hbm>>
    %dma_wait3A_623 = tpu.memref_squeeze %dma_wait3A_622 : memref<1x1x1x8x128xf32, #tpu.memory_space<hbm>> -> memref<8x128xf32, #tpu.memory_space<hbm>>
    %dma_wait3A_624 = arith.constant 0 : i32
    %dma_wait3A_625 = arith.constant 0 : i32
    %dma_wait3A_626 = tpu.memref_slice %arg3[%dma_wait3A_614, %dma_wait3A_615, %add3A, %dma_wait3A_624, %dma_wait3A_625] : memref<21x25x32x8x128xf32, #tpu.memory_space<hbm>> -> memref<1x1x1x8x128xf32, #tpu.memory_space<hbm>>
    %dma_wait3A_627 = tpu.memref_squeeze %dma_wait3A_626 : memref<1x1x1x8x128xf32, #tpu.memory_space<hbm>> -> memref<8x128xf32, #tpu.memory_space<hbm>>
    %dma_wait3A_628 = arith.constant 0 : i32
    %dma_wait3A_629 = arith.constant 0 : i32
    %dma_wait3A_630 = tpu.memref_slice %arg5[%dma_wait3A_612, %dma_wait3A_613, %dma_wait3A_628, %dma_wait3A_629] : memref<2x21x8x128xf32, #tpu.memory_space<vmem>> -> memref<1x1x8x128xf32, #tpu.memory_space<vmem>>
    %dma_wait3A_631 = tpu.memref_squeeze %dma_wait3A_630 : memref<1x1x8x128xf32, #tpu.memory_space<vmem>> -> memref<8x128xf32, #tpu.memory_space<vmem>>
    tpu.wait_dma2 semaphore(%arg6 : memref<!tpu.dma_semaphore, #tpu.memory_space<semaphore_mem>>) src(%dma_wait3A_631 : memref<8x128xf32, #tpu.memory_space<vmem>>) dst(%dma_wait3A_627 : memref<8x128xf32, #tpu.memory_space<hbm>>)
    %dma_wait3A_632 = arith.constant 0 : i32
    %dma_wait3A_633 = arith.constant 10 : i32
    %dma_wait3A_634 = arith.constant 10 : i32
    %dma_wait3A_635 = arith.constant 24 : i32
    %dma_wait3A_636 = arith.constant 0 : i32
    %dma_wait3A_637 = arith.constant 0 : i32
    %dma_wait3A_638 = tpu.memref_slice %arg5[%dma_wait3A_632, %dma_wait3A_633, %dma_wait3A_636, %dma_wait3A_637] : memref<2x21x8x128xf32, #tpu.memory_space<vmem>> -> memref<1x1x8x128xf32, #tpu.memory_space<vmem>>
    %dma_wait3A_639 = tpu.memref_squeeze %dma_wait3A_638 : memref<1x1x8x128xf32, #tpu.memory_space<vmem>> -> memref<8x128xf32, #tpu.memory_space<vmem>>
    %dma_wait3A_640 = arith.constant 0 : i32
    %dma_wait3A_641 = arith.constant 0 : i32
    %dma_wait3A_642 = tpu.memref_slice %arg3[%dma_wait3A_634, %dma_wait3A_635, %add3A, %dma_wait3A_640, %dma_wait3A_641] : memref<21x25x32x8x128xf32, #tpu.memory_space<hbm>> -> memref<1x1x1x8x128xf32, #tpu.memory_space<hbm>>
    %dma_wait3A_643 = tpu.memref_squeeze %dma_wait3A_642 : memref<1x1x1x8x128xf32, #tpu.memory_space<hbm>> -> memref<8x128xf32, #tpu.memory_space<hbm>>
    %dma_wait3A_644 = arith.constant 0 : i32
    %dma_wait3A_645 = arith.constant 0 : i32
    %dma_wait3A_646 = tpu.memref_slice %arg3[%dma_wait3A_634, %dma_wait3A_635, %add3A, %dma_wait3A_644, %dma_wait3A_645] : memref<21x25x32x8x128xf32, #tpu.memory_space<hbm>> -> memref<1x1x1x8x128xf32, #tpu.memory_space<hbm>>
    %dma_wait3A_647 = tpu.memref_squeeze %dma_wait3A_646 : memref<1x1x1x8x128xf32, #tpu.memory_space<hbm>> -> memref<8x128xf32, #tpu.memory_space<hbm>>
    %dma_wait3A_648 = arith.constant 0 : i32
    %dma_wait3A_649 = arith.constant 0 : i32
    %dma_wait3A_650 = tpu.memref_slice %arg5[%dma_wait3A_632, %dma_wait3A_633, %dma_wait3A_648, %dma_wait3A_649] : memref<2x21x8x128xf32, #tpu.memory_space<vmem>> -> memref<1x1x8x128xf32, #tpu.memory_space<vmem>>
    %dma_wait3A_651 = tpu.memref_squeeze %dma_wait3A_650 : memref<1x1x8x128xf32, #tpu.memory_space<vmem>> -> memref<8x128xf32, #tpu.memory_space<vmem>>
    tpu.wait_dma2 semaphore(%arg6 : memref<!tpu.dma_semaphore, #tpu.memory_space<semaphore_mem>>) src(%dma_wait3A_651 : memref<8x128xf32, #tpu.memory_space<vmem>>) dst(%dma_wait3A_647 : memref<8x128xf32, #tpu.memory_space<hbm>>)
    %dma_wait3A_652 = arith.constant 0 : i32
    %dma_wait3A_653 = arith.constant 11 : i32
    %dma_wait3A_654 = arith.constant 11 : i32
    %dma_wait3A_655 = arith.constant 24 : i32
    %dma_wait3A_656 = arith.constant 0 : i32
    %dma_wait3A_657 = arith.constant 0 : i32
    %dma_wait3A_658 = tpu.memref_slice %arg5[%dma_wait3A_652, %dma_wait3A_653, %dma_wait3A_656, %dma_wait3A_657] : memref<2x21x8x128xf32, #tpu.memory_space<vmem>> -> memref<1x1x8x128xf32, #tpu.memory_space<vmem>>
    %dma_wait3A_659 = tpu.memref_squeeze %dma_wait3A_658 : memref<1x1x8x128xf32, #tpu.memory_space<vmem>> -> memref<8x128xf32, #tpu.memory_space<vmem>>
    %dma_wait3A_660 = arith.constant 0 : i32
    %dma_wait3A_661 = arith.constant 0 : i32
    %dma_wait3A_662 = tpu.memref_slice %arg3[%dma_wait3A_654, %dma_wait3A_655, %add3A, %dma_wait3A_660, %dma_wait3A_661] : memref<21x25x32x8x128xf32, #tpu.memory_space<hbm>> -> memref<1x1x1x8x128xf32, #tpu.memory_space<hbm>>
    %dma_wait3A_663 = tpu.memref_squeeze %dma_wait3A_662 : memref<1x1x1x8x128xf32, #tpu.memory_space<hbm>> -> memref<8x128xf32, #tpu.memory_space<hbm>>
    %dma_wait3A_664 = arith.constant 0 : i32
    %dma_wait3A_665 = arith.constant 0 : i32
    %dma_wait3A_666 = tpu.memref_slice %arg3[%dma_wait3A_654, %dma_wait3A_655, %add3A, %dma_wait3A_664, %dma_wait3A_665] : memref<21x25x32x8x128xf32, #tpu.memory_space<hbm>> -> memref<1x1x1x8x128xf32, #tpu.memory_space<hbm>>
    %dma_wait3A_667 = tpu.memref_squeeze %dma_wait3A_666 : memref<1x1x1x8x128xf32, #tpu.memory_space<hbm>> -> memref<8x128xf32, #tpu.memory_space<hbm>>
    %dma_wait3A_668 = arith.constant 0 : i32
    %dma_wait3A_669 = arith.constant 0 : i32
    %dma_wait3A_670 = tpu.memref_slice %arg5[%dma_wait3A_652, %dma_wait3A_653, %dma_wait3A_668, %dma_wait3A_669] : memref<2x21x8x128xf32, #tpu.memory_space<vmem>> -> memref<1x1x8x128xf32, #tpu.memory_space<vmem>>
    %dma_wait3A_671 = tpu.memref_squeeze %dma_wait3A_670 : memref<1x1x8x128xf32, #tpu.memory_space<vmem>> -> memref<8x128xf32, #tpu.memory_space<vmem>>
    tpu.wait_dma2 semaphore(%arg6 : memref<!tpu.dma_semaphore, #tpu.memory_space<semaphore_mem>>) src(%dma_wait3A_671 : memref<8x128xf32, #tpu.memory_space<vmem>>) dst(%dma_wait3A_667 : memref<8x128xf32, #tpu.memory_space<hbm>>)
    %dma_wait3A_672 = arith.constant 0 : i32
    %dma_wait3A_673 = arith.constant 12 : i32
    %dma_wait3A_674 = arith.constant 12 : i32
    %dma_wait3A_675 = arith.constant 24 : i32
    %dma_wait3A_676 = arith.constant 0 : i32
    %dma_wait3A_677 = arith.constant 0 : i32
    %dma_wait3A_678 = tpu.memref_slice %arg5[%dma_wait3A_672, %dma_wait3A_673, %dma_wait3A_676, %dma_wait3A_677] : memref<2x21x8x128xf32, #tpu.memory_space<vmem>> -> memref<1x1x8x128xf32, #tpu.memory_space<vmem>>
    %dma_wait3A_679 = tpu.memref_squeeze %dma_wait3A_678 : memref<1x1x8x128xf32, #tpu.memory_space<vmem>> -> memref<8x128xf32, #tpu.memory_space<vmem>>
    %dma_wait3A_680 = arith.constant 0 : i32
    %dma_wait3A_681 = arith.constant 0 : i32
    %dma_wait3A_682 = tpu.memref_slice %arg3[%dma_wait3A_674, %dma_wait3A_675, %add3A, %dma_wait3A_680, %dma_wait3A_681] : memref<21x25x32x8x128xf32, #tpu.memory_space<hbm>> -> memref<1x1x1x8x128xf32, #tpu.memory_space<hbm>>
    %dma_wait3A_683 = tpu.memref_squeeze %dma_wait3A_682 : memref<1x1x1x8x128xf32, #tpu.memory_space<hbm>> -> memref<8x128xf32, #tpu.memory_space<hbm>>
    %dma_wait3A_684 = arith.constant 0 : i32
    %dma_wait3A_685 = arith.constant 0 : i32
    %dma_wait3A_686 = tpu.memref_slice %arg3[%dma_wait3A_674, %dma_wait3A_675, %add3A, %dma_wait3A_684, %dma_wait3A_685] : memref<21x25x32x8x128xf32, #tpu.memory_space<hbm>> -> memref<1x1x1x8x128xf32, #tpu.memory_space<hbm>>
    %dma_wait3A_687 = tpu.memref_squeeze %dma_wait3A_686 : memref<1x1x1x8x128xf32, #tpu.memory_space<hbm>> -> memref<8x128xf32, #tpu.memory_space<hbm>>
    %dma_wait3A_688 = arith.constant 0 : i32
    %dma_wait3A_689 = arith.constant 0 : i32
    %dma_wait3A_690 = tpu.memref_slice %arg5[%dma_wait3A_672, %dma_wait3A_673, %dma_wait3A_688, %dma_wait3A_689] : memref<2x21x8x128xf32, #tpu.memory_space<vmem>> -> memref<1x1x8x128xf32, #tpu.memory_space<vmem>>
    %dma_wait3A_691 = tpu.memref_squeeze %dma_wait3A_690 : memref<1x1x8x128xf32, #tpu.memory_space<vmem>> -> memref<8x128xf32, #tpu.memory_space<vmem>>
    tpu.wait_dma2 semaphore(%arg6 : memref<!tpu.dma_semaphore, #tpu.memory_space<semaphore_mem>>) src(%dma_wait3A_691 : memref<8x128xf32, #tpu.memory_space<vmem>>) dst(%dma_wait3A_687 : memref<8x128xf32, #tpu.memory_space<hbm>>)
    %dma_wait3A_692 = arith.constant 0 : i32
    %dma_wait3A_693 = arith.constant 13 : i32
    %dma_wait3A_694 = arith.constant 13 : i32
    %dma_wait3A_695 = arith.constant 24 : i32
    %dma_wait3A_696 = arith.constant 0 : i32
    %dma_wait3A_697 = arith.constant 0 : i32
    %dma_wait3A_698 = tpu.memref_slice %arg5[%dma_wait3A_692, %dma_wait3A_693, %dma_wait3A_696, %dma_wait3A_697] : memref<2x21x8x128xf32, #tpu.memory_space<vmem>> -> memref<1x1x8x128xf32, #tpu.memory_space<vmem>>
    %dma_wait3A_699 = tpu.memref_squeeze %dma_wait3A_698 : memref<1x1x8x128xf32, #tpu.memory_space<vmem>> -> memref<8x128xf32, #tpu.memory_space<vmem>>
    %dma_wait3A_700 = arith.constant 0 : i32
    %dma_wait3A_701 = arith.constant 0 : i32
    %dma_wait3A_702 = tpu.memref_slice %arg3[%dma_wait3A_694, %dma_wait3A_695, %add3A, %dma_wait3A_700, %dma_wait3A_701] : memref<21x25x32x8x128xf32, #tpu.memory_space<hbm>> -> memref<1x1x1x8x128xf32, #tpu.memory_space<hbm>>
    %dma_wait3A_703 = tpu.memref_squeeze %dma_wait3A_702 : memref<1x1x1x8x128xf32, #tpu.memory_space<hbm>> -> memref<8x128xf32, #tpu.memory_space<hbm>>
    %dma_wait3A_704 = arith.constant 0 : i32
    %dma_wait3A_705 = arith.constant 0 : i32
    %dma_wait3A_706 = tpu.memref_slice %arg3[%dma_wait3A_694, %dma_wait3A_695, %add3A, %dma_wait3A_704, %dma_wait3A_705] : memref<21x25x32x8x128xf32, #tpu.memory_space<hbm>> -> memref<1x1x1x8x128xf32, #tpu.memory_space<hbm>>
    %dma_wait3A_707 = tpu.memref_squeeze %dma_wait3A_706 : memref<1x1x1x8x128xf32, #tpu.memory_space<hbm>> -> memref<8x128xf32, #tpu.memory_space<hbm>>
    %dma_wait3A_708 = arith.constant 0 : i32
    %dma_wait3A_709 = arith.constant 0 : i32
    %dma_wait3A_710 = tpu.memref_slice %arg5[%dma_wait3A_692, %dma_wait3A_693, %dma_wait3A_708, %dma_wait3A_709] : memref<2x21x8x128xf32, #tpu.memory_space<vmem>> -> memref<1x1x8x128xf32, #tpu.memory_space<vmem>>
    %dma_wait3A_711 = tpu.memref_squeeze %dma_wait3A_710 : memref<1x1x8x128xf32, #tpu.memory_space<vmem>> -> memref<8x128xf32, #tpu.memory_space<vmem>>
    tpu.wait_dma2 semaphore(%arg6 : memref<!tpu.dma_semaphore, #tpu.memory_space<semaphore_mem>>) src(%dma_wait3A_711 : memref<8x128xf32, #tpu.memory_space<vmem>>) dst(%dma_wait3A_707 : memref<8x128xf32, #tpu.memory_space<hbm>>)
    %dma_wait3A_712 = arith.constant 0 : i32
    %dma_wait3A_713 = arith.constant 14 : i32
    %dma_wait3A_714 = arith.constant 14 : i32
    %dma_wait3A_715 = arith.constant 24 : i32
    %dma_wait3A_716 = arith.constant 0 : i32
    %dma_wait3A_717 = arith.constant 0 : i32
    %dma_wait3A_718 = tpu.memref_slice %arg5[%dma_wait3A_712, %dma_wait3A_713, %dma_wait3A_716, %dma_wait3A_717] : memref<2x21x8x128xf32, #tpu.memory_space<vmem>> -> memref<1x1x8x128xf32, #tpu.memory_space<vmem>>
    %dma_wait3A_719 = tpu.memref_squeeze %dma_wait3A_718 : memref<1x1x8x128xf32, #tpu.memory_space<vmem>> -> memref<8x128xf32, #tpu.memory_space<vmem>>
    %dma_wait3A_720 = arith.constant 0 : i32
    %dma_wait3A_721 = arith.constant 0 : i32
    %dma_wait3A_722 = tpu.memref_slice %arg3[%dma_wait3A_714, %dma_wait3A_715, %add3A, %dma_wait3A_720, %dma_wait3A_721] : memref<21x25x32x8x128xf32, #tpu.memory_space<hbm>> -> memref<1x1x1x8x128xf32, #tpu.memory_space<hbm>>
    %dma_wait3A_723 = tpu.memref_squeeze %dma_wait3A_722 : memref<1x1x1x8x128xf32, #tpu.memory_space<hbm>> -> memref<8x128xf32, #tpu.memory_space<hbm>>
    %dma_wait3A_724 = arith.constant 0 : i32
    %dma_wait3A_725 = arith.constant 0 : i32
    %dma_wait3A_726 = tpu.memref_slice %arg3[%dma_wait3A_714, %dma_wait3A_715, %add3A, %dma_wait3A_724, %dma_wait3A_725] : memref<21x25x32x8x128xf32, #tpu.memory_space<hbm>> -> memref<1x1x1x8x128xf32, #tpu.memory_space<hbm>>
    %dma_wait3A_727 = tpu.memref_squeeze %dma_wait3A_726 : memref<1x1x1x8x128xf32, #tpu.memory_space<hbm>> -> memref<8x128xf32, #tpu.memory_space<hbm>>
    %dma_wait3A_728 = arith.constant 0 : i32
    %dma_wait3A_729 = arith.constant 0 : i32
    %dma_wait3A_730 = tpu.memref_slice %arg5[%dma_wait3A_712, %dma_wait3A_713, %dma_wait3A_728, %dma_wait3A_729] : memref<2x21x8x128xf32, #tpu.memory_space<vmem>> -> memref<1x1x8x128xf32, #tpu.memory_space<vmem>>
    %dma_wait3A_731 = tpu.memref_squeeze %dma_wait3A_730 : memref<1x1x8x128xf32, #tpu.memory_space<vmem>> -> memref<8x128xf32, #tpu.memory_space<vmem>>
    tpu.wait_dma2 semaphore(%arg6 : memref<!tpu.dma_semaphore, #tpu.memory_space<semaphore_mem>>) src(%dma_wait3A_731 : memref<8x128xf32, #tpu.memory_space<vmem>>) dst(%dma_wait3A_727 : memref<8x128xf32, #tpu.memory_space<hbm>>)
    %dma_wait3A_732 = arith.constant 0 : i32
    %dma_wait3A_733 = arith.constant 15 : i32
    %dma_wait3A_734 = arith.constant 15 : i32
    %dma_wait3A_735 = arith.constant 24 : i32
    %dma_wait3A_736 = arith.constant 0 : i32
    %dma_wait3A_737 = arith.constant 0 : i32
    %dma_wait3A_738 = tpu.memref_slice %arg5[%dma_wait3A_732, %dma_wait3A_733, %dma_wait3A_736, %dma_wait3A_737] : memref<2x21x8x128xf32, #tpu.memory_space<vmem>> -> memref<1x1x8x128xf32, #tpu.memory_space<vmem>>
    %dma_wait3A_739 = tpu.memref_squeeze %dma_wait3A_738 : memref<1x1x8x128xf32, #tpu.memory_space<vmem>> -> memref<8x128xf32, #tpu.memory_space<vmem>>
    %dma_wait3A_740 = arith.constant 0 : i32
    %dma_wait3A_741 = arith.constant 0 : i32
    %dma_wait3A_742 = tpu.memref_slice %arg3[%dma_wait3A_734, %dma_wait3A_735, %add3A, %dma_wait3A_740, %dma_wait3A_741] : memref<21x25x32x8x128xf32, #tpu.memory_space<hbm>> -> memref<1x1x1x8x128xf32, #tpu.memory_space<hbm>>
    %dma_wait3A_743 = tpu.memref_squeeze %dma_wait3A_742 : memref<1x1x1x8x128xf32, #tpu.memory_space<hbm>> -> memref<8x128xf32, #tpu.memory_space<hbm>>
    %dma_wait3A_744 = arith.constant 0 : i32
    %dma_wait3A_745 = arith.constant 0 : i32
    %dma_wait3A_746 = tpu.memref_slice %arg3[%dma_wait3A_734, %dma_wait3A_735, %add3A, %dma_wait3A_744, %dma_wait3A_745] : memref<21x25x32x8x128xf32, #tpu.memory_space<hbm>> -> memref<1x1x1x8x128xf32, #tpu.memory_space<hbm>>
    %dma_wait3A_747 = tpu.memref_squeeze %dma_wait3A_746 : memref<1x1x1x8x128xf32, #tpu.memory_space<hbm>> -> memref<8x128xf32, #tpu.memory_space<hbm>>
    %dma_wait3A_748 = arith.constant 0 : i32
    %dma_wait3A_749 = arith.constant 0 : i32
    %dma_wait3A_750 = tpu.memref_slice %arg5[%dma_wait3A_732, %dma_wait3A_733, %dma_wait3A_748, %dma_wait3A_749] : memref<2x21x8x128xf32, #tpu.memory_space<vmem>> -> memref<1x1x8x128xf32, #tpu.memory_space<vmem>>
    %dma_wait3A_751 = tpu.memref_squeeze %dma_wait3A_750 : memref<1x1x8x128xf32, #tpu.memory_space<vmem>> -> memref<8x128xf32, #tpu.memory_space<vmem>>
    tpu.wait_dma2 semaphore(%arg6 : memref<!tpu.dma_semaphore, #tpu.memory_space<semaphore_mem>>) src(%dma_wait3A_751 : memref<8x128xf32, #tpu.memory_space<vmem>>) dst(%dma_wait3A_747 : memref<8x128xf32, #tpu.memory_space<hbm>>)
    %dma_wait3A_752 = arith.constant 0 : i32
    %dma_wait3A_753 = arith.constant 16 : i32
    %dma_wait3A_754 = arith.constant 16 : i32
    %dma_wait3A_755 = arith.constant 24 : i32
    %dma_wait3A_756 = arith.constant 0 : i32
    %dma_wait3A_757 = arith.constant 0 : i32
    %dma_wait3A_758 = tpu.memref_slice %arg5[%dma_wait3A_752, %dma_wait3A_753, %dma_wait3A_756, %dma_wait3A_757] : memref<2x21x8x128xf32, #tpu.memory_space<vmem>> -> memref<1x1x8x128xf32, #tpu.memory_space<vmem>>
    %dma_wait3A_759 = tpu.memref_squeeze %dma_wait3A_758 : memref<1x1x8x128xf32, #tpu.memory_space<vmem>> -> memref<8x128xf32, #tpu.memory_space<vmem>>
    %dma_wait3A_760 = arith.constant 0 : i32
    %dma_wait3A_761 = arith.constant 0 : i32
    %dma_wait3A_762 = tpu.memref_slice %arg3[%dma_wait3A_754, %dma_wait3A_755, %add3A, %dma_wait3A_760, %dma_wait3A_761] : memref<21x25x32x8x128xf32, #tpu.memory_space<hbm>> -> memref<1x1x1x8x128xf32, #tpu.memory_space<hbm>>
    %dma_wait3A_763 = tpu.memref_squeeze %dma_wait3A_762 : memref<1x1x1x8x128xf32, #tpu.memory_space<hbm>> -> memref<8x128xf32, #tpu.memory_space<hbm>>
    %dma_wait3A_764 = arith.constant 0 : i32
    %dma_wait3A_765 = arith.constant 0 : i32
    %dma_wait3A_766 = tpu.memref_slice %arg3[%dma_wait3A_754, %dma_wait3A_755, %add3A, %dma_wait3A_764, %dma_wait3A_765] : memref<21x25x32x8x128xf32, #tpu.memory_space<hbm>> -> memref<1x1x1x8x128xf32, #tpu.memory_space<hbm>>
    %dma_wait3A_767 = tpu.memref_squeeze %dma_wait3A_766 : memref<1x1x1x8x128xf32, #tpu.memory_space<hbm>> -> memref<8x128xf32, #tpu.memory_space<hbm>>
    %dma_wait3A_768 = arith.constant 0 : i32
    %dma_wait3A_769 = arith.constant 0 : i32
    %dma_wait3A_770 = tpu.memref_slice %arg5[%dma_wait3A_752, %dma_wait3A_753, %dma_wait3A_768, %dma_wait3A_769] : memref<2x21x8x128xf32, #tpu.memory_space<vmem>> -> memref<1x1x8x128xf32, #tpu.memory_space<vmem>>
    %dma_wait3A_771 = tpu.memref_squeeze %dma_wait3A_770 : memref<1x1x8x128xf32, #tpu.memory_space<vmem>> -> memref<8x128xf32, #tpu.memory_space<vmem>>
    tpu.wait_dma2 semaphore(%arg6 : memref<!tpu.dma_semaphore, #tpu.memory_space<semaphore_mem>>) src(%dma_wait3A_771 : memref<8x128xf32, #tpu.memory_space<vmem>>) dst(%dma_wait3A_767 : memref<8x128xf32, #tpu.memory_space<hbm>>)
    %dma_wait3A_772 = arith.constant 0 : i32
    %dma_wait3A_773 = arith.constant 17 : i32
    %dma_wait3A_774 = arith.constant 17 : i32
    %dma_wait3A_775 = arith.constant 24 : i32
    %dma_wait3A_776 = arith.constant 0 : i32
    %dma_wait3A_777 = arith.constant 0 : i32
    %dma_wait3A_778 = tpu.memref_slice %arg5[%dma_wait3A_772, %dma_wait3A_773, %dma_wait3A_776, %dma_wait3A_777] : memref<2x21x8x128xf32, #tpu.memory_space<vmem>> -> memref<1x1x8x128xf32, #tpu.memory_space<vmem>>
    %dma_wait3A_779 = tpu.memref_squeeze %dma_wait3A_778 : memref<1x1x8x128xf32, #tpu.memory_space<vmem>> -> memref<8x128xf32, #tpu.memory_space<vmem>>
    %dma_wait3A_780 = arith.constant 0 : i32
    %dma_wait3A_781 = arith.constant 0 : i32
    %dma_wait3A_782 = tpu.memref_slice %arg3[%dma_wait3A_774, %dma_wait3A_775, %add3A, %dma_wait3A_780, %dma_wait3A_781] : memref<21x25x32x8x128xf32, #tpu.memory_space<hbm>> -> memref<1x1x1x8x128xf32, #tpu.memory_space<hbm>>
    %dma_wait3A_783 = tpu.memref_squeeze %dma_wait3A_782 : memref<1x1x1x8x128xf32, #tpu.memory_space<hbm>> -> memref<8x128xf32, #tpu.memory_space<hbm>>
    %dma_wait3A_784 = arith.constant 0 : i32
    %dma_wait3A_785 = arith.constant 0 : i32
    %dma_wait3A_786 = tpu.memref_slice %arg3[%dma_wait3A_774, %dma_wait3A_775, %add3A, %dma_wait3A_784, %dma_wait3A_785] : memref<21x25x32x8x128xf32, #tpu.memory_space<hbm>> -> memref<1x1x1x8x128xf32, #tpu.memory_space<hbm>>
    %dma_wait3A_787 = tpu.memref_squeeze %dma_wait3A_786 : memref<1x1x1x8x128xf32, #tpu.memory_space<hbm>> -> memref<8x128xf32, #tpu.memory_space<hbm>>
    %dma_wait3A_788 = arith.constant 0 : i32
    %dma_wait3A_789 = arith.constant 0 : i32
    %dma_wait3A_790 = tpu.memref_slice %arg5[%dma_wait3A_772, %dma_wait3A_773, %dma_wait3A_788, %dma_wait3A_789] : memref<2x21x8x128xf32, #tpu.memory_space<vmem>> -> memref<1x1x8x128xf32, #tpu.memory_space<vmem>>
    %dma_wait3A_791 = tpu.memref_squeeze %dma_wait3A_790 : memref<1x1x8x128xf32, #tpu.memory_space<vmem>> -> memref<8x128xf32, #tpu.memory_space<vmem>>
    tpu.wait_dma2 semaphore(%arg6 : memref<!tpu.dma_semaphore, #tpu.memory_space<semaphore_mem>>) src(%dma_wait3A_791 : memref<8x128xf32, #tpu.memory_space<vmem>>) dst(%dma_wait3A_787 : memref<8x128xf32, #tpu.memory_space<hbm>>)
    %dma_wait3A_792 = arith.constant 0 : i32
    %dma_wait3A_793 = arith.constant 18 : i32
    %dma_wait3A_794 = arith.constant 18 : i32
    %dma_wait3A_795 = arith.constant 24 : i32
    %dma_wait3A_796 = arith.constant 0 : i32
    %dma_wait3A_797 = arith.constant 0 : i32
    %dma_wait3A_798 = tpu.memref_slice %arg5[%dma_wait3A_792, %dma_wait3A_793, %dma_wait3A_796, %dma_wait3A_797] : memref<2x21x8x128xf32, #tpu.memory_space<vmem>> -> memref<1x1x8x128xf32, #tpu.memory_space<vmem>>
    %dma_wait3A_799 = tpu.memref_squeeze %dma_wait3A_798 : memref<1x1x8x128xf32, #tpu.memory_space<vmem>> -> memref<8x128xf32, #tpu.memory_space<vmem>>
    %dma_wait3A_800 = arith.constant 0 : i32
    %dma_wait3A_801 = arith.constant 0 : i32
    %dma_wait3A_802 = tpu.memref_slice %arg3[%dma_wait3A_794, %dma_wait3A_795, %add3A, %dma_wait3A_800, %dma_wait3A_801] : memref<21x25x32x8x128xf32, #tpu.memory_space<hbm>> -> memref<1x1x1x8x128xf32, #tpu.memory_space<hbm>>
    %dma_wait3A_803 = tpu.memref_squeeze %dma_wait3A_802 : memref<1x1x1x8x128xf32, #tpu.memory_space<hbm>> -> memref<8x128xf32, #tpu.memory_space<hbm>>
    %dma_wait3A_804 = arith.constant 0 : i32
    %dma_wait3A_805 = arith.constant 0 : i32
    %dma_wait3A_806 = tpu.memref_slice %arg3[%dma_wait3A_794, %dma_wait3A_795, %add3A, %dma_wait3A_804, %dma_wait3A_805] : memref<21x25x32x8x128xf32, #tpu.memory_space<hbm>> -> memref<1x1x1x8x128xf32, #tpu.memory_space<hbm>>
    %dma_wait3A_807 = tpu.memref_squeeze %dma_wait3A_806 : memref<1x1x1x8x128xf32, #tpu.memory_space<hbm>> -> memref<8x128xf32, #tpu.memory_space<hbm>>
    %dma_wait3A_808 = arith.constant 0 : i32
    %dma_wait3A_809 = arith.constant 0 : i32
    %dma_wait3A_810 = tpu.memref_slice %arg5[%dma_wait3A_792, %dma_wait3A_793, %dma_wait3A_808, %dma_wait3A_809] : memref<2x21x8x128xf32, #tpu.memory_space<vmem>> -> memref<1x1x8x128xf32, #tpu.memory_space<vmem>>
    %dma_wait3A_811 = tpu.memref_squeeze %dma_wait3A_810 : memref<1x1x8x128xf32, #tpu.memory_space<vmem>> -> memref<8x128xf32, #tpu.memory_space<vmem>>
    tpu.wait_dma2 semaphore(%arg6 : memref<!tpu.dma_semaphore, #tpu.memory_space<semaphore_mem>>) src(%dma_wait3A_811 : memref<8x128xf32, #tpu.memory_space<vmem>>) dst(%dma_wait3A_807 : memref<8x128xf32, #tpu.memory_space<hbm>>)
    %dma_wait3A_812 = arith.constant 0 : i32
    %dma_wait3A_813 = arith.constant 19 : i32
    %dma_wait3A_814 = arith.constant 19 : i32
    %dma_wait3A_815 = arith.constant 24 : i32
    %dma_wait3A_816 = arith.constant 0 : i32
    %dma_wait3A_817 = arith.constant 0 : i32
    %dma_wait3A_818 = tpu.memref_slice %arg5[%dma_wait3A_812, %dma_wait3A_813, %dma_wait3A_816, %dma_wait3A_817] : memref<2x21x8x128xf32, #tpu.memory_space<vmem>> -> memref<1x1x8x128xf32, #tpu.memory_space<vmem>>
    %dma_wait3A_819 = tpu.memref_squeeze %dma_wait3A_818 : memref<1x1x8x128xf32, #tpu.memory_space<vmem>> -> memref<8x128xf32, #tpu.memory_space<vmem>>
    %dma_wait3A_820 = arith.constant 0 : i32
    %dma_wait3A_821 = arith.constant 0 : i32
    %dma_wait3A_822 = tpu.memref_slice %arg3[%dma_wait3A_814, %dma_wait3A_815, %add3A, %dma_wait3A_820, %dma_wait3A_821] : memref<21x25x32x8x128xf32, #tpu.memory_space<hbm>> -> memref<1x1x1x8x128xf32, #tpu.memory_space<hbm>>
    %dma_wait3A_823 = tpu.memref_squeeze %dma_wait3A_822 : memref<1x1x1x8x128xf32, #tpu.memory_space<hbm>> -> memref<8x128xf32, #tpu.memory_space<hbm>>
    %dma_wait3A_824 = arith.constant 0 : i32
    %dma_wait3A_825 = arith.constant 0 : i32
    %dma_wait3A_826 = tpu.memref_slice %arg3[%dma_wait3A_814, %dma_wait3A_815, %add3A, %dma_wait3A_824, %dma_wait3A_825] : memref<21x25x32x8x128xf32, #tpu.memory_space<hbm>> -> memref<1x1x1x8x128xf32, #tpu.memory_space<hbm>>
    %dma_wait3A_827 = tpu.memref_squeeze %dma_wait3A_826 : memref<1x1x1x8x128xf32, #tpu.memory_space<hbm>> -> memref<8x128xf32, #tpu.memory_space<hbm>>
    %dma_wait3A_828 = arith.constant 0 : i32
    %dma_wait3A_829 = arith.constant 0 : i32
    %dma_wait3A_830 = tpu.memref_slice %arg5[%dma_wait3A_812, %dma_wait3A_813, %dma_wait3A_828, %dma_wait3A_829] : memref<2x21x8x128xf32, #tpu.memory_space<vmem>> -> memref<1x1x8x128xf32, #tpu.memory_space<vmem>>
    %dma_wait3A_831 = tpu.memref_squeeze %dma_wait3A_830 : memref<1x1x8x128xf32, #tpu.memory_space<vmem>> -> memref<8x128xf32, #tpu.memory_space<vmem>>
    tpu.wait_dma2 semaphore(%arg6 : memref<!tpu.dma_semaphore, #tpu.memory_space<semaphore_mem>>) src(%dma_wait3A_831 : memref<8x128xf32, #tpu.memory_space<vmem>>) dst(%dma_wait3A_827 : memref<8x128xf32, #tpu.memory_space<hbm>>)
    %dma_wait3A_832 = arith.constant 0 : i32
    %dma_wait3A_833 = arith.constant 20 : i32
    %dma_wait3A_834 = arith.constant 20 : i32
    %dma_wait3A_835 = arith.constant 24 : i32
    %dma_wait3A_836 = arith.constant 0 : i32
    %dma_wait3A_837 = arith.constant 0 : i32
    %dma_wait3A_838 = tpu.memref_slice %arg5[%dma_wait3A_832, %dma_wait3A_833, %dma_wait3A_836, %dma_wait3A_837] : memref<2x21x8x128xf32, #tpu.memory_space<vmem>> -> memref<1x1x8x128xf32, #tpu.memory_space<vmem>>
    %dma_wait3A_839 = tpu.memref_squeeze %dma_wait3A_838 : memref<1x1x8x128xf32, #tpu.memory_space<vmem>> -> memref<8x128xf32, #tpu.memory_space<vmem>>
    %dma_wait3A_840 = arith.constant 0 : i32
    %dma_wait3A_841 = arith.constant 0 : i32
    %dma_wait3A_842 = tpu.memref_slice %arg3[%dma_wait3A_834, %dma_wait3A_835, %add3A, %dma_wait3A_840, %dma_wait3A_841] : memref<21x25x32x8x128xf32, #tpu.memory_space<hbm>> -> memref<1x1x1x8x128xf32, #tpu.memory_space<hbm>>
    %dma_wait3A_843 = tpu.memref_squeeze %dma_wait3A_842 : memref<1x1x1x8x128xf32, #tpu.memory_space<hbm>> -> memref<8x128xf32, #tpu.memory_space<hbm>>
    %dma_wait3A_844 = arith.constant 0 : i32
    %dma_wait3A_845 = arith.constant 0 : i32
    %dma_wait3A_846 = tpu.memref_slice %arg3[%dma_wait3A_834, %dma_wait3A_835, %add3A, %dma_wait3A_844, %dma_wait3A_845] : memref<21x25x32x8x128xf32, #tpu.memory_space<hbm>> -> memref<1x1x1x8x128xf32, #tpu.memory_space<hbm>>
    %dma_wait3A_847 = tpu.memref_squeeze %dma_wait3A_846 : memref<1x1x1x8x128xf32, #tpu.memory_space<hbm>> -> memref<8x128xf32, #tpu.memory_space<hbm>>
    %dma_wait3A_848 = arith.constant 0 : i32
    %dma_wait3A_849 = arith.constant 0 : i32
    %dma_wait3A_850 = tpu.memref_slice %arg5[%dma_wait3A_832, %dma_wait3A_833, %dma_wait3A_848, %dma_wait3A_849] : memref<2x21x8x128xf32, #tpu.memory_space<vmem>> -> memref<1x1x8x128xf32, #tpu.memory_space<vmem>>
    %dma_wait3A_851 = tpu.memref_squeeze %dma_wait3A_850 : memref<1x1x8x128xf32, #tpu.memory_space<vmem>> -> memref<8x128xf32, #tpu.memory_space<vmem>>
    tpu.wait_dma2 semaphore(%arg6 : memref<!tpu.dma_semaphore, #tpu.memory_space<semaphore_mem>>) src(%dma_wait3A_851 : memref<8x128xf32, #tpu.memory_space<vmem>>) dst(%dma_wait3A_847 : memref<8x128xf32, #tpu.memory_space<hbm>>)
    return
  }
}

</mosaic_0001>

<sc_bundles>
// kernel: kernel.3.cloned.1.call-start
scs
__scs_entry_jumppad:
0x0: {  	(pc) =	sbr.rel $0x88, $3  }
0x1: {  	(tag) =	ssettag $0x0;
	lr =	simm.s32 $0x1  }
0x2: {  	[smem:$0x3FA0] =	sst lr;
	_ =	strace $0xD0000000  }
0x3: {  	_ = 	snop  }
0x4: {  	_ = 	snop  }
0x5: {  	_ = 	snop  }
0x6: {  	_ = 	snop  }
0x7: {  	_ = 	snop  }
__scs_overlays_trampoline_lowered:
0x8: {  	[smem:$0x3FAF] =	sst s0  }
0x9: {  	[smem:$0x3FB0] =	sst s1  }
0xa: {  	[smem:$0x3FB1] =	sst s2  }
0xb: {  	[smem:$0x3FB2] =	sst s3  }
0xc: {  	[smem:$0x3FB3] =	sst s4  }
0xd: {  	[smem:$0x3FB4] =	sst s5  }
0xe: {  	[smem:$0x3FB5] =	sst s6  }
0xf: {  	[smem:$0x3FB6] =	sst s7  }
0x10: {  	[smem:$0x3FB7] =	sst s8  }
0x11: {  	[smem:$0x3FB8] =	sst s9;
	s0 =	simm.s32 @!p0 $0x0  }
0x12: {  	s1 =	sld [smem:$0x3F9E];
	s0 =	simm.s32 @p0 $0x1  }
0x13: {  	[smem:$0x3FB9] =	sst s0;
	s0 =	simm.s32 @!p1 $0x0  }
0x14: {  	s2 =	sld [smem:$0x3F9D];
	s0 =	simm.s32 @p1 $0x1  }
0x15: {  	[smem:$0x3FBA] =	sst s0;
	s0 =	simm.s32 @!p2 $0x0  }
0x16: {  	s3 =	sld [smem:$0x3FDB];
	s0 =	simm.s32 @p2 $0x1  }
0x17: {  	s4 =	simm.s32 $0x1BF5;
	[smem:$0x3FBC] =	sst s0  }
0x18: {  	s0 =	sld [smem:$0x3F9F];
	_ =	swait.ge [sflag:s4], $0x0  }
0x19: {  	s7 =	sld [smem:$0x3FA0]  }
0x1a: {  	s8 =	sadd.s32 $0xFFFFE003, lr  }
0x1b: {  	s9 =	sadd.s32 $0xFFFFFEF7, lr;
	s5 =	simm.s32 $0xFFFFFFFF;
	p2 =	slt.u32 s8, $0xFFFFF086  }
0x1c: {  	p1 =	slt.u32 s9, $0xF7A;
	s5 =	simm.s32 @!p2 $0x0  }
0x1d: {  	s5 =	simm.s32 @p1 $0x1;
	p0 =	seq.s32 s7, s2  }
0x1e: {  	s7 =	smul.u32 @!p0 $0xF7A, s2;
	p2 =	seq.s32 @!p0 s5, $0x0  }
0x1f: {  	s9 =	smul.u32 $0xF7A, s1;
	s8 =	simm.s32 @!p0 $0x1BF5;
	p2 =	por !p2, p0  }
0x20: {  	[sflag:s8] =	ssyncset.s32 @!p0 $0xFFFFF086;
	s6 =	sadd.s32 @!p0 s3, s7;
	s7 =	simm.s32 @!p0 $0x108  }
0x21: {  	s3 =	sadd.s32 s3, s9;
	s6 =	sadd.s32 @!p0 $0x88, s6;
	s7 =	simm.s32 @p2 $0x1082  }
0x22: {  	[simem:s7], [sflag:s8] =	dma.local @!p0 [hbm:s6], $0xF7A  }
0x23: {  	s9 =	sor.u32 $0xD0000000, s2;
	s6 =	simm.s32 $0x108;
	_ =	swait.ge @!p0 [sflag:s8], $0x0  }
0x24: {  	s3 =	sadd.s32 $0x88, s3;
	s6 =	simm.s32 @!p1 $0x1082;
	[sflag:s4] =	ssyncset.s32 $0xFFFFF086  }
0x25: {  	[simem:s6], [sflag:s4] =	dma.local [hbm:s3], $0xF7A  }
0x26: {  	[smem:$0x3FA0] =	sst s1;
	(tag) =	ssettag s2;
	_ =	strace s9  }
0x27: {  	s1 =	sld [smem:$0x3FB0]  }
0x28: {  	s2 =	sld [smem:$0x3FB1]  }
0x29: {  	s4 =	sld [smem:$0x3FB3]  }
0x2a: {  	p0 =	seq.s32 s5, $0x0;
	s5 =	sld [smem:$0x3FB4]  }
0x2b: {  	s6 =	sld [smem:$0x3FB5]  }
0x2c: {  	s7 =	sld [smem:$0x3FB6]  }
0x2d: {  	s3 =	simm.s32 $0x108;
	s8 =	sld [smem:$0x3FB7]  }
0x2e: {  	s3 =	simm.s32 @!p0 $0x1082;
	s9 =	sld [smem:$0x3FB8]  }
0x2f: {  	lr =	sadd.s32 s0, s3;
	s0 =	sld [smem:$0x3FAF]  }
0x30: {  	s3 =	sld [smem:$0x3FB2]  }
0x31: {  	[smem:$0x3FBB] =	sst s10  }
0x32: {  	s10 =	sld [smem:$0x3FB9];
	_ =	sdelay $0x3  }
0x33: {  	p0 =	seq.s32 s10, $0x1;
	s10 =	sld [smem:$0x3FBB];
	_ =	sdelay $0x3  }
0x34: {  	[smem:$0x3FBB] =	sst s10  }
0x35: {  	s10 =	sld [smem:$0x3FBA];
	_ =	sdelay $0x3  }
0x36: {  	p1 =	seq.s32 s10, $0x1;
	s10 =	sld [smem:$0x3FBB];
	_ =	sdelay $0x3  }
0x37: {  	[smem:$0x3FBB] =	sst s10  }
0x38: {  	s10 =	sld [smem:$0x3FBC]  }
0x39: {  	_ = 	snop;
	(pc) =	sbr.ind lr, $3  }
0x3a: {  	_ = 	snop  }
0x3b: {  	_ = 	snop  }
0x3c: {  	p2 =	seq.s32 s10, $0x1;
	s10 =	sld [smem:$0x3FBB]  }
0x3d: {  	_ =	shalt  }
0x3e: {  	_ =	shalt  }
0x3f: {  	_ =	shalt  }
0x40: {  	_ =	shalt  }
0x41: {  	_ =	shalt  }
0x42: {  	_ =	shalt  }
0x43: {  	_ =	shalt  }
0x44: {  	_ =	shalt  }
0x45: {  	_ =	shalt  }
0x46: {  	_ =	shalt  }
0x47: {  	_ =	shalt  }
0x48: {  	_ =	shalt  }
0x49: {  	_ =	shalt  }
0x4a: {  	_ =	shalt  }
0x4b: {  	_ =	shalt  }
0x4c: {  	_ =	shalt  }
0x4d: {  	_ =	shalt  }
0x4e: {  	_ =	shalt  }
0x4f: {  	_ =	shalt  }
0x50: {  	_ =	shalt  }
0x51: {  	_ =	shalt  }
0x52: {  	_ =	shalt  }
0x53: {  	_ =	shalt  }
0x54: {  	_ =	shalt  }
0x55: {  	_ =	shalt  }
0x56: {  	_ =	shalt  }
0x57: {  	_ =	shalt  }
0x58: {  	_ =	shalt  }
0x59: {  	_ =	shalt  }
0x5a: {  	_ =	shalt  }
0x5b: {  	_ =	shalt  }
0x5c: {  	_ =	shalt  }
0x5d: {  	_ =	shalt  }
0x5e: {  	_ =	shalt  }
0x5f: {  	_ =	shalt  }
0x60: {  	_ =	shalt  }
0x61: {  	_ =	shalt  }
0x62: {  	_ =	shalt  }
0x63: {  	_ =	shalt  }
0x64: {  	_ =	shalt  }
0x65: {  	_ =	shalt  }
0x66: {  	_ =	shalt  }
0x67: {  	_ =	shalt  }
0x68: {  	_ =	shalt  }
0x69: {  	_ =	shalt  }
0x6a: {  	_ =	shalt  }
0x6b: {  	_ =	shalt  }
0x6c: {  	_ =	shalt  }
0x6d: {  	_ =	shalt  }
0x6e: {  	_ =	shalt  }
0x6f: {  	_ =	shalt  }
0x70: {  	_ =	shalt  }
0x71: {  	_ =	shalt  }
0x72: {  	_ =	shalt  }
0x73: {  	_ =	shalt  }
0x74: {  	_ =	shalt  }
0x75: {  	_ =	shalt  }
0x76: {  	_ =	shalt  }
0x77: {  	_ =	shalt  }
0x78: {  	_ =	shalt  }
0x79: {  	_ =	shalt  }
0x7a: {  	_ =	shalt  }
0x7b: {  	_ =	shalt  }
0x7c: {  	_ =	shalt  }
0x7d: {  	_ =	shalt  }
0x7e: {  	_ =	shalt  }
0x7f: {  	_ =	shalt  }
0x80: {  	_ =	shalt  }
0x81: {  	_ =	shalt  }
0x82: {  	_ =	shalt  }
0x83: {  	_ =	shalt  }
0x84: {  	_ =	shalt  }
0x85: {  	_ =	shalt  }
0x86: {  	_ =	shalt  }
0x87: {  	_ =	shalt  }
.Lfunc_end0:
.L_simem_size_0:
called_computation_lowered:
.L_overlay_start_0:
0x88: {  	s2 =	sld [smem:$0x3FD9]  }
0x89: {  	s3 =	sld [smem:$0x3FFE];
	_ =	sdelay $0x1  }
0x8a: {  	s1 =	srdreg.scid  }
0x8b: {  	s0 =	sand.u32 $0x1, s1  }
0x8c: {  	s17 =	sshll.u32 s0, $0xA;
	s2 =	sadd.s32 s3, s2  }
0x8d: {  	s2 =	sadd.s32 s2, s17  }
0x8e: {  	[smem:$0x3FC7] =	sst s2  }
0x8f: {  	_ = 	snop  }
0x90: {  	s2 =	sld [smem:$0x3FD0];
	(tm) =	ssettm $0x1  }
0x91: {  	s18 =	sld [smem:$0x3FFB];
	_ =	sdelay $0x3  }
0x92: {  	_ =	strace s18  }
0x93: {  	s3 =	sld [smem:$0x3FFC];
	_ =	sdelay $0x3  }
0x94: {  	_ =	strace s3  }
0x95: {  	s3 =	sld [smem:$0x3FFD];
	_ =	sdelay $0x3  }
0x96: {  	_ =	strace s3  }
0x97: {  	_ =	strace $0x8FFFFFFF  }
0x98: {  	s19 =	sld [smem:$0x3FDB];
	_ =	sdelay $0x1  }
0x99: {  	s4 =	simm.s32 $_scs_section_size  }
0x9a: {  	s5 =	simm.s32 $_size__tile_overlayer_lowered;
	s6 =	simm.s32 $_tile_overlayer_lowered  }
0x9b: {  	s22 =	simm.s32 $0x1BFF;
	s21 =	sshll.u32 s6, $0x1;
	s3 =	sadd.s32 s4, s19  }
0x9c: {  	s7 =	simm.s32 $0x0;
	s20 =	sshll.u32 s5, $0x1;
	s5 =	sadd.s32 s21, s3  }
0x9d: {  	[timem:s7], [sflag:s22] =	dma.local [hbm:s5], s20  }
0x9e: {  	_ =	swait.ge [sflag:s22], s20  }
0x9f: {  	s4 =	ssub.s32 $0x0, s20;
	[sflag:s22] =	ssyncset.done $0x0  }
0xa0: {  	[sflag:s22] =	ssyncadd.s32 s4;
	_ =	sdelay $0x1  }
0xa1: {  	s23 =	simm.s32 $0x1B8B  }
0xa2: {  	_ =	swait.ge [sflag:s23], $0x1  }
0xa3: {  	[sflag:s23] =	ssyncset.done $0x0  }
0xa4: {  	s25 =	simm.s32 $0x1B8E;
	s24 =	sld [smem:$0x3FFE];
	[sflag:s23] =	ssyncadd.s32 $0xFFFFFFFF  }
0xa5: {  	s26 =	simm.s32 $execute0_lowered;
	[smem:$0x3FD2] =	sst s25  }
0xa6: {  	s5 =	sshll.u32 s26, $0x1;
	_ =	strace $0x80000046;
	[dreg:$0x1] =	wrdreg $0xFFFFFFFF  }
0xa7: {  	s28 =	simm.s32 $_size_execute0_lowered;
	s3 =	sadd.s32 s3, s5;
	[dreg:$0x0] =	wrdreg $0x0  }
0xa8: {  	s5 =	sshll.u32 s28, $0x1;
	[dreg:$0x2] =	wrdreg s3  }
0xa9: {  	[dreg:$0x3] =	wrdreg s5  }
0xaa: {  	[dreg:$0x4] =	wrdreg $0xC0  }
0xab: {  	_ =	task [dreg:s7], $0x5FFFF  }
0xac: {  	[dreg:$0x1] =	wrdreg $0xFFFFFFFF  }
0xad: {  	[dreg:$0x0] =	wrdreg $0x60  }
0xae: {  	[dreg:$0x2] =	wrdreg s24  }
0xaf: {  	[dreg:$0x3] =	wrdreg s2  }
0xb0: {  	[dreg:$0x4] =	wrdreg $0x9  }
0xb1: {  	_ =	task.clear_ibuf [dreg:s7], $0x5FFFF;
	_ =	strace $0x90000046  }
0xb2: {  	s29 =	simm.s32 $0x9;
	_ =	strace $0x80000048  }
0xb3: {  	_ =	swait.ge [sflag:s29], $0x1  }
0xb4: {  	[sflag:s29] =	ssyncadd.s32 $0xFFFFFFFF  }
0xb5: {  	_ =	strace $0x90000048  }
0xb6: {  	_ =	sfence  }
0xb7: {  	s30 =	sld [smem:$0x0];
	_ =	sdelay $0x2  }
0xb8: {  	s31 =	sshll.u32 s1, $0xD;
	s1 =	sshrl.u32 s1, $0x2  }
0xb9: {  	s3 =	sand.u32 $0x4000, s31;
	s1 =	sadd.s32 s1, s30  }
0xba: {  	s0 =	sor.u32 s3, s0;
	s1 =	sshll.u32 s1, $0x11  }
0xbb: {  	s0 =	sor.u32 s1, s0  }
0xbc: {  	s0 =	sadd.s32 $0x8F2B, s0  }
0xbd: {  	[sflag:s0] =	ssyncadd.remote.s32 $0x1  }
0xbe: {  	_ =	sfence.sel $0xFFFF  }
0xbf: {  	[dreg:$0x0] =	wrdreg $0xFFFFFFFF;
	(pc) =	sbr.abs _section_cstart, $3  }
0xc0: {  	[dreg:$0x1] =	wrdreg $0xFFFFFFFF  }
0xc1: {  	_ =	task.clear_ibuf [dreg:s7], $0x2FFFF;
	_ =	strace $0x9FFFFFFF  }
0xc2: {  	(tm) =	ssettm $0x7FFFFFFF  }
0xc3: {  	_ =	shalt  }
tec
execute0_lowered:
.L_overlay_start_1:
0x0: {  	(tag) =	ssettag $0x1  }
0x1: {  	s1 =	srdreg.scid;
	s3 =	stileid.u32  }
0x2: {  	s1 =	sand.u32 $0x1, s1;
	s3 =	sshll.u32 s3, $0x1  }
0x3: {  	s0 =	rddreg [dreg:$0x0];
	s4 =	sor.u32 s1, s3;
	s1 =	ssub.s32 $0x2, s1  }
0x4: {  	s2 =	rddreg [dreg:$0x1];
	s5 =	smul.u32 $0xC80, s4;
	s6 =	sshrl.u32 s1, $0x1  }
0x5: {  	s8 =	simm.s32 $0x1;
	s3 =	simm.s32 $0x0;
	s1 =	ssub.s32 s1, s6  }
0x6: {  	[smem:$0x7FF] =	sst s3;
	s0 =	sadd.s32 s5, s0;
	s31 =	smax.u32 s1, $0x1  }
0x7: {  	v0 =	vlaneseq.u32;
	_ =	strace $0x80000047;
	s0 =	sadd.s32 $0x400, s0;
	[dreg:$0x4] =	wrdreg s31  }
0x8: {  	v1 =	vimm.f32 $0.0e+00;
	s9 =	simm.s32 $0x0;
	v0 =	vmul.u32 $0xC8, v0;
	s5 =	sshll.u32 s4, $0xA;
	[dreg:$0x3] =	wrdreg s0  }
.LBB2_1:
0x9: {  	s0 =	rddreg [dreg:$0x3];
	s31 =	simm.s32 $0x2  }
0xa: {  	[tilespmem:s3], [sflag:$0x2] =	stream.linear.gather [hbm4b:s0+s3], $0x6400, $0x38;
	[tilespmem:$0x10C00] =	vst v63  }
0xb: {  	_ =	swait.ge [sflag:s31], $0x6400  }
0xc: {  	[sflag:s31] =	ssyncset.done $0x0  }
0xd: {  	s6 =	simm.s32 $0x5780;
	s11 =	simm.s32 $0x0;
	[sflag:s31] =	ssyncadd.s32 $0xFFFF9C00  }
.LBB2_2:
0xe: {  	p0 =	slt.u32 s11, $0x2  }
0xf: {  	s0 =	simm.s32 @!p0 $0x1  }
0x10: {  	_ =	swait.ge @!p0 [sflag:s0], $0x400  }
0x11: {  	[sflag:s0] =	ssyncset.done @!p0 $0x0  }
0x12: {  	[sflag:s0] =	ssyncadd.s32 @!p0 $0xFFFFFC00  }
0x13: {  	_ =	swait.ge @!p0 [sflag:s0], $0x400  }
0x14: {  	[sflag:s0] =	ssyncset.done @!p0 $0x0  }
0x15: {  	[sflag:s0] =	ssyncadd.s32 @!p0 $0xFFFFFC00  }
0x16: {  	_ =	swait.ge @!p0 [sflag:s0], $0x400  }
0x17: {  	[sflag:s0] =	ssyncset.done @!p0 $0x0  }
0x18: {  	[sflag:s0] =	ssyncadd.s32 @!p0 $0xFFFFFC00  }
0x19: {  	_ =	swait.ge @!p0 [sflag:s0], $0x400  }
0x1a: {  	[sflag:s0] =	ssyncset.done @!p0 $0x0  }
0x1b: {  	[sflag:s0] =	ssyncadd.s32 @!p0 $0xFFFFFC00  }
0x1c: {  	_ =	swait.ge @!p0 [sflag:s0], $0x400  }
0x1d: {  	[sflag:s0] =	ssyncset.done @!p0 $0x0  }
0x1e: {  	[sflag:s0] =	ssyncadd.s32 @!p0 $0xFFFFFC00  }
0x1f: {  	_ =	swait.ge @!p0 [sflag:s0], $0x400  }
0x20: {  	[sflag:s0] =	ssyncset.done @!p0 $0x0  }
0x21: {  	[sflag:s0] =	ssyncadd.s32 @!p0 $0xFFFFFC00  }
0x22: {  	_ =	swait.ge @!p0 [sflag:s0], $0x400  }
0x23: {  	[sflag:s0] =	ssyncset.done @!p0 $0x0  }
0x24: {  	[sflag:s0] =	ssyncadd.s32 @!p0 $0xFFFFFC00  }
0x25: {  	_ =	swait.ge @!p0 [sflag:s0], $0x400  }
0x26: {  	[sflag:s0] =	ssyncset.done @!p0 $0x0  }
0x27: {  	[sflag:s0] =	ssyncadd.s32 @!p0 $0xFFFFFC00  }
0x28: {  	_ =	swait.ge @!p0 [sflag:s0], $0x400  }
0x29: {  	[sflag:s0] =	ssyncset.done @!p0 $0x0  }
0x2a: {  	[sflag:s0] =	ssyncadd.s32 @!p0 $0xFFFFFC00  }
0x2b: {  	_ =	swait.ge @!p0 [sflag:s0], $0x400  }
0x2c: {  	[sflag:s0] =	ssyncset.done @!p0 $0x0  }
0x2d: {  	[sflag:s0] =	ssyncadd.s32 @!p0 $0xFFFFFC00  }
0x2e: {  	_ =	swait.ge @!p0 [sflag:s0], $0x400  }
0x2f: {  	[sflag:s0] =	ssyncset.done @!p0 $0x0  }
0x30: {  	[sflag:s0] =	ssyncadd.s32 @!p0 $0xFFFFFC00  }
0x31: {  	_ =	swait.ge @!p0 [sflag:s0], $0x400  }
0x32: {  	[sflag:s0] =	ssyncset.done @!p0 $0x0  }
0x33: {  	[sflag:s0] =	ssyncadd.s32 @!p0 $0xFFFFFC00  }
0x34: {  	_ =	swait.ge @!p0 [sflag:s0], $0x400  }
0x35: {  	[sflag:s0] =	ssyncset.done @!p0 $0x0  }
0x36: {  	[sflag:s0] =	ssyncadd.s32 @!p0 $0xFFFFFC00  }
0x37: {  	_ =	swait.ge @!p0 [sflag:s0], $0x400  }
0x38: {  	[sflag:s0] =	ssyncset.done @!p0 $0x0  }
0x39: {  	[sflag:s0] =	ssyncadd.s32 @!p0 $0xFFFFFC00  }
0x3a: {  	_ =	swait.ge @!p0 [sflag:s0], $0x400  }
0x3b: {  	[sflag:s0] =	ssyncset.done @!p0 $0x0  }
0x3c: {  	[sflag:s0] =	ssyncadd.s32 @!p0 $0xFFFFFC00  }
0x3d: {  	_ =	swait.ge @!p0 [sflag:s0], $0x400  }
0x3e: {  	[sflag:s0] =	ssyncset.done @!p0 $0x0  }
0x3f: {  	[sflag:s0] =	ssyncadd.s32 @!p0 $0xFFFFFC00  }
0x40: {  	_ =	swait.ge @!p0 [sflag:s0], $0x400  }
0x41: {  	[sflag:s0] =	ssyncset.done @!p0 $0x0  }
0x42: {  	s1 =	sand.u32 $0x1, s11;
	[sflag:s0] =	ssyncadd.s32 @!p0 $0xFFFFFC00  }
0x43: {  	s4 =	simm.s32 $0x5400;
	p1 =	seq.s32 s1, $0x1;
	_ =	swait.ge @!p0 [sflag:s0], $0x400  }
0x44: {  	s4 =	simm.s32 @!p1 $0x0;
	[sflag:s0] =	ssyncset.done @!p0 $0x0  }
0x45: {  	s10 =	smov.u32 s6;
	s1 =	sadd.s32 $0x6800, s4;
	[sflag:s0] =	ssyncadd.s32 @!p0 $0xFFFFFC00  }
0x46: {  	s31 =	sadd.s32 $0x6C00, s4;
	s30 =	sadd.s32 $0x7000, s4;
	_ =	swait.ge @!p0 [sflag:s0], $0x400  }
0x47: {  	s29 =	sadd.s32 $0x7400, s4;
	s28 =	sadd.s32 $0x7800, s4;
	[sflag:s0] =	ssyncset.done @!p0 $0x0  }
0x48: {  	s26 =	sadd.s32 $0x7C00, s4;
	s25 =	sor.u32 $0x8000, s4;
	[sflag:s0] =	ssyncadd.s32 @!p0 $0xFFFFFC00  }
0x49: {  	s24 =	sadd.s32 $0x8400, s4;
	s23 =	sor.u32 $0x8800, s4;
	_ =	swait.ge @!p0 [sflag:s0], $0x400  }
0x4a: {  	s22 =	sadd.s32 $0x8C00, s4;
	s21 =	sadd.s32 $0x9000, s4;
	[sflag:s0] =	ssyncset.done @!p0 $0x0  }
0x4b: {  	s20 =	sadd.s32 $0x9400, s4;
	s19 =	sadd.s32 $0x9800, s4;
	[sflag:s0] =	ssyncadd.s32 @!p0 $0xFFFFFC00  }
0x4c: {  	s18 =	sadd.s32 $0x9C00, s4;
	s17 =	sor.u32 $0xA000, s4;
	_ =	swait.ge @!p0 [sflag:s0], $0x400  }
0x4d: {  	s16 =	sadd.s32 $0xA400, s4;
	s15 =	sor.u32 $0xA800, s4;
	[sflag:s0] =	ssyncset.done @!p0 $0x0  }
0x4e: {  	s14 =	sadd.s32 $0xAC00, s4;
	[sflag:s0] =	ssyncadd.s32 @!p0 $0xFFFFFC00;
	s0 =	sadd.s32 $0x6400, s4  }
0x4f: {  	s13 =	sadd.s32 $0xB000, s4;
	s12 =	sadd.s32 $0xB400, s4;
	s4 =	simm.s32 $0x0;
	v2 =	vmov s0  }
.LBB2_3:
0x50: {  	s7 =	sadd.s32 $0xFFFFA880, s10  }
0x51: {  	v3 =	vadd.s32 s7, v0;
	s7 =	sadd.s32 $0xFFFFB500, s10  }
0x52: {  	v4 =	vadd.s32 s7, v0;
	s7 =	sadd.s32 $0xFFFFC180, s10  }
0x53: {  	v5 =	vadd.s32 s7, v0;
	s7 =	sadd.s32 $0xFFFFCE00, s10  }
0x54: {  	v6 =	vadd.s32 s7, v0;
	s7 =	sadd.s32 $0xFFFFDA80, s10  }
0x55: {  	v11 =	vadd.s32 s7, v0;
	s7 =	sadd.s32 $0xFFFFE700, s10  }
0x56: {  	v9 =	vld.idx.msk [tilespmem:v3+s3+$0x0], $0xffff;
	v3 =	vadd.s32 s7, v0;
	s7 =	sadd.s32 $0xFFFFF380, s10  }
0x57: {  	v10 =	vld.idx.msk [tilespmem:v4+s3+$0x0], $0xffff;
	v33 =	vadd.s32 s7, v0  }
0x58: {  	v12 =	vadd.s32 s10, v0;
	v8 =	vld.idx.msk [tilespmem:v5+s3+$0x0], $0xffff  }
0x59: {  	v7 =	vld.idx.msk [tilespmem:v6+s3+$0x0], $0xffff  }
0x5a: {  	v6 =	vld.idx.msk [tilespmem:v11+s3+$0x0], $0xffff  }
0x5b: {  	v5 =	vld.idx.msk [tilespmem:v3+s3+$0x0], $0xffff;
	vm0 =	veq.s32 v9, $0x1;
	vm12 =	veq.s32 v9, $0x2  }
0x5c: {  	s7 =	sshra.s32 s4, $0x2;
	v4 =	vld.idx.msk [tilespmem:v33+s3+$0x0], $0xffff;
	vm1 =	veq.s32 v10, $0x1;
	v34 =	vsel vm0, $0x3F800000, v1;
	v40 =	vsel vm12, $0x3F800000, v1  }
0x5d: {  	v3 =	vld.idx.msk [tilespmem:v12+s3+$0x0], $0xffff;
	vm13 =	veq.s32 v10, $0x2;
	v35 =	vsel vm1, $0x3F800000, v1;
	vm6 =	veq.s32 v8, $0x1;
	[tilespmem:v2+s7+$0x0 ss:$0x1] =	vst.idx.msk $0xffff, v34  }
0x5e: {  	vm14 =	veq.s32 v8, $0x2;
	v36 =	vsel vm6, $0x3F800000, v1;
	vm7 =	veq.s32 v7, $0x1;
	[tilespmem:v2+s7+$0x10 ss:$0x1] =	vst.idx.msk $0xffff, v35  }
0x5f: {  	v41 =	vsel vm13, $0x3F800000, v1;
	vm8 =	veq.s32 v6, $0x1;
	v37 =	vsel vm7, $0x3F800000, v1;
	[tilespmem:v2+s7+$0x20 ss:$0x1] =	vst.idx.msk $0xffff, v36  }
0x60: {  	vm12 =	veq.s32 v8, $0x16;
	v13 =	vsel vm8, $0x3F800000, v1;
	vm9 =	veq.s32 v5, $0x1;
	[tilespmem:v2+s7+$0x30 ss:$0x1] =	vst.idx.msk $0xffff, v37  }
0x61: {  	vm13 =	veq.s32 v8, $0x3;
	v38 =	vsel vm9, $0x3F800000, v1;
	vm10 =	veq.s32 v4, $0x1;
	[tilespmem:v2+s7+$0x40 ss:$0x1] =	vst.idx.msk $0xffff, v13  }
0x62: {  	v15 =	vsel vm14, $0x3F800000, v1;
	vm11 =	veq.s32 v3, $0x1;
	v39 =	vsel vm10, $0x3F800000, v1;
	[tilespmem:v2+s7+$0x50 ss:$0x1] =	vst.idx.msk $0xffff, v38  }
0x63: {  	vm15 =	veq.s32 v7, $0x2;
	v19 =	vsel vm12, $0x3F000000, v1;
	v14 =	vsel vm11, $0x3F800000, v1;
	[tilespmem:v2+s7+$0x60 ss:$0x1] =	vst.idx.msk $0xffff, v39  }
0x64: {  	vm14 =	veq.s32 v7, $0x16;
	vm12 =	veq.s32 v9, $0x17;
	v42 =	vsel vm15, $0x3F800000, v1;
	[tilespmem:v2+s7+$0x70 ss:$0x1] =	vst.idx.msk $0xffff, v14  }
0x65: {  	vm4 =	veq.s32 v6, $0x2;
	v46 =	vsel vm13, $0x3F800000, v19;
	v20 =	vsel vm14, $0x3F000000, v1;
	[tilespmem:v2+s7+$0x400 ss:$0x1] =	vst.idx.msk $0xffff, v40  }
0x66: {  	vm15 =	veq.s32 v6, $0x16;
	vm13 =	veq.s32 v9, $0x4;
	v11 =	vsel vm12, $0x3F000000, v1;
	[tilespmem:v2+s7+$0x410 ss:$0x1] =	vst.idx.msk $0xffff, v41  }
0x67: {  	vm14 =	veq.s32 v10, $0x17;
	vm5 =	veq.s32 v5, $0x2;
	v16 =	vsel vm4, $0x3F800000, v1;
	[tilespmem:v2+s7+$0x420 ss:$0x1] =	vst.idx.msk $0xffff, v15  }
0x68: {  	vm7 =	veq.s32 v3, $0x2;
	vm8 =	veq.s32 v9, $0x16;
	vm4 =	veq.s32 v7, $0x3;
	[tilespmem:v2+s7+$0x430 ss:$0x1] =	vst.idx.msk $0xffff, v42  }
0x69: {  	v21 =	vsel vm15, $0x3F000000, v1;
	v17 =	vsel vm5, $0x3F800000, v1;
	vm6 =	veq.s32 v4, $0x2;
	[tilespmem:v2+s7+$0x440 ss:$0x1] =	vst.idx.msk $0xffff, v16  }
0x6a: {  	v52 =	vsel vm13, $0x3F800000, v11;
	v44 =	vsel vm7, $0x3F800000, v1;
	v43 =	vsel vm6, $0x3F800000, v1;
	[tilespmem:v2+s7+$0x450 ss:$0x1] =	vst.idx.msk $0xffff, v17  }
0x6b: {  	vm9 =	veq.s32 v10, $0x16;
	vm10 =	veq.s32 v9, $0x3;
	v14 =	vsel vm8, $0x3F000000, v1;
	[tilespmem:v2+s7+$0x460 ss:$0x1] =	vst.idx.msk $0xffff, v43  }
0x6c: {  	vm11 =	veq.s32 v10, $0x3;
	v45 =	vsel vm10, $0x3F800000, v14;
	v15 =	vsel vm9, $0x3F000000, v1;
	[tilespmem:v2+s7+$0x470 ss:$0x1] =	vst.idx.msk $0xffff, v44  }
0x6d: {  	v12 =	vsel vm14, $0x3F000000, v1;
	vm15 =	veq.s32 v8, $0x17;
	v18 =	vsel vm11, $0x3F800000, v15;
	[tilespmem:v2+s7+$0x800 ss:$0x1] =	vst.idx.msk $0xffff, v45  }
0x6e: {  	vm14 =	veq.s32 v3, $0x17;
	vm5 =	veq.s32 v6, $0x3;
	vm6 =	veq.s32 v5, $0x16;
	[tilespmem:v2+s7+$0x810 ss:$0x1] =	vst.idx.msk $0xffff, v18  }
0x6f: {  	v47 =	vsel vm4, $0x3F800000, v20;
	vm7 =	veq.s32 v5, $0x3;
	v24 =	vsel vm6, $0x3F000000, v1;
	[tilespmem:v2+s7+$0x820 ss:$0x1] =	vst.idx.msk $0xffff, v46  }
0x70: {  	v48 =	vsel vm5, $0x3F800000, v21;
	vm8 =	veq.s32 v4, $0x16;
	v49 =	vsel vm7, $0x3F800000, v24;
	[tilespmem:v2+s7+$0x830 ss:$0x1] =	vst.idx.msk $0xffff, v47  }
0x71: {  	v25 =	vsel vm8, $0x3F000000, v1;
	vm10 =	veq.s32 v4, $0x3;
	vm9 =	veq.s32 v3, $0x16;
	[tilespmem:v2+s7+$0x840 ss:$0x1] =	vst.idx.msk $0xffff, v48  }
0x72: {  	v50 =	vsel vm10, $0x3F800000, v25;
	v26 =	vsel vm9, $0x3F000000, v1;
	vm11 =	veq.s32 v3, $0x3;
	[tilespmem:v2+s7+$0x850 ss:$0x1] =	vst.idx.msk $0xffff, v49  }
0x73: {  	vm4 =	veq.s32 v10, $0x4;
	v13 =	vsel vm15, $0x3F000000, v1;
	v51 =	vsel vm11, $0x3F800000, v26;
	[tilespmem:v2+s7+$0x860 ss:$0x1] =	vst.idx.msk $0xffff, v50  }
0x74: {  	vm12 =	veq.s32 v4, $0x17;
	vm5 =	veq.s32 v8, $0x4;
	v53 =	vsel vm4, $0x3F800000, v12;
	[tilespmem:v2+s7+$0x870 ss:$0x1] =	vst.idx.msk $0xffff, v51  }
0x75: {  	v22 =	vsel vm5, $0x3F800000, v13;
	vm6 =	veq.s32 v7, $0x17;
	vm7 =	veq.s32 v7, $0x4;
	[tilespmem:v2+s7+$0xC00 ss:$0x1] =	vst.idx.msk $0xffff, v52  }
0x76: {  	vm8 =	veq.s32 v6, $0x17;
	vm10 =	veq.s32 v6, $0x4;
	v16 =	vsel vm6, $0x3F000000, v1;
	[tilespmem:v2+s7+$0xC10 ss:$0x1] =	vst.idx.msk $0xffff, v53  }
0x77: {  	vm9 =	veq.s32 v5, $0x17;
	v23 =	vsel vm7, $0x3F800000, v16;
	v17 =	vsel vm8, $0x3F000000, v1;
	[tilespmem:v2+s7+$0xC20 ss:$0x1] =	vst.idx.msk $0xffff, v22  }
0x78: {  	vm11 =	veq.s32 v5, $0x4;
	v54 =	vsel vm10, $0x3F800000, v17;
	v18 =	vsel vm9, $0x3F000000, v1;
	[tilespmem:v2+s7+$0xC30 ss:$0x1] =	vst.idx.msk $0xffff, v23  }
0x79: {  	vm13 =	veq.s32 v4, $0x4;
	v55 =	vsel vm11, $0x3F800000, v18;
	v22 =	vsel vm12, $0x3F000000, v1;
	[tilespmem:v2+s7+$0xC40 ss:$0x1] =	vst.idx.msk $0xffff, v54  }
0x7a: {  	vm15 =	veq.s32 v3, $0x4;
	v27 =	vsel vm13, $0x3F800000, v22;
	v23 =	vsel vm14, $0x3F000000, v1;
	[tilespmem:v2+s7+$0xC50 ss:$0x1] =	vst.idx.msk $0xffff, v55  }
0x7b: {  	vm4 =	veq.s32 v9, $0x5;
	v56 =	vsel vm15, $0x3F800000, v23;
	[tilespmem:v2+s7+$0xC60 ss:$0x1] =	vst.idx.msk $0xffff, v27  }
0x7c: {  	v57 =	vsel vm4, $0x3F800000, v1;
	vm5 =	veq.s32 v10, $0x5;
	[tilespmem:v2+s7+$0xC70 ss:$0x1] =	vst.idx.msk $0xffff, v56  }
0x7d: {  	v58 =	vsel vm5, $0x3F800000, v1;
	vm6 =	veq.s32 v8, $0x5;
	[tilespmem:v2+s7+$0x1000 ss:$0x1] =	vst.idx.msk $0xffff, v57  }
0x7e: {  	v59 =	vsel vm6, $0x3F800000, v1;
	vm7 =	veq.s32 v7, $0x5;
	[tilespmem:v2+s7+$0x1010 ss:$0x1] =	vst.idx.msk $0xffff, v58  }
0x7f: {  	vm8 =	veq.s32 v6, $0x5;
	v60 =	vsel vm7, $0x3F800000, v1;
	[tilespmem:v2+s7+$0x1020 ss:$0x1] =	vst.idx.msk $0xffff, v59  }
0x80: {  	v61 =	vsel vm8, $0x3F800000, v1;
	vm9 =	veq.s32 v5, $0x5;
	[tilespmem:v2+s7+$0x1030 ss:$0x1] =	vst.idx.msk $0xffff, v60  }
0x81: {  	vm10 =	veq.s32 v4, $0x5;
	v62 =	vsel vm9, $0x3F800000, v1;
	[tilespmem:v2+s7+$0x1040 ss:$0x1] =	vst.idx.msk $0xffff, v61  }
0x82: {  	v63 =	vsel vm10, $0x3F800000, v1;
	vm11 =	veq.s32 v3, $0x5;
	[tilespmem:v2+s7+$0x1050 ss:$0x1] =	vst.idx.msk $0xffff, v62  }
0x83: {  	v30 =	vsel vm11, $0x3F800000, v1;
	vm12 =	veq.s32 v9, $0x6;
	[tilespmem:v2+s7+$0x1060 ss:$0x1] =	vst.idx.msk $0xffff, v63  }
0x84: {  	v31 =	vsel vm12, $0x3F800000, v1;
	vm13 =	veq.s32 v10, $0x6;
	[tilespmem:v2+s7+$0x1070 ss:$0x1] =	vst.idx.msk $0xffff, v30  }
0x85: {  	vm14 =	veq.s32 v8, $0x6;
	v32 =	vsel vm13, $0x3F800000, v1;
	[tilespmem:v2+s7+$0x1400 ss:$0x1] =	vst.idx.msk $0xffff, v31  }
0x86: {  	v33 =	vsel vm14, $0x3F800000, v1;
	vm15 =	veq.s32 v7, $0x6;
	[tilespmem:v2+s7+$0x1410 ss:$0x1] =	vst.idx.msk $0xffff, v32  }
0x87: {  	vm4 =	veq.s32 v6, $0x6;
	v34 =	vsel vm15, $0x3F800000, v1;
	[tilespmem:v2+s7+$0x1420 ss:$0x1] =	vst.idx.msk $0xffff, v33  }
0x88: {  	v35 =	vsel vm4, $0x3F800000, v1;
	vm5 =	veq.s32 v5, $0x6;
	[tilespmem:v2+s7+$0x1430 ss:$0x1] =	vst.idx.msk $0xffff, v34  }
0x89: {  	v36 =	vsel vm5, $0x3F800000, v1;
	vm6 =	veq.s32 v4, $0x6;
	[tilespmem:v2+s7+$0x1440 ss:$0x1] =	vst.idx.msk $0xffff, v35  }
0x8a: {  	v37 =	vsel vm6, $0x3F800000, v1;
	vm7 =	veq.s32 v3, $0x6;
	[tilespmem:v2+s7+$0x1450 ss:$0x1] =	vst.idx.msk $0xffff, v36  }
0x8b: {  	vm4 =	veq.s32 v9, $0x18;
	vm8 =	veq.s32 v9, $0x7;
	v38 =	vsel vm7, $0x3F800000, v1;
	[tilespmem:v2+s7+$0x1460 ss:$0x1] =	vst.idx.msk $0xffff, v37  }
0x8c: {  	vm5 =	veq.s32 v9, $0x8;
	v39 =	vsel vm8, $0x3F800000, v1;
	vm9 =	veq.s32 v10, $0x7;
	[tilespmem:v2+s7+$0x1470 ss:$0x1] =	vst.idx.msk $0xffff, v38  }
0x8d: {  	vm6 =	veq.s32 v10, $0x18;
	vm10 =	veq.s32 v8, $0x7;
	v28 =	vsel vm9, $0x3F800000, v1;
	[tilespmem:v2+s7+$0x1800 ss:$0x1] =	vst.idx.msk $0xffff, v39  }
0x8e: {  	v44 =	vsel vm4, $0x3F000000, v1;
	v40 =	vsel vm10, $0x3F800000, v1;
	vm11 =	veq.s32 v7, $0x7;
	[tilespmem:v2+s7+$0x1810 ss:$0x1] =	vst.idx.msk $0xffff, v28  }
0x8f: {  	vm7 =	veq.s32 v8, $0x18;
	v41 =	vsel vm11, $0x3F800000, v1;
	vm12 =	veq.s32 v6, $0x7;
	[tilespmem:v2+s7+$0x1820 ss:$0x1] =	vst.idx.msk $0xffff, v40  }
0x90: {  	vm8 =	veq.s32 v10, $0x8;
	v29 =	vsel vm12, $0x3F800000, v1;
	vm13 =	veq.s32 v5, $0x7;
	[tilespmem:v2+s7+$0x1830 ss:$0x1] =	vst.idx.msk $0xffff, v41  }
0x91: {  	vm4 =	veq.s32 v4, $0x18;
	vm14 =	veq.s32 v4, $0x7;
	v42 =	vsel vm13, $0x3F800000, v1;
	[tilespmem:v2+s7+$0x1840 ss:$0x1] =	vst.idx.msk $0xffff, v29  }
0x92: {  	v45 =	vsel vm5, $0x3F800000, v44;
	vm15 =	veq.s32 v3, $0x7;
	v43 =	vsel vm14, $0x3F800000, v1;
	[tilespmem:v2+s7+$0x1850 ss:$0x1] =	vst.idx.msk $0xffff, v42  }
0x93: {  	vm10 =	veq.s32 v7, $0x18;
	vm5 =	veq.s32 v4, $0x8;
	v30 =	vsel vm15, $0x3F800000, v1;
	[tilespmem:v2+s7+$0x1860 ss:$0x1] =	vst.idx.msk $0xffff, v43  }
0x94: {  	v46 =	vsel vm7, $0x3F000000, v1;
	vm9 =	veq.s32 v8, $0x8;
	v31 =	vsel vm6, $0x3F000000, v1;
	[tilespmem:v2+s7+$0x1870 ss:$0x1] =	vst.idx.msk $0xffff, v30  }
0x95: {  	vm11 =	veq.s32 v7, $0x8;
	v48 =	vsel vm10, $0x3F000000, v1;
	v47 =	vsel vm8, $0x3F800000, v31;
	[tilespmem:v2+s7+$0x1C00 ss:$0x1] =	vst.idx.msk $0xffff, v45  }
0x96: {  	v49 =	vsel vm11, $0x3F800000, v48;
	vm12 =	veq.s32 v6, $0x18;
	v32 =	vsel vm9, $0x3F800000, v46;
	[tilespmem:v2+s7+$0x1C10 ss:$0x1] =	vst.idx.msk $0xffff, v47  }
0x97: {  	vm13 =	veq.s32 v5, $0x18;
	vm14 =	veq.s32 v6, $0x8;
	v33 =	vsel vm12, $0x3F000000, v1;
	[tilespmem:v2+s7+$0x1C20 ss:$0x1] =	vst.idx.msk $0xffff, v32  }
0x98: {  	v50 =	vsel vm13, $0x3F000000, v1;
	vm15 =	veq.s32 v5, $0x8;
	v51 =	vsel vm14, $0x3F800000, v33;
	[tilespmem:v2+s7+$0x1C30 ss:$0x1] =	vst.idx.msk $0xffff, v49  }
0x99: {  	v52 =	vsel vm4, $0x3F000000, v1;
	vm6 =	veq.s32 v3, $0x18;
	v34 =	vsel vm15, $0x3F800000, v50;
	[tilespmem:v2+s7+$0x1C40 ss:$0x1] =	vst.idx.msk $0xffff, v51  }
0x9a: {  	vm7 =	veq.s32 v3, $0x8;
	v53 =	vsel vm5, $0x3F800000, v52;
	v35 =	vsel vm6, $0x3F000000, v1;
	[tilespmem:v2+s7+$0x1C50 ss:$0x1] =	vst.idx.msk $0xffff, v34  }
0x9b: {  	vm8 =	veq.s32 v9, $0x9;
	v54 =	vsel vm7, $0x3F800000, v35;
	[tilespmem:v2+s7+$0x1C60 ss:$0x1] =	vst.idx.msk $0xffff, v53  }
0x9c: {  	vm9 =	veq.s32 v10, $0x9;
	v55 =	vsel vm8, $0x3F800000, v1;
	[tilespmem:v2+s7+$0x1C70 ss:$0x1] =	vst.idx.msk $0xffff, v54  }
0x9d: {  	vm10 =	veq.s32 v8, $0x9;
	v56 =	vsel vm9, $0x3F800000, v1;
	[tilespmem:v2+s7+$0x2000 ss:$0x1] =	vst.idx.msk $0xffff, v55  }
0x9e: {  	vm11 =	veq.s32 v7, $0x9;
	v57 =	vsel vm10, $0x3F800000, v1;
	[tilespmem:v2+s7+$0x2010 ss:$0x1] =	vst.idx.msk $0xffff, v56  }
0x9f: {  	v58 =	vsel vm11, $0x3F800000, v1;
	vm12 =	veq.s32 v6, $0x9;
	[tilespmem:v2+s7+$0x2020 ss:$0x1] =	vst.idx.msk $0xffff, v57  }
0xa0: {  	vm13 =	veq.s32 v5, $0x9;
	v59 =	vsel vm12, $0x3F800000, v1;
	[tilespmem:v2+s7+$0x2030 ss:$0x1] =	vst.idx.msk $0xffff, v58  }
0xa1: {  	v60 =	vsel vm13, $0x3F800000, v1;
	vm14 =	veq.s32 v4, $0x9;
	[tilespmem:v2+s7+$0x2040 ss:$0x1] =	vst.idx.msk $0xffff, v59  }
0xa2: {  	vm15 =	veq.s32 v3, $0x9;
	v61 =	vsel vm14, $0x3F800000, v1;
	[tilespmem:v2+s7+$0x2050 ss:$0x1] =	vst.idx.msk $0xffff, v60  }
0xa3: {  	vm4 =	veq.s32 v9, $0xA;
	v62 =	vsel vm15, $0x3F800000, v1;
	[tilespmem:v2+s7+$0x2060 ss:$0x1] =	vst.idx.msk $0xffff, v61  }
0xa4: {  	vm5 =	veq.s32 v10, $0xA;
	v29 =	vsel vm4, $0x3F800000, v44;
	[tilespmem:v2+s7+$0x2070 ss:$0x1] =	vst.idx.msk $0xffff, v62  }
0xa5: {  	v63 =	vsel vm5, $0x3F800000, v31;
	vm6 =	veq.s32 v8, $0xA;
	[tilespmem:v2+s7+$0x2400 ss:$0x1] =	vst.idx.msk $0xffff, v29  }
0xa6: {  	vm7 =	veq.s32 v7, $0xA;
	v28 =	vsel vm6, $0x3F800000, v46;
	[tilespmem:v2+s7+$0x2410 ss:$0x1] =	vst.idx.msk $0xffff, v63  }
0xa7: {  	vm8 =	veq.s32 v6, $0xA;
	v27 =	vsel vm7, $0x3F800000, v48;
	[tilespmem:v2+s7+$0x2420 ss:$0x1] =	vst.idx.msk $0xffff, v28  }
0xa8: {  	vm9 =	veq.s32 v5, $0xA;
	v31 =	vsel vm8, $0x3F800000, v33;
	[tilespmem:v2+s7+$0x2430 ss:$0x1] =	vst.idx.msk $0xffff, v27  }
0xa9: {  	vm10 =	veq.s32 v4, $0xA;
	v33 =	vsel vm9, $0x3F800000, v50;
	[tilespmem:v2+s7+$0x2440 ss:$0x1] =	vst.idx.msk $0xffff, v31  }
0xaa: {  	vm11 =	veq.s32 v3, $0xA;
	v34 =	vsel vm10, $0x3F800000, v52;
	[tilespmem:v2+s7+$0x2450 ss:$0x1] =	vst.idx.msk $0xffff, v33  }
0xab: {  	vm12 =	veq.s32 v9, $0xB;
	v36 =	vsel vm11, $0x3F800000, v35;
	[tilespmem:v2+s7+$0x2460 ss:$0x1] =	vst.idx.msk $0xffff, v34  }
0xac: {  	vm13 =	veq.s32 v10, $0xB;
	v37 =	vsel vm12, $0x3F800000, v1;
	[tilespmem:v2+s7+$0x2470 ss:$0x1] =	vst.idx.msk $0xffff, v36  }
0xad: {  	vm14 =	veq.s32 v8, $0xB;
	v38 =	vsel vm13, $0x3F800000, v1;
	[tilespmem:v2+s7+$0x2800 ss:$0x1] =	vst.idx.msk $0xffff, v37  }
0xae: {  	vm15 =	veq.s32 v7, $0xB;
	v39 =	vsel vm14, $0x3F800000, v1;
	[tilespmem:v2+s7+$0x2810 ss:$0x1] =	vst.idx.msk $0xffff, v38  }
0xaf: {  	v40 =	vsel vm15, $0x3F800000, v1;
	vm4 =	veq.s32 v6, $0xB;
	[tilespmem:v2+s7+$0x2820 ss:$0x1] =	vst.idx.msk $0xffff, v39  }
0xb0: {  	vm5 =	veq.s32 v5, $0xB;
	v41 =	vsel vm4, $0x3F800000, v1;
	[tilespmem:v2+s7+$0x2830 ss:$0x1] =	vst.idx.msk $0xffff, v40  }
0xb1: {  	vm6 =	veq.s32 v4, $0xB;
	v42 =	vsel vm5, $0x3F800000, v1;
	[tilespmem:v2+s7+$0x2840 ss:$0x1] =	vst.idx.msk $0xffff, v41  }
0xb2: {  	vm7 =	veq.s32 v3, $0xB;
	v43 =	vsel vm6, $0x3F800000, v1;
	[tilespmem:v2+s7+$0x2850 ss:$0x1] =	vst.idx.msk $0xffff, v42  }
0xb3: {  	vm8 =	veq.s32 v9, $0xC;
	v44 =	vsel vm7, $0x3F800000, v1;
	[tilespmem:v2+s7+$0x2860 ss:$0x1] =	vst.idx.msk $0xffff, v43  }
0xb4: {  	vm9 =	veq.s32 v10, $0xC;
	v14 =	vsel vm8, $0x3F800000, v14;
	[tilespmem:v2+s7+$0x2870 ss:$0x1] =	vst.idx.msk $0xffff, v44  }
0xb5: {  	v45 =	vsel vm9, $0x3F800000, v15;
	vm10 =	veq.s32 v8, $0xC;
	[tilespmem:v2+s7+$0x2C00 ss:$0x1] =	vst.idx.msk $0xffff, v14  }
0xb6: {  	vm11 =	veq.s32 v7, $0xC;
	v46 =	vsel vm10, $0x3F800000, v19;
	[tilespmem:v2+s7+$0x2C10 ss:$0x1] =	vst.idx.msk $0xffff, v45  }
0xb7: {  	vm12 =	veq.s32 v6, $0xC;
	v47 =	vsel vm11, $0x3F800000, v20;
	[tilespmem:v2+s7+$0x2C20 ss:$0x1] =	vst.idx.msk $0xffff, v46  }
0xb8: {  	v48 =	vsel vm12, $0x3F800000, v21;
	vm13 =	veq.s32 v5, $0xC;
	[tilespmem:v2+s7+$0x2C30 ss:$0x1] =	vst.idx.msk $0xffff, v47  }
0xb9: {  	vm14 =	veq.s32 v4, $0xC;
	v49 =	vsel vm13, $0x3F800000, v24;
	[tilespmem:v2+s7+$0x2C40 ss:$0x1] =	vst.idx.msk $0xffff, v48  }
0xba: {  	v50 =	vsel vm14, $0x3F800000, v25;
	vm15 =	veq.s32 v3, $0xC;
	[tilespmem:v2+s7+$0x2C50 ss:$0x1] =	vst.idx.msk $0xffff, v49  }
0xbb: {  	vm4 =	veq.s32 v9, $0xD;
	v51 =	vsel vm15, $0x3F800000, v26;
	[tilespmem:v2+s7+$0x2C60 ss:$0x1] =	vst.idx.msk $0xffff, v50  }
0xbc: {  	vm5 =	veq.s32 v10, $0xD;
	v52 =	vsel vm4, $0x3F800000, v1;
	[tilespmem:v2+s7+$0x2C70 ss:$0x1] =	vst.idx.msk $0xffff, v51  }
0xbd: {  	vm6 =	veq.s32 v8, $0xD;
	v53 =	vsel vm5, $0x3F800000, v1;
	[tilespmem:v2+s7+$0x3000 ss:$0x1] =	vst.idx.msk $0xffff, v52  }
0xbe: {  	vm7 =	veq.s32 v7, $0xD;
	v54 =	vsel vm6, $0x3F800000, v1;
	[tilespmem:v2+s7+$0x3010 ss:$0x1] =	vst.idx.msk $0xffff, v53  }
0xbf: {  	vm8 =	veq.s32 v6, $0xD;
	v55 =	vsel vm7, $0x3F800000, v1;
	[tilespmem:v2+s7+$0x3020 ss:$0x1] =	vst.idx.msk $0xffff, v54  }
0xc0: {  	vm9 =	veq.s32 v5, $0xD;
	v56 =	vsel vm8, $0x3F800000, v1;
	[tilespmem:v2+s7+$0x3030 ss:$0x1] =	vst.idx.msk $0xffff, v55  }
0xc1: {  	vm10 =	veq.s32 v4, $0xD;
	v57 =	vsel vm9, $0x3F800000, v1;
	[tilespmem:v2+s7+$0x3040 ss:$0x1] =	vst.idx.msk $0xffff, v56  }
0xc2: {  	vm11 =	veq.s32 v3, $0xD;
	v58 =	vsel vm10, $0x3F800000, v1;
	[tilespmem:v2+s7+$0x3050 ss:$0x1] =	vst.idx.msk $0xffff, v57  }
0xc3: {  	vm12 =	veq.s32 v9, $0xE;
	v59 =	vsel vm11, $0x3F800000, v1;
	[tilespmem:v2+s7+$0x3060 ss:$0x1] =	vst.idx.msk $0xffff, v58  }
0xc4: {  	v11 =	vsel vm12, $0x3F800000, v11;
	vm13 =	veq.s32 v10, $0xE;
	[tilespmem:v2+s7+$0x3070 ss:$0x1] =	vst.idx.msk $0xffff, v59  }
0xc5: {  	vm14 =	veq.s32 v8, $0xE;
	v60 =	vsel vm13, $0x3F800000, v12;
	[tilespmem:v2+s7+$0x3400 ss:$0x1] =	vst.idx.msk $0xffff, v11  }
0xc6: {  	vm15 =	veq.s32 v7, $0xE;
	v61 =	vsel vm14, $0x3F800000, v13;
	[tilespmem:v2+s7+$0x3410 ss:$0x1] =	vst.idx.msk $0xffff, v60  }
0xc7: {  	vm4 =	veq.s32 v6, $0xE;
	v62 =	vsel vm15, $0x3F800000, v16;
	[tilespmem:v2+s7+$0x3420 ss:$0x1] =	vst.idx.msk $0xffff, v61  }
0xc8: {  	vm5 =	veq.s32 v5, $0xE;
	v63 =	vsel vm4, $0x3F800000, v17;
	[tilespmem:v2+s7+$0x3430 ss:$0x1] =	vst.idx.msk $0xffff, v62  }
0xc9: {  	vm6 =	veq.s32 v4, $0xE;
	v12 =	vsel vm5, $0x3F800000, v18;
	[tilespmem:v2+s7+$0x3440 ss:$0x1] =	vst.idx.msk $0xffff, v63  }
0xca: {  	vm7 =	veq.s32 v3, $0xE;
	v13 =	vsel vm6, $0x3F800000, v22;
	[tilespmem:v2+s7+$0x3450 ss:$0x1] =	vst.idx.msk $0xffff, v12  }
0xcb: {  	vm8 =	veq.s32 v9, $0xF;
	v14 =	vsel vm7, $0x3F800000, v23;
	[tilespmem:v2+s7+$0x3460 ss:$0x1] =	vst.idx.msk $0xffff, v13  }
0xcc: {  	v15 =	vsel vm8, $0x3F800000, v1;
	vm9 =	veq.s32 v10, $0xF;
	[tilespmem:v2+s7+$0x3470 ss:$0x1] =	vst.idx.msk $0xffff, v14  }
0xcd: {  	vm10 =	veq.s32 v8, $0xF;
	v16 =	vsel vm9, $0x3F800000, v1;
	[tilespmem:v2+s7+$0x3800 ss:$0x1] =	vst.idx.msk $0xffff, v15  }
0xce: {  	vm11 =	veq.s32 v7, $0xF;
	v17 =	vsel vm10, $0x3F800000, v1;
	[tilespmem:v2+s7+$0x3810 ss:$0x1] =	vst.idx.msk $0xffff, v16  }
0xcf: {  	vm12 =	veq.s32 v6, $0xF;
	v18 =	vsel vm11, $0x3F800000, v1;
	[tilespmem:v2+s7+$0x3820 ss:$0x1] =	vst.idx.msk $0xffff, v17  }
0xd0: {  	v19 =	vsel vm12, $0x3F800000, v1;
	vm13 =	veq.s32 v5, $0xF;
	[tilespmem:v2+s7+$0x3830 ss:$0x1] =	vst.idx.msk $0xffff, v18  }
0xd1: {  	v20 =	vsel vm13, $0x3F800000, v1;
	vm14 =	veq.s32 v4, $0xF;
	[tilespmem:v2+s7+$0x3840 ss:$0x1] =	vst.idx.msk $0xffff, v19  }
0xd2: {  	v21 =	vsel vm14, $0x3F800000, v1;
	vm15 =	veq.s32 v3, $0xF;
	[tilespmem:v2+s7+$0x3850 ss:$0x1] =	vst.idx.msk $0xffff, v20  }
0xd3: {  	v22 =	vsel vm15, $0x3F800000, v1;
	vm4 =	veq.s32 v9, $0x10;
	[tilespmem:v2+s7+$0x3860 ss:$0x1] =	vst.idx.msk $0xffff, v21  }
0xd4: {  	vm5 =	veq.s32 v10, $0x10;
	v23 =	vsel vm4, $0x3F800000, v1;
	[tilespmem:v2+s7+$0x3870 ss:$0x1] =	vst.idx.msk $0xffff, v22  }
0xd5: {  	v24 =	vsel vm5, $0x3F800000, v1;
	vm6 =	veq.s32 v8, $0x10;
	[tilespmem:v2+s7+$0x3C00 ss:$0x1] =	vst.idx.msk $0xffff, v23  }
0xd6: {  	v25 =	vsel vm6, $0x3F800000, v1;
	vm7 =	veq.s32 v7, $0x10;
	[tilespmem:v2+s7+$0x3C10 ss:$0x1] =	vst.idx.msk $0xffff, v24  }
0xd7: {  	vm8 =	veq.s32 v6, $0x10;
	v26 =	vsel vm7, $0x3F800000, v1;
	[tilespmem:v2+s7+$0x3C20 ss:$0x1] =	vst.idx.msk $0xffff, v25  }
0xd8: {  	vm9 =	veq.s32 v5, $0x10;
	v27 =	vsel vm8, $0x3F800000, v1;
	[tilespmem:v2+s7+$0x3C30 ss:$0x1] =	vst.idx.msk $0xffff, v26  }
0xd9: {  	vm10 =	veq.s32 v4, $0x10;
	v28 =	vsel vm9, $0x3F800000, v1;
	[tilespmem:v2+s7+$0x3C40 ss:$0x1] =	vst.idx.msk $0xffff, v27  }
0xda: {  	vm11 =	veq.s32 v3, $0x10;
	v29 =	vsel vm10, $0x3F800000, v1;
	[tilespmem:v2+s7+$0x3C50 ss:$0x1] =	vst.idx.msk $0xffff, v28  }
0xdb: {  	vm12 =	veq.s32 v9, $0x11;
	v30 =	vsel vm11, $0x3F800000, v1;
	[tilespmem:v2+s7+$0x3C60 ss:$0x1] =	vst.idx.msk $0xffff, v29  }
0xdc: {  	vm13 =	veq.s32 v10, $0x11;
	v31 =	vsel vm12, $0x3F800000, v1;
	[tilespmem:v2+s7+$0x3C70 ss:$0x1] =	vst.idx.msk $0xffff, v30  }
0xdd: {  	v32 =	vsel vm13, $0x3F800000, v1;
	vm14 =	veq.s32 v8, $0x11;
	[tilespmem:v2+s7+$0x4000 ss:$0x1] =	vst.idx.msk $0xffff, v31  }
0xde: {  	vm15 =	veq.s32 v7, $0x11;
	v33 =	vsel vm14, $0x3F800000, v1;
	[tilespmem:v2+s7+$0x4010 ss:$0x1] =	vst.idx.msk $0xffff, v32  }
0xdf: {  	v34 =	vsel vm15, $0x3F800000, v1;
	vm4 =	veq.s32 v6, $0x11;
	[tilespmem:v2+s7+$0x4020 ss:$0x1] =	vst.idx.msk $0xffff, v33  }
0xe0: {  	vm5 =	veq.s32 v5, $0x11;
	v35 =	vsel vm4, $0x3F800000, v1;
	[tilespmem:v2+s7+$0x4030 ss:$0x1] =	vst.idx.msk $0xffff, v34  }
0xe1: {  	vm6 =	veq.s32 v4, $0x11;
	v36 =	vsel vm5, $0x3F800000, v1;
	[tilespmem:v2+s7+$0x4040 ss:$0x1] =	vst.idx.msk $0xffff, v35  }
0xe2: {  	v37 =	vsel vm6, $0x3F800000, v1;
	vm7 =	veq.s32 v3, $0x11;
	[tilespmem:v2+s7+$0x4050 ss:$0x1] =	vst.idx.msk $0xffff, v36  }
0xe3: {  	vm8 =	veq.s32 v9, $0x12;
	v38 =	vsel vm7, $0x3F800000, v1;
	[tilespmem:v2+s7+$0x4060 ss:$0x1] =	vst.idx.msk $0xffff, v37  }
0xe4: {  	vm9 =	veq.s32 v10, $0x12;
	v39 =	vsel vm8, $0x3F800000, v1;
	[tilespmem:v2+s7+$0x4070 ss:$0x1] =	vst.idx.msk $0xffff, v38  }
0xe5: {  	vm10 =	veq.s32 v8, $0x12;
	v40 =	vsel vm9, $0x3F800000, v1;
	[tilespmem:v2+s7+$0x4400 ss:$0x1] =	vst.idx.msk $0xffff, v39  }
0xe6: {  	vm11 =	veq.s32 v7, $0x12;
	v41 =	vsel vm10, $0x3F800000, v1;
	[tilespmem:v2+s7+$0x4410 ss:$0x1] =	vst.idx.msk $0xffff, v40  }
0xe7: {  	vm12 =	veq.s32 v6, $0x12;
	v42 =	vsel vm11, $0x3F800000, v1;
	[tilespmem:v2+s7+$0x4420 ss:$0x1] =	vst.idx.msk $0xffff, v41  }
0xe8: {  	vm13 =	veq.s32 v5, $0x12;
	v43 =	vsel vm12, $0x3F800000, v1;
	[tilespmem:v2+s7+$0x4430 ss:$0x1] =	vst.idx.msk $0xffff, v42  }
0xe9: {  	vm14 =	veq.s32 v4, $0x12;
	v44 =	vsel vm13, $0x3F800000, v1;
	[tilespmem:v2+s7+$0x4440 ss:$0x1] =	vst.idx.msk $0xffff, v43  }
0xea: {  	vm15 =	veq.s32 v3, $0x12;
	v45 =	vsel vm14, $0x3F800000, v1;
	[tilespmem:v2+s7+$0x4450 ss:$0x1] =	vst.idx.msk $0xffff, v44  }
0xeb: {  	vm4 =	veq.s32 v9, $0x13;
	v46 =	vsel vm15, $0x3F800000, v1;
	[tilespmem:v2+s7+$0x4460 ss:$0x1] =	vst.idx.msk $0xffff, v45  }
0xec: {  	vm5 =	veq.s32 v10, $0x13;
	v47 =	vsel vm4, $0x3F800000, v1;
	[tilespmem:v2+s7+$0x4470 ss:$0x1] =	vst.idx.msk $0xffff, v46  }
0xed: {  	vm6 =	veq.s32 v8, $0x13;
	v48 =	vsel vm5, $0x3F800000, v1;
	[tilespmem:v2+s7+$0x4800 ss:$0x1] =	vst.idx.msk $0xffff, v47  }
0xee: {  	vm7 =	veq.s32 v7, $0x13;
	v49 =	vsel vm6, $0x3F800000, v1;
	[tilespmem:v2+s7+$0x4810 ss:$0x1] =	vst.idx.msk $0xffff, v48  }
0xef: {  	vm8 =	veq.s32 v6, $0x13;
	v50 =	vsel vm7, $0x3F800000, v1;
	[tilespmem:v2+s7+$0x4820 ss:$0x1] =	vst.idx.msk $0xffff, v49  }
0xf0: {  	vm9 =	veq.s32 v5, $0x13;
	v51 =	vsel vm8, $0x3F800000, v1;
	[tilespmem:v2+s7+$0x4830 ss:$0x1] =	vst.idx.msk $0xffff, v50  }
0xf1: {  	vm10 =	veq.s32 v4, $0x13;
	v52 =	vsel vm9, $0x3F800000, v1;
	[tilespmem:v2+s7+$0x4840 ss:$0x1] =	vst.idx.msk $0xffff, v51  }
0xf2: {  	vm11 =	veq.s32 v3, $0x13;
	v53 =	vsel vm10, $0x3F800000, v1;
	[tilespmem:v2+s7+$0x4850 ss:$0x1] =	vst.idx.msk $0xffff, v52  }
0xf3: {  	vm12 =	veq.s32 v9, $0x14;
	v54 =	vsel vm11, $0x3F800000, v1;
	[tilespmem:v2+s7+$0x4860 ss:$0x1] =	vst.idx.msk $0xffff, v53  }
0xf4: {  	vm13 =	veq.s32 v10, $0x14;
	v55 =	vsel vm12, $0x3F800000, v1;
	[tilespmem:v2+s7+$0x4870 ss:$0x1] =	vst.idx.msk $0xffff, v54  }
0xf5: {  	vm14 =	veq.s32 v8, $0x14;
	v56 =	vsel vm13, $0x3F800000, v1;
	[tilespmem:v2+s7+$0x4C00 ss:$0x1] =	vst.idx.msk $0xffff, v55  }
0xf6: {  	vm15 =	veq.s32 v7, $0x14;
	v57 =	vsel vm14, $0x3F800000, v1;
	[tilespmem:v2+s7+$0x4C10 ss:$0x1] =	vst.idx.msk $0xffff, v56  }
0xf7: {  	vm4 =	veq.s32 v6, $0x14;
	v58 =	vsel vm15, $0x3F800000, v1;
	[tilespmem:v2+s7+$0x4C20 ss:$0x1] =	vst.idx.msk $0xffff, v57  }
0xf8: {  	vm5 =	veq.s32 v5, $0x14;
	v59 =	vsel vm4, $0x3F800000, v1;
	[tilespmem:v2+s7+$0x4C30 ss:$0x1] =	vst.idx.msk $0xffff, v58  }
0xf9: {  	vm6 =	veq.s32 v4, $0x14;
	v60 =	vsel vm5, $0x3F800000, v1;
	[tilespmem:v2+s7+$0x4C40 ss:$0x1] =	vst.idx.msk $0xffff, v59  }
0xfa: {  	vm7 =	veq.s32 v3, $0x14;
	v61 =	vsel vm6, $0x3F800000, v1;
	[tilespmem:v2+s7+$0x4C50 ss:$0x1] =	vst.idx.msk $0xffff, v60  }
0xfb: {  	vm8 =	veq.s32 v9, $0x15;
	v62 =	vsel vm7, $0x3F800000, v1;
	[tilespmem:v2+s7+$0x4C60 ss:$0x1] =	vst.idx.msk $0xffff, v61  }
0xfc: {  	vm9 =	veq.s32 v10, $0x15;
	v9 =	vsel vm8, $0x3F800000, v1;
	[tilespmem:v2+s7+$0x4C70 ss:$0x1] =	vst.idx.msk $0xffff, v62  }
0xfd: {  	vm10 =	veq.s32 v8, $0x15;
	v63 =	vsel vm9, $0x3F800000, v1;
	[tilespmem:v2+s7+$0x5000 ss:$0x1] =	vst.idx.msk $0xffff, v9  }
0xfe: {  	v8 =	vsel vm10, $0x3F800000, v1;
	vm11 =	veq.s32 v7, $0x15;
	[tilespmem:v2+s7+$0x5010 ss:$0x1] =	vst.idx.msk $0xffff, v63  }
0xff: {  	p0 =	sne.s32 s4, $0xE00;
	v7 =	vsel vm11, $0x3F800000, v1;
	vm12 =	veq.s32 v6, $0x15;
	[tilespmem:v2+s7+$0x5020 ss:$0x1] =	vst.idx.msk $0xffff, v8  }
.Ltmp0:
0x100: {  	v6 =	vsel vm12, $0x3F800000, v1;
	vm13 =	veq.s32 v5, $0x15;
	[tilespmem:v2+s7+$0x5030 ss:$0x1] =	vst.idx.msk $0xffff, v7;
	(pc) =	sbr.rel @p0 .LBB2_3-.Ltmp0, $4  }
0x101: {  	v5 =	vsel vm13, $0x3F800000, v1;
	vm14 =	veq.s32 v4, $0x15;
	[tilespmem:v2+s7+$0x5040 ss:$0x1] =	vst.idx.msk $0xffff, v6  }
0x102: {  	v4 =	vsel vm14, $0x3F800000, v1;
	vm15 =	veq.s32 v3, $0x15;
	[tilespmem:v2+s7+$0x5050 ss:$0x1] =	vst.idx.msk $0xffff, v5  }
0x103: {  	v3 =	vsel vm15, $0x3F800000, v1;
	[tilespmem:v2+s7+$0x5060 ss:$0x1] =	vst.idx.msk $0xffff, v4  }
0x104: {  	s10 =	sadd.s32 $0x1, s10;
	s4 =	sadd.s32 $0x200, s4;
	[tilespmem:v2+s7+$0x5070 ss:$0x1] =	vst.idx.msk $0xffff, v3  }
0x105: {  	s4 =	sshll.u32 s11, $0xF  }
0x106: {  	s4 =	sor.u32 s5, s4  }
0x107: {  	s4 =	sshrl.u32 s4, $0x3  }
0x108: {  	s4 =	sadd.s32 s2, s4  }
0x109: {  	[hbm4b:s4+s3] =	stream.linear.scatter [tilespmem:s0], [sflag:$0x1], $0x400, $0x38;
	[tilespmem:$0x10C00] =	vst v63  }
0x10a: {  	s7 =	sadd.s32 $0x19000, s4  }
0x10b: {  	[hbm4b:s7+s3] =	stream.linear.scatter [tilespmem:s1], [sflag:$0x1], $0x400, $0x38;
	[tilespmem:$0x10C00] =	vst v63  }
0x10c: {  	s10 =	sadd.s32 $0x32000, s4  }
0x10d: {  	[hbm4b:s10+s3] =	stream.linear.scatter [tilespmem:s31], [sflag:$0x1], $0x400, $0x38;
	[tilespmem:$0x10C00] =	vst v63  }
0x10e: {  	s1 =	sadd.s32 $0x4B000, s4  }
0x10f: {  	[hbm4b:s1+s3] =	stream.linear.scatter [tilespmem:s30], [sflag:$0x1], $0x400, $0x38;
	[tilespmem:$0x10C00] =	vst v63  }
0x110: {  	s7 =	sadd.s32 $0x64000, s4  }
0x111: {  	[hbm4b:s7+s3] =	stream.linear.scatter [tilespmem:s29], [sflag:$0x1], $0x400, $0x38;
	[tilespmem:$0x10C00] =	vst v63  }
0x112: {  	s10 =	sadd.s32 $0x7D000, s4  }
0x113: {  	[hbm4b:s10+s3] =	stream.linear.scatter [tilespmem:s28], [sflag:$0x1], $0x400, $0x38;
	[tilespmem:$0x10C00] =	vst v63  }
0x114: {  	s29 =	sadd.s32 $0x96000, s4  }
0x115: {  	[hbm4b:s29+s3] =	stream.linear.scatter [tilespmem:s26], [sflag:$0x1], $0x400, $0x38;
	[tilespmem:$0x10C00] =	vst v63  }
0x116: {  	s30 =	sadd.s32 $0xAF000, s4  }
0x117: {  	[hbm4b:s30+s3] =	stream.linear.scatter [tilespmem:s25], [sflag:$0x1], $0x400, $0x38;
	[tilespmem:$0x10C00] =	vst v63  }
0x118: {  	s31 =	sadd.s32 $0xC8000, s4  }
0x119: {  	[hbm4b:s31+s3] =	stream.linear.scatter [tilespmem:s24], [sflag:$0x1], $0x400, $0x38;
	[tilespmem:$0x10C00] =	vst v63  }
0x11a: {  	s1 =	sadd.s32 $0xE1000, s4  }
0x11b: {  	[hbm4b:s1+s3] =	stream.linear.scatter [tilespmem:s23], [sflag:$0x1], $0x400, $0x38;
	[tilespmem:$0x10C00] =	vst v63  }
0x11c: {  	s7 =	sadd.s32 $0xFA000, s4  }
0x11d: {  	[hbm4b:s7+s3] =	stream.linear.scatter [tilespmem:s22], [sflag:$0x1], $0x400, $0x38;
	[tilespmem:$0x10C00] =	vst v63  }
0x11e: {  	s10 =	sadd.s32 $0x113000, s4  }
0x11f: {  	[hbm4b:s10+s3] =	stream.linear.scatter [tilespmem:s21], [sflag:$0x1], $0x400, $0x38;
	[tilespmem:$0x10C00] =	vst v63  }
0x120: {  	s22 =	sadd.s32 $0x12C000, s4  }
0x121: {  	[hbm4b:s22+s3] =	stream.linear.scatter [tilespmem:s20], [sflag:$0x1], $0x400, $0x38;
	[tilespmem:$0x10C00] =	vst v63  }
0x122: {  	s23 =	sadd.s32 $0x145000, s4  }
0x123: {  	[hbm4b:s23+s3] =	stream.linear.scatter [tilespmem:s19], [sflag:$0x1], $0x400, $0x38;
	[tilespmem:$0x10C00] =	vst v63  }
0x124: {  	s24 =	sadd.s32 $0x15E000, s4  }
0x125: {  	[hbm4b:s24+s3] =	stream.linear.scatter [tilespmem:s18], [sflag:$0x1], $0x400, $0x38;
	[tilespmem:$0x10C00] =	vst v63  }
0x126: {  	s25 =	sadd.s32 $0x177000, s4  }
0x127: {  	[hbm4b:s25+s3] =	stream.linear.scatter [tilespmem:s17], [sflag:$0x1], $0x400, $0x38;
	[tilespmem:$0x10C00] =	vst v63  }
0x128: {  	s26 =	sadd.s32 $0x190000, s4  }
0x129: {  	[hbm4b:s26+s3] =	stream.linear.scatter [tilespmem:s16], [sflag:$0x1], $0x400, $0x38;
	[tilespmem:$0x10C00] =	vst v63  }
0x12a: {  	s11 =	sadd.s32 $0x1, s11;
	s28 =	sadd.s32 $0x1A9000, s4  }
0x12b: {  	[hbm4b:s28+s3] =	stream.linear.scatter [tilespmem:s15], [sflag:$0x1], $0x400, $0x38;
	[tilespmem:$0x10C00] =	vst v63  }
0x12c: {  	p0 =	sne.s32 s11, $0x19;
	s29 =	sadd.s32 $0x1C2000, s4  }
0x12d: {  	[hbm4b:s29+s3] =	stream.linear.scatter [tilespmem:s14], [sflag:$0x1], $0x400, $0x38;
	[tilespmem:$0x10C00] =	vst v63  }
.Ltmp1:
0x12e: {  	_ = 	snop;
	(pc) =	sbr.rel @p0 .LBB2_2-.Ltmp1, $4  }
0x12f: {  	s30 =	sadd.s32 $0x1DB000, s4  }
0x130: {  	[hbm4b:s30+s3] =	stream.linear.scatter [tilespmem:s13], [sflag:$0x1], $0x400, $0x38;
	[tilespmem:$0x10C00] =	vst v63  }
0x131: {  	s6 =	sadd.s32 $0x8, s6;
	s31 =	sadd.s32 $0x1F4000, s4  }
0x132: {  	[hbm4b:s31+s3] =	stream.linear.scatter [tilespmem:s12], [sflag:$0x1], $0x400, $0x38;
	[tilespmem:$0x10C00] =	vst v63  }
0x133: {  	_ =	swait.ge [sflag:s8], $0x400  }
0x134: {  	[sflag:s8] =	ssyncset.done $0x0  }
0x135: {  	[sflag:s8] =	ssyncadd.s32 $0xFFFFFC00  }
0x136: {  	_ =	swait.ge [sflag:s8], $0x400  }
0x137: {  	[sflag:s8] =	ssyncset.done $0x0  }
0x138: {  	[sflag:s8] =	ssyncadd.s32 $0xFFFFFC00  }
0x139: {  	_ =	swait.ge [sflag:s8], $0x400  }
0x13a: {  	[sflag:s8] =	ssyncset.done $0x0  }
0x13b: {  	[sflag:s8] =	ssyncadd.s32 $0xFFFFFC00  }
0x13c: {  	_ =	swait.ge [sflag:s8], $0x400  }
0x13d: {  	[sflag:s8] =	ssyncset.done $0x0  }
0x13e: {  	[sflag:s8] =	ssyncadd.s32 $0xFFFFFC00  }
0x13f: {  	_ =	swait.ge [sflag:s8], $0x400  }
0x140: {  	[sflag:s8] =	ssyncset.done $0x0  }
0x141: {  	[sflag:s8] =	ssyncadd.s32 $0xFFFFFC00  }
0x142: {  	_ =	swait.ge [sflag:s8], $0x400  }
0x143: {  	[sflag:s8] =	ssyncset.done $0x0  }
0x144: {  	[sflag:s8] =	ssyncadd.s32 $0xFFFFFC00  }
0x145: {  	_ =	swait.ge [sflag:s8], $0x400  }
0x146: {  	[sflag:s8] =	ssyncset.done $0x0  }
0x147: {  	[sflag:s8] =	ssyncadd.s32 $0xFFFFFC00  }
0x148: {  	_ =	swait.ge [sflag:s8], $0x400  }
0x149: {  	[sflag:s8] =	ssyncset.done $0x0  }
0x14a: {  	[sflag:s8] =	ssyncadd.s32 $0xFFFFFC00  }
0x14b: {  	_ =	swait.ge [sflag:s8], $0x400  }
0x14c: {  	[sflag:s8] =	ssyncset.done $0x0  }
0x14d: {  	[sflag:s8] =	ssyncadd.s32 $0xFFFFFC00  }
0x14e: {  	_ =	swait.ge [sflag:s8], $0x400  }
0x14f: {  	[sflag:s8] =	ssyncset.done $0x0  }
0x150: {  	[sflag:s8] =	ssyncadd.s32 $0xFFFFFC00  }
0x151: {  	_ =	swait.ge [sflag:s8], $0x400  }
0x152: {  	[sflag:s8] =	ssyncset.done $0x0  }
0x153: {  	[sflag:s8] =	ssyncadd.s32 $0xFFFFFC00  }
0x154: {  	_ =	swait.ge [sflag:s8], $0x400  }
0x155: {  	[sflag:s8] =	ssyncset.done $0x0  }
0x156: {  	[sflag:s8] =	ssyncadd.s32 $0xFFFFFC00  }
0x157: {  	_ =	swait.ge [sflag:s8], $0x400  }
0x158: {  	[sflag:s8] =	ssyncset.done $0x0  }
0x159: {  	[sflag:s8] =	ssyncadd.s32 $0xFFFFFC00  }
0x15a: {  	_ =	swait.ge [sflag:s8], $0x400  }
0x15b: {  	[sflag:s8] =	ssyncset.done $0x0  }
0x15c: {  	[sflag:s8] =	ssyncadd.s32 $0xFFFFFC00  }
0x15d: {  	_ =	swait.ge [sflag:s8], $0x400  }
0x15e: {  	[sflag:s8] =	ssyncset.done $0x0  }
0x15f: {  	[sflag:s8] =	ssyncadd.s32 $0xFFFFFC00  }
0x160: {  	_ =	swait.ge [sflag:s8], $0x400  }
0x161: {  	[sflag:s8] =	ssyncset.done $0x0  }
0x162: {  	[sflag:s8] =	ssyncadd.s32 $0xFFFFFC00  }
0x163: {  	_ =	swait.ge [sflag:s8], $0x400  }
0x164: {  	[sflag:s8] =	ssyncset.done $0x0  }
0x165: {  	[sflag:s8] =	ssyncadd.s32 $0xFFFFFC00  }
0x166: {  	_ =	swait.ge [sflag:s8], $0x400  }
0x167: {  	[sflag:s8] =	ssyncset.done $0x0  }
0x168: {  	[sflag:s8] =	ssyncadd.s32 $0xFFFFFC00  }
0x169: {  	_ =	swait.ge [sflag:s8], $0x400  }
0x16a: {  	[sflag:s8] =	ssyncset.done $0x0  }
0x16b: {  	[sflag:s8] =	ssyncadd.s32 $0xFFFFFC00  }
0x16c: {  	_ =	swait.ge [sflag:s8], $0x400  }
0x16d: {  	[sflag:s8] =	ssyncset.done $0x0  }
0x16e: {  	[sflag:s8] =	ssyncadd.s32 $0xFFFFFC00  }
0x16f: {  	_ =	swait.ge [sflag:s8], $0x400  }
0x170: {  	[sflag:s8] =	ssyncset.done $0x0  }
0x171: {  	[sflag:s8] =	ssyncadd.s32 $0xFFFFFC00  }
0x172: {  	_ =	swait.ge [sflag:s8], $0x400  }
0x173: {  	[sflag:s8] =	ssyncset.done $0x0  }
0x174: {  	[sflag:s8] =	ssyncadd.s32 $0xFFFFFC00  }
0x175: {  	_ =	swait.ge [sflag:s8], $0x400  }
0x176: {  	[sflag:s8] =	ssyncset.done $0x0  }
0x177: {  	[sflag:s8] =	ssyncadd.s32 $0xFFFFFC00  }
0x178: {  	_ =	swait.ge [sflag:s8], $0x400  }
0x179: {  	[sflag:s8] =	ssyncset.done $0x0  }
0x17a: {  	[sflag:s8] =	ssyncadd.s32 $0xFFFFFC00  }
0x17b: {  	_ =	swait.ge [sflag:s8], $0x400  }
0x17c: {  	[sflag:s8] =	ssyncset.done $0x0  }
0x17d: {  	[sflag:s8] =	ssyncadd.s32 $0xFFFFFC00  }
0x17e: {  	_ =	swait.ge [sflag:s8], $0x400  }
0x17f: {  	[sflag:s8] =	ssyncset.done $0x0  }
0x180: {  	[sflag:s8] =	ssyncadd.s32 $0xFFFFFC00  }
0x181: {  	_ =	swait.ge [sflag:s8], $0x400  }
0x182: {  	[sflag:s8] =	ssyncset.done $0x0  }
0x183: {  	[sflag:s8] =	ssyncadd.s32 $0xFFFFFC00  }
0x184: {  	_ =	swait.ge [sflag:s8], $0x400  }
0x185: {  	[sflag:s8] =	ssyncset.done $0x0  }
0x186: {  	[sflag:s8] =	ssyncadd.s32 $0xFFFFFC00  }
0x187: {  	_ =	swait.ge [sflag:s8], $0x400  }
0x188: {  	[sflag:s8] =	ssyncset.done $0x0  }
0x189: {  	[sflag:s8] =	ssyncadd.s32 $0xFFFFFC00  }
0x18a: {  	_ =	swait.ge [sflag:s8], $0x400  }
0x18b: {  	[sflag:s8] =	ssyncset.done $0x0  }
0x18c: {  	[sflag:s8] =	ssyncadd.s32 $0xFFFFFC00  }
0x18d: {  	_ =	swait.ge [sflag:s8], $0x400  }
0x18e: {  	[sflag:s8] =	ssyncset.done $0x0  }
0x18f: {  	[sflag:s8] =	ssyncadd.s32 $0xFFFFFC00  }
0x190: {  	_ =	swait.ge [sflag:s8], $0x400  }
0x191: {  	[sflag:s8] =	ssyncset.done $0x0  }
0x192: {  	[sflag:s8] =	ssyncadd.s32 $0xFFFFFC00  }
0x193: {  	_ =	swait.ge [sflag:s8], $0x400  }
0x194: {  	[sflag:s8] =	ssyncset.done $0x0  }
0x195: {  	[sflag:s8] =	ssyncadd.s32 $0xFFFFFC00  }
0x196: {  	_ =	swait.ge [sflag:s8], $0x400  }
0x197: {  	[sflag:s8] =	ssyncset.done $0x0  }
0x198: {  	[sflag:s8] =	ssyncadd.s32 $0xFFFFFC00  }
0x199: {  	_ =	swait.ge [sflag:s8], $0x400  }
0x19a: {  	[sflag:s8] =	ssyncset.done $0x0  }
0x19b: {  	[sflag:s8] =	ssyncadd.s32 $0xFFFFFC00  }
0x19c: {  	_ =	swait.ge [sflag:s8], $0x400  }
0x19d: {  	[sflag:s8] =	ssyncset.done $0x0  }
0x19e: {  	[sflag:s8] =	ssyncadd.s32 $0xFFFFFC00  }
0x19f: {  	_ =	swait.ge [sflag:s8], $0x400  }
0x1a0: {  	[sflag:s8] =	ssyncset.done $0x0  }
0x1a1: {  	[sflag:s8] =	ssyncadd.s32 $0xFFFFFC00  }
0x1a2: {  	_ =	swait.ge [sflag:s8], $0x400  }
0x1a3: {  	[sflag:s8] =	ssyncset.done $0x0  }
0x1a4: {  	[sflag:s8] =	ssyncadd.s32 $0xFFFFFC00  }
0x1a5: {  	_ =	swait.ge [sflag:s8], $0x400  }
0x1a6: {  	[sflag:s8] =	ssyncset.done $0x0  }
0x1a7: {  	[sflag:s8] =	ssyncadd.s32 $0xFFFFFC00  }
0x1a8: {  	_ =	swait.ge [sflag:s8], $0x400  }
0x1a9: {  	[sflag:s8] =	ssyncset.done $0x0  }
0x1aa: {  	[sflag:s8] =	ssyncadd.s32 $0xFFFFFC00  }
0x1ab: {  	_ =	swait.ge [sflag:s8], $0x400  }
0x1ac: {  	[sflag:s8] =	ssyncset.done $0x0  }
0x1ad: {  	[sflag:s8] =	ssyncadd.s32 $0xFFFFFC00  }
0x1ae: {  	_ =	swait.ge [sflag:s8], $0x400  }
0x1af: {  	s9 =	sadd.s32 $0x1, s9;
	s0 =	rddreg [dreg:$0x4]  }
0x1b0: {  	p0 =	sne.s32 s9, s0  }
.Ltmp2:
0x1b1: {  	_ = 	snop;
	(pc) =	sbr.rel @p0 .LBB2_1-.Ltmp2, $3  }
0x1b2: {  	_ =	sdelay $0x1  }
0x1b3: {  	[sflag:s8] =	ssyncset.done $0x0  }
0x1b4: {  	[sflag:s8] =	ssyncadd.s32 $0xFFFFFC00  }
0x1b5: {  	_ =	sfence.sel $0x180000  }
0x1b6: {  	[bflag:$0x0] =	sbarrier.arrive $0xFFFF  }
0x1b7: {  	_ =	strace $0x90000047  }
0x1b8: {  	s0 =	stileid.u32;
	[bflag:$0x2] =	sbarrier.arrive $0xFFFF  }
0x1b9: {  	p0 =	sne.s32 s0, $0x0;
	s0 =	rddreg [dreg:$0x2]  }
0x1ba: {  	s0 =	sadd.s32 @!p0 $0x100000, s0  }
0x1bb: {  	[sflag:s0] =	ssyncadd.tile.s32 @!p0 $0x1;
	_ =	shalt  }
.Lfunc_end2:
_tile_overlayer_lowered:
.L_overlay_start_2:
0x1bc: {  	(tag) =	ssettag $0x2  }
0x1bd: {  	s0 =	rddreg [dreg:$0x0];
	s2 =	stileid.u32  }
0x1be: {  	s1 =	rddreg [dreg:$0x1];
	p0 =	sne.s32 s2, $0x0  }
0x1bf: {  	s3 =	rddreg [dreg:$0x2];
	[bflag:$0x3] =	sbarrier.arrive $0xFFFF;
	s2 =	simm.s32 @!p0 $0x1C02  }
0x1c0: {  	[timem:s3], [sflag:s2] =	dma.local @!p0 [hbm:s0], s1  }
0x1c1: {  	s0 =	simm.s32 @!p0 $0x2  }
0x1c2: {  	_ =	swait.ge @!p0 [sflag:s0], s1  }
0x1c3: {  	s1 =	ssub.s32 @!p0 $0x0, s1;
	[sflag:s0] =	ssyncset.done @!p0 $0x0  }
0x1c4: {  	[sflag:s0] =	ssyncadd.s32 @!p0 s1  }
0x1c5: {  	[bflag:$0x3] =	sbarrier.arrive $0xFFFF  }
0x1c6: {  	_ =	shalt  }

</sc_bundles>
